<compile_context>
chip_gen: v7x
topology: tpu7x:2x2x1
jax: 0.10.2.dev20260603
libtpu: 0.0.44.dev20260713+nightly
codegen_flags: <defaults>
</compile_context>

<pallas_src>
import functools
import jax
import jax.numpy as jnp
from jax import lax
from jax.experimental import pallas as pl
from jax.experimental.pallas import tpu as pltpu
from jax.experimental.pallas import tpu_sc as plsc

_HF = 112
_NW = 32
_C0 = 240
_NSH = 144
_IMGS = 2 * _NSH
_PER_W = _IMGS // _NW
_PAIRS = _PER_W // 2


def _rotate(buf, g):

    @pl.when(g == 1)
    def _():
        def row(r, carry):
            for c in range(7):
                wl = pl.ds(16 * c, 16)
                wr = pl.ds(_HF + 16 * c, 16)
                tmp = buf[r, wl]
                buf[r, wl] = buf[r, wr]
                buf[r, wr] = buf[r + _HF, wl]
                buf[r + _HF, wl] = buf[r + _HF, wr]
                buf[r + _HF, wr] = tmp
            return carry

        lax.fori_loop(0, _HF, row, 0)

    @pl.when(g == 2)
    def _():
        def row(r, carry):
            for c in range(14):
                w = pl.ds(16 * c, 16)
                tmp = buf[r, w]
                buf[r, w] = buf[r + _HF, w]
                buf[r + _HF, w] = tmp
            return carry

        lax.fori_loop(0, _HF, row, 0)

    @pl.when(g == 3)
    def _():
        def row(r, carry):
            for c in range(7):
                wl = pl.ds(16 * c, 16)
                wr = pl.ds(_HF + 16 * c, 16)
                tmp = buf[r, wl]
                buf[r, wl] = buf[r + _HF, wr]
                buf[r + _HF, wr] = buf[r + _HF, wl]
                buf[r + _HF, wl] = buf[r, wr]
                buf[r, wr] = tmp
            return carry

        lax.fori_loop(0, _HF, row, 0)


def kernel(x):
    b, c, h, w = x.shape
    mesh = plsc.VectorSubcoreMesh(core_axis_name="c", subcore_axis_name="s")

    @functools.partial(
        pl.kernel,
        mesh=mesh,
        out_type=jax.ShapeDtypeStruct((b, c, h, w), x.dtype),
        scratch_types=[
            pltpu.VMEM((h, w), x.dtype),
            pltpu.VMEM((h, w), x.dtype),
            pltpu.SemaphoreType.DMA,
            pltpu.SemaphoreType.DMA,
            pltpu.SemaphoreType.DMA,
            pltpu.SemaphoreType.DMA,
        ],
    )
    def k(x_hbm, o_hbm, buf0, buf1, sin0, sin1, sout0, sout1):
        wid = lax.axis_index("s") * 2 + lax.axis_index("c")
        base = wid * _PER_W

        def coords(img):
            ci = _C0 + img % _NSH
            return img // _NSH, ci, ci

        def group(ci):
            return (ci - 192) // 48

        b0, c0, _ = coords(base)
        pltpu.make_async_copy(x_hbm.at[b0, c0], buf0, sin0).start()

        def pair(t, carry):
            i0 = base + 2 * t
            i1 = i0 + 1
            bi0, ci0, co0 = coords(i0)
            bi1, ci1, co1 = coords(i1)

            @pl.when(t > 0)
            def _():
                pltpu.make_async_copy(buf1, o_hbm.at[bi1, co1], sout1).wait()

            pltpu.make_async_copy(x_hbm.at[bi1, ci1], buf1, sin1).start()

            pltpu.make_async_copy(x_hbm.at[bi0, ci0], buf0, sin0).wait()
            _rotate(buf0, group(ci0))
            pltpu.make_async_copy(buf0, o_hbm.at[bi0, co0], sout0).start()

            pltpu.make_async_copy(x_hbm.at[bi1, ci1], buf1, sin1).wait()
            _rotate(buf1, group(ci1))
            pltpu.make_async_copy(buf1, o_hbm.at[bi1, co1], sout1).start()

            @pl.when(t < _PAIRS - 1)
            def _():
                pltpu.make_async_copy(buf0, o_hbm.at[bi0, co0], sout0).wait()
                bn, cn, _ = coords(i0 + 2)
                pltpu.make_async_copy(x_hbm.at[bn, cn], buf0, sin0).start()

            return carry

        lax.fori_loop(0, _PAIRS, pair, 0)

        bl0, cl0, clo0 = coords(base + 2 * _PAIRS - 2)
        pltpu.make_async_copy(buf0, o_hbm.at[bl0, clo0], sout0).wait()
        bt, ct, cto = coords(base + _PER_W - 1)
        pltpu.make_async_copy(x_hbm.at[bt, ct], buf0, sin0).start()
        pltpu.make_async_copy(x_hbm.at[bt, ct], buf0, sin0).wait()
        _rotate(buf0, group(ct))
        pltpu.make_async_copy(buf0, o_hbm.at[bt, cto], sout0).start()

        bl1, cl1, clo1 = coords(base + 2 * _PAIRS - 1)
        pltpu.make_async_copy(buf1, o_hbm.at[bl1, clo1], sout1).wait()
        pltpu.make_async_copy(buf0, o_hbm.at[bt, cto], sout0).wait()

    shuffled = k(x)

    cblk = 16

    def copy_body(s_ref, x_ref, o_ref):
        del s_ref
        o_ref[...] = x_ref[...]

    blk = pl.BlockSpec((1, cblk, h, w), lambda i, j: (i, j, 0, 0))
    return pl.pallas_call(
        copy_body,
        grid=(b, _C0 // cblk),
        in_specs=[pl.BlockSpec(memory_space=pl.ANY), blk],
        out_specs=blk,
        out_shape=jax.ShapeDtypeStruct(x.shape, x.dtype),
        input_output_aliases={0: 0},
        compiler_params=pltpu.CompilerParams(
            dimension_semantics=("parallel", "parallel"),
        ),
    )(shuffled, x)

# --- scband reference (transcript-rebuilt; emitter-appended) ---
"""Pipeline reference for scband-global-shift-v2-portion-16930761081413 (READ-ONLY COPY).

The authoritative reference and input builder live on the scoring server;
editing this copy changes nothing except your own understanding.
"""

import jax, jax.numpy as jnp
import numpy as np
import math

SCALE = 2
PORTION = 0.5


def setup_inputs(seed: int = 0) -> dict:
    key = jax.random.key(seed)
    x = jax.random.normal(key, (2, 384, 224, 224), dtype=jnp.float32)
    return {"x": x}


def _shift_scale(x, scale):
    b, c, h, w = x.shape
    s2 = scale * scale
    # index = (arange(s2)[None,:] + arange(s2)[:,None]) % s2, as in the torch module
    index = (jnp.arange(s2, dtype=jnp.int32)[None, :] + jnp.arange(s2, dtype=jnp.int32)[:, None]) % s2
    x = x.reshape(b, s2, c // s2, scale, h // scale, scale, w // scale)
    x = jnp.transpose(x, (0, 1, 2, 4, 6, 3, 5)).reshape(b, s2, c // s2, h // scale, w // scale, s2)
    idx = jnp.broadcast_to(index.reshape(1, s2, 1, 1, 1, s2), x.shape)
    x = jnp.take_along_axis(x, idx, axis=5)
    x = x.reshape(b, c, h // scale, w // scale, scale, scale)
    x = jnp.transpose(x, (0, 1, 4, 2, 5, 3)).reshape(b, c, h, w)
    return x


def reference(x):
    b, c, h, w = x.shape
    scale, portion = SCALE, PORTION
    if portion > 0:
        shift = int(portion * c)
        s2 = scale * scale
        if math.floor(shift / s2) != shift / s2:
            shift = math.floor(shift / s2) * s2
        keep_x = x[:, : c - shift]
        shift_x = x[:, c - shift :]
        shift_x = _shift_scale(shift_x, scale)
        x = jnp.concatenate([keep_x, shift_x], axis=1)
    return x

if __name__ == "__main__":
    import jax
    _d = setup_inputs()
    print(jax.jit(kernel)(*tuple(_d.values())))

</pallas_src>

<mosaic_0001>
#map = affine_map<(d0, d1) -> (0, 0, 0, 0)>
module attributes {stable_mosaic.version = 14 : i64} {
  func.func @k(%arg0: i32, %arg1: i32, %arg2: memref<2x384x224x224xf32, #tpu.memory_space<hbm>>, %arg3: memref<2x384x224x224xf32, #tpu.memory_space<hbm>>, %arg4: memref<224x224xf32, #tpu.memory_space<vmem>>, %arg5: memref<224x224xf32, #tpu.memory_space<vmem>>, %arg6: memref<!tpu.dma_semaphore, #tpu.memory_space<semaphore_mem>>, %arg7: memref<!tpu.dma_semaphore, #tpu.memory_space<semaphore_mem>>, %arg8: memref<!tpu.dma_semaphore, #tpu.memory_space<semaphore_mem>>, %arg9: memref<!tpu.dma_semaphore, #tpu.memory_space<semaphore_mem>>) attributes {dimension_semantics = [#tpu.dimension_semantics<core_parallel>, #tpu.dimension_semantics<subcore_parallel>], iteration_bounds = array<i64: 2, 16>, scalar_prefetch = 0 : i64, scratch_operands = 6 : i64, tpu.core_type = #tpu.core_type<sc_vector_subcore>, window_params = [{transform_indices = #map}, {transform_indices = #map}]} {
    %mul3A = arith.constant 2 : i32
    %mul3A_0 = arith.muli %arg1, %mul3A : i32
    %add3A = arith.addi %mul3A_0, %arg0 : i32
    %mul3A_1 = arith.constant 9 : i32
    %mul3A_2 = arith.muli %add3A, %mul3A_1 : i32
    %jit3A = arith.constant 144 : i32
    %eq3A = arith.constant 0 : i32
    %eq3A_3 = arith.cmpi eq, %jit3A, %eq3A : i32
    %jit3A_4 = arith.constant 1 : i32
    %select_n3A = arith.select %eq3A_3, %jit3A_4, %jit3A : i32
    %rem3A = arith.remsi %mul3A_2, %select_n3A : i32
    %ne3A = arith.constant 0 : i32
    %ne3A_5 = arith.cmpi ne, %rem3A, %ne3A : i32
    %lt3A = arith.constant 0 : i32
    %lt3A_6 = arith.cmpi slt, %rem3A, %lt3A : i32
    %lt3A_7 = arith.constant 0 : i32
    %lt3A_8 = arith.cmpi slt, %select_n3A, %lt3A_7 : i32
    %ne3A_9 = arith.xori %lt3A_6, %lt3A_8 : i1
    %and3A = arith.andi %ne3A_9, %ne3A_5 : i1
    %add3A_10 = arith.addi %rem3A, %select_n3A : i32
    %select_n3A_11 = arith.select %and3A, %add3A_10, %rem3A : i32
    %add3A_12 = arith.constant 240 : i32
    %add3A_13 = arith.addi %add3A_12, %select_n3A_11 : i32
    %jit3A_14 = arith.constant 144 : i32
    %div3A = arith.divsi %mul3A_2, %jit3A_14 : i32
    %sign3A = arith.constant 0 : i32
    %sign3A_15 = arith.cmpi sgt, %mul3A_2, %sign3A : i32
    %sign3A_16 = arith.extui %sign3A_15 : i1 to i32
    %sign3A_17 = arith.constant 0 : i32
    %sign3A_18 = arith.cmpi slt, %mul3A_2, %sign3A_17 : i32
    %sign3A_19 = arith.extui %sign3A_18 : i1 to i32
    %sign3A_20 = arith.subi %sign3A_16, %sign3A_19 : i32
    %sign3A_21 = arith.constant 0 : i32
    %sign3A_22 = arith.cmpi sgt, %jit3A_14, %sign3A_21 : i32
    %sign3A_23 = arith.extui %sign3A_22 : i1 to i32
    %sign3A_24 = arith.constant 0 : i32
    %sign3A_25 = arith.cmpi slt, %jit3A_14, %sign3A_24 : i32
    %sign3A_26 = arith.extui %sign3A_25 : i1 to i32
    %sign3A_27 = arith.subi %sign3A_23, %sign3A_26 : i32
    %ne3A_28 = arith.cmpi ne, %sign3A_20, %sign3A_27 : i32
    %rem3A_29 = arith.remsi %mul3A_2, %jit3A_14 : i32
    %ne3A_30 = arith.constant 0 : i32
    %ne3A_31 = arith.cmpi ne, %rem3A_29, %ne3A_30 : i32
    %and3A_32 = arith.andi %ne3A_28, %ne3A_31 : i1
    %sub3A = arith.constant 1 : i32
    %sub3A_33 = arith.subi %div3A, %sub3A : i32
    %select_n3A_34 = arith.select %and3A_32, %sub3A_33, %div3A : i32
    %dma_start3A = arith.constant 0 : i32
    %dma_start3A_35 = arith.constant 0 : i32
    %dma_start3A_36 = tpu.memref_slice %arg2[%select_n3A_34, %add3A_13, %dma_start3A, %dma_start3A_35] : memref<2x384x224x224xf32, #tpu.memory_space<hbm>> -> memref<1x1x224x224xf32, #tpu.memory_space<hbm>>
    %dma_start3A_37 = tpu.memref_squeeze %dma_start3A_36 : memref<1x1x224x224xf32, #tpu.memory_space<hbm>> -> memref<224x224xf32, #tpu.memory_space<hbm>>
    %dma_start3A_38 = arith.constant 0 : i32
    %dma_start3A_39 = arith.constant 0 : i32
    %dma_start3A_40 = tpu.memref_slice %arg2[%select_n3A_34, %add3A_13, %dma_start3A_38, %dma_start3A_39] : memref<2x384x224x224xf32, #tpu.memory_space<hbm>> -> memref<1x1x224x224xf32, #tpu.memory_space<hbm>>
    %dma_start3A_41 = tpu.memref_squeeze %dma_start3A_40 : memref<1x1x224x224xf32, #tpu.memory_space<hbm>> -> memref<224x224xf32, #tpu.memory_space<hbm>>
    tpu.enqueue_dma source(%dma_start3A_41 : memref<224x224xf32, #tpu.memory_space<hbm>>) target(%arg4 : memref<224x224xf32, #tpu.memory_space<vmem>>) target_semaphore(%arg6 : memref<!tpu.dma_semaphore, #tpu.memory_space<semaphore_mem>>)
    %scan3A = arith.constant 0 : i32
    %scan3A_42 = arith.constant 0 : i32
    %scan3A_43 = arith.constant 4 : i32
    %scan3A_44 = arith.addi %scan3A_42, %scan3A_43 : i32
    %scan3A_45 = arith.constant 1 : i32
    scf.for %scan3A_271 = %scan3A_42 to %scan3A_44 step %scan3A_45  : i32 {
      %mul3A_272 = arith.constant 2 : i32
      %mul3A_273 = arith.muli %mul3A_272, %scan3A_271 : i32
      %add3A_274 = arith.addi %mul3A_2, %mul3A_273 : i32
      %add3A_275 = arith.constant 1 : i32
      %add3A_276 = arith.addi %add3A_274, %add3A_275 : i32
      %jit3A_277 = arith.constant 144 : i32
      %eq3A_278 = arith.constant 0 : i32
      %eq3A_279 = arith.cmpi eq, %jit3A_277, %eq3A_278 : i32
      %jit3A_280 = arith.constant 1 : i32
      %select_n3A_281 = arith.select %eq3A_279, %jit3A_280, %jit3A_277 : i32
      %rem3A_282 = arith.remsi %add3A_274, %select_n3A_281 : i32
      %ne3A_283 = arith.constant 0 : i32
      %ne3A_284 = arith.cmpi ne, %rem3A_282, %ne3A_283 : i32
      %lt3A_285 = arith.constant 0 : i32
      %lt3A_286 = arith.cmpi slt, %rem3A_282, %lt3A_285 : i32
      %lt3A_287 = arith.constant 0 : i32
      %lt3A_288 = arith.cmpi slt, %select_n3A_281, %lt3A_287 : i32
      %ne3A_289 = arith.xori %lt3A_286, %lt3A_288 : i1
      %and3A_290 = arith.andi %ne3A_289, %ne3A_284 : i1
      %add3A_291 = arith.addi %rem3A_282, %select_n3A_281 : i32
      %select_n3A_292 = arith.select %and3A_290, %add3A_291, %rem3A_282 : i32
      %add3A_293 = arith.constant 240 : i32
      %add3A_294 = arith.addi %add3A_293, %select_n3A_292 : i32
      %jit3A_295 = arith.constant 144 : i32
      %div3A_296 = arith.divsi %add3A_274, %jit3A_295 : i32
      %sign3A_297 = arith.constant 0 : i32
      %sign3A_298 = arith.cmpi sgt, %add3A_274, %sign3A_297 : i32
      %sign3A_299 = arith.extui %sign3A_298 : i1 to i32
      %sign3A_300 = arith.constant 0 : i32
      %sign3A_301 = arith.cmpi slt, %add3A_274, %sign3A_300 : i32
      %sign3A_302 = arith.extui %sign3A_301 : i1 to i32
      %sign3A_303 = arith.subi %sign3A_299, %sign3A_302 : i32
      %sign3A_304 = arith.constant 0 : i32
      %sign3A_305 = arith.cmpi sgt, %jit3A_295, %sign3A_304 : i32
      %sign3A_306 = arith.extui %sign3A_305 : i1 to i32
      %sign3A_307 = arith.constant 0 : i32
      %sign3A_308 = arith.cmpi slt, %jit3A_295, %sign3A_307 : i32
      %sign3A_309 = arith.extui %sign3A_308 : i1 to i32
      %sign3A_310 = arith.subi %sign3A_306, %sign3A_309 : i32
      %ne3A_311 = arith.cmpi ne, %sign3A_303, %sign3A_310 : i32
      %rem3A_312 = arith.remsi %add3A_274, %jit3A_295 : i32
      %ne3A_313 = arith.constant 0 : i32
      %ne3A_314 = arith.cmpi ne, %rem3A_312, %ne3A_313 : i32
      %and3A_315 = arith.andi %ne3A_311, %ne3A_314 : i1
      %sub3A_316 = arith.constant 1 : i32
      %sub3A_317 = arith.subi %div3A_296, %sub3A_316 : i32
      %select_n3A_318 = arith.select %and3A_315, %sub3A_317, %div3A_296 : i32
      %jit3A_319 = arith.constant 144 : i32
      %eq3A_320 = arith.constant 0 : i32
      %eq3A_321 = arith.cmpi eq, %jit3A_319, %eq3A_320 : i32
      %jit3A_322 = arith.constant 1 : i32
      %select_n3A_323 = arith.select %eq3A_321, %jit3A_322, %jit3A_319 : i32
      %rem3A_324 = arith.remsi %add3A_276, %select_n3A_323 : i32
      %ne3A_325 = arith.constant 0 : i32
      %ne3A_326 = arith.cmpi ne, %rem3A_324, %ne3A_325 : i32
      %lt3A_327 = arith.constant 0 : i32
      %lt3A_328 = arith.cmpi slt, %rem3A_324, %lt3A_327 : i32
      %lt3A_329 = arith.constant 0 : i32
      %lt3A_330 = arith.cmpi slt, %select_n3A_323, %lt3A_329 : i32
      %ne3A_331 = arith.xori %lt3A_328, %lt3A_330 : i1
      %and3A_332 = arith.andi %ne3A_331, %ne3A_326 : i1
      %add3A_333 = arith.addi %rem3A_324, %select_n3A_323 : i32
      %select_n3A_334 = arith.select %and3A_332, %add3A_333, %rem3A_324 : i32
      %add3A_335 = arith.constant 240 : i32
      %add3A_336 = arith.addi %add3A_335, %select_n3A_334 : i32
      %jit3A_337 = arith.constant 144 : i32
      %div3A_338 = arith.divsi %add3A_276, %jit3A_337 : i32
      %sign3A_339 = arith.constant 0 : i32
      %sign3A_340 = arith.cmpi sgt, %add3A_276, %sign3A_339 : i32
      %sign3A_341 = arith.extui %sign3A_340 : i1 to i32
      %sign3A_342 = arith.constant 0 : i32
      %sign3A_343 = arith.cmpi slt, %add3A_276, %sign3A_342 : i32
      %sign3A_344 = arith.extui %sign3A_343 : i1 to i32
      %sign3A_345 = arith.subi %sign3A_341, %sign3A_344 : i32
      %sign3A_346 = arith.constant 0 : i32
      %sign3A_347 = arith.cmpi sgt, %jit3A_337, %sign3A_346 : i32
      %sign3A_348 = arith.extui %sign3A_347 : i1 to i32
      %sign3A_349 = arith.constant 0 : i32
      %sign3A_350 = arith.cmpi slt, %jit3A_337, %sign3A_349 : i32
      %sign3A_351 = arith.extui %sign3A_350 : i1 to i32
      %sign3A_352 = arith.subi %sign3A_348, %sign3A_351 : i32
      %ne3A_353 = arith.cmpi ne, %sign3A_345, %sign3A_352 : i32
      %rem3A_354 = arith.remsi %add3A_276, %jit3A_337 : i32
      %ne3A_355 = arith.constant 0 : i32
      %ne3A_356 = arith.cmpi ne, %rem3A_354, %ne3A_355 : i32
      %and3A_357 = arith.andi %ne3A_353, %ne3A_356 : i1
      %sub3A_358 = arith.constant 1 : i32
      %sub3A_359 = arith.subi %div3A_338, %sub3A_358 : i32
      %select_n3A_360 = arith.select %and3A_357, %sub3A_359, %div3A_338 : i32
      %gt3A = arith.constant 0 : i32
      %gt3A_361 = arith.cmpi sgt, %scan3A_271, %gt3A : i32
      %convert_element_type3A_362 = arith.extui %gt3A_361 : i1 to i32
      %cond3A_363 = arith.constant 0 : i32
      %cond3A_364 = arith.cmpi ne, %convert_element_type3A_362, %cond3A_363 : i32
      scf.if %cond3A_364 {
        %dma_wait3A_492 = arith.constant 0 : i32
        %dma_wait3A_493 = arith.constant 0 : i32
        %dma_wait3A_494 = tpu.memref_slice %arg3[%select_n3A_360, %add3A_336, %dma_wait3A_492, %dma_wait3A_493] : memref<2x384x224x224xf32, #tpu.memory_space<hbm>> -> memref<1x1x224x224xf32, #tpu.memory_space<hbm>>
        %dma_wait3A_495 = tpu.memref_squeeze %dma_wait3A_494 : memref<1x1x224x224xf32, #tpu.memory_space<hbm>> -> memref<224x224xf32, #tpu.memory_space<hbm>>
        %dma_wait3A_496 = arith.constant 0 : i32
        %dma_wait3A_497 = arith.constant 0 : i32
        %dma_wait3A_498 = tpu.memref_slice %arg3[%select_n3A_360, %add3A_336, %dma_wait3A_496, %dma_wait3A_497] : memref<2x384x224x224xf32, #tpu.memory_space<hbm>> -> memref<1x1x224x224xf32, #tpu.memory_space<hbm>>
        %dma_wait3A_499 = tpu.memref_squeeze %dma_wait3A_498 : memref<1x1x224x224xf32, #tpu.memory_space<hbm>> -> memref<224x224xf32, #tpu.memory_space<hbm>>
        tpu.wait_dma2 semaphore(%arg9 : memref<!tpu.dma_semaphore, #tpu.memory_space<semaphore_mem>>) src(%arg5 : memref<224x224xf32, #tpu.memory_space<vmem>>) dst(%dma_wait3A_499 : memref<224x224xf32, #tpu.memory_space<hbm>>)
      } else {
      }
      %dma_start3A_365 = arith.constant 0 : i32
      %dma_start3A_366 = arith.constant 0 : i32
      %dma_start3A_367 = tpu.memref_slice %arg2[%select_n3A_360, %add3A_336, %dma_start3A_365, %dma_start3A_366] : memref<2x384x224x224xf32, #tpu.memory_space<hbm>> -> memref<1x1x224x224xf32, #tpu.memory_space<hbm>>
      %dma_start3A_368 = tpu.memref_squeeze %dma_start3A_367 : memref<1x1x224x224xf32, #tpu.memory_space<hbm>> -> memref<224x224xf32, #tpu.memory_space<hbm>>
      %dma_start3A_369 = arith.constant 0 : i32
      %dma_start3A_370 = arith.constant 0 : i32
      %dma_start3A_371 = tpu.memref_slice %arg2[%select_n3A_360, %add3A_336, %dma_start3A_369, %dma_start3A_370] : memref<2x384x224x224xf32, #tpu.memory_space<hbm>> -> memref<1x1x224x224xf32, #tpu.memory_space<hbm>>
      %dma_start3A_372 = tpu.memref_squeeze %dma_start3A_371 : memref<1x1x224x224xf32, #tpu.memory_space<hbm>> -> memref<224x224xf32, #tpu.memory_space<hbm>>
      tpu.enqueue_dma source(%dma_start3A_372 : memref<224x224xf32, #tpu.memory_space<hbm>>) target(%arg5 : memref<224x224xf32, #tpu.memory_space<vmem>>) target_semaphore(%arg7 : memref<!tpu.dma_semaphore, #tpu.memory_space<semaphore_mem>>)
      %dma_wait3A_373 = arith.constant 0 : i32
      %dma_wait3A_374 = arith.constant 0 : i32
      %dma_wait3A_375 = tpu.memref_slice %arg2[%select_n3A_318, %add3A_294, %dma_wait3A_373, %dma_wait3A_374] : memref<2x384x224x224xf32, #tpu.memory_space<hbm>> -> memref<1x1x224x224xf32, #tpu.memory_space<hbm>>
      %dma_wait3A_376 = tpu.memref_squeeze %dma_wait3A_375 : memref<1x1x224x224xf32, #tpu.memory_space<hbm>> -> memref<224x224xf32, #tpu.memory_space<hbm>>
      %dma_wait3A_377 = arith.constant 0 : i32
      %dma_wait3A_378 = arith.constant 0 : i32
      %dma_wait3A_379 = tpu.memref_slice %arg2[%select_n3A_318, %add3A_294, %dma_wait3A_377, %dma_wait3A_378] : memref<2x384x224x224xf32, #tpu.memory_space<hbm>> -> memref<1x1x224x224xf32, #tpu.memory_space<hbm>>
      %dma_wait3A_380 = tpu.memref_squeeze %dma_wait3A_379 : memref<1x1x224x224xf32, #tpu.memory_space<hbm>> -> memref<224x224xf32, #tpu.memory_space<hbm>>
      tpu.wait_dma2 semaphore(%arg6 : memref<!tpu.dma_semaphore, #tpu.memory_space<semaphore_mem>>) src(%dma_wait3A_380 : memref<224x224xf32, #tpu.memory_space<hbm>>) dst(%arg4 : memref<224x224xf32, #tpu.memory_space<vmem>>)
      %sub3A_381 = arith.constant 192 : i32
      %sub3A_382 = arith.subi %add3A_294, %sub3A_381 : i32
      %jit3A_383 = arith.constant 48 : i32
      %div3A_384 = arith.divsi %sub3A_382, %jit3A_383 : i32
      %sign3A_385 = arith.constant 0 : i32
      %sign3A_386 = arith.cmpi sgt, %sub3A_382, %sign3A_385 : i32
      %sign3A_387 = arith.extui %sign3A_386 : i1 to i32
      %sign3A_388 = arith.constant 0 : i32
      %sign3A_389 = arith.cmpi slt, %sub3A_382, %sign3A_388 : i32
      %sign3A_390 = arith.extui %sign3A_389 : i1 to i32
      %sign3A_391 = arith.subi %sign3A_387, %sign3A_390 : i32
      %sign3A_392 = arith.constant 0 : i32
      %sign3A_393 = arith.cmpi sgt, %jit3A_383, %sign3A_392 : i32
      %sign3A_394 = arith.extui %sign3A_393 : i1 to i32
      %sign3A_395 = arith.constant 0 : i32
      %sign3A_396 = arith.cmpi slt, %jit3A_383, %sign3A_395 : i32
      %sign3A_397 = arith.extui %sign3A_396 : i1 to i32
      %sign3A_398 = arith.subi %sign3A_394, %sign3A_397 : i32
      %ne3A_399 = arith.cmpi ne, %sign3A_391, %sign3A_398 : i32
      %rem3A_400 = arith.remsi %sub3A_382, %jit3A_383 : i32
      %ne3A_401 = arith.constant 0 : i32
      %ne3A_402 = arith.cmpi ne, %rem3A_400, %ne3A_401 : i32
      %and3A_403 = arith.andi %ne3A_399, %ne3A_402 : i1
      %sub3A_404 = arith.constant 1 : i32
      %sub3A_405 = arith.subi %div3A_384, %sub3A_404 : i32
      %select_n3A_406 = arith.select %and3A_403, %sub3A_405, %div3A_384 : i32
      %eq3A_407 = arith.constant 1 : i32
      %eq3A_408 = arith.cmpi eq, %select_n3A_406, %eq3A_407 : i32
      %convert_element_type3A_409 = arith.extui %eq3A_408 : i1 to i32
      %cond3A_410 = arith.constant 0 : i32
      %cond3A_411 = arith.cmpi ne, %convert_element_type3A_409, %cond3A_410 : i32
      scf.if %cond3A_411 {
        %scan3A_492 = arith.constant 0 : i32
        %scan3A_493 = arith.constant 0 : i32
        %scan3A_494 = arith.constant 112 : i32
        %scan3A_495 = arith.addi %scan3A_493, %scan3A_494 : i32
        %scan3A_496 = arith.constant 1 : i32
        scf.for %scan3A_498 = %scan3A_493 to %scan3A_495 step %scan3A_496  : i32 {
          %get3A = arith.index_cast %scan3A_498 : i32 to index
          %get3A_499 = arith.constant 0 : index
          %get3A_500 = tpu.vector_load %arg4[%get3A, %get3A_499] {strides = array<i32>} : memref<224x224xf32, #tpu.memory_space<vmem>>, vector<1x16xf32>,
          %get3A_501 = vector.shape_cast %get3A_500 : vector<1x16xf32> to vector<16xf32>
          %get3A_502 = arith.index_cast %scan3A_498 : i32 to index
          %get3A_503 = arith.constant 112 : index
          %get3A_504 = tpu.vector_load %arg4[%get3A_502, %get3A_503] {strides = array<i32>} : memref<224x224xf32, #tpu.memory_space<vmem>>, vector<1x16xf32>,
          %get3A_505 = vector.shape_cast %get3A_504 : vector<1x16xf32> to vector<16xf32>
          %swap3A = arith.index_cast %scan3A_498 : i32 to index
          %swap3A_506 = arith.constant 0 : index
          %swap3A_507 = tpu.vector_load %arg4[%swap3A, %swap3A_506] {strides = array<i32>} : memref<224x224xf32, #tpu.memory_space<vmem>>, vector<1x16xf32>,
          %swap3A_508 = vector.shape_cast %swap3A_507 : vector<1x16xf32> to vector<16xf32>
          %swap3A_509 = vector.shape_cast %get3A_505 : vector<16xf32> to vector<1x16xf32>
          tpu.vector_store %arg4[%swap3A, %swap3A_506], %swap3A_509 {strides = array<i32>} : memref<224x224xf32, #tpu.memory_space<vmem>>, vector<1x16xf32>,
          %add3A_510 = arith.constant 112 : i32
          %add3A_511 = arith.addi %scan3A_498, %add3A_510 : i32
          %get3A_512 = arith.index_cast %add3A_511 : i32 to index
          %get3A_513 = arith.constant 0 : index
          %get3A_514 = tpu.vector_load %arg4[%get3A_512, %get3A_513] {strides = array<i32>} : memref<224x224xf32, #tpu.memory_space<vmem>>, vector<1x16xf32>,
          %get3A_515 = vector.shape_cast %get3A_514 : vector<1x16xf32> to vector<16xf32>
          %swap3A_516 = arith.index_cast %scan3A_498 : i32 to index
          %swap3A_517 = arith.constant 112 : index
          %swap3A_518 = tpu.vector_load %arg4[%swap3A_516, %swap3A_517] {strides = array<i32>} : memref<224x224xf32, #tpu.memory_space<vmem>>, vector<1x16xf32>,
          %swap3A_519 = vector.shape_cast %swap3A_518 : vector<1x16xf32> to vector<16xf32>
          %swap3A_520 = vector.shape_cast %get3A_515 : vector<16xf32> to vector<1x16xf32>
          tpu.vector_store %arg4[%swap3A_516, %swap3A_517], %swap3A_520 {strides = array<i32>} : memref<224x224xf32, #tpu.memory_space<vmem>>, vector<1x16xf32>,
          %add3A_521 = arith.constant 112 : i32
          %add3A_522 = arith.addi %scan3A_498, %add3A_521 : i32
          %get3A_523 = arith.index_cast %add3A_522 : i32 to index
          %get3A_524 = arith.constant 112 : index
          %get3A_525 = tpu.vector_load %arg4[%get3A_523, %get3A_524] {strides = array<i32>} : memref<224x224xf32, #tpu.memory_space<vmem>>, vector<1x16xf32>,
          %get3A_526 = vector.shape_cast %get3A_525 : vector<1x16xf32> to vector<16xf32>
          %add3A_527 = arith.constant 112 : i32
          %add3A_528 = arith.addi %scan3A_498, %add3A_527 : i32
          %swap3A_529 = arith.index_cast %add3A_528 : i32 to index
          %swap3A_530 = arith.constant 0 : index
          %swap3A_531 = tpu.vector_load %arg4[%swap3A_529, %swap3A_530] {strides = array<i32>} : memref<224x224xf32, #tpu.memory_space<vmem>>, vector<1x16xf32>,
          %swap3A_532 = vector.shape_cast %swap3A_531 : vector<1x16xf32> to vector<16xf32>
          %swap3A_533 = vector.shape_cast %get3A_526 : vector<16xf32> to vector<1x16xf32>
          tpu.vector_store %arg4[%swap3A_529, %swap3A_530], %swap3A_533 {strides = array<i32>} : memref<224x224xf32, #tpu.memory_space<vmem>>, vector<1x16xf32>,
          %add3A_534 = arith.constant 112 : i32
          %add3A_535 = arith.addi %scan3A_498, %add3A_534 : i32
          %swap3A_536 = arith.index_cast %add3A_535 : i32 to index
          %swap3A_537 = arith.constant 112 : index
          %swap3A_538 = tpu.vector_load %arg4[%swap3A_536, %swap3A_537] {strides = array<i32>} : memref<224x224xf32, #tpu.memory_space<vmem>>, vector<1x16xf32>,
          %swap3A_539 = vector.shape_cast %swap3A_538 : vector<1x16xf32> to vector<16xf32>
          %swap3A_540 = vector.shape_cast %get3A_501 : vector<16xf32> to vector<1x16xf32>
          tpu.vector_store %arg4[%swap3A_536, %swap3A_537], %swap3A_540 {strides = array<i32>} : memref<224x224xf32, #tpu.memory_space<vmem>>, vector<1x16xf32>,
          %get3A_541 = arith.index_cast %scan3A_498 : i32 to index
          %get3A_542 = arith.constant 16 : index
          %get3A_543 = tpu.vector_load %arg4[%get3A_541, %get3A_542] {strides = array<i32>} : memref<224x224xf32, #tpu.memory_space<vmem>>, vector<1x16xf32>,
          %get3A_544 = vector.shape_cast %get3A_543 : vector<1x16xf32> to vector<16xf32>
          %get3A_545 = arith.index_cast %scan3A_498 : i32 to index
          %get3A_546 = arith.constant 128 : index
          %get3A_547 = tpu.vector_load %arg4[%get3A_545, %get3A_546] {strides = array<i32>} : memref<224x224xf32, #tpu.memory_space<vmem>>, vector<1x16xf32>,
          %get3A_548 = vector.shape_cast %get3A_547 : vector<1x16xf32> to vector<16xf32>
          %swap3A_549 = arith.index_cast %scan3A_498 : i32 to index
          %swap3A_550 = arith.constant 16 : index
          %swap3A_551 = tpu.vector_load %arg4[%swap3A_549, %swap3A_550] {strides = array<i32>} : memref<224x224xf32, #tpu.memory_space<vmem>>, vector<1x16xf32>,
          %swap3A_552 = vector.shape_cast %swap3A_551 : vector<1x16xf32> to vector<16xf32>
          %swap3A_553 = vector.shape_cast %get3A_548 : vector<16xf32> to vector<1x16xf32>
          tpu.vector_store %arg4[%swap3A_549, %swap3A_550], %swap3A_553 {strides = array<i32>} : memref<224x224xf32, #tpu.memory_space<vmem>>, vector<1x16xf32>,
          %add3A_554 = arith.constant 112 : i32
          %add3A_555 = arith.addi %scan3A_498, %add3A_554 : i32
          %get3A_556 = arith.index_cast %add3A_555 : i32 to index
          %get3A_557 = arith.constant 16 : index
          %get3A_558 = tpu.vector_load %arg4[%get3A_556, %get3A_557] {strides = array<i32>} : memref<224x224xf32, #tpu.memory_space<vmem>>, vector<1x16xf32>,
          %get3A_559 = vector.shape_cast %get3A_558 : vector<1x16xf32> to vector<16xf32>
          %swap3A_560 = arith.index_cast %scan3A_498 : i32 to index
          %swap3A_561 = arith.constant 128 : index
          %swap3A_562 = tpu.vector_load %arg4[%swap3A_560, %swap3A_561] {strides = array<i32>} : memref<224x224xf32, #tpu.memory_space<vmem>>, vector<1x16xf32>,
          %swap3A_563 = vector.shape_cast %swap3A_562 : vector<1x16xf32> to vector<16xf32>
          %swap3A_564 = vector.shape_cast %get3A_559 : vector<16xf32> to vector<1x16xf32>
          tpu.vector_store %arg4[%swap3A_560, %swap3A_561], %swap3A_564 {strides = array<i32>} : memref<224x224xf32, #tpu.memory_space<vmem>>, vector<1x16xf32>,
          %add3A_565 = arith.constant 112 : i32
          %add3A_566 = arith.addi %scan3A_498, %add3A_565 : i32
          %get3A_567 = arith.index_cast %add3A_566 : i32 to index
          %get3A_568 = arith.constant 128 : index
          %get3A_569 = tpu.vector_load %arg4[%get3A_567, %get3A_568] {strides = array<i32>} : memref<224x224xf32, #tpu.memory_space<vmem>>, vector<1x16xf32>,
          %get3A_570 = vector.shape_cast %get3A_569 : vector<1x16xf32> to vector<16xf32>
          %add3A_571 = arith.constant 112 : i32
          %add3A_572 = arith.addi %scan3A_498, %add3A_571 : i32
          %swap3A_573 = arith.index_cast %add3A_572 : i32 to index
          %swap3A_574 = arith.constant 16 : index
          %swap3A_575 = tpu.vector_load %arg4[%swap3A_573, %swap3A_574] {strides = array<i32>} : memref<224x224xf32, #tpu.memory_space<vmem>>, vector<1x16xf32>,
          %swap3A_576 = vector.shape_cast %swap3A_575 : vector<1x16xf32> to vector<16xf32>
          %swap3A_577 = vector.shape_cast %get3A_570 : vector<16xf32> to vector<1x16xf32>
          tpu.vector_store %arg4[%swap3A_573, %swap3A_574], %swap3A_577 {strides = array<i32>} : memref<224x224xf32, #tpu.memory_space<vmem>>, vector<1x16xf32>,
          %add3A_578 = arith.constant 112 : i32
          %add3A_579 = arith.addi %scan3A_498, %add3A_578 : i32
          %swap3A_580 = arith.index_cast %add3A_579 : i32 to index
          %swap3A_581 = arith.constant 128 : index
          %swap3A_582 = tpu.vector_load %arg4[%swap3A_580, %swap3A_581] {strides = array<i32>} : memref<224x224xf32, #tpu.memory_space<vmem>>, vector<1x16xf32>,
          %swap3A_583 = vector.shape_cast %swap3A_582 : vector<1x16xf32> to vector<16xf32>
          %swap3A_584 = vector.shape_cast %get3A_544 : vector<16xf32> to vector<1x16xf32>
          tpu.vector_store %arg4[%swap3A_580, %swap3A_581], %swap3A_584 {strides = array<i32>} : memref<224x224xf32, #tpu.memory_space<vmem>>, vector<1x16xf32>,
          %get3A_585 = arith.index_cast %scan3A_498 : i32 to index
          %get3A_586 = arith.constant 32 : index
          %get3A_587 = tpu.vector_load %arg4[%get3A_585, %get3A_586] {strides = array<i32>} : memref<224x224xf32, #tpu.memory_space<vmem>>, vector<1x16xf32>,
          %get3A_588 = vector.shape_cast %get3A_587 : vector<1x16xf32> to vector<16xf32>
          %get3A_589 = arith.index_cast %scan3A_498 : i32 to index
          %get3A_590 = arith.constant 144 : index
          %get3A_591 = tpu.vector_load %arg4[%get3A_589, %get3A_590] {strides = array<i32>} : memref<224x224xf32, #tpu.memory_space<vmem>>, vector<1x16xf32>,
          %get3A_592 = vector.shape_cast %get3A_591 : vector<1x16xf32> to vector<16xf32>
          %swap3A_593 = arith.index_cast %scan3A_498 : i32 to index
          %swap3A_594 = arith.constant 32 : index
          %swap3A_595 = tpu.vector_load %arg4[%swap3A_593, %swap3A_594] {strides = array<i32>} : memref<224x224xf32, #tpu.memory_space<vmem>>, vector<1x16xf32>,
          %swap3A_596 = vector.shape_cast %swap3A_595 : vector<1x16xf32> to vector<16xf32>
          %swap3A_597 = vector.shape_cast %get3A_592 : vector<16xf32> to vector<1x16xf32>
          tpu.vector_store %arg4[%swap3A_593, %swap3A_594], %swap3A_597 {strides = array<i32>} : memref<224x224xf32, #tpu.memory_space<vmem>>, vector<1x16xf32>,
          %add3A_598 = arith.constant 112 : i32
          %add3A_599 = arith.addi %scan3A_498, %add3A_598 : i32
          %get3A_600 = arith.index_cast %add3A_599 : i32 to index
          %get3A_601 = arith.constant 32 : index
          %get3A_602 = tpu.vector_load %arg4[%get3A_600, %get3A_601] {strides = array<i32>} : memref<224x224xf32, #tpu.memory_space<vmem>>, vector<1x16xf32>,
          %get3A_603 = vector.shape_cast %get3A_602 : vector<1x16xf32> to vector<16xf32>
          %swap3A_604 = arith.index_cast %scan3A_498 : i32 to index
          %swap3A_605 = arith.constant 144 : index
          %swap3A_606 = tpu.vector_load %arg4[%swap3A_604, %swap3A_605] {strides = array<i32>} : memref<224x224xf32, #tpu.memory_space<vmem>>, vector<1x16xf32>,
          %swap3A_607 = vector.shape_cast %swap3A_606 : vector<1x16xf32> to vector<16xf32>
          %swap3A_608 = vector.shape_cast %get3A_603 : vector<16xf32> to vector<1x16xf32>
          tpu.vector_store %arg4[%swap3A_604, %swap3A_605], %swap3A_608 {strides = array<i32>} : memref<224x224xf32, #tpu.memory_space<vmem>>, vector<1x16xf32>,
          %add3A_609 = arith.constant 112 : i32
          %add3A_610 = arith.addi %scan3A_498, %add3A_609 : i32
          %get3A_611 = arith.index_cast %add3A_610 : i32 to index
          %get3A_612 = arith.constant 144 : index
          %get3A_613 = tpu.vector_load %arg4[%get3A_611, %get3A_612] {strides = array<i32>} : memref<224x224xf32, #tpu.memory_space<vmem>>, vector<1x16xf32>,
          %get3A_614 = vector.shape_cast %get3A_613 : vector<1x16xf32> to vector<16xf32>
          %add3A_615 = arith.constant 112 : i32
          %add3A_616 = arith.addi %scan3A_498, %add3A_615 : i32
          %swap3A_617 = arith.index_cast %add3A_616 : i32 to index
          %swap3A_618 = arith.constant 32 : index
          %swap3A_619 = tpu.vector_load %arg4[%swap3A_617, %swap3A_618] {strides = array<i32>} : memref<224x224xf32, #tpu.memory_space<vmem>>, vector<1x16xf32>,
          %swap3A_620 = vector.shape_cast %swap3A_619 : vector<1x16xf32> to vector<16xf32>
          %swap3A_621 = vector.shape_cast %get3A_614 : vector<16xf32> to vector<1x16xf32>
          tpu.vector_store %arg4[%swap3A_617, %swap3A_618], %swap3A_621 {strides = array<i32>} : memref<224x224xf32, #tpu.memory_space<vmem>>, vector<1x16xf32>,
          %add3A_622 = arith.constant 112 : i32
          %add3A_623 = arith.addi %scan3A_498, %add3A_622 : i32
          %swap3A_624 = arith.index_cast %add3A_623 : i32 to index
          %swap3A_625 = arith.constant 144 : index
          %swap3A_626 = tpu.vector_load %arg4[%swap3A_624, %swap3A_625] {strides = array<i32>} : memref<224x224xf32, #tpu.memory_space<vmem>>, vector<1x16xf32>,
          %swap3A_627 = vector.shape_cast %swap3A_626 : vector<1x16xf32> to vector<16xf32>
          %swap3A_628 = vector.shape_cast %get3A_588 : vector<16xf32> to vector<1x16xf32>
          tpu.vector_store %arg4[%swap3A_624, %swap3A_625], %swap3A_628 {strides = array<i32>} : memref<224x224xf32, #tpu.memory_space<vmem>>, vector<1x16xf32>,
          %get3A_629 = arith.index_cast %scan3A_498 : i32 to index
          %get3A_630 = arith.constant 48 : index
          %get3A_631 = tpu.vector_load %arg4[%get3A_629, %get3A_630] {strides = array<i32>} : memref<224x224xf32, #tpu.memory_space<vmem>>, vector<1x16xf32>,
          %get3A_632 = vector.shape_cast %get3A_631 : vector<1x16xf32> to vector<16xf32>
          %get3A_633 = arith.index_cast %scan3A_498 : i32 to index
          %get3A_634 = arith.constant 160 : index
          %get3A_635 = tpu.vector_load %arg4[%get3A_633, %get3A_634] {strides = array<i32>} : memref<224x224xf32, #tpu.memory_space<vmem>>, vector<1x16xf32>,
          %get3A_636 = vector.shape_cast %get3A_635 : vector<1x16xf32> to vector<16xf32>
          %swap3A_637 = arith.index_cast %scan3A_498 : i32 to index
          %swap3A_638 = arith.constant 48 : index
          %swap3A_639 = tpu.vector_load %arg4[%swap3A_637, %swap3A_638] {strides = array<i32>} : memref<224x224xf32, #tpu.memory_space<vmem>>, vector<1x16xf32>,
          %swap3A_640 = vector.shape_cast %swap3A_639 : vector<1x16xf32> to vector<16xf32>
          %swap3A_641 = vector.shape_cast %get3A_636 : vector<16xf32> to vector<1x16xf32>
          tpu.vector_store %arg4[%swap3A_637, %swap3A_638], %swap3A_641 {strides = array<i32>} : memref<224x224xf32, #tpu.memory_space<vmem>>, vector<1x16xf32>,
          %add3A_642 = arith.constant 112 : i32
          %add3A_643 = arith.addi %scan3A_498, %add3A_642 : i32
          %get3A_644 = arith.index_cast %add3A_643 : i32 to index
          %get3A_645 = arith.constant 48 : index
          %get3A_646 = tpu.vector_load %arg4[%get3A_644, %get3A_645] {strides = array<i32>} : memref<224x224xf32, #tpu.memory_space<vmem>>, vector<1x16xf32>,
          %get3A_647 = vector.shape_cast %get3A_646 : vector<1x16xf32> to vector<16xf32>
          %swap3A_648 = arith.index_cast %scan3A_498 : i32 to index
          %swap3A_649 = arith.constant 160 : index
          %swap3A_650 = tpu.vector_load %arg4[%swap3A_648, %swap3A_649] {strides = array<i32>} : memref<224x224xf32, #tpu.memory_space<vmem>>, vector<1x16xf32>,
          %swap3A_651 = vector.shape_cast %swap3A_650 : vector<1x16xf32> to vector<16xf32>
          %swap3A_652 = vector.shape_cast %get3A_647 : vector<16xf32> to vector<1x16xf32>
          tpu.vector_store %arg4[%swap3A_648, %swap3A_649], %swap3A_652 {strides = array<i32>} : memref<224x224xf32, #tpu.memory_space<vmem>>, vector<1x16xf32>,
          %add3A_653 = arith.constant 112 : i32
          %add3A_654 = arith.addi %scan3A_498, %add3A_653 : i32
          %get3A_655 = arith.index_cast %add3A_654 : i32 to index
          %get3A_656 = arith.constant 160 : index
          %get3A_657 = tpu.vector_load %arg4[%get3A_655, %get3A_656] {strides = array<i32>} : memref<224x224xf32, #tpu.memory_space<vmem>>, vector<1x16xf32>,
          %get3A_658 = vector.shape_cast %get3A_657 : vector<1x16xf32> to vector<16xf32>
          %add3A_659 = arith.constant 112 : i32
          %add3A_660 = arith.addi %scan3A_498, %add3A_659 : i32
          %swap3A_661 = arith.index_cast %add3A_660 : i32 to index
          %swap3A_662 = arith.constant 48 : index
          %swap3A_663 = tpu.vector_load %arg4[%swap3A_661, %swap3A_662] {strides = array<i32>} : memref<224x224xf32, #tpu.memory_space<vmem>>, vector<1x16xf32>,
          %swap3A_664 = vector.shape_cast %swap3A_663 : vector<1x16xf32> to vector<16xf32>
          %swap3A_665 = vector.shape_cast %get3A_658 : vector<16xf32> to vector<1x16xf32>
          tpu.vector_store %arg4[%swap3A_661, %swap3A_662], %swap3A_665 {strides = array<i32>} : memref<224x224xf32, #tpu.memory_space<vmem>>, vector<1x16xf32>,
          %add3A_666 = arith.constant 112 : i32
          %add3A_667 = arith.addi %scan3A_498, %add3A_666 : i32
          %swap3A_668 = arith.index_cast %add3A_667 : i32 to index
          %swap3A_669 = arith.constant 160 : index
          %swap3A_670 = tpu.vector_load %arg4[%swap3A_668, %swap3A_669] {strides = array<i32>} : memref<224x224xf32, #tpu.memory_space<vmem>>, vector<1x16xf32>,
          %swap3A_671 = vector.shape_cast %swap3A_670 : vector<1x16xf32> to vector<16xf32>
          %swap3A_672 = vector.shape_cast %get3A_632 : vector<16xf32> to vector<1x16xf32>
          tpu.vector_store %arg4[%swap3A_668, %swap3A_669], %swap3A_672 {strides = array<i32>} : memref<224x224xf32, #tpu.memory_space<vmem>>, vector<1x16xf32>,
          %get3A_673 = arith.index_cast %scan3A_498 : i32 to index
          %get3A_674 = arith.constant 64 : index
          %get3A_675 = tpu.vector_load %arg4[%get3A_673, %get3A_674] {strides = array<i32>} : memref<224x224xf32, #tpu.memory_space<vmem>>, vector<1x16xf32>,
          %get3A_676 = vector.shape_cast %get3A_675 : vector<1x16xf32> to vector<16xf32>
          %get3A_677 = arith.index_cast %scan3A_498 : i32 to index
          %get3A_678 = arith.constant 176 : index
          %get3A_679 = tpu.vector_load %arg4[%get3A_677, %get3A_678] {strides = array<i32>} : memref<224x224xf32, #tpu.memory_space<vmem>>, vector<1x16xf32>,
          %get3A_680 = vector.shape_cast %get3A_679 : vector<1x16xf32> to vector<16xf32>
          %swap3A_681 = arith.index_cast %scan3A_498 : i32 to index
          %swap3A_682 = arith.constant 64 : index
          %swap3A_683 = tpu.vector_load %arg4[%swap3A_681, %swap3A_682] {strides = array<i32>} : memref<224x224xf32, #tpu.memory_space<vmem>>, vector<1x16xf32>,
          %swap3A_684 = vector.shape_cast %swap3A_683 : vector<1x16xf32> to vector<16xf32>
          %swap3A_685 = vector.shape_cast %get3A_680 : vector<16xf32> to vector<1x16xf32>
          tpu.vector_store %arg4[%swap3A_681, %swap3A_682], %swap3A_685 {strides = array<i32>} : memref<224x224xf32, #tpu.memory_space<vmem>>, vector<1x16xf32>,
          %add3A_686 = arith.constant 112 : i32
          %add3A_687 = arith.addi %scan3A_498, %add3A_686 : i32
          %get3A_688 = arith.index_cast %add3A_687 : i32 to index
          %get3A_689 = arith.constant 64 : index
          %get3A_690 = tpu.vector_load %arg4[%get3A_688, %get3A_689] {strides = array<i32>} : memref<224x224xf32, #tpu.memory_space<vmem>>, vector<1x16xf32>,
          %get3A_691 = vector.shape_cast %get3A_690 : vector<1x16xf32> to vector<16xf32>
          %swap3A_692 = arith.index_cast %scan3A_498 : i32 to index
          %swap3A_693 = arith.constant 176 : index
          %swap3A_694 = tpu.vector_load %arg4[%swap3A_692, %swap3A_693] {strides = array<i32>} : memref<224x224xf32, #tpu.memory_space<vmem>>, vector<1x16xf32>,
          %swap3A_695 = vector.shape_cast %swap3A_694 : vector<1x16xf32> to vector<16xf32>
          %swap3A_696 = vector.shape_cast %get3A_691 : vector<16xf32> to vector<1x16xf32>
          tpu.vector_store %arg4[%swap3A_692, %swap3A_693], %swap3A_696 {strides = array<i32>} : memref<224x224xf32, #tpu.memory_space<vmem>>, vector<1x16xf32>,
          %add3A_697 = arith.constant 112 : i32
          %add3A_698 = arith.addi %scan3A_498, %add3A_697 : i32
          %get3A_699 = arith.index_cast %add3A_698 : i32 to index
          %get3A_700 = arith.constant 176 : index
          %get3A_701 = tpu.vector_load %arg4[%get3A_699, %get3A_700] {strides = array<i32>} : memref<224x224xf32, #tpu.memory_space<vmem>>, vector<1x16xf32>,
          %get3A_702 = vector.shape_cast %get3A_701 : vector<1x16xf32> to vector<16xf32>
          %add3A_703 = arith.constant 112 : i32
          %add3A_704 = arith.addi %scan3A_498, %add3A_703 : i32
          %swap3A_705 = arith.index_cast %add3A_704 : i32 to index
          %swap3A_706 = arith.constant 64 : index
          %swap3A_707 = tpu.vector_load %arg4[%swap3A_705, %swap3A_706] {strides = array<i32>} : memref<224x224xf32, #tpu.memory_space<vmem>>, vector<1x16xf32>,
          %swap3A_708 = vector.shape_cast %swap3A_707 : vector<1x16xf32> to vector<16xf32>
          %swap3A_709 = vector.shape_cast %get3A_702 : vector<16xf32> to vector<1x16xf32>
          tpu.vector_store %arg4[%swap3A_705, %swap3A_706], %swap3A_709 {strides = array<i32>} : memref<224x224xf32, #tpu.memory_space<vmem>>, vector<1x16xf32>,
          %add3A_710 = arith.constant 112 : i32
          %add3A_711 = arith.addi %scan3A_498, %add3A_710 : i32
          %swap3A_712 = arith.index_cast %add3A_711 : i32 to index
          %swap3A_713 = arith.constant 176 : index
          %swap3A_714 = tpu.vector_load %arg4[%swap3A_712, %swap3A_713] {strides = array<i32>} : memref<224x224xf32, #tpu.memory_space<vmem>>, vector<1x16xf32>,
          %swap3A_715 = vector.shape_cast %swap3A_714 : vector<1x16xf32> to vector<16xf32>
          %swap3A_716 = vector.shape_cast %get3A_676 : vector<16xf32> to vector<1x16xf32>
          tpu.vector_store %arg4[%swap3A_712, %swap3A_713], %swap3A_716 {strides = array<i32>} : memref<224x224xf32, #tpu.memory_space<vmem>>, vector<1x16xf32>,
          %get3A_717 = arith.index_cast %scan3A_498 : i32 to index
          %get3A_718 = arith.constant 80 : index
          %get3A_719 = tpu.vector_load %arg4[%get3A_717, %get3A_718] {strides = array<i32>} : memref<224x224xf32, #tpu.memory_space<vmem>>, vector<1x16xf32>,
          %get3A_720 = vector.shape_cast %get3A_719 : vector<1x16xf32> to vector<16xf32>
          %get3A_721 = arith.index_cast %scan3A_498 : i32 to index
          %get3A_722 = arith.constant 192 : index
          %get3A_723 = tpu.vector_load %arg4[%get3A_721, %get3A_722] {strides = array<i32>} : memref<224x224xf32, #tpu.memory_space<vmem>>, vector<1x16xf32>,
          %get3A_724 = vector.shape_cast %get3A_723 : vector<1x16xf32> to vector<16xf32>
          %swap3A_725 = arith.index_cast %scan3A_498 : i32 to index
          %swap3A_726 = arith.constant 80 : index
          %swap3A_727 = tpu.vector_load %arg4[%swap3A_725, %swap3A_726] {strides = array<i32>} : memref<224x224xf32, #tpu.memory_space<vmem>>, vector<1x16xf32>,
          %swap3A_728 = vector.shape_cast %swap3A_727 : vector<1x16xf32> to vector<16xf32>
          %swap3A_729 = vector.shape_cast %get3A_724 : vector<16xf32> to vector<1x16xf32>
          tpu.vector_store %arg4[%swap3A_725, %swap3A_726], %swap3A_729 {strides = array<i32>} : memref<224x224xf32, #tpu.memory_space<vmem>>, vector<1x16xf32>,
          %add3A_730 = arith.constant 112 : i32
          %add3A_731 = arith.addi %scan3A_498, %add3A_730 : i32
          %get3A_732 = arith.index_cast %add3A_731 : i32 to index
          %get3A_733 = arith.constant 80 : index
          %get3A_734 = tpu.vector_load %arg4[%get3A_732, %get3A_733] {strides = array<i32>} : memref<224x224xf32, #tpu.memory_space<vmem>>, vector<1x16xf32>,
          %get3A_735 = vector.shape_cast %get3A_734 : vector<1x16xf32> to vector<16xf32>
          %swap3A_736 = arith.index_cast %scan3A_498 : i32 to index
          %swap3A_737 = arith.constant 192 : index
          %swap3A_738 = tpu.vector_load %arg4[%swap3A_736, %swap3A_737] {strides = array<i32>} : memref<224x224xf32, #tpu.memory_space<vmem>>, vector<1x16xf32>,
          %swap3A_739 = vector.shape_cast %swap3A_738 : vector<1x16xf32> to vector<16xf32>
          %swap3A_740 = vector.shape_cast %get3A_735 : vector<16xf32> to vector<1x16xf32>
          tpu.vector_store %arg4[%swap3A_736, %swap3A_737], %swap3A_740 {strides = array<i32>} : memref<224x224xf32, #tpu.memory_space<vmem>>, vector<1x16xf32>,
          %add3A_741 = arith.constant 112 : i32
          %add3A_742 = arith.addi %scan3A_498, %add3A_741 : i32
          %get3A_743 = arith.index_cast %add3A_742 : i32 to index
          %get3A_744 = arith.constant 192 : index
          %get3A_745 = tpu.vector_load %arg4[%get3A_743, %get3A_744] {strides = array<i32>} : memref<224x224xf32, #tpu.memory_space<vmem>>, vector<1x16xf32>,
          %get3A_746 = vector.shape_cast %get3A_745 : vector<1x16xf32> to vector<16xf32>
          %add3A_747 = arith.constant 112 : i32
          %add3A_748 = arith.addi %scan3A_498, %add3A_747 : i32
          %swap3A_749 = arith.index_cast %add3A_748 : i32 to index
          %swap3A_750 = arith.constant 80 : index
          %swap3A_751 = tpu.vector_load %arg4[%swap3A_749, %swap3A_750] {strides = array<i32>} : memref<224x224xf32, #tpu.memory_space<vmem>>, vector<1x16xf32>,
          %swap3A_752 = vector.shape_cast %swap3A_751 : vector<1x16xf32> to vector<16xf32>
          %swap3A_753 = vector.shape_cast %get3A_746 : vector<16xf32> to vector<1x16xf32>
          tpu.vector_store %arg4[%swap3A_749, %swap3A_750], %swap3A_753 {strides = array<i32>} : memref<224x224xf32, #tpu.memory_space<vmem>>, vector<1x16xf32>,
          %add3A_754 = arith.constant 112 : i32
          %add3A_755 = arith.addi %scan3A_498, %add3A_754 : i32
          %swap3A_756 = arith.index_cast %add3A_755 : i32 to index
          %swap3A_757 = arith.constant 192 : index
          %swap3A_758 = tpu.vector_load %arg4[%swap3A_756, %swap3A_757] {strides = array<i32>} : memref<224x224xf32, #tpu.memory_space<vmem>>, vector<1x16xf32>,
          %swap3A_759 = vector.shape_cast %swap3A_758 : vector<1x16xf32> to vector<16xf32>
          %swap3A_760 = vector.shape_cast %get3A_720 : vector<16xf32> to vector<1x16xf32>
          tpu.vector_store %arg4[%swap3A_756, %swap3A_757], %swap3A_760 {strides = array<i32>} : memref<224x224xf32, #tpu.memory_space<vmem>>, vector<1x16xf32>,
          %get3A_761 = arith.index_cast %scan3A_498 : i32 to index
          %get3A_762 = arith.constant 96 : index
          %get3A_763 = tpu.vector_load %arg4[%get3A_761, %get3A_762] {strides = array<i32>} : memref<224x224xf32, #tpu.memory_space<vmem>>, vector<1x16xf32>,
          %get3A_764 = vector.shape_cast %get3A_763 : vector<1x16xf32> to vector<16xf32>
          %get3A_765 = arith.index_cast %scan3A_498 : i32 to index
          %get3A_766 = arith.constant 208 : index
          %get3A_767 = tpu.vector_load %arg4[%get3A_765, %get3A_766] {strides = array<i32>} : memref<224x224xf32, #tpu.memory_space<vmem>>, vector<1x16xf32>,
          %get3A_768 = vector.shape_cast %get3A_767 : vector<1x16xf32> to vector<16xf32>
          %swap3A_769 = arith.index_cast %scan3A_498 : i32 to index
          %swap3A_770 = arith.constant 96 : index
          %swap3A_771 = tpu.vector_load %arg4[%swap3A_769, %swap3A_770] {strides = array<i32>} : memref<224x224xf32, #tpu.memory_space<vmem>>, vector<1x16xf32>,
          %swap3A_772 = vector.shape_cast %swap3A_771 : vector<1x16xf32> to vector<16xf32>
          %swap3A_773 = vector.shape_cast %get3A_768 : vector<16xf32> to vector<1x16xf32>
          tpu.vector_store %arg4[%swap3A_769, %swap3A_770], %swap3A_773 {strides = array<i32>} : memref<224x224xf32, #tpu.memory_space<vmem>>, vector<1x16xf32>,
          %add3A_774 = arith.constant 112 : i32
          %add3A_775 = arith.addi %scan3A_498, %add3A_774 : i32
          %get3A_776 = arith.index_cast %add3A_775 : i32 to index
          %get3A_777 = arith.constant 96 : index
          %get3A_778 = tpu.vector_load %arg4[%get3A_776, %get3A_777] {strides = array<i32>} : memref<224x224xf32, #tpu.memory_space<vmem>>, vector<1x16xf32>,
          %get3A_779 = vector.shape_cast %get3A_778 : vector<1x16xf32> to vector<16xf32>
          %swap3A_780 = arith.index_cast %scan3A_498 : i32 to index
          %swap3A_781 = arith.constant 208 : index
          %swap3A_782 = tpu.vector_load %arg4[%swap3A_780, %swap3A_781] {strides = array<i32>} : memref<224x224xf32, #tpu.memory_space<vmem>>, vector<1x16xf32>,
          %swap3A_783 = vector.shape_cast %swap3A_782 : vector<1x16xf32> to vector<16xf32>
          %swap3A_784 = vector.shape_cast %get3A_779 : vector<16xf32> to vector<1x16xf32>
          tpu.vector_store %arg4[%swap3A_780, %swap3A_781], %swap3A_784 {strides = array<i32>} : memref<224x224xf32, #tpu.memory_space<vmem>>, vector<1x16xf32>,
          %add3A_785 = arith.constant 112 : i32
          %add3A_786 = arith.addi %scan3A_498, %add3A_785 : i32
          %get3A_787 = arith.index_cast %add3A_786 : i32 to index
          %get3A_788 = arith.constant 208 : index
          %get3A_789 = tpu.vector_load %arg4[%get3A_787, %get3A_788] {strides = array<i32>} : memref<224x224xf32, #tpu.memory_space<vmem>>, vector<1x16xf32>,
          %get3A_790 = vector.shape_cast %get3A_789 : vector<1x16xf32> to vector<16xf32>
          %add3A_791 = arith.constant 112 : i32
          %add3A_792 = arith.addi %scan3A_498, %add3A_791 : i32
          %swap3A_793 = arith.index_cast %add3A_792 : i32 to index
          %swap3A_794 = arith.constant 96 : index
          %swap3A_795 = tpu.vector_load %arg4[%swap3A_793, %swap3A_794] {strides = array<i32>} : memref<224x224xf32, #tpu.memory_space<vmem>>, vector<1x16xf32>,
          %swap3A_796 = vector.shape_cast %swap3A_795 : vector<1x16xf32> to vector<16xf32>
          %swap3A_797 = vector.shape_cast %get3A_790 : vector<16xf32> to vector<1x16xf32>
          tpu.vector_store %arg4[%swap3A_793, %swap3A_794], %swap3A_797 {strides = array<i32>} : memref<224x224xf32, #tpu.memory_space<vmem>>, vector<1x16xf32>,
          %add3A_798 = arith.constant 112 : i32
          %add3A_799 = arith.addi %scan3A_498, %add3A_798 : i32
          %swap3A_800 = arith.index_cast %add3A_799 : i32 to index
          %swap3A_801 = arith.constant 208 : index
          %swap3A_802 = tpu.vector_load %arg4[%swap3A_800, %swap3A_801] {strides = array<i32>} : memref<224x224xf32, #tpu.memory_space<vmem>>, vector<1x16xf32>,
          %swap3A_803 = vector.shape_cast %swap3A_802 : vector<1x16xf32> to vector<16xf32>
          %swap3A_804 = vector.shape_cast %get3A_764 : vector<16xf32> to vector<1x16xf32>
          tpu.vector_store %arg4[%swap3A_800, %swap3A_801], %swap3A_804 {strides = array<i32>} : memref<224x224xf32, #tpu.memory_space<vmem>>, vector<1x16xf32>,
        }
        %scan3A_497 = arith.constant 112 : i32
      } else {
      }
      %eq3A_412 = arith.constant 2 : i32
      %eq3A_413 = arith.cmpi eq, %select_n3A_406, %eq3A_412 : i32
      %convert_element_type3A_414 = arith.extui %eq3A_413 : i1 to i32
      %cond3A_415 = arith.constant 0 : i32
      %cond3A_416 = arith.cmpi ne, %convert_element_type3A_414, %cond3A_415 : i32
      scf.if %cond3A_416 {
        %scan3A_492 = arith.constant 0 : i32
        %scan3A_493 = arith.constant 0 : i32
        %scan3A_494 = arith.constant 112 : i32
        %scan3A_495 = arith.addi %scan3A_493, %scan3A_494 : i32
        %scan3A_496 = arith.constant 1 : i32
        scf.for %scan3A_498 = %scan3A_493 to %scan3A_495 step %scan3A_496  : i32 {
          %get3A = arith.index_cast %scan3A_498 : i32 to index
          %get3A_499 = arith.constant 0 : index
          %get3A_500 = tpu.vector_load %arg4[%get3A, %get3A_499] {strides = array<i32>} : memref<224x224xf32, #tpu.memory_space<vmem>>, vector<1x16xf32>,
          %get3A_501 = vector.shape_cast %get3A_500 : vector<1x16xf32> to vector<16xf32>
          %add3A_502 = arith.constant 112 : i32
          %add3A_503 = arith.addi %scan3A_498, %add3A_502 : i32
          %get3A_504 = arith.index_cast %add3A_503 : i32 to index
          %get3A_505 = arith.constant 0 : index
          %get3A_506 = tpu.vector_load %arg4[%get3A_504, %get3A_505] {strides = array<i32>} : memref<224x224xf32, #tpu.memory_space<vmem>>, vector<1x16xf32>,
          %get3A_507 = vector.shape_cast %get3A_506 : vector<1x16xf32> to vector<16xf32>
          %swap3A = arith.index_cast %scan3A_498 : i32 to index
          %swap3A_508 = arith.constant 0 : index
          %swap3A_509 = tpu.vector_load %arg4[%swap3A, %swap3A_508] {strides = array<i32>} : memref<224x224xf32, #tpu.memory_space<vmem>>, vector<1x16xf32>,
          %swap3A_510 = vector.shape_cast %swap3A_509 : vector<1x16xf32> to vector<16xf32>
          %swap3A_511 = vector.shape_cast %get3A_507 : vector<16xf32> to vector<1x16xf32>
          tpu.vector_store %arg4[%swap3A, %swap3A_508], %swap3A_511 {strides = array<i32>} : memref<224x224xf32, #tpu.memory_space<vmem>>, vector<1x16xf32>,
          %add3A_512 = arith.constant 112 : i32
          %add3A_513 = arith.addi %scan3A_498, %add3A_512 : i32
          %swap3A_514 = arith.index_cast %add3A_513 : i32 to index
          %swap3A_515 = arith.constant 0 : index
          %swap3A_516 = tpu.vector_load %arg4[%swap3A_514, %swap3A_515] {strides = array<i32>} : memref<224x224xf32, #tpu.memory_space<vmem>>, vector<1x16xf32>,
          %swap3A_517 = vector.shape_cast %swap3A_516 : vector<1x16xf32> to vector<16xf32>
          %swap3A_518 = vector.shape_cast %get3A_501 : vector<16xf32> to vector<1x16xf32>
          tpu.vector_store %arg4[%swap3A_514, %swap3A_515], %swap3A_518 {strides = array<i32>} : memref<224x224xf32, #tpu.memory_space<vmem>>, vector<1x16xf32>,
          %get3A_519 = arith.index_cast %scan3A_498 : i32 to index
          %get3A_520 = arith.constant 16 : index
          %get3A_521 = tpu.vector_load %arg4[%get3A_519, %get3A_520] {strides = array<i32>} : memref<224x224xf32, #tpu.memory_space<vmem>>, vector<1x16xf32>,
          %get3A_522 = vector.shape_cast %get3A_521 : vector<1x16xf32> to vector<16xf32>
          %add3A_523 = arith.constant 112 : i32
          %add3A_524 = arith.addi %scan3A_498, %add3A_523 : i32
          %get3A_525 = arith.index_cast %add3A_524 : i32 to index
          %get3A_526 = arith.constant 16 : index
          %get3A_527 = tpu.vector_load %arg4[%get3A_525, %get3A_526] {strides = array<i32>} : memref<224x224xf32, #tpu.memory_space<vmem>>, vector<1x16xf32>,
          %get3A_528 = vector.shape_cast %get3A_527 : vector<1x16xf32> to vector<16xf32>
          %swap3A_529 = arith.index_cast %scan3A_498 : i32 to index
          %swap3A_530 = arith.constant 16 : index
          %swap3A_531 = tpu.vector_load %arg4[%swap3A_529, %swap3A_530] {strides = array<i32>} : memref<224x224xf32, #tpu.memory_space<vmem>>, vector<1x16xf32>,
          %swap3A_532 = vector.shape_cast %swap3A_531 : vector<1x16xf32> to vector<16xf32>
          %swap3A_533 = vector.shape_cast %get3A_528 : vector<16xf32> to vector<1x16xf32>
          tpu.vector_store %arg4[%swap3A_529, %swap3A_530], %swap3A_533 {strides = array<i32>} : memref<224x224xf32, #tpu.memory_space<vmem>>, vector<1x16xf32>,
          %add3A_534 = arith.constant 112 : i32
          %add3A_535 = arith.addi %scan3A_498, %add3A_534 : i32
          %swap3A_536 = arith.index_cast %add3A_535 : i32 to index
          %swap3A_537 = arith.constant 16 : index
          %swap3A_538 = tpu.vector_load %arg4[%swap3A_536, %swap3A_537] {strides = array<i32>} : memref<224x224xf32, #tpu.memory_space<vmem>>, vector<1x16xf32>,
          %swap3A_539 = vector.shape_cast %swap3A_538 : vector<1x16xf32> to vector<16xf32>
          %swap3A_540 = vector.shape_cast %get3A_522 : vector<16xf32> to vector<1x16xf32>
          tpu.vector_store %arg4[%swap3A_536, %swap3A_537], %swap3A_540 {strides = array<i32>} : memref<224x224xf32, #tpu.memory_space<vmem>>, vector<1x16xf32>,
          %get3A_541 = arith.index_cast %scan3A_498 : i32 to index
          %get3A_542 = arith.constant 32 : index
          %get3A_543 = tpu.vector_load %arg4[%get3A_541, %get3A_542] {strides = array<i32>} : memref<224x224xf32, #tpu.memory_space<vmem>>, vector<1x16xf32>,
          %get3A_544 = vector.shape_cast %get3A_543 : vector<1x16xf32> to vector<16xf32>
          %add3A_545 = arith.constant 112 : i32
          %add3A_546 = arith.addi %scan3A_498, %add3A_545 : i32
          %get3A_547 = arith.index_cast %add3A_546 : i32 to index
          %get3A_548 = arith.constant 32 : index
          %get3A_549 = tpu.vector_load %arg4[%get3A_547, %get3A_548] {strides = array<i32>} : memref<224x224xf32, #tpu.memory_space<vmem>>, vector<1x16xf32>,
          %get3A_550 = vector.shape_cast %get3A_549 : vector<1x16xf32> to vector<16xf32>
          %swap3A_551 = arith.index_cast %scan3A_498 : i32 to index
          %swap3A_552 = arith.constant 32 : index
          %swap3A_553 = tpu.vector_load %arg4[%swap3A_551, %swap3A_552] {strides = array<i32>} : memref<224x224xf32, #tpu.memory_space<vmem>>, vector<1x16xf32>,
          %swap3A_554 = vector.shape_cast %swap3A_553 : vector<1x16xf32> to vector<16xf32>
          %swap3A_555 = vector.shape_cast %get3A_550 : vector<16xf32> to vector<1x16xf32>
          tpu.vector_store %arg4[%swap3A_551, %swap3A_552], %swap3A_555 {strides = array<i32>} : memref<224x224xf32, #tpu.memory_space<vmem>>, vector<1x16xf32>,
          %add3A_556 = arith.constant 112 : i32
          %add3A_557 = arith.addi %scan3A_498, %add3A_556 : i32
          %swap3A_558 = arith.index_cast %add3A_557 : i32 to index
          %swap3A_559 = arith.constant 32 : index
          %swap3A_560 = tpu.vector_load %arg4[%swap3A_558, %swap3A_559] {strides = array<i32>} : memref<224x224xf32, #tpu.memory_space<vmem>>, vector<1x16xf32>,
          %swap3A_561 = vector.shape_cast %swap3A_560 : vector<1x16xf32> to vector<16xf32>
          %swap3A_562 = vector.shape_cast %get3A_544 : vector<16xf32> to vector<1x16xf32>
          tpu.vector_store %arg4[%swap3A_558, %swap3A_559], %swap3A_562 {strides = array<i32>} : memref<224x224xf32, #tpu.memory_space<vmem>>, vector<1x16xf32>,
          %get3A_563 = arith.index_cast %scan3A_498 : i32 to index
          %get3A_564 = arith.constant 48 : index
          %get3A_565 = tpu.vector_load %arg4[%get3A_563, %get3A_564] {strides = array<i32>} : memref<224x224xf32, #tpu.memory_space<vmem>>, vector<1x16xf32>,
          %get3A_566 = vector.shape_cast %get3A_565 : vector<1x16xf32> to vector<16xf32>
          %add3A_567 = arith.constant 112 : i32
          %add3A_568 = arith.addi %scan3A_498, %add3A_567 : i32
          %get3A_569 = arith.index_cast %add3A_568 : i32 to index
          %get3A_570 = arith.constant 48 : index
          %get3A_571 = tpu.vector_load %arg4[%get3A_569, %get3A_570] {strides = array<i32>} : memref<224x224xf32, #tpu.memory_space<vmem>>, vector<1x16xf32>,
          %get3A_572 = vector.shape_cast %get3A_571 : vector<1x16xf32> to vector<16xf32>
          %swap3A_573 = arith.index_cast %scan3A_498 : i32 to index
          %swap3A_574 = arith.constant 48 : index
          %swap3A_575 = tpu.vector_load %arg4[%swap3A_573, %swap3A_574] {strides = array<i32>} : memref<224x224xf32, #tpu.memory_space<vmem>>, vector<1x16xf32>,
          %swap3A_576 = vector.shape_cast %swap3A_575 : vector<1x16xf32> to vector<16xf32>
          %swap3A_577 = vector.shape_cast %get3A_572 : vector<16xf32> to vector<1x16xf32>
          tpu.vector_store %arg4[%swap3A_573, %swap3A_574], %swap3A_577 {strides = array<i32>} : memref<224x224xf32, #tpu.memory_space<vmem>>, vector<1x16xf32>,
          %add3A_578 = arith.constant 112 : i32
          %add3A_579 = arith.addi %scan3A_498, %add3A_578 : i32
          %swap3A_580 = arith.index_cast %add3A_579 : i32 to index
          %swap3A_581 = arith.constant 48 : index
          %swap3A_582 = tpu.vector_load %arg4[%swap3A_580, %swap3A_581] {strides = array<i32>} : memref<224x224xf32, #tpu.memory_space<vmem>>, vector<1x16xf32>,
          %swap3A_583 = vector.shape_cast %swap3A_582 : vector<1x16xf32> to vector<16xf32>
          %swap3A_584 = vector.shape_cast %get3A_566 : vector<16xf32> to vector<1x16xf32>
          tpu.vector_store %arg4[%swap3A_580, %swap3A_581], %swap3A_584 {strides = array<i32>} : memref<224x224xf32, #tpu.memory_space<vmem>>, vector<1x16xf32>,
          %get3A_585 = arith.index_cast %scan3A_498 : i32 to index
          %get3A_586 = arith.constant 64 : index
          %get3A_587 = tpu.vector_load %arg4[%get3A_585, %get3A_586] {strides = array<i32>} : memref<224x224xf32, #tpu.memory_space<vmem>>, vector<1x16xf32>,
          %get3A_588 = vector.shape_cast %get3A_587 : vector<1x16xf32> to vector<16xf32>
          %add3A_589 = arith.constant 112 : i32
          %add3A_590 = arith.addi %scan3A_498, %add3A_589 : i32
          %get3A_591 = arith.index_cast %add3A_590 : i32 to index
          %get3A_592 = arith.constant 64 : index
          %get3A_593 = tpu.vector_load %arg4[%get3A_591, %get3A_592] {strides = array<i32>} : memref<224x224xf32, #tpu.memory_space<vmem>>, vector<1x16xf32>,
          %get3A_594 = vector.shape_cast %get3A_593 : vector<1x16xf32> to vector<16xf32>
          %swap3A_595 = arith.index_cast %scan3A_498 : i32 to index
          %swap3A_596 = arith.constant 64 : index
          %swap3A_597 = tpu.vector_load %arg4[%swap3A_595, %swap3A_596] {strides = array<i32>} : memref<224x224xf32, #tpu.memory_space<vmem>>, vector<1x16xf32>,
          %swap3A_598 = vector.shape_cast %swap3A_597 : vector<1x16xf32> to vector<16xf32>
          %swap3A_599 = vector.shape_cast %get3A_594 : vector<16xf32> to vector<1x16xf32>
          tpu.vector_store %arg4[%swap3A_595, %swap3A_596], %swap3A_599 {strides = array<i32>} : memref<224x224xf32, #tpu.memory_space<vmem>>, vector<1x16xf32>,
          %add3A_600 = arith.constant 112 : i32
          %add3A_601 = arith.addi %scan3A_498, %add3A_600 : i32
          %swap3A_602 = arith.index_cast %add3A_601 : i32 to index
          %swap3A_603 = arith.constant 64 : index
          %swap3A_604 = tpu.vector_load %arg4[%swap3A_602, %swap3A_603] {strides = array<i32>} : memref<224x224xf32, #tpu.memory_space<vmem>>, vector<1x16xf32>,
          %swap3A_605 = vector.shape_cast %swap3A_604 : vector<1x16xf32> to vector<16xf32>
          %swap3A_606 = vector.shape_cast %get3A_588 : vector<16xf32> to vector<1x16xf32>
          tpu.vector_store %arg4[%swap3A_602, %swap3A_603], %swap3A_606 {strides = array<i32>} : memref<224x224xf32, #tpu.memory_space<vmem>>, vector<1x16xf32>,
          %get3A_607 = arith.index_cast %scan3A_498 : i32 to index
          %get3A_608 = arith.constant 80 : index
          %get3A_609 = tpu.vector_load %arg4[%get3A_607, %get3A_608] {strides = array<i32>} : memref<224x224xf32, #tpu.memory_space<vmem>>, vector<1x16xf32>,
          %get3A_610 = vector.shape_cast %get3A_609 : vector<1x16xf32> to vector<16xf32>
          %add3A_611 = arith.constant 112 : i32
          %add3A_612 = arith.addi %scan3A_498, %add3A_611 : i32
          %get3A_613 = arith.index_cast %add3A_612 : i32 to index
          %get3A_614 = arith.constant 80 : index
          %get3A_615 = tpu.vector_load %arg4[%get3A_613, %get3A_614] {strides = array<i32>} : memref<224x224xf32, #tpu.memory_space<vmem>>, vector<1x16xf32>,
          %get3A_616 = vector.shape_cast %get3A_615 : vector<1x16xf32> to vector<16xf32>
          %swap3A_617 = arith.index_cast %scan3A_498 : i32 to index
          %swap3A_618 = arith.constant 80 : index
          %swap3A_619 = tpu.vector_load %arg4[%swap3A_617, %swap3A_618] {strides = array<i32>} : memref<224x224xf32, #tpu.memory_space<vmem>>, vector<1x16xf32>,
          %swap3A_620 = vector.shape_cast %swap3A_619 : vector<1x16xf32> to vector<16xf32>
          %swap3A_621 = vector.shape_cast %get3A_616 : vector<16xf32> to vector<1x16xf32>
          tpu.vector_store %arg4[%swap3A_617, %swap3A_618], %swap3A_621 {strides = array<i32>} : memref<224x224xf32, #tpu.memory_space<vmem>>, vector<1x16xf32>,
          %add3A_622 = arith.constant 112 : i32
          %add3A_623 = arith.addi %scan3A_498, %add3A_622 : i32
          %swap3A_624 = arith.index_cast %add3A_623 : i32 to index
          %swap3A_625 = arith.constant 80 : index
          %swap3A_626 = tpu.vector_load %arg4[%swap3A_624, %swap3A_625] {strides = array<i32>} : memref<224x224xf32, #tpu.memory_space<vmem>>, vector<1x16xf32>,
          %swap3A_627 = vector.shape_cast %swap3A_626 : vector<1x16xf32> to vector<16xf32>
          %swap3A_628 = vector.shape_cast %get3A_610 : vector<16xf32> to vector<1x16xf32>
          tpu.vector_store %arg4[%swap3A_624, %swap3A_625], %swap3A_628 {strides = array<i32>} : memref<224x224xf32, #tpu.memory_space<vmem>>, vector<1x16xf32>,
          %get3A_629 = arith.index_cast %scan3A_498 : i32 to index
          %get3A_630 = arith.constant 96 : index
          %get3A_631 = tpu.vector_load %arg4[%get3A_629, %get3A_630] {strides = array<i32>} : memref<224x224xf32, #tpu.memory_space<vmem>>, vector<1x16xf32>,
          %get3A_632 = vector.shape_cast %get3A_631 : vector<1x16xf32> to vector<16xf32>
          %add3A_633 = arith.constant 112 : i32
          %add3A_634 = arith.addi %scan3A_498, %add3A_633 : i32
          %get3A_635 = arith.index_cast %add3A_634 : i32 to index
          %get3A_636 = arith.constant 96 : index
          %get3A_637 = tpu.vector_load %arg4[%get3A_635, %get3A_636] {strides = array<i32>} : memref<224x224xf32, #tpu.memory_space<vmem>>, vector<1x16xf32>,
          %get3A_638 = vector.shape_cast %get3A_637 : vector<1x16xf32> to vector<16xf32>
          %swap3A_639 = arith.index_cast %scan3A_498 : i32 to index
          %swap3A_640 = arith.constant 96 : index
          %swap3A_641 = tpu.vector_load %arg4[%swap3A_639, %swap3A_640] {strides = array<i32>} : memref<224x224xf32, #tpu.memory_space<vmem>>, vector<1x16xf32>,
          %swap3A_642 = vector.shape_cast %swap3A_641 : vector<1x16xf32> to vector<16xf32>
          %swap3A_643 = vector.shape_cast %get3A_638 : vector<16xf32> to vector<1x16xf32>
          tpu.vector_store %arg4[%swap3A_639, %swap3A_640], %swap3A_643 {strides = array<i32>} : memref<224x224xf32, #tpu.memory_space<vmem>>, vector<1x16xf32>,
          %add3A_644 = arith.constant 112 : i32
          %add3A_645 = arith.addi %scan3A_498, %add3A_644 : i32
          %swap3A_646 = arith.index_cast %add3A_645 : i32 to index
          %swap3A_647 = arith.constant 96 : index
          %swap3A_648 = tpu.vector_load %arg4[%swap3A_646, %swap3A_647] {strides = array<i32>} : memref<224x224xf32, #tpu.memory_space<vmem>>, vector<1x16xf32>,
          %swap3A_649 = vector.shape_cast %swap3A_648 : vector<1x16xf32> to vector<16xf32>
          %swap3A_650 = vector.shape_cast %get3A_632 : vector<16xf32> to vector<1x16xf32>
          tpu.vector_store %arg4[%swap3A_646, %swap3A_647], %swap3A_650 {strides = array<i32>} : memref<224x224xf32, #tpu.memory_space<vmem>>, vector<1x16xf32>,
          %get3A_651 = arith.index_cast %scan3A_498 : i32 to index
          %get3A_652 = arith.constant 112 : index
          %get3A_653 = tpu.vector_load %arg4[%get3A_651, %get3A_652] {strides = array<i32>} : memref<224x224xf32, #tpu.memory_space<vmem>>, vector<1x16xf32>,
          %get3A_654 = vector.shape_cast %get3A_653 : vector<1x16xf32> to vector<16xf32>
          %add3A_655 = arith.constant 112 : i32
          %add3A_656 = arith.addi %scan3A_498, %add3A_655 : i32
          %get3A_657 = arith.index_cast %add3A_656 : i32 to index
          %get3A_658 = arith.constant 112 : index
          %get3A_659 = tpu.vector_load %arg4[%get3A_657, %get3A_658] {strides = array<i32>} : memref<224x224xf32, #tpu.memory_space<vmem>>, vector<1x16xf32>,
          %get3A_660 = vector.shape_cast %get3A_659 : vector<1x16xf32> to vector<16xf32>
          %swap3A_661 = arith.index_cast %scan3A_498 : i32 to index
          %swap3A_662 = arith.constant 112 : index
          %swap3A_663 = tpu.vector_load %arg4[%swap3A_661, %swap3A_662] {strides = array<i32>} : memref<224x224xf32, #tpu.memory_space<vmem>>, vector<1x16xf32>,
          %swap3A_664 = vector.shape_cast %swap3A_663 : vector<1x16xf32> to vector<16xf32>
          %swap3A_665 = vector.shape_cast %get3A_660 : vector<16xf32> to vector<1x16xf32>
          tpu.vector_store %arg4[%swap3A_661, %swap3A_662], %swap3A_665 {strides = array<i32>} : memref<224x224xf32, #tpu.memory_space<vmem>>, vector<1x16xf32>,
          %add3A_666 = arith.constant 112 : i32
          %add3A_667 = arith.addi %scan3A_498, %add3A_666 : i32
          %swap3A_668 = arith.index_cast %add3A_667 : i32 to index
          %swap3A_669 = arith.constant 112 : index
          %swap3A_670 = tpu.vector_load %arg4[%swap3A_668, %swap3A_669] {strides = array<i32>} : memref<224x224xf32, #tpu.memory_space<vmem>>, vector<1x16xf32>,
          %swap3A_671 = vector.shape_cast %swap3A_670 : vector<1x16xf32> to vector<16xf32>
          %swap3A_672 = vector.shape_cast %get3A_654 : vector<16xf32> to vector<1x16xf32>
          tpu.vector_store %arg4[%swap3A_668, %swap3A_669], %swap3A_672 {strides = array<i32>} : memref<224x224xf32, #tpu.memory_space<vmem>>, vector<1x16xf32>,
          %get3A_673 = arith.index_cast %scan3A_498 : i32 to index
          %get3A_674 = arith.constant 128 : index
          %get3A_675 = tpu.vector_load %arg4[%get3A_673, %get3A_674] {strides = array<i32>} : memref<224x224xf32, #tpu.memory_space<vmem>>, vector<1x16xf32>,
          %get3A_676 = vector.shape_cast %get3A_675 : vector<1x16xf32> to vector<16xf32>
          %add3A_677 = arith.constant 112 : i32
          %add3A_678 = arith.addi %scan3A_498, %add3A_677 : i32
          %get3A_679 = arith.index_cast %add3A_678 : i32 to index
          %get3A_680 = arith.constant 128 : index
          %get3A_681 = tpu.vector_load %arg4[%get3A_679, %get3A_680] {strides = array<i32>} : memref<224x224xf32, #tpu.memory_space<vmem>>, vector<1x16xf32>,
          %get3A_682 = vector.shape_cast %get3A_681 : vector<1x16xf32> to vector<16xf32>
          %swap3A_683 = arith.index_cast %scan3A_498 : i32 to index
          %swap3A_684 = arith.constant 128 : index
          %swap3A_685 = tpu.vector_load %arg4[%swap3A_683, %swap3A_684] {strides = array<i32>} : memref<224x224xf32, #tpu.memory_space<vmem>>, vector<1x16xf32>,
          %swap3A_686 = vector.shape_cast %swap3A_685 : vector<1x16xf32> to vector<16xf32>
          %swap3A_687 = vector.shape_cast %get3A_682 : vector<16xf32> to vector<1x16xf32>
          tpu.vector_store %arg4[%swap3A_683, %swap3A_684], %swap3A_687 {strides = array<i32>} : memref<224x224xf32, #tpu.memory_space<vmem>>, vector<1x16xf32>,
          %add3A_688 = arith.constant 112 : i32
          %add3A_689 = arith.addi %scan3A_498, %add3A_688 : i32
          %swap3A_690 = arith.index_cast %add3A_689 : i32 to index
          %swap3A_691 = arith.constant 128 : index
          %swap3A_692 = tpu.vector_load %arg4[%swap3A_690, %swap3A_691] {strides = array<i32>} : memref<224x224xf32, #tpu.memory_space<vmem>>, vector<1x16xf32>,
          %swap3A_693 = vector.shape_cast %swap3A_692 : vector<1x16xf32> to vector<16xf32>
          %swap3A_694 = vector.shape_cast %get3A_676 : vector<16xf32> to vector<1x16xf32>
          tpu.vector_store %arg4[%swap3A_690, %swap3A_691], %swap3A_694 {strides = array<i32>} : memref<224x224xf32, #tpu.memory_space<vmem>>, vector<1x16xf32>,
          %get3A_695 = arith.index_cast %scan3A_498 : i32 to index
          %get3A_696 = arith.constant 144 : index
          %get3A_697 = tpu.vector_load %arg4[%get3A_695, %get3A_696] {strides = array<i32>} : memref<224x224xf32, #tpu.memory_space<vmem>>, vector<1x16xf32>,
          %get3A_698 = vector.shape_cast %get3A_697 : vector<1x16xf32> to vector<16xf32>
          %add3A_699 = arith.constant 112 : i32
          %add3A_700 = arith.addi %scan3A_498, %add3A_699 : i32
          %get3A_701 = arith.index_cast %add3A_700 : i32 to index
          %get3A_702 = arith.constant 144 : index
          %get3A_703 = tpu.vector_load %arg4[%get3A_701, %get3A_702] {strides = array<i32>} : memref<224x224xf32, #tpu.memory_space<vmem>>, vector<1x16xf32>,
          %get3A_704 = vector.shape_cast %get3A_703 : vector<1x16xf32> to vector<16xf32>
          %swap3A_705 = arith.index_cast %scan3A_498 : i32 to index
          %swap3A_706 = arith.constant 144 : index
          %swap3A_707 = tpu.vector_load %arg4[%swap3A_705, %swap3A_706] {strides = array<i32>} : memref<224x224xf32, #tpu.memory_space<vmem>>, vector<1x16xf32>,
          %swap3A_708 = vector.shape_cast %swap3A_707 : vector<1x16xf32> to vector<16xf32>
          %swap3A_709 = vector.shape_cast %get3A_704 : vector<16xf32> to vector<1x16xf32>
          tpu.vector_store %arg4[%swap3A_705, %swap3A_706], %swap3A_709 {strides = array<i32>} : memref<224x224xf32, #tpu.memory_space<vmem>>, vector<1x16xf32>,
          %add3A_710 = arith.constant 112 : i32
          %add3A_711 = arith.addi %scan3A_498, %add3A_710 : i32
          %swap3A_712 = arith.index_cast %add3A_711 : i32 to index
          %swap3A_713 = arith.constant 144 : index
          %swap3A_714 = tpu.vector_load %arg4[%swap3A_712, %swap3A_713] {strides = array<i32>} : memref<224x224xf32, #tpu.memory_space<vmem>>, vector<1x16xf32>,
          %swap3A_715 = vector.shape_cast %swap3A_714 : vector<1x16xf32> to vector<16xf32>
          %swap3A_716 = vector.shape_cast %get3A_698 : vector<16xf32> to vector<1x16xf32>
          tpu.vector_store %arg4[%swap3A_712, %swap3A_713], %swap3A_716 {strides = array<i32>} : memref<224x224xf32, #tpu.memory_space<vmem>>, vector<1x16xf32>,
          %get3A_717 = arith.index_cast %scan3A_498 : i32 to index
          %get3A_718 = arith.constant 160 : index
          %get3A_719 = tpu.vector_load %arg4[%get3A_717, %get3A_718] {strides = array<i32>} : memref<224x224xf32, #tpu.memory_space<vmem>>, vector<1x16xf32>,
          %get3A_720 = vector.shape_cast %get3A_719 : vector<1x16xf32> to vector<16xf32>
          %add3A_721 = arith.constant 112 : i32
          %add3A_722 = arith.addi %scan3A_498, %add3A_721 : i32
          %get3A_723 = arith.index_cast %add3A_722 : i32 to index
          %get3A_724 = arith.constant 160 : index
          %get3A_725 = tpu.vector_load %arg4[%get3A_723, %get3A_724] {strides = array<i32>} : memref<224x224xf32, #tpu.memory_space<vmem>>, vector<1x16xf32>,
          %get3A_726 = vector.shape_cast %get3A_725 : vector<1x16xf32> to vector<16xf32>
          %swap3A_727 = arith.index_cast %scan3A_498 : i32 to index
          %swap3A_728 = arith.constant 160 : index
          %swap3A_729 = tpu.vector_load %arg4[%swap3A_727, %swap3A_728] {strides = array<i32>} : memref<224x224xf32, #tpu.memory_space<vmem>>, vector<1x16xf32>,
          %swap3A_730 = vector.shape_cast %swap3A_729 : vector<1x16xf32> to vector<16xf32>
          %swap3A_731 = vector.shape_cast %get3A_726 : vector<16xf32> to vector<1x16xf32>
          tpu.vector_store %arg4[%swap3A_727, %swap3A_728], %swap3A_731 {strides = array<i32>} : memref<224x224xf32, #tpu.memory_space<vmem>>, vector<1x16xf32>,
          %add3A_732 = arith.constant 112 : i32
          %add3A_733 = arith.addi %scan3A_498, %add3A_732 : i32
          %swap3A_734 = arith.index_cast %add3A_733 : i32 to index
          %swap3A_735 = arith.constant 160 : index
          %swap3A_736 = tpu.vector_load %arg4[%swap3A_734, %swap3A_735] {strides = array<i32>} : memref<224x224xf32, #tpu.memory_space<vmem>>, vector<1x16xf32>,
          %swap3A_737 = vector.shape_cast %swap3A_736 : vector<1x16xf32> to vector<16xf32>
          %swap3A_738 = vector.shape_cast %get3A_720 : vector<16xf32> to vector<1x16xf32>
          tpu.vector_store %arg4[%swap3A_734, %swap3A_735], %swap3A_738 {strides = array<i32>} : memref<224x224xf32, #tpu.memory_space<vmem>>, vector<1x16xf32>,
          %get3A_739 = arith.index_cast %scan3A_498 : i32 to index
          %get3A_740 = arith.constant 176 : index
          %get3A_741 = tpu.vector_load %arg4[%get3A_739, %get3A_740] {strides = array<i32>} : memref<224x224xf32, #tpu.memory_space<vmem>>, vector<1x16xf32>,
          %get3A_742 = vector.shape_cast %get3A_741 : vector<1x16xf32> to vector<16xf32>
          %add3A_743 = arith.constant 112 : i32
          %add3A_744 = arith.addi %scan3A_498, %add3A_743 : i32
          %get3A_745 = arith.index_cast %add3A_744 : i32 to index
          %get3A_746 = arith.constant 176 : index
          %get3A_747 = tpu.vector_load %arg4[%get3A_745, %get3A_746] {strides = array<i32>} : memref<224x224xf32, #tpu.memory_space<vmem>>, vector<1x16xf32>,
          %get3A_748 = vector.shape_cast %get3A_747 : vector<1x16xf32> to vector<16xf32>
          %swap3A_749 = arith.index_cast %scan3A_498 : i32 to index
          %swap3A_750 = arith.constant 176 : index
          %swap3A_751 = tpu.vector_load %arg4[%swap3A_749, %swap3A_750] {strides = array<i32>} : memref<224x224xf32, #tpu.memory_space<vmem>>, vector<1x16xf32>,
          %swap3A_752 = vector.shape_cast %swap3A_751 : vector<1x16xf32> to vector<16xf32>
          %swap3A_753 = vector.shape_cast %get3A_748 : vector<16xf32> to vector<1x16xf32>
          tpu.vector_store %arg4[%swap3A_749, %swap3A_750], %swap3A_753 {strides = array<i32>} : memref<224x224xf32, #tpu.memory_space<vmem>>, vector<1x16xf32>,
          %add3A_754 = arith.constant 112 : i32
          %add3A_755 = arith.addi %scan3A_498, %add3A_754 : i32
          %swap3A_756 = arith.index_cast %add3A_755 : i32 to index
          %swap3A_757 = arith.constant 176 : index
          %swap3A_758 = tpu.vector_load %arg4[%swap3A_756, %swap3A_757] {strides = array<i32>} : memref<224x224xf32, #tpu.memory_space<vmem>>, vector<1x16xf32>,
          %swap3A_759 = vector.shape_cast %swap3A_758 : vector<1x16xf32> to vector<16xf32>
          %swap3A_760 = vector.shape_cast %get3A_742 : vector<16xf32> to vector<1x16xf32>
          tpu.vector_store %arg4[%swap3A_756, %swap3A_757], %swap3A_760 {strides = array<i32>} : memref<224x224xf32, #tpu.memory_space<vmem>>, vector<1x16xf32>,
          %get3A_761 = arith.index_cast %scan3A_498 : i32 to index
          %get3A_762 = arith.constant 192 : index
          %get3A_763 = tpu.vector_load %arg4[%get3A_761, %get3A_762] {strides = array<i32>} : memref<224x224xf32, #tpu.memory_space<vmem>>, vector<1x16xf32>,
          %get3A_764 = vector.shape_cast %get3A_763 : vector<1x16xf32> to vector<16xf32>
          %add3A_765 = arith.constant 112 : i32
          %add3A_766 = arith.addi %scan3A_498, %add3A_765 : i32
          %get3A_767 = arith.index_cast %add3A_766 : i32 to index
          %get3A_768 = arith.constant 192 : index
          %get3A_769 = tpu.vector_load %arg4[%get3A_767, %get3A_768] {strides = array<i32>} : memref<224x224xf32, #tpu.memory_space<vmem>>, vector<1x16xf32>,
          %get3A_770 = vector.shape_cast %get3A_769 : vector<1x16xf32> to vector<16xf32>
          %swap3A_771 = arith.index_cast %scan3A_498 : i32 to index
          %swap3A_772 = arith.constant 192 : index
          %swap3A_773 = tpu.vector_load %arg4[%swap3A_771, %swap3A_772] {strides = array<i32>} : memref<224x224xf32, #tpu.memory_space<vmem>>, vector<1x16xf32>,
          %swap3A_774 = vector.shape_cast %swap3A_773 : vector<1x16xf32> to vector<16xf32>
          %swap3A_775 = vector.shape_cast %get3A_770 : vector<16xf32> to vector<1x16xf32>
          tpu.vector_store %arg4[%swap3A_771, %swap3A_772], %swap3A_775 {strides = array<i32>} : memref<224x224xf32, #tpu.memory_space<vmem>>, vector<1x16xf32>,
          %add3A_776 = arith.constant 112 : i32
          %add3A_777 = arith.addi %scan3A_498, %add3A_776 : i32
          %swap3A_778 = arith.index_cast %add3A_777 : i32 to index
          %swap3A_779 = arith.constant 192 : index
          %swap3A_780 = tpu.vector_load %arg4[%swap3A_778, %swap3A_779] {strides = array<i32>} : memref<224x224xf32, #tpu.memory_space<vmem>>, vector<1x16xf32>,
          %swap3A_781 = vector.shape_cast %swap3A_780 : vector<1x16xf32> to vector<16xf32>
          %swap3A_782 = vector.shape_cast %get3A_764 : vector<16xf32> to vector<1x16xf32>
          tpu.vector_store %arg4[%swap3A_778, %swap3A_779], %swap3A_782 {strides = array<i32>} : memref<224x224xf32, #tpu.memory_space<vmem>>, vector<1x16xf32>,
          %get3A_783 = arith.index_cast %scan3A_498 : i32 to index
          %get3A_784 = arith.constant 208 : index
          %get3A_785 = tpu.vector_load %arg4[%get3A_783, %get3A_784] {strides = array<i32>} : memref<224x224xf32, #tpu.memory_space<vmem>>, vector<1x16xf32>,
          %get3A_786 = vector.shape_cast %get3A_785 : vector<1x16xf32> to vector<16xf32>
          %add3A_787 = arith.constant 112 : i32
          %add3A_788 = arith.addi %scan3A_498, %add3A_787 : i32
          %get3A_789 = arith.index_cast %add3A_788 : i32 to index
          %get3A_790 = arith.constant 208 : index
          %get3A_791 = tpu.vector_load %arg4[%get3A_789, %get3A_790] {strides = array<i32>} : memref<224x224xf32, #tpu.memory_space<vmem>>, vector<1x16xf32>,
          %get3A_792 = vector.shape_cast %get3A_791 : vector<1x16xf32> to vector<16xf32>
          %swap3A_793 = arith.index_cast %scan3A_498 : i32 to index
          %swap3A_794 = arith.constant 208 : index
          %swap3A_795 = tpu.vector_load %arg4[%swap3A_793, %swap3A_794] {strides = array<i32>} : memref<224x224xf32, #tpu.memory_space<vmem>>, vector<1x16xf32>,
          %swap3A_796 = vector.shape_cast %swap3A_795 : vector<1x16xf32> to vector<16xf32>
          %swap3A_797 = vector.shape_cast %get3A_792 : vector<16xf32> to vector<1x16xf32>
          tpu.vector_store %arg4[%swap3A_793, %swap3A_794], %swap3A_797 {strides = array<i32>} : memref<224x224xf32, #tpu.memory_space<vmem>>, vector<1x16xf32>,
          %add3A_798 = arith.constant 112 : i32
          %add3A_799 = arith.addi %scan3A_498, %add3A_798 : i32
          %swap3A_800 = arith.index_cast %add3A_799 : i32 to index
          %swap3A_801 = arith.constant 208 : index
          %swap3A_802 = tpu.vector_load %arg4[%swap3A_800, %swap3A_801] {strides = array<i32>} : memref<224x224xf32, #tpu.memory_space<vmem>>, vector<1x16xf32>,
          %swap3A_803 = vector.shape_cast %swap3A_802 : vector<1x16xf32> to vector<16xf32>
          %swap3A_804 = vector.shape_cast %get3A_786 : vector<16xf32> to vector<1x16xf32>
          tpu.vector_store %arg4[%swap3A_800, %swap3A_801], %swap3A_804 {strides = array<i32>} : memref<224x224xf32, #tpu.memory_space<vmem>>, vector<1x16xf32>,
        }
        %scan3A_497 = arith.constant 112 : i32
      } else {
      }
      %eq3A_417 = arith.constant 3 : i32
      %eq3A_418 = arith.cmpi eq, %select_n3A_406, %eq3A_417 : i32
      %convert_element_type3A_419 = arith.extui %eq3A_418 : i1 to i32
      %cond3A_420 = arith.constant 0 : i32
      %cond3A_421 = arith.cmpi ne, %convert_element_type3A_419, %cond3A_420 : i32
      scf.if %cond3A_421 {
        %scan3A_492 = arith.constant 0 : i32
        %scan3A_493 = arith.constant 0 : i32
        %scan3A_494 = arith.constant 112 : i32
        %scan3A_495 = arith.addi %scan3A_493, %scan3A_494 : i32
        %scan3A_496 = arith.constant 1 : i32
        scf.for %scan3A_498 = %scan3A_493 to %scan3A_495 step %scan3A_496  : i32 {
          %get3A = arith.index_cast %scan3A_498 : i32 to index
          %get3A_499 = arith.constant 0 : index
          %get3A_500 = tpu.vector_load %arg4[%get3A, %get3A_499] {strides = array<i32>} : memref<224x224xf32, #tpu.memory_space<vmem>>, vector<1x16xf32>,
          %get3A_501 = vector.shape_cast %get3A_500 : vector<1x16xf32> to vector<16xf32>
          %add3A_502 = arith.constant 112 : i32
          %add3A_503 = arith.addi %scan3A_498, %add3A_502 : i32
          %get3A_504 = arith.index_cast %add3A_503 : i32 to index
          %get3A_505 = arith.constant 112 : index
          %get3A_506 = tpu.vector_load %arg4[%get3A_504, %get3A_505] {strides = array<i32>} : memref<224x224xf32, #tpu.memory_space<vmem>>, vector<1x16xf32>,
          %get3A_507 = vector.shape_cast %get3A_506 : vector<1x16xf32> to vector<16xf32>
          %swap3A = arith.index_cast %scan3A_498 : i32 to index
          %swap3A_508 = arith.constant 0 : index
          %swap3A_509 = tpu.vector_load %arg4[%swap3A, %swap3A_508] {strides = array<i32>} : memref<224x224xf32, #tpu.memory_space<vmem>>, vector<1x16xf32>,
          %swap3A_510 = vector.shape_cast %swap3A_509 : vector<1x16xf32> to vector<16xf32>
          %swap3A_511 = vector.shape_cast %get3A_507 : vector<16xf32> to vector<1x16xf32>
          tpu.vector_store %arg4[%swap3A, %swap3A_508], %swap3A_511 {strides = array<i32>} : memref<224x224xf32, #tpu.memory_space<vmem>>, vector<1x16xf32>,
          %add3A_512 = arith.constant 112 : i32
          %add3A_513 = arith.addi %scan3A_498, %add3A_512 : i32
          %get3A_514 = arith.index_cast %add3A_513 : i32 to index
          %get3A_515 = arith.constant 0 : index
          %get3A_516 = tpu.vector_load %arg4[%get3A_514, %get3A_515] {strides = array<i32>} : memref<224x224xf32, #tpu.memory_space<vmem>>, vector<1x16xf32>,
          %get3A_517 = vector.shape_cast %get3A_516 : vector<1x16xf32> to vector<16xf32>
          %add3A_518 = arith.constant 112 : i32
          %add3A_519 = arith.addi %scan3A_498, %add3A_518 : i32
          %swap3A_520 = arith.index_cast %add3A_519 : i32 to index
          %swap3A_521 = arith.constant 112 : index
          %swap3A_522 = tpu.vector_load %arg4[%swap3A_520, %swap3A_521] {strides = array<i32>} : memref<224x224xf32, #tpu.memory_space<vmem>>, vector<1x16xf32>,
          %swap3A_523 = vector.shape_cast %swap3A_522 : vector<1x16xf32> to vector<16xf32>
          %swap3A_524 = vector.shape_cast %get3A_517 : vector<16xf32> to vector<1x16xf32>
          tpu.vector_store %arg4[%swap3A_520, %swap3A_521], %swap3A_524 {strides = array<i32>} : memref<224x224xf32, #tpu.memory_space<vmem>>, vector<1x16xf32>,
          %get3A_525 = arith.index_cast %scan3A_498 : i32 to index
          %get3A_526 = arith.constant 112 : index
          %get3A_527 = tpu.vector_load %arg4[%get3A_525, %get3A_526] {strides = array<i32>} : memref<224x224xf32, #tpu.memory_space<vmem>>, vector<1x16xf32>,
          %get3A_528 = vector.shape_cast %get3A_527 : vector<1x16xf32> to vector<16xf32>
          %add3A_529 = arith.constant 112 : i32
          %add3A_530 = arith.addi %scan3A_498, %add3A_529 : i32
          %swap3A_531 = arith.index_cast %add3A_530 : i32 to index
          %swap3A_532 = arith.constant 0 : index
          %swap3A_533 = tpu.vector_load %arg4[%swap3A_531, %swap3A_532] {strides = array<i32>} : memref<224x224xf32, #tpu.memory_space<vmem>>, vector<1x16xf32>,
          %swap3A_534 = vector.shape_cast %swap3A_533 : vector<1x16xf32> to vector<16xf32>
          %swap3A_535 = vector.shape_cast %get3A_528 : vector<16xf32> to vector<1x16xf32>
          tpu.vector_store %arg4[%swap3A_531, %swap3A_532], %swap3A_535 {strides = array<i32>} : memref<224x224xf32, #tpu.memory_space<vmem>>, vector<1x16xf32>,
          %swap3A_536 = arith.index_cast %scan3A_498 : i32 to index
          %swap3A_537 = arith.constant 112 : index
          %swap3A_538 = tpu.vector_load %arg4[%swap3A_536, %swap3A_537] {strides = array<i32>} : memref<224x224xf32, #tpu.memory_space<vmem>>, vector<1x16xf32>,
          %swap3A_539 = vector.shape_cast %swap3A_538 : vector<1x16xf32> to vector<16xf32>
          %swap3A_540 = vector.shape_cast %get3A_501 : vector<16xf32> to vector<1x16xf32>
          tpu.vector_store %arg4[%swap3A_536, %swap3A_537], %swap3A_540 {strides = array<i32>} : memref<224x224xf32, #tpu.memory_space<vmem>>, vector<1x16xf32>,
          %get3A_541 = arith.index_cast %scan3A_498 : i32 to index
          %get3A_542 = arith.constant 16 : index
          %get3A_543 = tpu.vector_load %arg4[%get3A_541, %get3A_542] {strides = array<i32>} : memref<224x224xf32, #tpu.memory_space<vmem>>, vector<1x16xf32>,
          %get3A_544 = vector.shape_cast %get3A_543 : vector<1x16xf32> to vector<16xf32>
          %add3A_545 = arith.constant 112 : i32
          %add3A_546 = arith.addi %scan3A_498, %add3A_545 : i32
          %get3A_547 = arith.index_cast %add3A_546 : i32 to index
          %get3A_548 = arith.constant 128 : index
          %get3A_549 = tpu.vector_load %arg4[%get3A_547, %get3A_548] {strides = array<i32>} : memref<224x224xf32, #tpu.memory_space<vmem>>, vector<1x16xf32>,
          %get3A_550 = vector.shape_cast %get3A_549 : vector<1x16xf32> to vector<16xf32>
          %swap3A_551 = arith.index_cast %scan3A_498 : i32 to index
          %swap3A_552 = arith.constant 16 : index
          %swap3A_553 = tpu.vector_load %arg4[%swap3A_551, %swap3A_552] {strides = array<i32>} : memref<224x224xf32, #tpu.memory_space<vmem>>, vector<1x16xf32>,
          %swap3A_554 = vector.shape_cast %swap3A_553 : vector<1x16xf32> to vector<16xf32>
          %swap3A_555 = vector.shape_cast %get3A_550 : vector<16xf32> to vector<1x16xf32>
          tpu.vector_store %arg4[%swap3A_551, %swap3A_552], %swap3A_555 {strides = array<i32>} : memref<224x224xf32, #tpu.memory_space<vmem>>, vector<1x16xf32>,
          %add3A_556 = arith.constant 112 : i32
          %add3A_557 = arith.addi %scan3A_498, %add3A_556 : i32
          %get3A_558 = arith.index_cast %add3A_557 : i32 to index
          %get3A_559 = arith.constant 16 : index
          %get3A_560 = tpu.vector_load %arg4[%get3A_558, %get3A_559] {strides = array<i32>} : memref<224x224xf32, #tpu.memory_space<vmem>>, vector<1x16xf32>,
          %get3A_561 = vector.shape_cast %get3A_560 : vector<1x16xf32> to vector<16xf32>
          %add3A_562 = arith.constant 112 : i32
          %add3A_563 = arith.addi %scan3A_498, %add3A_562 : i32
          %swap3A_564 = arith.index_cast %add3A_563 : i32 to index
          %swap3A_565 = arith.constant 128 : index
          %swap3A_566 = tpu.vector_load %arg4[%swap3A_564, %swap3A_565] {strides = array<i32>} : memref<224x224xf32, #tpu.memory_space<vmem>>, vector<1x16xf32>,
          %swap3A_567 = vector.shape_cast %swap3A_566 : vector<1x16xf32> to vector<16xf32>
          %swap3A_568 = vector.shape_cast %get3A_561 : vector<16xf32> to vector<1x16xf32>
          tpu.vector_store %arg4[%swap3A_564, %swap3A_565], %swap3A_568 {strides = array<i32>} : memref<224x224xf32, #tpu.memory_space<vmem>>, vector<1x16xf32>,
          %get3A_569 = arith.index_cast %scan3A_498 : i32 to index
          %get3A_570 = arith.constant 128 : index
          %get3A_571 = tpu.vector_load %arg4[%get3A_569, %get3A_570] {strides = array<i32>} : memref<224x224xf32, #tpu.memory_space<vmem>>, vector<1x16xf32>,
          %get3A_572 = vector.shape_cast %get3A_571 : vector<1x16xf32> to vector<16xf32>
          %add3A_573 = arith.constant 112 : i32
          %add3A_574 = arith.addi %scan3A_498, %add3A_573 : i32
          %swap3A_575 = arith.index_cast %add3A_574 : i32 to index
          %swap3A_576 = arith.constant 16 : index
          %swap3A_577 = tpu.vector_load %arg4[%swap3A_575, %swap3A_576] {strides = array<i32>} : memref<224x224xf32, #tpu.memory_space<vmem>>, vector<1x16xf32>,
          %swap3A_578 = vector.shape_cast %swap3A_577 : vector<1x16xf32> to vector<16xf32>
          %swap3A_579 = vector.shape_cast %get3A_572 : vector<16xf32> to vector<1x16xf32>
          tpu.vector_store %arg4[%swap3A_575, %swap3A_576], %swap3A_579 {strides = array<i32>} : memref<224x224xf32, #tpu.memory_space<vmem>>, vector<1x16xf32>,
          %swap3A_580 = arith.index_cast %scan3A_498 : i32 to index
          %swap3A_581 = arith.constant 128 : index
          %swap3A_582 = tpu.vector_load %arg4[%swap3A_580, %swap3A_581] {strides = array<i32>} : memref<224x224xf32, #tpu.memory_space<vmem>>, vector<1x16xf32>,
          %swap3A_583 = vector.shape_cast %swap3A_582 : vector<1x16xf32> to vector<16xf32>
          %swap3A_584 = vector.shape_cast %get3A_544 : vector<16xf32> to vector<1x16xf32>
          tpu.vector_store %arg4[%swap3A_580, %swap3A_581], %swap3A_584 {strides = array<i32>} : memref<224x224xf32, #tpu.memory_space<vmem>>, vector<1x16xf32>,
          %get3A_585 = arith.index_cast %scan3A_498 : i32 to index
          %get3A_586 = arith.constant 32 : index
          %get3A_587 = tpu.vector_load %arg4[%get3A_585, %get3A_586] {strides = array<i32>} : memref<224x224xf32, #tpu.memory_space<vmem>>, vector<1x16xf32>,
          %get3A_588 = vector.shape_cast %get3A_587 : vector<1x16xf32> to vector<16xf32>
          %add3A_589 = arith.constant 112 : i32
          %add3A_590 = arith.addi %scan3A_498, %add3A_589 : i32
          %get3A_591 = arith.index_cast %add3A_590 : i32 to index
          %get3A_592 = arith.constant 144 : index
          %get3A_593 = tpu.vector_load %arg4[%get3A_591, %get3A_592] {strides = array<i32>} : memref<224x224xf32, #tpu.memory_space<vmem>>, vector<1x16xf32>,
          %get3A_594 = vector.shape_cast %get3A_593 : vector<1x16xf32> to vector<16xf32>
          %swap3A_595 = arith.index_cast %scan3A_498 : i32 to index
          %swap3A_596 = arith.constant 32 : index
          %swap3A_597 = tpu.vector_load %arg4[%swap3A_595, %swap3A_596] {strides = array<i32>} : memref<224x224xf32, #tpu.memory_space<vmem>>, vector<1x16xf32>,
          %swap3A_598 = vector.shape_cast %swap3A_597 : vector<1x16xf32> to vector<16xf32>
          %swap3A_599 = vector.shape_cast %get3A_594 : vector<16xf32> to vector<1x16xf32>
          tpu.vector_store %arg4[%swap3A_595, %swap3A_596], %swap3A_599 {strides = array<i32>} : memref<224x224xf32, #tpu.memory_space<vmem>>, vector<1x16xf32>,
          %add3A_600 = arith.constant 112 : i32
          %add3A_601 = arith.addi %scan3A_498, %add3A_600 : i32
          %get3A_602 = arith.index_cast %add3A_601 : i32 to index
          %get3A_603 = arith.constant 32 : index
          %get3A_604 = tpu.vector_load %arg4[%get3A_602, %get3A_603] {strides = array<i32>} : memref<224x224xf32, #tpu.memory_space<vmem>>, vector<1x16xf32>,
          %get3A_605 = vector.shape_cast %get3A_604 : vector<1x16xf32> to vector<16xf32>
          %add3A_606 = arith.constant 112 : i32
          %add3A_607 = arith.addi %scan3A_498, %add3A_606 : i32
          %swap3A_608 = arith.index_cast %add3A_607 : i32 to index
          %swap3A_609 = arith.constant 144 : index
          %swap3A_610 = tpu.vector_load %arg4[%swap3A_608, %swap3A_609] {strides = array<i32>} : memref<224x224xf32, #tpu.memory_space<vmem>>, vector<1x16xf32>,
          %swap3A_611 = vector.shape_cast %swap3A_610 : vector<1x16xf32> to vector<16xf32>
          %swap3A_612 = vector.shape_cast %get3A_605 : vector<16xf32> to vector<1x16xf32>
          tpu.vector_store %arg4[%swap3A_608, %swap3A_609], %swap3A_612 {strides = array<i32>} : memref<224x224xf32, #tpu.memory_space<vmem>>, vector<1x16xf32>,
          %get3A_613 = arith.index_cast %scan3A_498 : i32 to index
          %get3A_614 = arith.constant 144 : index
          %get3A_615 = tpu.vector_load %arg4[%get3A_613, %get3A_614] {strides = array<i32>} : memref<224x224xf32, #tpu.memory_space<vmem>>, vector<1x16xf32>,
          %get3A_616 = vector.shape_cast %get3A_615 : vector<1x16xf32> to vector<16xf32>
          %add3A_617 = arith.constant 112 : i32
          %add3A_618 = arith.addi %scan3A_498, %add3A_617 : i32
          %swap3A_619 = arith.index_cast %add3A_618 : i32 to index
          %swap3A_620 = arith.constant 32 : index
          %swap3A_621 = tpu.vector_load %arg4[%swap3A_619, %swap3A_620] {strides = array<i32>} : memref<224x224xf32, #tpu.memory_space<vmem>>, vector<1x16xf32>,
          %swap3A_622 = vector.shape_cast %swap3A_621 : vector<1x16xf32> to vector<16xf32>
          %swap3A_623 = vector.shape_cast %get3A_616 : vector<16xf32> to vector<1x16xf32>
          tpu.vector_store %arg4[%swap3A_619, %swap3A_620], %swap3A_623 {strides = array<i32>} : memref<224x224xf32, #tpu.memory_space<vmem>>, vector<1x16xf32>,
          %swap3A_624 = arith.index_cast %scan3A_498 : i32 to index
          %swap3A_625 = arith.constant 144 : index
          %swap3A_626 = tpu.vector_load %arg4[%swap3A_624, %swap3A_625] {strides = array<i32>} : memref<224x224xf32, #tpu.memory_space<vmem>>, vector<1x16xf32>,
          %swap3A_627 = vector.shape_cast %swap3A_626 : vector<1x16xf32> to vector<16xf32>
          %swap3A_628 = vector.shape_cast %get3A_588 : vector<16xf32> to vector<1x16xf32>
          tpu.vector_store %arg4[%swap3A_624, %swap3A_625], %swap3A_628 {strides = array<i32>} : memref<224x224xf32, #tpu.memory_space<vmem>>, vector<1x16xf32>,
          %get3A_629 = arith.index_cast %scan3A_498 : i32 to index
          %get3A_630 = arith.constant 48 : index
          %get3A_631 = tpu.vector_load %arg4[%get3A_629, %get3A_630] {strides = array<i32>} : memref<224x224xf32, #tpu.memory_space<vmem>>, vector<1x16xf32>,
          %get3A_632 = vector.shape_cast %get3A_631 : vector<1x16xf32> to vector<16xf32>
          %add3A_633 = arith.constant 112 : i32
          %add3A_634 = arith.addi %scan3A_498, %add3A_633 : i32
          %get3A_635 = arith.index_cast %add3A_634 : i32 to index
          %get3A_636 = arith.constant 160 : index
          %get3A_637 = tpu.vector_load %arg4[%get3A_635, %get3A_636] {strides = array<i32>} : memref<224x224xf32, #tpu.memory_space<vmem>>, vector<1x16xf32>,
          %get3A_638 = vector.shape_cast %get3A_637 : vector<1x16xf32> to vector<16xf32>
          %swap3A_639 = arith.index_cast %scan3A_498 : i32 to index
          %swap3A_640 = arith.constant 48 : index
          %swap3A_641 = tpu.vector_load %arg4[%swap3A_639, %swap3A_640] {strides = array<i32>} : memref<224x224xf32, #tpu.memory_space<vmem>>, vector<1x16xf32>,
          %swap3A_642 = vector.shape_cast %swap3A_641 : vector<1x16xf32> to vector<16xf32>
          %swap3A_643 = vector.shape_cast %get3A_638 : vector<16xf32> to vector<1x16xf32>
          tpu.vector_store %arg4[%swap3A_639, %swap3A_640], %swap3A_643 {strides = array<i32>} : memref<224x224xf32, #tpu.memory_space<vmem>>, vector<1x16xf32>,
          %add3A_644 = arith.constant 112 : i32
          %add3A_645 = arith.addi %scan3A_498, %add3A_644 : i32
          %get3A_646 = arith.index_cast %add3A_645 : i32 to index
          %get3A_647 = arith.constant 48 : index
          %get3A_648 = tpu.vector_load %arg4[%get3A_646, %get3A_647] {strides = array<i32>} : memref<224x224xf32, #tpu.memory_space<vmem>>, vector<1x16xf32>,
          %get3A_649 = vector.shape_cast %get3A_648 : vector<1x16xf32> to vector<16xf32>
          %add3A_650 = arith.constant 112 : i32
          %add3A_651 = arith.addi %scan3A_498, %add3A_650 : i32
          %swap3A_652 = arith.index_cast %add3A_651 : i32 to index
          %swap3A_653 = arith.constant 160 : index
          %swap3A_654 = tpu.vector_load %arg4[%swap3A_652, %swap3A_653] {strides = array<i32>} : memref<224x224xf32, #tpu.memory_space<vmem>>, vector<1x16xf32>,
          %swap3A_655 = vector.shape_cast %swap3A_654 : vector<1x16xf32> to vector<16xf32>
          %swap3A_656 = vector.shape_cast %get3A_649 : vector<16xf32> to vector<1x16xf32>
          tpu.vector_store %arg4[%swap3A_652, %swap3A_653], %swap3A_656 {strides = array<i32>} : memref<224x224xf32, #tpu.memory_space<vmem>>, vector<1x16xf32>,
          %get3A_657 = arith.index_cast %scan3A_498 : i32 to index
          %get3A_658 = arith.constant 160 : index
          %get3A_659 = tpu.vector_load %arg4[%get3A_657, %get3A_658] {strides = array<i32>} : memref<224x224xf32, #tpu.memory_space<vmem>>, vector<1x16xf32>,
          %get3A_660 = vector.shape_cast %get3A_659 : vector<1x16xf32> to vector<16xf32>
          %add3A_661 = arith.constant 112 : i32
          %add3A_662 = arith.addi %scan3A_498, %add3A_661 : i32
          %swap3A_663 = arith.index_cast %add3A_662 : i32 to index
          %swap3A_664 = arith.constant 48 : index
          %swap3A_665 = tpu.vector_load %arg4[%swap3A_663, %swap3A_664] {strides = array<i32>} : memref<224x224xf32, #tpu.memory_space<vmem>>, vector<1x16xf32>,
          %swap3A_666 = vector.shape_cast %swap3A_665 : vector<1x16xf32> to vector<16xf32>
          %swap3A_667 = vector.shape_cast %get3A_660 : vector<16xf32> to vector<1x16xf32>
          tpu.vector_store %arg4[%swap3A_663, %swap3A_664], %swap3A_667 {strides = array<i32>} : memref<224x224xf32, #tpu.memory_space<vmem>>, vector<1x16xf32>,
          %swap3A_668 = arith.index_cast %scan3A_498 : i32 to index
          %swap3A_669 = arith.constant 160 : index
          %swap3A_670 = tpu.vector_load %arg4[%swap3A_668, %swap3A_669] {strides = array<i32>} : memref<224x224xf32, #tpu.memory_space<vmem>>, vector<1x16xf32>,
          %swap3A_671 = vector.shape_cast %swap3A_670 : vector<1x16xf32> to vector<16xf32>
          %swap3A_672 = vector.shape_cast %get3A_632 : vector<16xf32> to vector<1x16xf32>
          tpu.vector_store %arg4[%swap3A_668, %swap3A_669], %swap3A_672 {strides = array<i32>} : memref<224x224xf32, #tpu.memory_space<vmem>>, vector<1x16xf32>,
          %get3A_673 = arith.index_cast %scan3A_498 : i32 to index
          %get3A_674 = arith.constant 64 : index
          %get3A_675 = tpu.vector_load %arg4[%get3A_673, %get3A_674] {strides = array<i32>} : memref<224x224xf32, #tpu.memory_space<vmem>>, vector<1x16xf32>,
          %get3A_676 = vector.shape_cast %get3A_675 : vector<1x16xf32> to vector<16xf32>
          %add3A_677 = arith.constant 112 : i32
          %add3A_678 = arith.addi %scan3A_498, %add3A_677 : i32
          %get3A_679 = arith.index_cast %add3A_678 : i32 to index
          %get3A_680 = arith.constant 176 : index
          %get3A_681 = tpu.vector_load %arg4[%get3A_679, %get3A_680] {strides = array<i32>} : memref<224x224xf32, #tpu.memory_space<vmem>>, vector<1x16xf32>,
          %get3A_682 = vector.shape_cast %get3A_681 : vector<1x16xf32> to vector<16xf32>
          %swap3A_683 = arith.index_cast %scan3A_498 : i32 to index
          %swap3A_684 = arith.constant 64 : index
          %swap3A_685 = tpu.vector_load %arg4[%swap3A_683, %swap3A_684] {strides = array<i32>} : memref<224x224xf32, #tpu.memory_space<vmem>>, vector<1x16xf32>,
          %swap3A_686 = vector.shape_cast %swap3A_685 : vector<1x16xf32> to vector<16xf32>
          %swap3A_687 = vector.shape_cast %get3A_682 : vector<16xf32> to vector<1x16xf32>
          tpu.vector_store %arg4[%swap3A_683, %swap3A_684], %swap3A_687 {strides = array<i32>} : memref<224x224xf32, #tpu.memory_space<vmem>>, vector<1x16xf32>,
          %add3A_688 = arith.constant 112 : i32
          %add3A_689 = arith.addi %scan3A_498, %add3A_688 : i32
          %get3A_690 = arith.index_cast %add3A_689 : i32 to index
          %get3A_691 = arith.constant 64 : index
          %get3A_692 = tpu.vector_load %arg4[%get3A_690, %get3A_691] {strides = array<i32>} : memref<224x224xf32, #tpu.memory_space<vmem>>, vector<1x16xf32>,
          %get3A_693 = vector.shape_cast %get3A_692 : vector<1x16xf32> to vector<16xf32>
          %add3A_694 = arith.constant 112 : i32
          %add3A_695 = arith.addi %scan3A_498, %add3A_694 : i32
          %swap3A_696 = arith.index_cast %add3A_695 : i32 to index
          %swap3A_697 = arith.constant 176 : index
          %swap3A_698 = tpu.vector_load %arg4[%swap3A_696, %swap3A_697] {strides = array<i32>} : memref<224x224xf32, #tpu.memory_space<vmem>>, vector<1x16xf32>,
          %swap3A_699 = vector.shape_cast %swap3A_698 : vector<1x16xf32> to vector<16xf32>
          %swap3A_700 = vector.shape_cast %get3A_693 : vector<16xf32> to vector<1x16xf32>
          tpu.vector_store %arg4[%swap3A_696, %swap3A_697], %swap3A_700 {strides = array<i32>} : memref<224x224xf32, #tpu.memory_space<vmem>>, vector<1x16xf32>,
          %get3A_701 = arith.index_cast %scan3A_498 : i32 to index
          %get3A_702 = arith.constant 176 : index
          %get3A_703 = tpu.vector_load %arg4[%get3A_701, %get3A_702] {strides = array<i32>} : memref<224x224xf32, #tpu.memory_space<vmem>>, vector<1x16xf32>,
          %get3A_704 = vector.shape_cast %get3A_703 : vector<1x16xf32> to vector<16xf32>
          %add3A_705 = arith.constant 112 : i32
          %add3A_706 = arith.addi %scan3A_498, %add3A_705 : i32
          %swap3A_707 = arith.index_cast %add3A_706 : i32 to index
          %swap3A_708 = arith.constant 64 : index
          %swap3A_709 = tpu.vector_load %arg4[%swap3A_707, %swap3A_708] {strides = array<i32>} : memref<224x224xf32, #tpu.memory_space<vmem>>, vector<1x16xf32>,
          %swap3A_710 = vector.shape_cast %swap3A_709 : vector<1x16xf32> to vector<16xf32>
          %swap3A_711 = vector.shape_cast %get3A_704 : vector<16xf32> to vector<1x16xf32>
          tpu.vector_store %arg4[%swap3A_707, %swap3A_708], %swap3A_711 {strides = array<i32>} : memref<224x224xf32, #tpu.memory_space<vmem>>, vector<1x16xf32>,
          %swap3A_712 = arith.index_cast %scan3A_498 : i32 to index
          %swap3A_713 = arith.constant 176 : index
          %swap3A_714 = tpu.vector_load %arg4[%swap3A_712, %swap3A_713] {strides = array<i32>} : memref<224x224xf32, #tpu.memory_space<vmem>>, vector<1x16xf32>,
          %swap3A_715 = vector.shape_cast %swap3A_714 : vector<1x16xf32> to vector<16xf32>
          %swap3A_716 = vector.shape_cast %get3A_676 : vector<16xf32> to vector<1x16xf32>
          tpu.vector_store %arg4[%swap3A_712, %swap3A_713], %swap3A_716 {strides = array<i32>} : memref<224x224xf32, #tpu.memory_space<vmem>>, vector<1x16xf32>,
          %get3A_717 = arith.index_cast %scan3A_498 : i32 to index
          %get3A_718 = arith.constant 80 : index
          %get3A_719 = tpu.vector_load %arg4[%get3A_717, %get3A_718] {strides = array<i32>} : memref<224x224xf32, #tpu.memory_space<vmem>>, vector<1x16xf32>,
          %get3A_720 = vector.shape_cast %get3A_719 : vector<1x16xf32> to vector<16xf32>
          %add3A_721 = arith.constant 112 : i32
          %add3A_722 = arith.addi %scan3A_498, %add3A_721 : i32
          %get3A_723 = arith.index_cast %add3A_722 : i32 to index
          %get3A_724 = arith.constant 192 : index
          %get3A_725 = tpu.vector_load %arg4[%get3A_723, %get3A_724] {strides = array<i32>} : memref<224x224xf32, #tpu.memory_space<vmem>>, vector<1x16xf32>,
          %get3A_726 = vector.shape_cast %get3A_725 : vector<1x16xf32> to vector<16xf32>
          %swap3A_727 = arith.index_cast %scan3A_498 : i32 to index
          %swap3A_728 = arith.constant 80 : index
          %swap3A_729 = tpu.vector_load %arg4[%swap3A_727, %swap3A_728] {strides = array<i32>} : memref<224x224xf32, #tpu.memory_space<vmem>>, vector<1x16xf32>,
          %swap3A_730 = vector.shape_cast %swap3A_729 : vector<1x16xf32> to vector<16xf32>
          %swap3A_731 = vector.shape_cast %get3A_726 : vector<16xf32> to vector<1x16xf32>
          tpu.vector_store %arg4[%swap3A_727, %swap3A_728], %swap3A_731 {strides = array<i32>} : memref<224x224xf32, #tpu.memory_space<vmem>>, vector<1x16xf32>,
          %add3A_732 = arith.constant 112 : i32
          %add3A_733 = arith.addi %scan3A_498, %add3A_732 : i32
          %get3A_734 = arith.index_cast %add3A_733 : i32 to index
          %get3A_735 = arith.constant 80 : index
          %get3A_736 = tpu.vector_load %arg4[%get3A_734, %get3A_735] {strides = array<i32>} : memref<224x224xf32, #tpu.memory_space<vmem>>, vector<1x16xf32>,
          %get3A_737 = vector.shape_cast %get3A_736 : vector<1x16xf32> to vector<16xf32>
          %add3A_738 = arith.constant 112 : i32
          %add3A_739 = arith.addi %scan3A_498, %add3A_738 : i32
          %swap3A_740 = arith.index_cast %add3A_739 : i32 to index
          %swap3A_741 = arith.constant 192 : index
          %swap3A_742 = tpu.vector_load %arg4[%swap3A_740, %swap3A_741] {strides = array<i32>} : memref<224x224xf32, #tpu.memory_space<vmem>>, vector<1x16xf32>,
          %swap3A_743 = vector.shape_cast %swap3A_742 : vector<1x16xf32> to vector<16xf32>
          %swap3A_744 = vector.shape_cast %get3A_737 : vector<16xf32> to vector<1x16xf32>
          tpu.vector_store %arg4[%swap3A_740, %swap3A_741], %swap3A_744 {strides = array<i32>} : memref<224x224xf32, #tpu.memory_space<vmem>>, vector<1x16xf32>,
          %get3A_745 = arith.index_cast %scan3A_498 : i32 to index
          %get3A_746 = arith.constant 192 : index
          %get3A_747 = tpu.vector_load %arg4[%get3A_745, %get3A_746] {strides = array<i32>} : memref<224x224xf32, #tpu.memory_space<vmem>>, vector<1x16xf32>,
          %get3A_748 = vector.shape_cast %get3A_747 : vector<1x16xf32> to vector<16xf32>
          %add3A_749 = arith.constant 112 : i32
          %add3A_750 = arith.addi %scan3A_498, %add3A_749 : i32
          %swap3A_751 = arith.index_cast %add3A_750 : i32 to index
          %swap3A_752 = arith.constant 80 : index
          %swap3A_753 = tpu.vector_load %arg4[%swap3A_751, %swap3A_752] {strides = array<i32>} : memref<224x224xf32, #tpu.memory_space<vmem>>, vector<1x16xf32>,
          %swap3A_754 = vector.shape_cast %swap3A_753 : vector<1x16xf32> to vector<16xf32>
          %swap3A_755 = vector.shape_cast %get3A_748 : vector<16xf32> to vector<1x16xf32>
          tpu.vector_store %arg4[%swap3A_751, %swap3A_752], %swap3A_755 {strides = array<i32>} : memref<224x224xf32, #tpu.memory_space<vmem>>, vector<1x16xf32>,
          %swap3A_756 = arith.index_cast %scan3A_498 : i32 to index
          %swap3A_757 = arith.constant 192 : index
          %swap3A_758 = tpu.vector_load %arg4[%swap3A_756, %swap3A_757] {strides = array<i32>} : memref<224x224xf32, #tpu.memory_space<vmem>>, vector<1x16xf32>,
          %swap3A_759 = vector.shape_cast %swap3A_758 : vector<1x16xf32> to vector<16xf32>
          %swap3A_760 = vector.shape_cast %get3A_720 : vector<16xf32> to vector<1x16xf32>
          tpu.vector_store %arg4[%swap3A_756, %swap3A_757], %swap3A_760 {strides = array<i32>} : memref<224x224xf32, #tpu.memory_space<vmem>>, vector<1x16xf32>,
          %get3A_761 = arith.index_cast %scan3A_498 : i32 to index
          %get3A_762 = arith.constant 96 : index
          %get3A_763 = tpu.vector_load %arg4[%get3A_761, %get3A_762] {strides = array<i32>} : memref<224x224xf32, #tpu.memory_space<vmem>>, vector<1x16xf32>,
          %get3A_764 = vector.shape_cast %get3A_763 : vector<1x16xf32> to vector<16xf32>
          %add3A_765 = arith.constant 112 : i32
          %add3A_766 = arith.addi %scan3A_498, %add3A_765 : i32
          %get3A_767 = arith.index_cast %add3A_766 : i32 to index
          %get3A_768 = arith.constant 208 : index
          %get3A_769 = tpu.vector_load %arg4[%get3A_767, %get3A_768] {strides = array<i32>} : memref<224x224xf32, #tpu.memory_space<vmem>>, vector<1x16xf32>,
          %get3A_770 = vector.shape_cast %get3A_769 : vector<1x16xf32> to vector<16xf32>
          %swap3A_771 = arith.index_cast %scan3A_498 : i32 to index
          %swap3A_772 = arith.constant 96 : index
          %swap3A_773 = tpu.vector_load %arg4[%swap3A_771, %swap3A_772] {strides = array<i32>} : memref<224x224xf32, #tpu.memory_space<vmem>>, vector<1x16xf32>,
          %swap3A_774 = vector.shape_cast %swap3A_773 : vector<1x16xf32> to vector<16xf32>
          %swap3A_775 = vector.shape_cast %get3A_770 : vector<16xf32> to vector<1x16xf32>
          tpu.vector_store %arg4[%swap3A_771, %swap3A_772], %swap3A_775 {strides = array<i32>} : memref<224x224xf32, #tpu.memory_space<vmem>>, vector<1x16xf32>,
          %add3A_776 = arith.constant 112 : i32
          %add3A_777 = arith.addi %scan3A_498, %add3A_776 : i32
          %get3A_778 = arith.index_cast %add3A_777 : i32 to index
          %get3A_779 = arith.constant 96 : index
          %get3A_780 = tpu.vector_load %arg4[%get3A_778, %get3A_779] {strides = array<i32>} : memref<224x224xf32, #tpu.memory_space<vmem>>, vector<1x16xf32>,
          %get3A_781 = vector.shape_cast %get3A_780 : vector<1x16xf32> to vector<16xf32>
          %add3A_782 = arith.constant 112 : i32
          %add3A_783 = arith.addi %scan3A_498, %add3A_782 : i32
          %swap3A_784 = arith.index_cast %add3A_783 : i32 to index
          %swap3A_785 = arith.constant 208 : index
          %swap3A_786 = tpu.vector_load %arg4[%swap3A_784, %swap3A_785] {strides = array<i32>} : memref<224x224xf32, #tpu.memory_space<vmem>>, vector<1x16xf32>,
          %swap3A_787 = vector.shape_cast %swap3A_786 : vector<1x16xf32> to vector<16xf32>
          %swap3A_788 = vector.shape_cast %get3A_781 : vector<16xf32> to vector<1x16xf32>
          tpu.vector_store %arg4[%swap3A_784, %swap3A_785], %swap3A_788 {strides = array<i32>} : memref<224x224xf32, #tpu.memory_space<vmem>>, vector<1x16xf32>,
          %get3A_789 = arith.index_cast %scan3A_498 : i32 to index
          %get3A_790 = arith.constant 208 : index
          %get3A_791 = tpu.vector_load %arg4[%get3A_789, %get3A_790] {strides = array<i32>} : memref<224x224xf32, #tpu.memory_space<vmem>>, vector<1x16xf32>,
          %get3A_792 = vector.shape_cast %get3A_791 : vector<1x16xf32> to vector<16xf32>
          %add3A_793 = arith.constant 112 : i32
          %add3A_794 = arith.addi %scan3A_498, %add3A_793 : i32
          %swap3A_795 = arith.index_cast %add3A_794 : i32 to index
          %swap3A_796 = arith.constant 96 : index
          %swap3A_797 = tpu.vector_load %arg4[%swap3A_795, %swap3A_796] {strides = array<i32>} : memref<224x224xf32, #tpu.memory_space<vmem>>, vector<1x16xf32>,
          %swap3A_798 = vector.shape_cast %swap3A_797 : vector<1x16xf32> to vector<16xf32>
          %swap3A_799 = vector.shape_cast %get3A_792 : vector<16xf32> to vector<1x16xf32>
          tpu.vector_store %arg4[%swap3A_795, %swap3A_796], %swap3A_799 {strides = array<i32>} : memref<224x224xf32, #tpu.memory_space<vmem>>, vector<1x16xf32>,
          %swap3A_800 = arith.index_cast %scan3A_498 : i32 to index
          %swap3A_801 = arith.constant 208 : index
          %swap3A_802 = tpu.vector_load %arg4[%swap3A_800, %swap3A_801] {strides = array<i32>} : memref<224x224xf32, #tpu.memory_space<vmem>>, vector<1x16xf32>,
          %swap3A_803 = vector.shape_cast %swap3A_802 : vector<1x16xf32> to vector<16xf32>
          %swap3A_804 = vector.shape_cast %get3A_764 : vector<16xf32> to vector<1x16xf32>
          tpu.vector_store %arg4[%swap3A_800, %swap3A_801], %swap3A_804 {strides = array<i32>} : memref<224x224xf32, #tpu.memory_space<vmem>>, vector<1x16xf32>,
        }
        %scan3A_497 = arith.constant 112 : i32
      } else {
      }
      %dma_start3A_422 = arith.constant 0 : i32
      %dma_start3A_423 = arith.constant 0 : i32
      %dma_start3A_424 = tpu.memref_slice %arg3[%select_n3A_318, %add3A_294, %dma_start3A_422, %dma_start3A_423] : memref<2x384x224x224xf32, #tpu.memory_space<hbm>> -> memref<1x1x224x224xf32, #tpu.memory_space<hbm>>
      %dma_start3A_425 = tpu.memref_squeeze %dma_start3A_424 : memref<1x1x224x224xf32, #tpu.memory_space<hbm>> -> memref<224x224xf32, #tpu.memory_space<hbm>>
      %dma_start3A_426 = arith.constant 0 : i32
      %dma_start3A_427 = arith.constant 0 : i32
      %dma_start3A_428 = tpu.memref_slice %arg3[%select_n3A_318, %add3A_294, %dma_start3A_426, %dma_start3A_427] : memref<2x384x224x224xf32, #tpu.memory_space<hbm>> -> memref<1x1x224x224xf32, #tpu.memory_space<hbm>>
      %dma_start3A_429 = tpu.memref_squeeze %dma_start3A_428 : memref<1x1x224x224xf32, #tpu.memory_space<hbm>> -> memref<224x224xf32, #tpu.memory_space<hbm>>
      tpu.enqueue_dma source(%arg4 : memref<224x224xf32, #tpu.memory_space<vmem>>) target(%dma_start3A_429 : memref<224x224xf32, #tpu.memory_space<hbm>>) target_semaphore(%arg8 : memref<!tpu.dma_semaphore, #tpu.memory_space<semaphore_mem>>)
      %dma_wait3A_430 = arith.constant 0 : i32
      %dma_wait3A_431 = arith.constant 0 : i32
      %dma_wait3A_432 = tpu.memref_slice %arg2[%select_n3A_360, %add3A_336, %dma_wait3A_430, %dma_wait3A_431] : memref<2x384x224x224xf32, #tpu.memory_space<hbm>> -> memref<1x1x224x224xf32, #tpu.memory_space<hbm>>
      %dma_wait3A_433 = tpu.memref_squeeze %dma_wait3A_432 : memref<1x1x224x224xf32, #tpu.memory_space<hbm>> -> memref<224x224xf32, #tpu.memory_space<hbm>>
      %dma_wait3A_434 = arith.constant 0 : i32
      %dma_wait3A_435 = arith.constant 0 : i32
      %dma_wait3A_436 = tpu.memref_slice %arg2[%select_n3A_360, %add3A_336, %dma_wait3A_434, %dma_wait3A_435] : memref<2x384x224x224xf32, #tpu.memory_space<hbm>> -> memref<1x1x224x224xf32, #tpu.memory_space<hbm>>
      %dma_wait3A_437 = tpu.memref_squeeze %dma_wait3A_436 : memref<1x1x224x224xf32, #tpu.memory_space<hbm>> -> memref<224x224xf32, #tpu.memory_space<hbm>>
      tpu.wait_dma2 semaphore(%arg7 : memref<!tpu.dma_semaphore, #tpu.memory_space<semaphore_mem>>) src(%dma_wait3A_437 : memref<224x224xf32, #tpu.memory_space<hbm>>) dst(%arg5 : memref<224x224xf32, #tpu.memory_space<vmem>>)
      %sub3A_438 = arith.constant 192 : i32
      %sub3A_439 = arith.subi %add3A_336, %sub3A_438 : i32
      %jit3A_440 = arith.constant 48 : i32
      %div3A_441 = arith.divsi %sub3A_439, %jit3A_440 : i32
      %sign3A_442 = arith.constant 0 : i32
      %sign3A_443 = arith.cmpi sgt, %sub3A_439, %sign3A_442 : i32
      %sign3A_444 = arith.extui %sign3A_443 : i1 to i32
      %sign3A_445 = arith.constant 0 : i32
      %sign3A_446 = arith.cmpi slt, %sub3A_439, %sign3A_445 : i32
      %sign3A_447 = arith.extui %sign3A_446 : i1 to i32
      %sign3A_448 = arith.subi %sign3A_444, %sign3A_447 : i32
      %sign3A_449 = arith.constant 0 : i32
      %sign3A_450 = arith.cmpi sgt, %jit3A_440, %sign3A_449 : i32
      %sign3A_451 = arith.extui %sign3A_450 : i1 to i32
      %sign3A_452 = arith.constant 0 : i32
      %sign3A_453 = arith.cmpi slt, %jit3A_440, %sign3A_452 : i32
      %sign3A_454 = arith.extui %sign3A_453 : i1 to i32
      %sign3A_455 = arith.subi %sign3A_451, %sign3A_454 : i32
      %ne3A_456 = arith.cmpi ne, %sign3A_448, %sign3A_455 : i32
      %rem3A_457 = arith.remsi %sub3A_439, %jit3A_440 : i32
      %ne3A_458 = arith.constant 0 : i32
      %ne3A_459 = arith.cmpi ne, %rem3A_457, %ne3A_458 : i32
      %and3A_460 = arith.andi %ne3A_456, %ne3A_459 : i1
      %sub3A_461 = arith.constant 1 : i32
      %sub3A_462 = arith.subi %div3A_441, %sub3A_461 : i32
      %select_n3A_463 = arith.select %and3A_460, %sub3A_462, %div3A_441 : i32
      %eq3A_464 = arith.constant 1 : i32
      %eq3A_465 = arith.cmpi eq, %select_n3A_463, %eq3A_464 : i32
      %convert_element_type3A_466 = arith.extui %eq3A_465 : i1 to i32
      %cond3A_467 = arith.constant 0 : i32
      %cond3A_468 = arith.cmpi ne, %convert_element_type3A_466, %cond3A_467 : i32
      scf.if %cond3A_468 {
        %scan3A_492 = arith.constant 0 : i32
        %scan3A_493 = arith.constant 0 : i32
        %scan3A_494 = arith.constant 112 : i32
        %scan3A_495 = arith.addi %scan3A_493, %scan3A_494 : i32
        %scan3A_496 = arith.constant 1 : i32
        scf.for %scan3A_498 = %scan3A_493 to %scan3A_495 step %scan3A_496  : i32 {
          %get3A = arith.index_cast %scan3A_498 : i32 to index
          %get3A_499 = arith.constant 0 : index
          %get3A_500 = tpu.vector_load %arg5[%get3A, %get3A_499] {strides = array<i32>} : memref<224x224xf32, #tpu.memory_space<vmem>>, vector<1x16xf32>,
          %get3A_501 = vector.shape_cast %get3A_500 : vector<1x16xf32> to vector<16xf32>
          %get3A_502 = arith.index_cast %scan3A_498 : i32 to index
          %get3A_503 = arith.constant 112 : index
          %get3A_504 = tpu.vector_load %arg5[%get3A_502, %get3A_503] {strides = array<i32>} : memref<224x224xf32, #tpu.memory_space<vmem>>, vector<1x16xf32>,
          %get3A_505 = vector.shape_cast %get3A_504 : vector<1x16xf32> to vector<16xf32>
          %swap3A = arith.index_cast %scan3A_498 : i32 to index
          %swap3A_506 = arith.constant 0 : index
          %swap3A_507 = tpu.vector_load %arg5[%swap3A, %swap3A_506] {strides = array<i32>} : memref<224x224xf32, #tpu.memory_space<vmem>>, vector<1x16xf32>,
          %swap3A_508 = vector.shape_cast %swap3A_507 : vector<1x16xf32> to vector<16xf32>
          %swap3A_509 = vector.shape_cast %get3A_505 : vector<16xf32> to vector<1x16xf32>
          tpu.vector_store %arg5[%swap3A, %swap3A_506], %swap3A_509 {strides = array<i32>} : memref<224x224xf32, #tpu.memory_space<vmem>>, vector<1x16xf32>,
          %add3A_510 = arith.constant 112 : i32
          %add3A_511 = arith.addi %scan3A_498, %add3A_510 : i32
          %get3A_512 = arith.index_cast %add3A_511 : i32 to index
          %get3A_513 = arith.constant 0 : index
          %get3A_514 = tpu.vector_load %arg5[%get3A_512, %get3A_513] {strides = array<i32>} : memref<224x224xf32, #tpu.memory_space<vmem>>, vector<1x16xf32>,
          %get3A_515 = vector.shape_cast %get3A_514 : vector<1x16xf32> to vector<16xf32>
          %swap3A_516 = arith.index_cast %scan3A_498 : i32 to index
          %swap3A_517 = arith.constant 112 : index
          %swap3A_518 = tpu.vector_load %arg5[%swap3A_516, %swap3A_517] {strides = array<i32>} : memref<224x224xf32, #tpu.memory_space<vmem>>, vector<1x16xf32>,
          %swap3A_519 = vector.shape_cast %swap3A_518 : vector<1x16xf32> to vector<16xf32>
          %swap3A_520 = vector.shape_cast %get3A_515 : vector<16xf32> to vector<1x16xf32>
          tpu.vector_store %arg5[%swap3A_516, %swap3A_517], %swap3A_520 {strides = array<i32>} : memref<224x224xf32, #tpu.memory_space<vmem>>, vector<1x16xf32>,
          %add3A_521 = arith.constant 112 : i32
          %add3A_522 = arith.addi %scan3A_498, %add3A_521 : i32
          %get3A_523 = arith.index_cast %add3A_522 : i32 to index
          %get3A_524 = arith.constant 112 : index
          %get3A_525 = tpu.vector_load %arg5[%get3A_523, %get3A_524] {strides = array<i32>} : memref<224x224xf32, #tpu.memory_space<vmem>>, vector<1x16xf32>,
          %get3A_526 = vector.shape_cast %get3A_525 : vector<1x16xf32> to vector<16xf32>
          %add3A_527 = arith.constant 112 : i32
          %add3A_528 = arith.addi %scan3A_498, %add3A_527 : i32
          %swap3A_529 = arith.index_cast %add3A_528 : i32 to index
          %swap3A_530 = arith.constant 0 : index
          %swap3A_531 = tpu.vector_load %arg5[%swap3A_529, %swap3A_530] {strides = array<i32>} : memref<224x224xf32, #tpu.memory_space<vmem>>, vector<1x16xf32>,
          %swap3A_532 = vector.shape_cast %swap3A_531 : vector<1x16xf32> to vector<16xf32>
          %swap3A_533 = vector.shape_cast %get3A_526 : vector<16xf32> to vector<1x16xf32>
          tpu.vector_store %arg5[%swap3A_529, %swap3A_530], %swap3A_533 {strides = array<i32>} : memref<224x224xf32, #tpu.memory_space<vmem>>, vector<1x16xf32>,
          %add3A_534 = arith.constant 112 : i32
          %add3A_535 = arith.addi %scan3A_498, %add3A_534 : i32
          %swap3A_536 = arith.index_cast %add3A_535 : i32 to index
          %swap3A_537 = arith.constant 112 : index
          %swap3A_538 = tpu.vector_load %arg5[%swap3A_536, %swap3A_537] {strides = array<i32>} : memref<224x224xf32, #tpu.memory_space<vmem>>, vector<1x16xf32>,
          %swap3A_539 = vector.shape_cast %swap3A_538 : vector<1x16xf32> to vector<16xf32>
          %swap3A_540 = vector.shape_cast %get3A_501 : vector<16xf32> to vector<1x16xf32>
          tpu.vector_store %arg5[%swap3A_536, %swap3A_537], %swap3A_540 {strides = array<i32>} : memref<224x224xf32, #tpu.memory_space<vmem>>, vector<1x16xf32>,
          %get3A_541 = arith.index_cast %scan3A_498 : i32 to index
          %get3A_542 = arith.constant 16 : index
          %get3A_543 = tpu.vector_load %arg5[%get3A_541, %get3A_542] {strides = array<i32>} : memref<224x224xf32, #tpu.memory_space<vmem>>, vector<1x16xf32>,
          %get3A_544 = vector.shape_cast %get3A_543 : vector<1x16xf32> to vector<16xf32>
          %get3A_545 = arith.index_cast %scan3A_498 : i32 to index
          %get3A_546 = arith.constant 128 : index
          %get3A_547 = tpu.vector_load %arg5[%get3A_545, %get3A_546] {strides = array<i32>} : memref<224x224xf32, #tpu.memory_space<vmem>>, vector<1x16xf32>,
          %get3A_548 = vector.shape_cast %get3A_547 : vector<1x16xf32> to vector<16xf32>
          %swap3A_549 = arith.index_cast %scan3A_498 : i32 to index
          %swap3A_550 = arith.constant 16 : index
          %swap3A_551 = tpu.vector_load %arg5[%swap3A_549, %swap3A_550] {strides = array<i32>} : memref<224x224xf32, #tpu.memory_space<vmem>>, vector<1x16xf32>,
          %swap3A_552 = vector.shape_cast %swap3A_551 : vector<1x16xf32> to vector<16xf32>
          %swap3A_553 = vector.shape_cast %get3A_548 : vector<16xf32> to vector<1x16xf32>
          tpu.vector_store %arg5[%swap3A_549, %swap3A_550], %swap3A_553 {strides = array<i32>} : memref<224x224xf32, #tpu.memory_space<vmem>>, vector<1x16xf32>,
          %add3A_554 = arith.constant 112 : i32
          %add3A_555 = arith.addi %scan3A_498, %add3A_554 : i32
          %get3A_556 = arith.index_cast %add3A_555 : i32 to index
          %get3A_557 = arith.constant 16 : index
          %get3A_558 = tpu.vector_load %arg5[%get3A_556, %get3A_557] {strides = array<i32>} : memref<224x224xf32, #tpu.memory_space<vmem>>, vector<1x16xf32>,
          %get3A_559 = vector.shape_cast %get3A_558 : vector<1x16xf32> to vector<16xf32>
          %swap3A_560 = arith.index_cast %scan3A_498 : i32 to index
          %swap3A_561 = arith.constant 128 : index
          %swap3A_562 = tpu.vector_load %arg5[%swap3A_560, %swap3A_561] {strides = array<i32>} : memref<224x224xf32, #tpu.memory_space<vmem>>, vector<1x16xf32>,
          %swap3A_563 = vector.shape_cast %swap3A_562 : vector<1x16xf32> to vector<16xf32>
          %swap3A_564 = vector.shape_cast %get3A_559 : vector<16xf32> to vector<1x16xf32>
          tpu.vector_store %arg5[%swap3A_560, %swap3A_561], %swap3A_564 {strides = array<i32>} : memref<224x224xf32, #tpu.memory_space<vmem>>, vector<1x16xf32>,
          %add3A_565 = arith.constant 112 : i32
          %add3A_566 = arith.addi %scan3A_498, %add3A_565 : i32
          %get3A_567 = arith.index_cast %add3A_566 : i32 to index
          %get3A_568 = arith.constant 128 : index
          %get3A_569 = tpu.vector_load %arg5[%get3A_567, %get3A_568] {strides = array<i32>} : memref<224x224xf32, #tpu.memory_space<vmem>>, vector<1x16xf32>,
          %get3A_570 = vector.shape_cast %get3A_569 : vector<1x16xf32> to vector<16xf32>
          %add3A_571 = arith.constant 112 : i32
          %add3A_572 = arith.addi %scan3A_498, %add3A_571 : i32
          %swap3A_573 = arith.index_cast %add3A_572 : i32 to index
          %swap3A_574 = arith.constant 16 : index
          %swap3A_575 = tpu.vector_load %arg5[%swap3A_573, %swap3A_574] {strides = array<i32>} : memref<224x224xf32, #tpu.memory_space<vmem>>, vector<1x16xf32>,
          %swap3A_576 = vector.shape_cast %swap3A_575 : vector<1x16xf32> to vector<16xf32>
          %swap3A_577 = vector.shape_cast %get3A_570 : vector<16xf32> to vector<1x16xf32>
          tpu.vector_store %arg5[%swap3A_573, %swap3A_574], %swap3A_577 {strides = array<i32>} : memref<224x224xf32, #tpu.memory_space<vmem>>, vector<1x16xf32>,
          %add3A_578 = arith.constant 112 : i32
          %add3A_579 = arith.addi %scan3A_498, %add3A_578 : i32
          %swap3A_580 = arith.index_cast %add3A_579 : i32 to index
          %swap3A_581 = arith.constant 128 : index
          %swap3A_582 = tpu.vector_load %arg5[%swap3A_580, %swap3A_581] {strides = array<i32>} : memref<224x224xf32, #tpu.memory_space<vmem>>, vector<1x16xf32>,
          %swap3A_583 = vector.shape_cast %swap3A_582 : vector<1x16xf32> to vector<16xf32>
          %swap3A_584 = vector.shape_cast %get3A_544 : vector<16xf32> to vector<1x16xf32>
          tpu.vector_store %arg5[%swap3A_580, %swap3A_581], %swap3A_584 {strides = array<i32>} : memref<224x224xf32, #tpu.memory_space<vmem>>, vector<1x16xf32>,
          %get3A_585 = arith.index_cast %scan3A_498 : i32 to index
          %get3A_586 = arith.constant 32 : index
          %get3A_587 = tpu.vector_load %arg5[%get3A_585, %get3A_586] {strides = array<i32>} : memref<224x224xf32, #tpu.memory_space<vmem>>, vector<1x16xf32>,
          %get3A_588 = vector.shape_cast %get3A_587 : vector<1x16xf32> to vector<16xf32>
          %get3A_589 = arith.index_cast %scan3A_498 : i32 to index
          %get3A_590 = arith.constant 144 : index
          %get3A_591 = tpu.vector_load %arg5[%get3A_589, %get3A_590] {strides = array<i32>} : memref<224x224xf32, #tpu.memory_space<vmem>>, vector<1x16xf32>,
          %get3A_592 = vector.shape_cast %get3A_591 : vector<1x16xf32> to vector<16xf32>
          %swap3A_593 = arith.index_cast %scan3A_498 : i32 to index
          %swap3A_594 = arith.constant 32 : index
          %swap3A_595 = tpu.vector_load %arg5[%swap3A_593, %swap3A_594] {strides = array<i32>} : memref<224x224xf32, #tpu.memory_space<vmem>>, vector<1x16xf32>,
          %swap3A_596 = vector.shape_cast %swap3A_595 : vector<1x16xf32> to vector<16xf32>
          %swap3A_597 = vector.shape_cast %get3A_592 : vector<16xf32> to vector<1x16xf32>
          tpu.vector_store %arg5[%swap3A_593, %swap3A_594], %swap3A_597 {strides = array<i32>} : memref<224x224xf32, #tpu.memory_space<vmem>>, vector<1x16xf32>,
          %add3A_598 = arith.constant 112 : i32
          %add3A_599 = arith.addi %scan3A_498, %add3A_598 : i32
          %get3A_600 = arith.index_cast %add3A_599 : i32 to index
          %get3A_601 = arith.constant 32 : index
          %get3A_602 = tpu.vector_load %arg5[%get3A_600, %get3A_601] {strides = array<i32>} : memref<224x224xf32, #tpu.memory_space<vmem>>, vector<1x16xf32>,
          %get3A_603 = vector.shape_cast %get3A_602 : vector<1x16xf32> to vector<16xf32>
          %swap3A_604 = arith.index_cast %scan3A_498 : i32 to index
          %swap3A_605 = arith.constant 144 : index
          %swap3A_606 = tpu.vector_load %arg5[%swap3A_604, %swap3A_605] {strides = array<i32>} : memref<224x224xf32, #tpu.memory_space<vmem>>, vector<1x16xf32>,
          %swap3A_607 = vector.shape_cast %swap3A_606 : vector<1x16xf32> to vector<16xf32>
          %swap3A_608 = vector.shape_cast %get3A_603 : vector<16xf32> to vector<1x16xf32>
          tpu.vector_store %arg5[%swap3A_604, %swap3A_605], %swap3A_608 {strides = array<i32>} : memref<224x224xf32, #tpu.memory_space<vmem>>, vector<1x16xf32>,
          %add3A_609 = arith.constant 112 : i32
          %add3A_610 = arith.addi %scan3A_498, %add3A_609 : i32
          %get3A_611 = arith.index_cast %add3A_610 : i32 to index
          %get3A_612 = arith.constant 144 : index
          %get3A_613 = tpu.vector_load %arg5[%get3A_611, %get3A_612] {strides = array<i32>} : memref<224x224xf32, #tpu.memory_space<vmem>>, vector<1x16xf32>,
          %get3A_614 = vector.shape_cast %get3A_613 : vector<1x16xf32> to vector<16xf32>
          %add3A_615 = arith.constant 112 : i32
          %add3A_616 = arith.addi %scan3A_498, %add3A_615 : i32
          %swap3A_617 = arith.index_cast %add3A_616 : i32 to index
          %swap3A_618 = arith.constant 32 : index
          %swap3A_619 = tpu.vector_load %arg5[%swap3A_617, %swap3A_618] {strides = array<i32>} : memref<224x224xf32, #tpu.memory_space<vmem>>, vector<1x16xf32>,
          %swap3A_620 = vector.shape_cast %swap3A_619 : vector<1x16xf32> to vector<16xf32>
          %swap3A_621 = vector.shape_cast %get3A_614 : vector<16xf32> to vector<1x16xf32>
          tpu.vector_store %arg5[%swap3A_617, %swap3A_618], %swap3A_621 {strides = array<i32>} : memref<224x224xf32, #tpu.memory_space<vmem>>, vector<1x16xf32>,
          %add3A_622 = arith.constant 112 : i32
          %add3A_623 = arith.addi %scan3A_498, %add3A_622 : i32
          %swap3A_624 = arith.index_cast %add3A_623 : i32 to index
          %swap3A_625 = arith.constant 144 : index
          %swap3A_626 = tpu.vector_load %arg5[%swap3A_624, %swap3A_625] {strides = array<i32>} : memref<224x224xf32, #tpu.memory_space<vmem>>, vector<1x16xf32>,
          %swap3A_627 = vector.shape_cast %swap3A_626 : vector<1x16xf32> to vector<16xf32>
          %swap3A_628 = vector.shape_cast %get3A_588 : vector<16xf32> to vector<1x16xf32>
          tpu.vector_store %arg5[%swap3A_624, %swap3A_625], %swap3A_628 {strides = array<i32>} : memref<224x224xf32, #tpu.memory_space<vmem>>, vector<1x16xf32>,
          %get3A_629 = arith.index_cast %scan3A_498 : i32 to index
          %get3A_630 = arith.constant 48 : index
          %get3A_631 = tpu.vector_load %arg5[%get3A_629, %get3A_630] {strides = array<i32>} : memref<224x224xf32, #tpu.memory_space<vmem>>, vector<1x16xf32>,
          %get3A_632 = vector.shape_cast %get3A_631 : vector<1x16xf32> to vector<16xf32>
          %get3A_633 = arith.index_cast %scan3A_498 : i32 to index
          %get3A_634 = arith.constant 160 : index
          %get3A_635 = tpu.vector_load %arg5[%get3A_633, %get3A_634] {strides = array<i32>} : memref<224x224xf32, #tpu.memory_space<vmem>>, vector<1x16xf32>,
          %get3A_636 = vector.shape_cast %get3A_635 : vector<1x16xf32> to vector<16xf32>
          %swap3A_637 = arith.index_cast %scan3A_498 : i32 to index
          %swap3A_638 = arith.constant 48 : index
          %swap3A_639 = tpu.vector_load %arg5[%swap3A_637, %swap3A_638] {strides = array<i32>} : memref<224x224xf32, #tpu.memory_space<vmem>>, vector<1x16xf32>,
          %swap3A_640 = vector.shape_cast %swap3A_639 : vector<1x16xf32> to vector<16xf32>
          %swap3A_641 = vector.shape_cast %get3A_636 : vector<16xf32> to vector<1x16xf32>
          tpu.vector_store %arg5[%swap3A_637, %swap3A_638], %swap3A_641 {strides = array<i32>} : memref<224x224xf32, #tpu.memory_space<vmem>>, vector<1x16xf32>,
          %add3A_642 = arith.constant 112 : i32
          %add3A_643 = arith.addi %scan3A_498, %add3A_642 : i32
          %get3A_644 = arith.index_cast %add3A_643 : i32 to index
          %get3A_645 = arith.constant 48 : index
          %get3A_646 = tpu.vector_load %arg5[%get3A_644, %get3A_645] {strides = array<i32>} : memref<224x224xf32, #tpu.memory_space<vmem>>, vector<1x16xf32>,
          %get3A_647 = vector.shape_cast %get3A_646 : vector<1x16xf32> to vector<16xf32>
          %swap3A_648 = arith.index_cast %scan3A_498 : i32 to index
          %swap3A_649 = arith.constant 160 : index
          %swap3A_650 = tpu.vector_load %arg5[%swap3A_648, %swap3A_649] {strides = array<i32>} : memref<224x224xf32, #tpu.memory_space<vmem>>, vector<1x16xf32>,
          %swap3A_651 = vector.shape_cast %swap3A_650 : vector<1x16xf32> to vector<16xf32>
          %swap3A_652 = vector.shape_cast %get3A_647 : vector<16xf32> to vector<1x16xf32>
          tpu.vector_store %arg5[%swap3A_648, %swap3A_649], %swap3A_652 {strides = array<i32>} : memref<224x224xf32, #tpu.memory_space<vmem>>, vector<1x16xf32>,
          %add3A_653 = arith.constant 112 : i32
          %add3A_654 = arith.addi %scan3A_498, %add3A_653 : i32
          %get3A_655 = arith.index_cast %add3A_654 : i32 to index
          %get3A_656 = arith.constant 160 : index
          %get3A_657 = tpu.vector_load %arg5[%get3A_655, %get3A_656] {strides = array<i32>} : memref<224x224xf32, #tpu.memory_space<vmem>>, vector<1x16xf32>,
          %get3A_658 = vector.shape_cast %get3A_657 : vector<1x16xf32> to vector<16xf32>
          %add3A_659 = arith.constant 112 : i32
          %add3A_660 = arith.addi %scan3A_498, %add3A_659 : i32
          %swap3A_661 = arith.index_cast %add3A_660 : i32 to index
          %swap3A_662 = arith.constant 48 : index
          %swap3A_663 = tpu.vector_load %arg5[%swap3A_661, %swap3A_662] {strides = array<i32>} : memref<224x224xf32, #tpu.memory_space<vmem>>, vector<1x16xf32>,
          %swap3A_664 = vector.shape_cast %swap3A_663 : vector<1x16xf32> to vector<16xf32>
          %swap3A_665 = vector.shape_cast %get3A_658 : vector<16xf32> to vector<1x16xf32>
          tpu.vector_store %arg5[%swap3A_661, %swap3A_662], %swap3A_665 {strides = array<i32>} : memref<224x224xf32, #tpu.memory_space<vmem>>, vector<1x16xf32>,
          %add3A_666 = arith.constant 112 : i32
          %add3A_667 = arith.addi %scan3A_498, %add3A_666 : i32
          %swap3A_668 = arith.index_cast %add3A_667 : i32 to index
          %swap3A_669 = arith.constant 160 : index
          %swap3A_670 = tpu.vector_load %arg5[%swap3A_668, %swap3A_669] {strides = array<i32>} : memref<224x224xf32, #tpu.memory_space<vmem>>, vector<1x16xf32>,
          %swap3A_671 = vector.shape_cast %swap3A_670 : vector<1x16xf32> to vector<16xf32>
          %swap3A_672 = vector.shape_cast %get3A_632 : vector<16xf32> to vector<1x16xf32>
          tpu.vector_store %arg5[%swap3A_668, %swap3A_669], %swap3A_672 {strides = array<i32>} : memref<224x224xf32, #tpu.memory_space<vmem>>, vector<1x16xf32>,
          %get3A_673 = arith.index_cast %scan3A_498 : i32 to index
          %get3A_674 = arith.constant 64 : index
          %get3A_675 = tpu.vector_load %arg5[%get3A_673, %get3A_674] {strides = array<i32>} : memref<224x224xf32, #tpu.memory_space<vmem>>, vector<1x16xf32>,
          %get3A_676 = vector.shape_cast %get3A_675 : vector<1x16xf32> to vector<16xf32>
          %get3A_677 = arith.index_cast %scan3A_498 : i32 to index
          %get3A_678 = arith.constant 176 : index
          %get3A_679 = tpu.vector_load %arg5[%get3A_677, %get3A_678] {strides = array<i32>} : memref<224x224xf32, #tpu.memory_space<vmem>>, vector<1x16xf32>,
          %get3A_680 = vector.shape_cast %get3A_679 : vector<1x16xf32> to vector<16xf32>
          %swap3A_681 = arith.index_cast %scan3A_498 : i32 to index
          %swap3A_682 = arith.constant 64 : index
          %swap3A_683 = tpu.vector_load %arg5[%swap3A_681, %swap3A_682] {strides = array<i32>} : memref<224x224xf32, #tpu.memory_space<vmem>>, vector<1x16xf32>,
          %swap3A_684 = vector.shape_cast %swap3A_683 : vector<1x16xf32> to vector<16xf32>
          %swap3A_685 = vector.shape_cast %get3A_680 : vector<16xf32> to vector<1x16xf32>
          tpu.vector_store %arg5[%swap3A_681, %swap3A_682], %swap3A_685 {strides = array<i32>} : memref<224x224xf32, #tpu.memory_space<vmem>>, vector<1x16xf32>,
          %add3A_686 = arith.constant 112 : i32
          %add3A_687 = arith.addi %scan3A_498, %add3A_686 : i32
          %get3A_688 = arith.index_cast %add3A_687 : i32 to index
          %get3A_689 = arith.constant 64 : index
          %get3A_690 = tpu.vector_load %arg5[%get3A_688, %get3A_689] {strides = array<i32>} : memref<224x224xf32, #tpu.memory_space<vmem>>, vector<1x16xf32>,
          %get3A_691 = vector.shape_cast %get3A_690 : vector<1x16xf32> to vector<16xf32>
          %swap3A_692 = arith.index_cast %scan3A_498 : i32 to index
          %swap3A_693 = arith.constant 176 : index
          %swap3A_694 = tpu.vector_load %arg5[%swap3A_692, %swap3A_693] {strides = array<i32>} : memref<224x224xf32, #tpu.memory_space<vmem>>, vector<1x16xf32>,
          %swap3A_695 = vector.shape_cast %swap3A_694 : vector<1x16xf32> to vector<16xf32>
          %swap3A_696 = vector.shape_cast %get3A_691 : vector<16xf32> to vector<1x16xf32>
          tpu.vector_store %arg5[%swap3A_692, %swap3A_693], %swap3A_696 {strides = array<i32>} : memref<224x224xf32, #tpu.memory_space<vmem>>, vector<1x16xf32>,
          %add3A_697 = arith.constant 112 : i32
          %add3A_698 = arith.addi %scan3A_498, %add3A_697 : i32
          %get3A_699 = arith.index_cast %add3A_698 : i32 to index
          %get3A_700 = arith.constant 176 : index
          %get3A_701 = tpu.vector_load %arg5[%get3A_699, %get3A_700] {strides = array<i32>} : memref<224x224xf32, #tpu.memory_space<vmem>>, vector<1x16xf32>,
          %get3A_702 = vector.shape_cast %get3A_701 : vector<1x16xf32> to vector<16xf32>
          %add3A_703 = arith.constant 112 : i32
          %add3A_704 = arith.addi %scan3A_498, %add3A_703 : i32
          %swap3A_705 = arith.index_cast %add3A_704 : i32 to index
          %swap3A_706 = arith.constant 64 : index
          %swap3A_707 = tpu.vector_load %arg5[%swap3A_705, %swap3A_706] {strides = array<i32>} : memref<224x224xf32, #tpu.memory_space<vmem>>, vector<1x16xf32>,
          %swap3A_708 = vector.shape_cast %swap3A_707 : vector<1x16xf32> to vector<16xf32>
          %swap3A_709 = vector.shape_cast %get3A_702 : vector<16xf32> to vector<1x16xf32>
          tpu.vector_store %arg5[%swap3A_705, %swap3A_706], %swap3A_709 {strides = array<i32>} : memref<224x224xf32, #tpu.memory_space<vmem>>, vector<1x16xf32>,
          %add3A_710 = arith.constant 112 : i32
          %add3A_711 = arith.addi %scan3A_498, %add3A_710 : i32
          %swap3A_712 = arith.index_cast %add3A_711 : i32 to index
          %swap3A_713 = arith.constant 176 : index
          %swap3A_714 = tpu.vector_load %arg5[%swap3A_712, %swap3A_713] {strides = array<i32>} : memref<224x224xf32, #tpu.memory_space<vmem>>, vector<1x16xf32>,
          %swap3A_715 = vector.shape_cast %swap3A_714 : vector<1x16xf32> to vector<16xf32>
          %swap3A_716 = vector.shape_cast %get3A_676 : vector<16xf32> to vector<1x16xf32>
          tpu.vector_store %arg5[%swap3A_712, %swap3A_713], %swap3A_716 {strides = array<i32>} : memref<224x224xf32, #tpu.memory_space<vmem>>, vector<1x16xf32>,
          %get3A_717 = arith.index_cast %scan3A_498 : i32 to index
          %get3A_718 = arith.constant 80 : index
          %get3A_719 = tpu.vector_load %arg5[%get3A_717, %get3A_718] {strides = array<i32>} : memref<224x224xf32, #tpu.memory_space<vmem>>, vector<1x16xf32>,
          %get3A_720 = vector.shape_cast %get3A_719 : vector<1x16xf32> to vector<16xf32>
          %get3A_721 = arith.index_cast %scan3A_498 : i32 to index
          %get3A_722 = arith.constant 192 : index
          %get3A_723 = tpu.vector_load %arg5[%get3A_721, %get3A_722] {strides = array<i32>} : memref<224x224xf32, #tpu.memory_space<vmem>>, vector<1x16xf32>,
          %get3A_724 = vector.shape_cast %get3A_723 : vector<1x16xf32> to vector<16xf32>
          %swap3A_725 = arith.index_cast %scan3A_498 : i32 to index
          %swap3A_726 = arith.constant 80 : index
          %swap3A_727 = tpu.vector_load %arg5[%swap3A_725, %swap3A_726] {strides = array<i32>} : memref<224x224xf32, #tpu.memory_space<vmem>>, vector<1x16xf32>,
          %swap3A_728 = vector.shape_cast %swap3A_727 : vector<1x16xf32> to vector<16xf32>
          %swap3A_729 = vector.shape_cast %get3A_724 : vector<16xf32> to vector<1x16xf32>
          tpu.vector_store %arg5[%swap3A_725, %swap3A_726], %swap3A_729 {strides = array<i32>} : memref<224x224xf32, #tpu.memory_space<vmem>>, vector<1x16xf32>,
          %add3A_730 = arith.constant 112 : i32
          %add3A_731 = arith.addi %scan3A_498, %add3A_730 : i32
          %get3A_732 = arith.index_cast %add3A_731 : i32 to index
          %get3A_733 = arith.constant 80 : index
          %get3A_734 = tpu.vector_load %arg5[%get3A_732, %get3A_733] {strides = array<i32>} : memref<224x224xf32, #tpu.memory_space<vmem>>, vector<1x16xf32>,
          %get3A_735 = vector.shape_cast %get3A_734 : vector<1x16xf32> to vector<16xf32>
          %swap3A_736 = arith.index_cast %scan3A_498 : i32 to index
          %swap3A_737 = arith.constant 192 : index
          %swap3A_738 = tpu.vector_load %arg5[%swap3A_736, %swap3A_737] {strides = array<i32>} : memref<224x224xf32, #tpu.memory_space<vmem>>, vector<1x16xf32>,
          %swap3A_739 = vector.shape_cast %swap3A_738 : vector<1x16xf32> to vector<16xf32>
          %swap3A_740 = vector.shape_cast %get3A_735 : vector<16xf32> to vector<1x16xf32>
          tpu.vector_store %arg5[%swap3A_736, %swap3A_737], %swap3A_740 {strides = array<i32>} : memref<224x224xf32, #tpu.memory_space<vmem>>, vector<1x16xf32>,
          %add3A_741 = arith.constant 112 : i32
          %add3A_742 = arith.addi %scan3A_498, %add3A_741 : i32
          %get3A_743 = arith.index_cast %add3A_742 : i32 to index
          %get3A_744 = arith.constant 192 : index
          %get3A_745 = tpu.vector_load %arg5[%get3A_743, %get3A_744] {strides = array<i32>} : memref<224x224xf32, #tpu.memory_space<vmem>>, vector<1x16xf32>,
          %get3A_746 = vector.shape_cast %get3A_745 : vector<1x16xf32> to vector<16xf32>
          %add3A_747 = arith.constant 112 : i32
          %add3A_748 = arith.addi %scan3A_498, %add3A_747 : i32
          %swap3A_749 = arith.index_cast %add3A_748 : i32 to index
          %swap3A_750 = arith.constant 80 : index
          %swap3A_751 = tpu.vector_load %arg5[%swap3A_749, %swap3A_750] {strides = array<i32>} : memref<224x224xf32, #tpu.memory_space<vmem>>, vector<1x16xf32>,
          %swap3A_752 = vector.shape_cast %swap3A_751 : vector<1x16xf32> to vector<16xf32>
          %swap3A_753 = vector.shape_cast %get3A_746 : vector<16xf32> to vector<1x16xf32>
          tpu.vector_store %arg5[%swap3A_749, %swap3A_750], %swap3A_753 {strides = array<i32>} : memref<224x224xf32, #tpu.memory_space<vmem>>, vector<1x16xf32>,
          %add3A_754 = arith.constant 112 : i32
          %add3A_755 = arith.addi %scan3A_498, %add3A_754 : i32
          %swap3A_756 = arith.index_cast %add3A_755 : i32 to index
          %swap3A_757 = arith.constant 192 : index
          %swap3A_758 = tpu.vector_load %arg5[%swap3A_756, %swap3A_757] {strides = array<i32>} : memref<224x224xf32, #tpu.memory_space<vmem>>, vector<1x16xf32>,
          %swap3A_759 = vector.shape_cast %swap3A_758 : vector<1x16xf32> to vector<16xf32>
          %swap3A_760 = vector.shape_cast %get3A_720 : vector<16xf32> to vector<1x16xf32>
          tpu.vector_store %arg5[%swap3A_756, %swap3A_757], %swap3A_760 {strides = array<i32>} : memref<224x224xf32, #tpu.memory_space<vmem>>, vector<1x16xf32>,
          %get3A_761 = arith.index_cast %scan3A_498 : i32 to index
          %get3A_762 = arith.constant 96 : index
          %get3A_763 = tpu.vector_load %arg5[%get3A_761, %get3A_762] {strides = array<i32>} : memref<224x224xf32, #tpu.memory_space<vmem>>, vector<1x16xf32>,
          %get3A_764 = vector.shape_cast %get3A_763 : vector<1x16xf32> to vector<16xf32>
          %get3A_765 = arith.index_cast %scan3A_498 : i32 to index
          %get3A_766 = arith.constant 208 : index
          %get3A_767 = tpu.vector_load %arg5[%get3A_765, %get3A_766] {strides = array<i32>} : memref<224x224xf32, #tpu.memory_space<vmem>>, vector<1x16xf32>,
          %get3A_768 = vector.shape_cast %get3A_767 : vector<1x16xf32> to vector<16xf32>
          %swap3A_769 = arith.index_cast %scan3A_498 : i32 to index
          %swap3A_770 = arith.constant 96 : index
          %swap3A_771 = tpu.vector_load %arg5[%swap3A_769, %swap3A_770] {strides = array<i32>} : memref<224x224xf32, #tpu.memory_space<vmem>>, vector<1x16xf32>,
          %swap3A_772 = vector.shape_cast %swap3A_771 : vector<1x16xf32> to vector<16xf32>
          %swap3A_773 = vector.shape_cast %get3A_768 : vector<16xf32> to vector<1x16xf32>
          tpu.vector_store %arg5[%swap3A_769, %swap3A_770], %swap3A_773 {strides = array<i32>} : memref<224x224xf32, #tpu.memory_space<vmem>>, vector<1x16xf32>,
          %add3A_774 = arith.constant 112 : i32
          %add3A_775 = arith.addi %scan3A_498, %add3A_774 : i32
          %get3A_776 = arith.index_cast %add3A_775 : i32 to index
          %get3A_777 = arith.constant 96 : index
          %get3A_778 = tpu.vector_load %arg5[%get3A_776, %get3A_777] {strides = array<i32>} : memref<224x224xf32, #tpu.memory_space<vmem>>, vector<1x16xf32>,
          %get3A_779 = vector.shape_cast %get3A_778 : vector<1x16xf32> to vector<16xf32>
          %swap3A_780 = arith.index_cast %scan3A_498 : i32 to index
          %swap3A_781 = arith.constant 208 : index
          %swap3A_782 = tpu.vector_load %arg5[%swap3A_780, %swap3A_781] {strides = array<i32>} : memref<224x224xf32, #tpu.memory_space<vmem>>, vector<1x16xf32>,
          %swap3A_783 = vector.shape_cast %swap3A_782 : vector<1x16xf32> to vector<16xf32>
          %swap3A_784 = vector.shape_cast %get3A_779 : vector<16xf32> to vector<1x16xf32>
          tpu.vector_store %arg5[%swap3A_780, %swap3A_781], %swap3A_784 {strides = array<i32>} : memref<224x224xf32, #tpu.memory_space<vmem>>, vector<1x16xf32>,
          %add3A_785 = arith.constant 112 : i32
          %add3A_786 = arith.addi %scan3A_498, %add3A_785 : i32
          %get3A_787 = arith.index_cast %add3A_786 : i32 to index
          %get3A_788 = arith.constant 208 : index
          %get3A_789 = tpu.vector_load %arg5[%get3A_787, %get3A_788] {strides = array<i32>} : memref<224x224xf32, #tpu.memory_space<vmem>>, vector<1x16xf32>,
          %get3A_790 = vector.shape_cast %get3A_789 : vector<1x16xf32> to vector<16xf32>
          %add3A_791 = arith.constant 112 : i32
          %add3A_792 = arith.addi %scan3A_498, %add3A_791 : i32
          %swap3A_793 = arith.index_cast %add3A_792 : i32 to index
          %swap3A_794 = arith.constant 96 : index
          %swap3A_795 = tpu.vector_load %arg5[%swap3A_793, %swap3A_794] {strides = array<i32>} : memref<224x224xf32, #tpu.memory_space<vmem>>, vector<1x16xf32>,
          %swap3A_796 = vector.shape_cast %swap3A_795 : vector<1x16xf32> to vector<16xf32>
          %swap3A_797 = vector.shape_cast %get3A_790 : vector<16xf32> to vector<1x16xf32>
          tpu.vector_store %arg5[%swap3A_793, %swap3A_794], %swap3A_797 {strides = array<i32>} : memref<224x224xf32, #tpu.memory_space<vmem>>, vector<1x16xf32>,
          %add3A_798 = arith.constant 112 : i32
          %add3A_799 = arith.addi %scan3A_498, %add3A_798 : i32
          %swap3A_800 = arith.index_cast %add3A_799 : i32 to index
          %swap3A_801 = arith.constant 208 : index
          %swap3A_802 = tpu.vector_load %arg5[%swap3A_800, %swap3A_801] {strides = array<i32>} : memref<224x224xf32, #tpu.memory_space<vmem>>, vector<1x16xf32>,
          %swap3A_803 = vector.shape_cast %swap3A_802 : vector<1x16xf32> to vector<16xf32>
          %swap3A_804 = vector.shape_cast %get3A_764 : vector<16xf32> to vector<1x16xf32>
          tpu.vector_store %arg5[%swap3A_800, %swap3A_801], %swap3A_804 {strides = array<i32>} : memref<224x224xf32, #tpu.memory_space<vmem>>, vector<1x16xf32>,
        }
        %scan3A_497 = arith.constant 112 : i32
      } else {
      }
      %eq3A_469 = arith.constant 2 : i32
      %eq3A_470 = arith.cmpi eq, %select_n3A_463, %eq3A_469 : i32
      %convert_element_type3A_471 = arith.extui %eq3A_470 : i1 to i32
      %cond3A_472 = arith.constant 0 : i32
      %cond3A_473 = arith.cmpi ne, %convert_element_type3A_471, %cond3A_472 : i32
      scf.if %cond3A_473 {
        %scan3A_492 = arith.constant 0 : i32
        %scan3A_493 = arith.constant 0 : i32
        %scan3A_494 = arith.constant 112 : i32
        %scan3A_495 = arith.addi %scan3A_493, %scan3A_494 : i32
        %scan3A_496 = arith.constant 1 : i32
        scf.for %scan3A_498 = %scan3A_493 to %scan3A_495 step %scan3A_496  : i32 {
          %get3A = arith.index_cast %scan3A_498 : i32 to index
          %get3A_499 = arith.constant 0 : index
          %get3A_500 = tpu.vector_load %arg5[%get3A, %get3A_499] {strides = array<i32>} : memref<224x224xf32, #tpu.memory_space<vmem>>, vector<1x16xf32>,
          %get3A_501 = vector.shape_cast %get3A_500 : vector<1x16xf32> to vector<16xf32>
          %add3A_502 = arith.constant 112 : i32
          %add3A_503 = arith.addi %scan3A_498, %add3A_502 : i32
          %get3A_504 = arith.index_cast %add3A_503 : i32 to index
          %get3A_505 = arith.constant 0 : index
          %get3A_506 = tpu.vector_load %arg5[%get3A_504, %get3A_505] {strides = array<i32>} : memref<224x224xf32, #tpu.memory_space<vmem>>, vector<1x16xf32>,
          %get3A_507 = vector.shape_cast %get3A_506 : vector<1x16xf32> to vector<16xf32>
          %swap3A = arith.index_cast %scan3A_498 : i32 to index
          %swap3A_508 = arith.constant 0 : index
          %swap3A_509 = tpu.vector_load %arg5[%swap3A, %swap3A_508] {strides = array<i32>} : memref<224x224xf32, #tpu.memory_space<vmem>>, vector<1x16xf32>,
          %swap3A_510 = vector.shape_cast %swap3A_509 : vector<1x16xf32> to vector<16xf32>
          %swap3A_511 = vector.shape_cast %get3A_507 : vector<16xf32> to vector<1x16xf32>
          tpu.vector_store %arg5[%swap3A, %swap3A_508], %swap3A_511 {strides = array<i32>} : memref<224x224xf32, #tpu.memory_space<vmem>>, vector<1x16xf32>,
          %add3A_512 = arith.constant 112 : i32
          %add3A_513 = arith.addi %scan3A_498, %add3A_512 : i32
          %swap3A_514 = arith.index_cast %add3A_513 : i32 to index
          %swap3A_515 = arith.constant 0 : index
          %swap3A_516 = tpu.vector_load %arg5[%swap3A_514, %swap3A_515] {strides = array<i32>} : memref<224x224xf32, #tpu.memory_space<vmem>>, vector<1x16xf32>,
          %swap3A_517 = vector.shape_cast %swap3A_516 : vector<1x16xf32> to vector<16xf32>
          %swap3A_518 = vector.shape_cast %get3A_501 : vector<16xf32> to vector<1x16xf32>
          tpu.vector_store %arg5[%swap3A_514, %swap3A_515], %swap3A_518 {strides = array<i32>} : memref<224x224xf32, #tpu.memory_space<vmem>>, vector<1x16xf32>,
          %get3A_519 = arith.index_cast %scan3A_498 : i32 to index
          %get3A_520 = arith.constant 16 : index
          %get3A_521 = tpu.vector_load %arg5[%get3A_519, %get3A_520] {strides = array<i32>} : memref<224x224xf32, #tpu.memory_space<vmem>>, vector<1x16xf32>,
          %get3A_522 = vector.shape_cast %get3A_521 : vector<1x16xf32> to vector<16xf32>
          %add3A_523 = arith.constant 112 : i32
          %add3A_524 = arith.addi %scan3A_498, %add3A_523 : i32
          %get3A_525 = arith.index_cast %add3A_524 : i32 to index
          %get3A_526 = arith.constant 16 : index
          %get3A_527 = tpu.vector_load %arg5[%get3A_525, %get3A_526] {strides = array<i32>} : memref<224x224xf32, #tpu.memory_space<vmem>>, vector<1x16xf32>,
          %get3A_528 = vector.shape_cast %get3A_527 : vector<1x16xf32> to vector<16xf32>
          %swap3A_529 = arith.index_cast %scan3A_498 : i32 to index
          %swap3A_530 = arith.constant 16 : index
          %swap3A_531 = tpu.vector_load %arg5[%swap3A_529, %swap3A_530] {strides = array<i32>} : memref<224x224xf32, #tpu.memory_space<vmem>>, vector<1x16xf32>,
          %swap3A_532 = vector.shape_cast %swap3A_531 : vector<1x16xf32> to vector<16xf32>
          %swap3A_533 = vector.shape_cast %get3A_528 : vector<16xf32> to vector<1x16xf32>
          tpu.vector_store %arg5[%swap3A_529, %swap3A_530], %swap3A_533 {strides = array<i32>} : memref<224x224xf32, #tpu.memory_space<vmem>>, vector<1x16xf32>,
          %add3A_534 = arith.constant 112 : i32
          %add3A_535 = arith.addi %scan3A_498, %add3A_534 : i32
          %swap3A_536 = arith.index_cast %add3A_535 : i32 to index
          %swap3A_537 = arith.constant 16 : index
          %swap3A_538 = tpu.vector_load %arg5[%swap3A_536, %swap3A_537] {strides = array<i32>} : memref<224x224xf32, #tpu.memory_space<vmem>>, vector<1x16xf32>,
          %swap3A_539 = vector.shape_cast %swap3A_538 : vector<1x16xf32> to vector<16xf32>
          %swap3A_540 = vector.shape_cast %get3A_522 : vector<16xf32> to vector<1x16xf32>
          tpu.vector_store %arg5[%swap3A_536, %swap3A_537], %swap3A_540 {strides = array<i32>} : memref<224x224xf32, #tpu.memory_space<vmem>>, vector<1x16xf32>,
          %get3A_541 = arith.index_cast %scan3A_498 : i32 to index
          %get3A_542 = arith.constant 32 : index
          %get3A_543 = tpu.vector_load %arg5[%get3A_541, %get3A_542] {strides = array<i32>} : memref<224x224xf32, #tpu.memory_space<vmem>>, vector<1x16xf32>,
          %get3A_544 = vector.shape_cast %get3A_543 : vector<1x16xf32> to vector<16xf32>
          %add3A_545 = arith.constant 112 : i32
          %add3A_546 = arith.addi %scan3A_498, %add3A_545 : i32
          %get3A_547 = arith.index_cast %add3A_546 : i32 to index
          %get3A_548 = arith.constant 32 : index
          %get3A_549 = tpu.vector_load %arg5[%get3A_547, %get3A_548] {strides = array<i32>} : memref<224x224xf32, #tpu.memory_space<vmem>>, vector<1x16xf32>,
          %get3A_550 = vector.shape_cast %get3A_549 : vector<1x16xf32> to vector<16xf32>
          %swap3A_551 = arith.index_cast %scan3A_498 : i32 to index
          %swap3A_552 = arith.constant 32 : index
          %swap3A_553 = tpu.vector_load %arg5[%swap3A_551, %swap3A_552] {strides = array<i32>} : memref<224x224xf32, #tpu.memory_space<vmem>>, vector<1x16xf32>,
          %swap3A_554 = vector.shape_cast %swap3A_553 : vector<1x16xf32> to vector<16xf32>
          %swap3A_555 = vector.shape_cast %get3A_550 : vector<16xf32> to vector<1x16xf32>
          tpu.vector_store %arg5[%swap3A_551, %swap3A_552], %swap3A_555 {strides = array<i32>} : memref<224x224xf32, #tpu.memory_space<vmem>>, vector<1x16xf32>,
          %add3A_556 = arith.constant 112 : i32
          %add3A_557 = arith.addi %scan3A_498, %add3A_556 : i32
          %swap3A_558 = arith.index_cast %add3A_557 : i32 to index
          %swap3A_559 = arith.constant 32 : index
          %swap3A_560 = tpu.vector_load %arg5[%swap3A_558, %swap3A_559] {strides = array<i32>} : memref<224x224xf32, #tpu.memory_space<vmem>>, vector<1x16xf32>,
          %swap3A_561 = vector.shape_cast %swap3A_560 : vector<1x16xf32> to vector<16xf32>
          %swap3A_562 = vector.shape_cast %get3A_544 : vector<16xf32> to vector<1x16xf32>
          tpu.vector_store %arg5[%swap3A_558, %swap3A_559], %swap3A_562 {strides = array<i32>} : memref<224x224xf32, #tpu.memory_space<vmem>>, vector<1x16xf32>,
          %get3A_563 = arith.index_cast %scan3A_498 : i32 to index
          %get3A_564 = arith.constant 48 : index
          %get3A_565 = tpu.vector_load %arg5[%get3A_563, %get3A_564] {strides = array<i32>} : memref<224x224xf32, #tpu.memory_space<vmem>>, vector<1x16xf32>,
          %get3A_566 = vector.shape_cast %get3A_565 : vector<1x16xf32> to vector<16xf32>
          %add3A_567 = arith.constant 112 : i32
          %add3A_568 = arith.addi %scan3A_498, %add3A_567 : i32
          %get3A_569 = arith.index_cast %add3A_568 : i32 to index
          %get3A_570 = arith.constant 48 : index
          %get3A_571 = tpu.vector_load %arg5[%get3A_569, %get3A_570] {strides = array<i32>} : memref<224x224xf32, #tpu.memory_space<vmem>>, vector<1x16xf32>,
          %get3A_572 = vector.shape_cast %get3A_571 : vector<1x16xf32> to vector<16xf32>
          %swap3A_573 = arith.index_cast %scan3A_498 : i32 to index
          %swap3A_574 = arith.constant 48 : index
          %swap3A_575 = tpu.vector_load %arg5[%swap3A_573, %swap3A_574] {strides = array<i32>} : memref<224x224xf32, #tpu.memory_space<vmem>>, vector<1x16xf32>,
          %swap3A_576 = vector.shape_cast %swap3A_575 : vector<1x16xf32> to vector<16xf32>
          %swap3A_577 = vector.shape_cast %get3A_572 : vector<16xf32> to vector<1x16xf32>
          tpu.vector_store %arg5[%swap3A_573, %swap3A_574], %swap3A_577 {strides = array<i32>} : memref<224x224xf32, #tpu.memory_space<vmem>>, vector<1x16xf32>,
          %add3A_578 = arith.constant 112 : i32
          %add3A_579 = arith.addi %scan3A_498, %add3A_578 : i32
          %swap3A_580 = arith.index_cast %add3A_579 : i32 to index
          %swap3A_581 = arith.constant 48 : index
          %swap3A_582 = tpu.vector_load %arg5[%swap3A_580, %swap3A_581] {strides = array<i32>} : memref<224x224xf32, #tpu.memory_space<vmem>>, vector<1x16xf32>,
          %swap3A_583 = vector.shape_cast %swap3A_582 : vector<1x16xf32> to vector<16xf32>
          %swap3A_584 = vector.shape_cast %get3A_566 : vector<16xf32> to vector<1x16xf32>
          tpu.vector_store %arg5[%swap3A_580, %swap3A_581], %swap3A_584 {strides = array<i32>} : memref<224x224xf32, #tpu.memory_space<vmem>>, vector<1x16xf32>,
          %get3A_585 = arith.index_cast %scan3A_498 : i32 to index
          %get3A_586 = arith.constant 64 : index
          %get3A_587 = tpu.vector_load %arg5[%get3A_585, %get3A_586] {strides = array<i32>} : memref<224x224xf32, #tpu.memory_space<vmem>>, vector<1x16xf32>,
          %get3A_588 = vector.shape_cast %get3A_587 : vector<1x16xf32> to vector<16xf32>
          %add3A_589 = arith.constant 112 : i32
          %add3A_590 = arith.addi %scan3A_498, %add3A_589 : i32
          %get3A_591 = arith.index_cast %add3A_590 : i32 to index
          %get3A_592 = arith.constant 64 : index
          %get3A_593 = tpu.vector_load %arg5[%get3A_591, %get3A_592] {strides = array<i32>} : memref<224x224xf32, #tpu.memory_space<vmem>>, vector<1x16xf32>,
          %get3A_594 = vector.shape_cast %get3A_593 : vector<1x16xf32> to vector<16xf32>
          %swap3A_595 = arith.index_cast %scan3A_498 : i32 to index
          %swap3A_596 = arith.constant 64 : index
          %swap3A_597 = tpu.vector_load %arg5[%swap3A_595, %swap3A_596] {strides = array<i32>} : memref<224x224xf32, #tpu.memory_space<vmem>>, vector<1x16xf32>,
          %swap3A_598 = vector.shape_cast %swap3A_597 : vector<1x16xf32> to vector<16xf32>
          %swap3A_599 = vector.shape_cast %get3A_594 : vector<16xf32> to vector<1x16xf32>
          tpu.vector_store %arg5[%swap3A_595, %swap3A_596], %swap3A_599 {strides = array<i32>} : memref<224x224xf32, #tpu.memory_space<vmem>>, vector<1x16xf32>,
          %add3A_600 = arith.constant 112 : i32
          %add3A_601 = arith.addi %scan3A_498, %add3A_600 : i32
          %swap3A_602 = arith.index_cast %add3A_601 : i32 to index
          %swap3A_603 = arith.constant 64 : index
          %swap3A_604 = tpu.vector_load %arg5[%swap3A_602, %swap3A_603] {strides = array<i32>} : memref<224x224xf32, #tpu.memory_space<vmem>>, vector<1x16xf32>,
          %swap3A_605 = vector.shape_cast %swap3A_604 : vector<1x16xf32> to vector<16xf32>
          %swap3A_606 = vector.shape_cast %get3A_588 : vector<16xf32> to vector<1x16xf32>
          tpu.vector_store %arg5[%swap3A_602, %swap3A_603], %swap3A_606 {strides = array<i32>} : memref<224x224xf32, #tpu.memory_space<vmem>>, vector<1x16xf32>,
          %get3A_607 = arith.index_cast %scan3A_498 : i32 to index
          %get3A_608 = arith.constant 80 : index
          %get3A_609 = tpu.vector_load %arg5[%get3A_607, %get3A_608] {strides = array<i32>} : memref<224x224xf32, #tpu.memory_space<vmem>>, vector<1x16xf32>,
          %get3A_610 = vector.shape_cast %get3A_609 : vector<1x16xf32> to vector<16xf32>
          %add3A_611 = arith.constant 112 : i32
          %add3A_612 = arith.addi %scan3A_498, %add3A_611 : i32
          %get3A_613 = arith.index_cast %add3A_612 : i32 to index
          %get3A_614 = arith.constant 80 : index
          %get3A_615 = tpu.vector_load %arg5[%get3A_613, %get3A_614] {strides = array<i32>} : memref<224x224xf32, #tpu.memory_space<vmem>>, vector<1x16xf32>,
          %get3A_616 = vector.shape_cast %get3A_615 : vector<1x16xf32> to vector<16xf32>
          %swap3A_617 = arith.index_cast %scan3A_498 : i32 to index
          %swap3A_618 = arith.constant 80 : index
          %swap3A_619 = tpu.vector_load %arg5[%swap3A_617, %swap3A_618] {strides = array<i32>} : memref<224x224xf32, #tpu.memory_space<vmem>>, vector<1x16xf32>,
          %swap3A_620 = vector.shape_cast %swap3A_619 : vector<1x16xf32> to vector<16xf32>
          %swap3A_621 = vector.shape_cast %get3A_616 : vector<16xf32> to vector<1x16xf32>
          tpu.vector_store %arg5[%swap3A_617, %swap3A_618], %swap3A_621 {strides = array<i32>} : memref<224x224xf32, #tpu.memory_space<vmem>>, vector<1x16xf32>,
          %add3A_622 = arith.constant 112 : i32
          %add3A_623 = arith.addi %scan3A_498, %add3A_622 : i32
          %swap3A_624 = arith.index_cast %add3A_623 : i32 to index
          %swap3A_625 = arith.constant 80 : index
          %swap3A_626 = tpu.vector_load %arg5[%swap3A_624, %swap3A_625] {strides = array<i32>} : memref<224x224xf32, #tpu.memory_space<vmem>>, vector<1x16xf32>,
          %swap3A_627 = vector.shape_cast %swap3A_626 : vector<1x16xf32> to vector<16xf32>
          %swap3A_628 = vector.shape_cast %get3A_610 : vector<16xf32> to vector<1x16xf32>
          tpu.vector_store %arg5[%swap3A_624, %swap3A_625], %swap3A_628 {strides = array<i32>} : memref<224x224xf32, #tpu.memory_space<vmem>>, vector<1x16xf32>,
          %get3A_629 = arith.index_cast %scan3A_498 : i32 to index
          %get3A_630 = arith.constant 96 : index
          %get3A_631 = tpu.vector_load %arg5[%get3A_629, %get3A_630] {strides = array<i32>} : memref<224x224xf32, #tpu.memory_space<vmem>>, vector<1x16xf32>,
          %get3A_632 = vector.shape_cast %get3A_631 : vector<1x16xf32> to vector<16xf32>
          %add3A_633 = arith.constant 112 : i32
          %add3A_634 = arith.addi %scan3A_498, %add3A_633 : i32
          %get3A_635 = arith.index_cast %add3A_634 : i32 to index
          %get3A_636 = arith.constant 96 : index
          %get3A_637 = tpu.vector_load %arg5[%get3A_635, %get3A_636] {strides = array<i32>} : memref<224x224xf32, #tpu.memory_space<vmem>>, vector<1x16xf32>,
          %get3A_638 = vector.shape_cast %get3A_637 : vector<1x16xf32> to vector<16xf32>
          %swap3A_639 = arith.index_cast %scan3A_498 : i32 to index
          %swap3A_640 = arith.constant 96 : index
          %swap3A_641 = tpu.vector_load %arg5[%swap3A_639, %swap3A_640] {strides = array<i32>} : memref<224x224xf32, #tpu.memory_space<vmem>>, vector<1x16xf32>,
          %swap3A_642 = vector.shape_cast %swap3A_641 : vector<1x16xf32> to vector<16xf32>
          %swap3A_643 = vector.shape_cast %get3A_638 : vector<16xf32> to vector<1x16xf32>
          tpu.vector_store %arg5[%swap3A_639, %swap3A_640], %swap3A_643 {strides = array<i32>} : memref<224x224xf32, #tpu.memory_space<vmem>>, vector<1x16xf32>,
          %add3A_644 = arith.constant 112 : i32
          %add3A_645 = arith.addi %scan3A_498, %add3A_644 : i32
          %swap3A_646 = arith.index_cast %add3A_645 : i32 to index
          %swap3A_647 = arith.constant 96 : index
          %swap3A_648 = tpu.vector_load %arg5[%swap3A_646, %swap3A_647] {strides = array<i32>} : memref<224x224xf32, #tpu.memory_space<vmem>>, vector<1x16xf32>,
          %swap3A_649 = vector.shape_cast %swap3A_648 : vector<1x16xf32> to vector<16xf32>
          %swap3A_650 = vector.shape_cast %get3A_632 : vector<16xf32> to vector<1x16xf32>
          tpu.vector_store %arg5[%swap3A_646, %swap3A_647], %swap3A_650 {strides = array<i32>} : memref<224x224xf32, #tpu.memory_space<vmem>>, vector<1x16xf32>,
          %get3A_651 = arith.index_cast %scan3A_498 : i32 to index
          %get3A_652 = arith.constant 112 : index
          %get3A_653 = tpu.vector_load %arg5[%get3A_651, %get3A_652] {strides = array<i32>} : memref<224x224xf32, #tpu.memory_space<vmem>>, vector<1x16xf32>,
          %get3A_654 = vector.shape_cast %get3A_653 : vector<1x16xf32> to vector<16xf32>
          %add3A_655 = arith.constant 112 : i32
          %add3A_656 = arith.addi %scan3A_498, %add3A_655 : i32
          %get3A_657 = arith.index_cast %add3A_656 : i32 to index
          %get3A_658 = arith.constant 112 : index
          %get3A_659 = tpu.vector_load %arg5[%get3A_657, %get3A_658] {strides = array<i32>} : memref<224x224xf32, #tpu.memory_space<vmem>>, vector<1x16xf32>,
          %get3A_660 = vector.shape_cast %get3A_659 : vector<1x16xf32> to vector<16xf32>
          %swap3A_661 = arith.index_cast %scan3A_498 : i32 to index
          %swap3A_662 = arith.constant 112 : index
          %swap3A_663 = tpu.vector_load %arg5[%swap3A_661, %swap3A_662] {strides = array<i32>} : memref<224x224xf32, #tpu.memory_space<vmem>>, vector<1x16xf32>,
          %swap3A_664 = vector.shape_cast %swap3A_663 : vector<1x16xf32> to vector<16xf32>
          %swap3A_665 = vector.shape_cast %get3A_660 : vector<16xf32> to vector<1x16xf32>
          tpu.vector_store %arg5[%swap3A_661, %swap3A_662], %swap3A_665 {strides = array<i32>} : memref<224x224xf32, #tpu.memory_space<vmem>>, vector<1x16xf32>,
          %add3A_666 = arith.constant 112 : i32
          %add3A_667 = arith.addi %scan3A_498, %add3A_666 : i32
          %swap3A_668 = arith.index_cast %add3A_667 : i32 to index
          %swap3A_669 = arith.constant 112 : index
          %swap3A_670 = tpu.vector_load %arg5[%swap3A_668, %swap3A_669] {strides = array<i32>} : memref<224x224xf32, #tpu.memory_space<vmem>>, vector<1x16xf32>,
          %swap3A_671 = vector.shape_cast %swap3A_670 : vector<1x16xf32> to vector<16xf32>
          %swap3A_672 = vector.shape_cast %get3A_654 : vector<16xf32> to vector<1x16xf32>
          tpu.vector_store %arg5[%swap3A_668, %swap3A_669], %swap3A_672 {strides = array<i32>} : memref<224x224xf32, #tpu.memory_space<vmem>>, vector<1x16xf32>,
          %get3A_673 = arith.index_cast %scan3A_498 : i32 to index
          %get3A_674 = arith.constant 128 : index
          %get3A_675 = tpu.vector_load %arg5[%get3A_673, %get3A_674] {strides = array<i32>} : memref<224x224xf32, #tpu.memory_space<vmem>>, vector<1x16xf32>,
          %get3A_676 = vector.shape_cast %get3A_675 : vector<1x16xf32> to vector<16xf32>
          %add3A_677 = arith.constant 112 : i32
          %add3A_678 = arith.addi %scan3A_498, %add3A_677 : i32
          %get3A_679 = arith.index_cast %add3A_678 : i32 to index
          %get3A_680 = arith.constant 128 : index
          %get3A_681 = tpu.vector_load %arg5[%get3A_679, %get3A_680] {strides = array<i32>} : memref<224x224xf32, #tpu.memory_space<vmem>>, vector<1x16xf32>,
          %get3A_682 = vector.shape_cast %get3A_681 : vector<1x16xf32> to vector<16xf32>
          %swap3A_683 = arith.index_cast %scan3A_498 : i32 to index
          %swap3A_684 = arith.constant 128 : index
          %swap3A_685 = tpu.vector_load %arg5[%swap3A_683, %swap3A_684] {strides = array<i32>} : memref<224x224xf32, #tpu.memory_space<vmem>>, vector<1x16xf32>,
          %swap3A_686 = vector.shape_cast %swap3A_685 : vector<1x16xf32> to vector<16xf32>
          %swap3A_687 = vector.shape_cast %get3A_682 : vector<16xf32> to vector<1x16xf32>
          tpu.vector_store %arg5[%swap3A_683, %swap3A_684], %swap3A_687 {strides = array<i32>} : memref<224x224xf32, #tpu.memory_space<vmem>>, vector<1x16xf32>,
          %add3A_688 = arith.constant 112 : i32
          %add3A_689 = arith.addi %scan3A_498, %add3A_688 : i32
          %swap3A_690 = arith.index_cast %add3A_689 : i32 to index
          %swap3A_691 = arith.constant 128 : index
          %swap3A_692 = tpu.vector_load %arg5[%swap3A_690, %swap3A_691] {strides = array<i32>} : memref<224x224xf32, #tpu.memory_space<vmem>>, vector<1x16xf32>,
          %swap3A_693 = vector.shape_cast %swap3A_692 : vector<1x16xf32> to vector<16xf32>
          %swap3A_694 = vector.shape_cast %get3A_676 : vector<16xf32> to vector<1x16xf32>
          tpu.vector_store %arg5[%swap3A_690, %swap3A_691], %swap3A_694 {strides = array<i32>} : memref<224x224xf32, #tpu.memory_space<vmem>>, vector<1x16xf32>,
          %get3A_695 = arith.index_cast %scan3A_498 : i32 to index
          %get3A_696 = arith.constant 144 : index
          %get3A_697 = tpu.vector_load %arg5[%get3A_695, %get3A_696] {strides = array<i32>} : memref<224x224xf32, #tpu.memory_space<vmem>>, vector<1x16xf32>,
          %get3A_698 = vector.shape_cast %get3A_697 : vector<1x16xf32> to vector<16xf32>
          %add3A_699 = arith.constant 112 : i32
          %add3A_700 = arith.addi %scan3A_498, %add3A_699 : i32
          %get3A_701 = arith.index_cast %add3A_700 : i32 to index
          %get3A_702 = arith.constant 144 : index
          %get3A_703 = tpu.vector_load %arg5[%get3A_701, %get3A_702] {strides = array<i32>} : memref<224x224xf32, #tpu.memory_space<vmem>>, vector<1x16xf32>,
          %get3A_704 = vector.shape_cast %get3A_703 : vector<1x16xf32> to vector<16xf32>
          %swap3A_705 = arith.index_cast %scan3A_498 : i32 to index
          %swap3A_706 = arith.constant 144 : index
          %swap3A_707 = tpu.vector_load %arg5[%swap3A_705, %swap3A_706] {strides = array<i32>} : memref<224x224xf32, #tpu.memory_space<vmem>>, vector<1x16xf32>,
          %swap3A_708 = vector.shape_cast %swap3A_707 : vector<1x16xf32> to vector<16xf32>
          %swap3A_709 = vector.shape_cast %get3A_704 : vector<16xf32> to vector<1x16xf32>
          tpu.vector_store %arg5[%swap3A_705, %swap3A_706], %swap3A_709 {strides = array<i32>} : memref<224x224xf32, #tpu.memory_space<vmem>>, vector<1x16xf32>,
          %add3A_710 = arith.constant 112 : i32
          %add3A_711 = arith.addi %scan3A_498, %add3A_710 : i32
          %swap3A_712 = arith.index_cast %add3A_711 : i32 to index
          %swap3A_713 = arith.constant 144 : index
          %swap3A_714 = tpu.vector_load %arg5[%swap3A_712, %swap3A_713] {strides = array<i32>} : memref<224x224xf32, #tpu.memory_space<vmem>>, vector<1x16xf32>,
          %swap3A_715 = vector.shape_cast %swap3A_714 : vector<1x16xf32> to vector<16xf32>
          %swap3A_716 = vector.shape_cast %get3A_698 : vector<16xf32> to vector<1x16xf32>
          tpu.vector_store %arg5[%swap3A_712, %swap3A_713], %swap3A_716 {strides = array<i32>} : memref<224x224xf32, #tpu.memory_space<vmem>>, vector<1x16xf32>,
          %get3A_717 = arith.index_cast %scan3A_498 : i32 to index
          %get3A_718 = arith.constant 160 : index
          %get3A_719 = tpu.vector_load %arg5[%get3A_717, %get3A_718] {strides = array<i32>} : memref<224x224xf32, #tpu.memory_space<vmem>>, vector<1x16xf32>,
          %get3A_720 = vector.shape_cast %get3A_719 : vector<1x16xf32> to vector<16xf32>
          %add3A_721 = arith.constant 112 : i32
          %add3A_722 = arith.addi %scan3A_498, %add3A_721 : i32
          %get3A_723 = arith.index_cast %add3A_722 : i32 to index
          %get3A_724 = arith.constant 160 : index
          %get3A_725 = tpu.vector_load %arg5[%get3A_723, %get3A_724] {strides = array<i32>} : memref<224x224xf32, #tpu.memory_space<vmem>>, vector<1x16xf32>,
          %get3A_726 = vector.shape_cast %get3A_725 : vector<1x16xf32> to vector<16xf32>
          %swap3A_727 = arith.index_cast %scan3A_498 : i32 to index
          %swap3A_728 = arith.constant 160 : index
          %swap3A_729 = tpu.vector_load %arg5[%swap3A_727, %swap3A_728] {strides = array<i32>} : memref<224x224xf32, #tpu.memory_space<vmem>>, vector<1x16xf32>,
          %swap3A_730 = vector.shape_cast %swap3A_729 : vector<1x16xf32> to vector<16xf32>
          %swap3A_731 = vector.shape_cast %get3A_726 : vector<16xf32> to vector<1x16xf32>
          tpu.vector_store %arg5[%swap3A_727, %swap3A_728], %swap3A_731 {strides = array<i32>} : memref<224x224xf32, #tpu.memory_space<vmem>>, vector<1x16xf32>,
          %add3A_732 = arith.constant 112 : i32
          %add3A_733 = arith.addi %scan3A_498, %add3A_732 : i32
          %swap3A_734 = arith.index_cast %add3A_733 : i32 to index
          %swap3A_735 = arith.constant 160 : index
          %swap3A_736 = tpu.vector_load %arg5[%swap3A_734, %swap3A_735] {strides = array<i32>} : memref<224x224xf32, #tpu.memory_space<vmem>>, vector<1x16xf32>,
          %swap3A_737 = vector.shape_cast %swap3A_736 : vector<1x16xf32> to vector<16xf32>
          %swap3A_738 = vector.shape_cast %get3A_720 : vector<16xf32> to vector<1x16xf32>
          tpu.vector_store %arg5[%swap3A_734, %swap3A_735], %swap3A_738 {strides = array<i32>} : memref<224x224xf32, #tpu.memory_space<vmem>>, vector<1x16xf32>,
          %get3A_739 = arith.index_cast %scan3A_498 : i32 to index
          %get3A_740 = arith.constant 176 : index
          %get3A_741 = tpu.vector_load %arg5[%get3A_739, %get3A_740] {strides = array<i32>} : memref<224x224xf32, #tpu.memory_space<vmem>>, vector<1x16xf32>,
          %get3A_742 = vector.shape_cast %get3A_741 : vector<1x16xf32> to vector<16xf32>
          %add3A_743 = arith.constant 112 : i32
          %add3A_744 = arith.addi %scan3A_498, %add3A_743 : i32
          %get3A_745 = arith.index_cast %add3A_744 : i32 to index
          %get3A_746 = arith.constant 176 : index
          %get3A_747 = tpu.vector_load %arg5[%get3A_745, %get3A_746] {strides = array<i32>} : memref<224x224xf32, #tpu.memory_space<vmem>>, vector<1x16xf32>,
          %get3A_748 = vector.shape_cast %get3A_747 : vector<1x16xf32> to vector<16xf32>
          %swap3A_749 = arith.index_cast %scan3A_498 : i32 to index
          %swap3A_750 = arith.constant 176 : index
          %swap3A_751 = tpu.vector_load %arg5[%swap3A_749, %swap3A_750] {strides = array<i32>} : memref<224x224xf32, #tpu.memory_space<vmem>>, vector<1x16xf32>,
          %swap3A_752 = vector.shape_cast %swap3A_751 : vector<1x16xf32> to vector<16xf32>
          %swap3A_753 = vector.shape_cast %get3A_748 : vector<16xf32> to vector<1x16xf32>
          tpu.vector_store %arg5[%swap3A_749, %swap3A_750], %swap3A_753 {strides = array<i32>} : memref<224x224xf32, #tpu.memory_space<vmem>>, vector<1x16xf32>,
          %add3A_754 = arith.constant 112 : i32
          %add3A_755 = arith.addi %scan3A_498, %add3A_754 : i32
          %swap3A_756 = arith.index_cast %add3A_755 : i32 to index
          %swap3A_757 = arith.constant 176 : index
          %swap3A_758 = tpu.vector_load %arg5[%swap3A_756, %swap3A_757] {strides = array<i32>} : memref<224x224xf32, #tpu.memory_space<vmem>>, vector<1x16xf32>,
          %swap3A_759 = vector.shape_cast %swap3A_758 : vector<1x16xf32> to vector<16xf32>
          %swap3A_760 = vector.shape_cast %get3A_742 : vector<16xf32> to vector<1x16xf32>
          tpu.vector_store %arg5[%swap3A_756, %swap3A_757], %swap3A_760 {strides = array<i32>} : memref<224x224xf32, #tpu.memory_space<vmem>>, vector<1x16xf32>,
          %get3A_761 = arith.index_cast %scan3A_498 : i32 to index
          %get3A_762 = arith.constant 192 : index
          %get3A_763 = tpu.vector_load %arg5[%get3A_761, %get3A_762] {strides = array<i32>} : memref<224x224xf32, #tpu.memory_space<vmem>>, vector<1x16xf32>,
          %get3A_764 = vector.shape_cast %get3A_763 : vector<1x16xf32> to vector<16xf32>
          %add3A_765 = arith.constant 112 : i32
          %add3A_766 = arith.addi %scan3A_498, %add3A_765 : i32
          %get3A_767 = arith.index_cast %add3A_766 : i32 to index
          %get3A_768 = arith.constant 192 : index
          %get3A_769 = tpu.vector_load %arg5[%get3A_767, %get3A_768] {strides = array<i32>} : memref<224x224xf32, #tpu.memory_space<vmem>>, vector<1x16xf32>,
          %get3A_770 = vector.shape_cast %get3A_769 : vector<1x16xf32> to vector<16xf32>
          %swap3A_771 = arith.index_cast %scan3A_498 : i32 to index
          %swap3A_772 = arith.constant 192 : index
          %swap3A_773 = tpu.vector_load %arg5[%swap3A_771, %swap3A_772] {strides = array<i32>} : memref<224x224xf32, #tpu.memory_space<vmem>>, vector<1x16xf32>,
          %swap3A_774 = vector.shape_cast %swap3A_773 : vector<1x16xf32> to vector<16xf32>
          %swap3A_775 = vector.shape_cast %get3A_770 : vector<16xf32> to vector<1x16xf32>
          tpu.vector_store %arg5[%swap3A_771, %swap3A_772], %swap3A_775 {strides = array<i32>} : memref<224x224xf32, #tpu.memory_space<vmem>>, vector<1x16xf32>,
          %add3A_776 = arith.constant 112 : i32
          %add3A_777 = arith.addi %scan3A_498, %add3A_776 : i32
          %swap3A_778 = arith.index_cast %add3A_777 : i32 to index
          %swap3A_779 = arith.constant 192 : index
          %swap3A_780 = tpu.vector_load %arg5[%swap3A_778, %swap3A_779] {strides = array<i32>} : memref<224x224xf32, #tpu.memory_space<vmem>>, vector<1x16xf32>,
          %swap3A_781 = vector.shape_cast %swap3A_780 : vector<1x16xf32> to vector<16xf32>
          %swap3A_782 = vector.shape_cast %get3A_764 : vector<16xf32> to vector<1x16xf32>
          tpu.vector_store %arg5[%swap3A_778, %swap3A_779], %swap3A_782 {strides = array<i32>} : memref<224x224xf32, #tpu.memory_space<vmem>>, vector<1x16xf32>,
          %get3A_783 = arith.index_cast %scan3A_498 : i32 to index
          %get3A_784 = arith.constant 208 : index
          %get3A_785 = tpu.vector_load %arg5[%get3A_783, %get3A_784] {strides = array<i32>} : memref<224x224xf32, #tpu.memory_space<vmem>>, vector<1x16xf32>,
          %get3A_786 = vector.shape_cast %get3A_785 : vector<1x16xf32> to vector<16xf32>
          %add3A_787 = arith.constant 112 : i32
          %add3A_788 = arith.addi %scan3A_498, %add3A_787 : i32
          %get3A_789 = arith.index_cast %add3A_788 : i32 to index
          %get3A_790 = arith.constant 208 : index
          %get3A_791 = tpu.vector_load %arg5[%get3A_789, %get3A_790] {strides = array<i32>} : memref<224x224xf32, #tpu.memory_space<vmem>>, vector<1x16xf32>,
          %get3A_792 = vector.shape_cast %get3A_791 : vector<1x16xf32> to vector<16xf32>
          %swap3A_793 = arith.index_cast %scan3A_498 : i32 to index
          %swap3A_794 = arith.constant 208 : index
          %swap3A_795 = tpu.vector_load %arg5[%swap3A_793, %swap3A_794] {strides = array<i32>} : memref<224x224xf32, #tpu.memory_space<vmem>>, vector<1x16xf32>,
          %swap3A_796 = vector.shape_cast %swap3A_795 : vector<1x16xf32> to vector<16xf32>
          %swap3A_797 = vector.shape_cast %get3A_792 : vector<16xf32> to vector<1x16xf32>
          tpu.vector_store %arg5[%swap3A_793, %swap3A_794], %swap3A_797 {strides = array<i32>} : memref<224x224xf32, #tpu.memory_space<vmem>>, vector<1x16xf32>,
          %add3A_798 = arith.constant 112 : i32
          %add3A_799 = arith.addi %scan3A_498, %add3A_798 : i32
          %swap3A_800 = arith.index_cast %add3A_799 : i32 to index
          %swap3A_801 = arith.constant 208 : index
          %swap3A_802 = tpu.vector_load %arg5[%swap3A_800, %swap3A_801] {strides = array<i32>} : memref<224x224xf32, #tpu.memory_space<vmem>>, vector<1x16xf32>,
          %swap3A_803 = vector.shape_cast %swap3A_802 : vector<1x16xf32> to vector<16xf32>
          %swap3A_804 = vector.shape_cast %get3A_786 : vector<16xf32> to vector<1x16xf32>
          tpu.vector_store %arg5[%swap3A_800, %swap3A_801], %swap3A_804 {strides = array<i32>} : memref<224x224xf32, #tpu.memory_space<vmem>>, vector<1x16xf32>,
        }
        %scan3A_497 = arith.constant 112 : i32
      } else {
      }
      %eq3A_474 = arith.constant 3 : i32
      %eq3A_475 = arith.cmpi eq, %select_n3A_463, %eq3A_474 : i32
      %convert_element_type3A_476 = arith.extui %eq3A_475 : i1 to i32
      %cond3A_477 = arith.constant 0 : i32
      %cond3A_478 = arith.cmpi ne, %convert_element_type3A_476, %cond3A_477 : i32
      scf.if %cond3A_478 {
        %scan3A_492 = arith.constant 0 : i32
        %scan3A_493 = arith.constant 0 : i32
        %scan3A_494 = arith.constant 112 : i32
        %scan3A_495 = arith.addi %scan3A_493, %scan3A_494 : i32
        %scan3A_496 = arith.constant 1 : i32
        scf.for %scan3A_498 = %scan3A_493 to %scan3A_495 step %scan3A_496  : i32 {
          %get3A = arith.index_cast %scan3A_498 : i32 to index
          %get3A_499 = arith.constant 0 : index
          %get3A_500 = tpu.vector_load %arg5[%get3A, %get3A_499] {strides = array<i32>} : memref<224x224xf32, #tpu.memory_space<vmem>>, vector<1x16xf32>,
          %get3A_501 = vector.shape_cast %get3A_500 : vector<1x16xf32> to vector<16xf32>
          %add3A_502 = arith.constant 112 : i32
          %add3A_503 = arith.addi %scan3A_498, %add3A_502 : i32
          %get3A_504 = arith.index_cast %add3A_503 : i32 to index
          %get3A_505 = arith.constant 112 : index
          %get3A_506 = tpu.vector_load %arg5[%get3A_504, %get3A_505] {strides = array<i32>} : memref<224x224xf32, #tpu.memory_space<vmem>>, vector<1x16xf32>,
          %get3A_507 = vector.shape_cast %get3A_506 : vector<1x16xf32> to vector<16xf32>
          %swap3A = arith.index_cast %scan3A_498 : i32 to index
          %swap3A_508 = arith.constant 0 : index
          %swap3A_509 = tpu.vector_load %arg5[%swap3A, %swap3A_508] {strides = array<i32>} : memref<224x224xf32, #tpu.memory_space<vmem>>, vector<1x16xf32>,
          %swap3A_510 = vector.shape_cast %swap3A_509 : vector<1x16xf32> to vector<16xf32>
          %swap3A_511 = vector.shape_cast %get3A_507 : vector<16xf32> to vector<1x16xf32>
          tpu.vector_store %arg5[%swap3A, %swap3A_508], %swap3A_511 {strides = array<i32>} : memref<224x224xf32, #tpu.memory_space<vmem>>, vector<1x16xf32>,
          %add3A_512 = arith.constant 112 : i32
          %add3A_513 = arith.addi %scan3A_498, %add3A_512 : i32
          %get3A_514 = arith.index_cast %add3A_513 : i32 to index
          %get3A_515 = arith.constant 0 : index
          %get3A_516 = tpu.vector_load %arg5[%get3A_514, %get3A_515] {strides = array<i32>} : memref<224x224xf32, #tpu.memory_space<vmem>>, vector<1x16xf32>,
          %get3A_517 = vector.shape_cast %get3A_516 : vector<1x16xf32> to vector<16xf32>
          %add3A_518 = arith.constant 112 : i32
          %add3A_519 = arith.addi %scan3A_498, %add3A_518 : i32
          %swap3A_520 = arith.index_cast %add3A_519 : i32 to index
          %swap3A_521 = arith.constant 112 : index
          %swap3A_522 = tpu.vector_load %arg5[%swap3A_520, %swap3A_521] {strides = array<i32>} : memref<224x224xf32, #tpu.memory_space<vmem>>, vector<1x16xf32>,
          %swap3A_523 = vector.shape_cast %swap3A_522 : vector<1x16xf32> to vector<16xf32>
          %swap3A_524 = vector.shape_cast %get3A_517 : vector<16xf32> to vector<1x16xf32>
          tpu.vector_store %arg5[%swap3A_520, %swap3A_521], %swap3A_524 {strides = array<i32>} : memref<224x224xf32, #tpu.memory_space<vmem>>, vector<1x16xf32>,
          %get3A_525 = arith.index_cast %scan3A_498 : i32 to index
          %get3A_526 = arith.constant 112 : index
          %get3A_527 = tpu.vector_load %arg5[%get3A_525, %get3A_526] {strides = array<i32>} : memref<224x224xf32, #tpu.memory_space<vmem>>, vector<1x16xf32>,
          %get3A_528 = vector.shape_cast %get3A_527 : vector<1x16xf32> to vector<16xf32>
          %add3A_529 = arith.constant 112 : i32
          %add3A_530 = arith.addi %scan3A_498, %add3A_529 : i32
          %swap3A_531 = arith.index_cast %add3A_530 : i32 to index
          %swap3A_532 = arith.constant 0 : index
          %swap3A_533 = tpu.vector_load %arg5[%swap3A_531, %swap3A_532] {strides = array<i32>} : memref<224x224xf32, #tpu.memory_space<vmem>>, vector<1x16xf32>,
          %swap3A_534 = vector.shape_cast %swap3A_533 : vector<1x16xf32> to vector<16xf32>
          %swap3A_535 = vector.shape_cast %get3A_528 : vector<16xf32> to vector<1x16xf32>
          tpu.vector_store %arg5[%swap3A_531, %swap3A_532], %swap3A_535 {strides = array<i32>} : memref<224x224xf32, #tpu.memory_space<vmem>>, vector<1x16xf32>,
          %swap3A_536 = arith.index_cast %scan3A_498 : i32 to index
          %swap3A_537 = arith.constant 112 : index
          %swap3A_538 = tpu.vector_load %arg5[%swap3A_536, %swap3A_537] {strides = array<i32>} : memref<224x224xf32, #tpu.memory_space<vmem>>, vector<1x16xf32>,
          %swap3A_539 = vector.shape_cast %swap3A_538 : vector<1x16xf32> to vector<16xf32>
          %swap3A_540 = vector.shape_cast %get3A_501 : vector<16xf32> to vector<1x16xf32>
          tpu.vector_store %arg5[%swap3A_536, %swap3A_537], %swap3A_540 {strides = array<i32>} : memref<224x224xf32, #tpu.memory_space<vmem>>, vector<1x16xf32>,
          %get3A_541 = arith.index_cast %scan3A_498 : i32 to index
          %get3A_542 = arith.constant 16 : index
          %get3A_543 = tpu.vector_load %arg5[%get3A_541, %get3A_542] {strides = array<i32>} : memref<224x224xf32, #tpu.memory_space<vmem>>, vector<1x16xf32>,
          %get3A_544 = vector.shape_cast %get3A_543 : vector<1x16xf32> to vector<16xf32>
          %add3A_545 = arith.constant 112 : i32
          %add3A_546 = arith.addi %scan3A_498, %add3A_545 : i32
          %get3A_547 = arith.index_cast %add3A_546 : i32 to index
          %get3A_548 = arith.constant 128 : index
          %get3A_549 = tpu.vector_load %arg5[%get3A_547, %get3A_548] {strides = array<i32>} : memref<224x224xf32, #tpu.memory_space<vmem>>, vector<1x16xf32>,
          %get3A_550 = vector.shape_cast %get3A_549 : vector<1x16xf32> to vector<16xf32>
          %swap3A_551 = arith.index_cast %scan3A_498 : i32 to index
          %swap3A_552 = arith.constant 16 : index
          %swap3A_553 = tpu.vector_load %arg5[%swap3A_551, %swap3A_552] {strides = array<i32>} : memref<224x224xf32, #tpu.memory_space<vmem>>, vector<1x16xf32>,
          %swap3A_554 = vector.shape_cast %swap3A_553 : vector<1x16xf32> to vector<16xf32>
          %swap3A_555 = vector.shape_cast %get3A_550 : vector<16xf32> to vector<1x16xf32>
          tpu.vector_store %arg5[%swap3A_551, %swap3A_552], %swap3A_555 {strides = array<i32>} : memref<224x224xf32, #tpu.memory_space<vmem>>, vector<1x16xf32>,
          %add3A_556 = arith.constant 112 : i32
          %add3A_557 = arith.addi %scan3A_498, %add3A_556 : i32
          %get3A_558 = arith.index_cast %add3A_557 : i32 to index
          %get3A_559 = arith.constant 16 : index
          %get3A_560 = tpu.vector_load %arg5[%get3A_558, %get3A_559] {strides = array<i32>} : memref<224x224xf32, #tpu.memory_space<vmem>>, vector<1x16xf32>,
          %get3A_561 = vector.shape_cast %get3A_560 : vector<1x16xf32> to vector<16xf32>
          %add3A_562 = arith.constant 112 : i32
          %add3A_563 = arith.addi %scan3A_498, %add3A_562 : i32
          %swap3A_564 = arith.index_cast %add3A_563 : i32 to index
          %swap3A_565 = arith.constant 128 : index
          %swap3A_566 = tpu.vector_load %arg5[%swap3A_564, %swap3A_565] {strides = array<i32>} : memref<224x224xf32, #tpu.memory_space<vmem>>, vector<1x16xf32>,
          %swap3A_567 = vector.shape_cast %swap3A_566 : vector<1x16xf32> to vector<16xf32>
          %swap3A_568 = vector.shape_cast %get3A_561 : vector<16xf32> to vector<1x16xf32>
          tpu.vector_store %arg5[%swap3A_564, %swap3A_565], %swap3A_568 {strides = array<i32>} : memref<224x224xf32, #tpu.memory_space<vmem>>, vector<1x16xf32>,
          %get3A_569 = arith.index_cast %scan3A_498 : i32 to index
          %get3A_570 = arith.constant 128 : index
          %get3A_571 = tpu.vector_load %arg5[%get3A_569, %get3A_570] {strides = array<i32>} : memref<224x224xf32, #tpu.memory_space<vmem>>, vector<1x16xf32>,
          %get3A_572 = vector.shape_cast %get3A_571 : vector<1x16xf32> to vector<16xf32>
          %add3A_573 = arith.constant 112 : i32
          %add3A_574 = arith.addi %scan3A_498, %add3A_573 : i32
          %swap3A_575 = arith.index_cast %add3A_574 : i32 to index
          %swap3A_576 = arith.constant 16 : index
          %swap3A_577 = tpu.vector_load %arg5[%swap3A_575, %swap3A_576] {strides = array<i32>} : memref<224x224xf32, #tpu.memory_space<vmem>>, vector<1x16xf32>,
          %swap3A_578 = vector.shape_cast %swap3A_577 : vector<1x16xf32> to vector<16xf32>
          %swap3A_579 = vector.shape_cast %get3A_572 : vector<16xf32> to vector<1x16xf32>
          tpu.vector_store %arg5[%swap3A_575, %swap3A_576], %swap3A_579 {strides = array<i32>} : memref<224x224xf32, #tpu.memory_space<vmem>>, vector<1x16xf32>,
          %swap3A_580 = arith.index_cast %scan3A_498 : i32 to index
          %swap3A_581 = arith.constant 128 : index
          %swap3A_582 = tpu.vector_load %arg5[%swap3A_580, %swap3A_581] {strides = array<i32>} : memref<224x224xf32, #tpu.memory_space<vmem>>, vector<1x16xf32>,
          %swap3A_583 = vector.shape_cast %swap3A_582 : vector<1x16xf32> to vector<16xf32>
          %swap3A_584 = vector.shape_cast %get3A_544 : vector<16xf32> to vector<1x16xf32>
          tpu.vector_store %arg5[%swap3A_580, %swap3A_581], %swap3A_584 {strides = array<i32>} : memref<224x224xf32, #tpu.memory_space<vmem>>, vector<1x16xf32>,
          %get3A_585 = arith.index_cast %scan3A_498 : i32 to index
          %get3A_586 = arith.constant 32 : index
          %get3A_587 = tpu.vector_load %arg5[%get3A_585, %get3A_586] {strides = array<i32>} : memref<224x224xf32, #tpu.memory_space<vmem>>, vector<1x16xf32>,
          %get3A_588 = vector.shape_cast %get3A_587 : vector<1x16xf32> to vector<16xf32>
          %add3A_589 = arith.constant 112 : i32
          %add3A_590 = arith.addi %scan3A_498, %add3A_589 : i32
          %get3A_591 = arith.index_cast %add3A_590 : i32 to index
          %get3A_592 = arith.constant 144 : index
          %get3A_593 = tpu.vector_load %arg5[%get3A_591, %get3A_592] {strides = array<i32>} : memref<224x224xf32, #tpu.memory_space<vmem>>, vector<1x16xf32>,
          %get3A_594 = vector.shape_cast %get3A_593 : vector<1x16xf32> to vector<16xf32>
          %swap3A_595 = arith.index_cast %scan3A_498 : i32 to index
          %swap3A_596 = arith.constant 32 : index
          %swap3A_597 = tpu.vector_load %arg5[%swap3A_595, %swap3A_596] {strides = array<i32>} : memref<224x224xf32, #tpu.memory_space<vmem>>, vector<1x16xf32>,
          %swap3A_598 = vector.shape_cast %swap3A_597 : vector<1x16xf32> to vector<16xf32>
          %swap3A_599 = vector.shape_cast %get3A_594 : vector<16xf32> to vector<1x16xf32>
          tpu.vector_store %arg5[%swap3A_595, %swap3A_596], %swap3A_599 {strides = array<i32>} : memref<224x224xf32, #tpu.memory_space<vmem>>, vector<1x16xf32>,
          %add3A_600 = arith.constant 112 : i32
          %add3A_601 = arith.addi %scan3A_498, %add3A_600 : i32
          %get3A_602 = arith.index_cast %add3A_601 : i32 to index
          %get3A_603 = arith.constant 32 : index
          %get3A_604 = tpu.vector_load %arg5[%get3A_602, %get3A_603] {strides = array<i32>} : memref<224x224xf32, #tpu.memory_space<vmem>>, vector<1x16xf32>,
          %get3A_605 = vector.shape_cast %get3A_604 : vector<1x16xf32> to vector<16xf32>
          %add3A_606 = arith.constant 112 : i32
          %add3A_607 = arith.addi %scan3A_498, %add3A_606 : i32
          %swap3A_608 = arith.index_cast %add3A_607 : i32 to index
          %swap3A_609 = arith.constant 144 : index
          %swap3A_610 = tpu.vector_load %arg5[%swap3A_608, %swap3A_609] {strides = array<i32>} : memref<224x224xf32, #tpu.memory_space<vmem>>, vector<1x16xf32>,
          %swap3A_611 = vector.shape_cast %swap3A_610 : vector<1x16xf32> to vector<16xf32>
          %swap3A_612 = vector.shape_cast %get3A_605 : vector<16xf32> to vector<1x16xf32>
          tpu.vector_store %arg5[%swap3A_608, %swap3A_609], %swap3A_612 {strides = array<i32>} : memref<224x224xf32, #tpu.memory_space<vmem>>, vector<1x16xf32>,
          %get3A_613 = arith.index_cast %scan3A_498 : i32 to index
          %get3A_614 = arith.constant 144 : index
          %get3A_615 = tpu.vector_load %arg5[%get3A_613, %get3A_614] {strides = array<i32>} : memref<224x224xf32, #tpu.memory_space<vmem>>, vector<1x16xf32>,
          %get3A_616 = vector.shape_cast %get3A_615 : vector<1x16xf32> to vector<16xf32>
          %add3A_617 = arith.constant 112 : i32
          %add3A_618 = arith.addi %scan3A_498, %add3A_617 : i32
          %swap3A_619 = arith.index_cast %add3A_618 : i32 to index
          %swap3A_620 = arith.constant 32 : index
          %swap3A_621 = tpu.vector_load %arg5[%swap3A_619, %swap3A_620] {strides = array<i32>} : memref<224x224xf32, #tpu.memory_space<vmem>>, vector<1x16xf32>,
          %swap3A_622 = vector.shape_cast %swap3A_621 : vector<1x16xf32> to vector<16xf32>
          %swap3A_623 = vector.shape_cast %get3A_616 : vector<16xf32> to vector<1x16xf32>
          tpu.vector_store %arg5[%swap3A_619, %swap3A_620], %swap3A_623 {strides = array<i32>} : memref<224x224xf32, #tpu.memory_space<vmem>>, vector<1x16xf32>,
          %swap3A_624 = arith.index_cast %scan3A_498 : i32 to index
          %swap3A_625 = arith.constant 144 : index
          %swap3A_626 = tpu.vector_load %arg5[%swap3A_624, %swap3A_625] {strides = array<i32>} : memref<224x224xf32, #tpu.memory_space<vmem>>, vector<1x16xf32>,
          %swap3A_627 = vector.shape_cast %swap3A_626 : vector<1x16xf32> to vector<16xf32>
          %swap3A_628 = vector.shape_cast %get3A_588 : vector<16xf32> to vector<1x16xf32>
          tpu.vector_store %arg5[%swap3A_624, %swap3A_625], %swap3A_628 {strides = array<i32>} : memref<224x224xf32, #tpu.memory_space<vmem>>, vector<1x16xf32>,
          %get3A_629 = arith.index_cast %scan3A_498 : i32 to index
          %get3A_630 = arith.constant 48 : index
          %get3A_631 = tpu.vector_load %arg5[%get3A_629, %get3A_630] {strides = array<i32>} : memref<224x224xf32, #tpu.memory_space<vmem>>, vector<1x16xf32>,
          %get3A_632 = vector.shape_cast %get3A_631 : vector<1x16xf32> to vector<16xf32>
          %add3A_633 = arith.constant 112 : i32
          %add3A_634 = arith.addi %scan3A_498, %add3A_633 : i32
          %get3A_635 = arith.index_cast %add3A_634 : i32 to index
          %get3A_636 = arith.constant 160 : index
          %get3A_637 = tpu.vector_load %arg5[%get3A_635, %get3A_636] {strides = array<i32>} : memref<224x224xf32, #tpu.memory_space<vmem>>, vector<1x16xf32>,
          %get3A_638 = vector.shape_cast %get3A_637 : vector<1x16xf32> to vector<16xf32>
          %swap3A_639 = arith.index_cast %scan3A_498 : i32 to index
          %swap3A_640 = arith.constant 48 : index
          %swap3A_641 = tpu.vector_load %arg5[%swap3A_639, %swap3A_640] {strides = array<i32>} : memref<224x224xf32, #tpu.memory_space<vmem>>, vector<1x16xf32>,
          %swap3A_642 = vector.shape_cast %swap3A_641 : vector<1x16xf32> to vector<16xf32>
          %swap3A_643 = vector.shape_cast %get3A_638 : vector<16xf32> to vector<1x16xf32>
          tpu.vector_store %arg5[%swap3A_639, %swap3A_640], %swap3A_643 {strides = array<i32>} : memref<224x224xf32, #tpu.memory_space<vmem>>, vector<1x16xf32>,
          %add3A_644 = arith.constant 112 : i32
          %add3A_645 = arith.addi %scan3A_498, %add3A_644 : i32
          %get3A_646 = arith.index_cast %add3A_645 : i32 to index
          %get3A_647 = arith.constant 48 : index
          %get3A_648 = tpu.vector_load %arg5[%get3A_646, %get3A_647] {strides = array<i32>} : memref<224x224xf32, #tpu.memory_space<vmem>>, vector<1x16xf32>,
          %get3A_649 = vector.shape_cast %get3A_648 : vector<1x16xf32> to vector<16xf32>
          %add3A_650 = arith.constant 112 : i32
          %add3A_651 = arith.addi %scan3A_498, %add3A_650 : i32
          %swap3A_652 = arith.index_cast %add3A_651 : i32 to index
          %swap3A_653 = arith.constant 160 : index
          %swap3A_654 = tpu.vector_load %arg5[%swap3A_652, %swap3A_653] {strides = array<i32>} : memref<224x224xf32, #tpu.memory_space<vmem>>, vector<1x16xf32>,
          %swap3A_655 = vector.shape_cast %swap3A_654 : vector<1x16xf32> to vector<16xf32>
          %swap3A_656 = vector.shape_cast %get3A_649 : vector<16xf32> to vector<1x16xf32>
          tpu.vector_store %arg5[%swap3A_652, %swap3A_653], %swap3A_656 {strides = array<i32>} : memref<224x224xf32, #tpu.memory_space<vmem>>, vector<1x16xf32>,
          %get3A_657 = arith.index_cast %scan3A_498 : i32 to index
          %get3A_658 = arith.constant 160 : index
          %get3A_659 = tpu.vector_load %arg5[%get3A_657, %get3A_658] {strides = array<i32>} : memref<224x224xf32, #tpu.memory_space<vmem>>, vector<1x16xf32>,
          %get3A_660 = vector.shape_cast %get3A_659 : vector<1x16xf32> to vector<16xf32>
          %add3A_661 = arith.constant 112 : i32
          %add3A_662 = arith.addi %scan3A_498, %add3A_661 : i32
          %swap3A_663 = arith.index_cast %add3A_662 : i32 to index
          %swap3A_664 = arith.constant 48 : index
          %swap3A_665 = tpu.vector_load %arg5[%swap3A_663, %swap3A_664] {strides = array<i32>} : memref<224x224xf32, #tpu.memory_space<vmem>>, vector<1x16xf32>,
          %swap3A_666 = vector.shape_cast %swap3A_665 : vector<1x16xf32> to vector<16xf32>
          %swap3A_667 = vector.shape_cast %get3A_660 : vector<16xf32> to vector<1x16xf32>
          tpu.vector_store %arg5[%swap3A_663, %swap3A_664], %swap3A_667 {strides = array<i32>} : memref<224x224xf32, #tpu.memory_space<vmem>>, vector<1x16xf32>,
          %swap3A_668 = arith.index_cast %scan3A_498 : i32 to index
          %swap3A_669 = arith.constant 160 : index
          %swap3A_670 = tpu.vector_load %arg5[%swap3A_668, %swap3A_669] {strides = array<i32>} : memref<224x224xf32, #tpu.memory_space<vmem>>, vector<1x16xf32>,
          %swap3A_671 = vector.shape_cast %swap3A_670 : vector<1x16xf32> to vector<16xf32>
          %swap3A_672 = vector.shape_cast %get3A_632 : vector<16xf32> to vector<1x16xf32>
          tpu.vector_store %arg5[%swap3A_668, %swap3A_669], %swap3A_672 {strides = array<i32>} : memref<224x224xf32, #tpu.memory_space<vmem>>, vector<1x16xf32>,
          %get3A_673 = arith.index_cast %scan3A_498 : i32 to index
          %get3A_674 = arith.constant 64 : index
          %get3A_675 = tpu.vector_load %arg5[%get3A_673, %get3A_674] {strides = array<i32>} : memref<224x224xf32, #tpu.memory_space<vmem>>, vector<1x16xf32>,
          %get3A_676 = vector.shape_cast %get3A_675 : vector<1x16xf32> to vector<16xf32>
          %add3A_677 = arith.constant 112 : i32
          %add3A_678 = arith.addi %scan3A_498, %add3A_677 : i32
          %get3A_679 = arith.index_cast %add3A_678 : i32 to index
          %get3A_680 = arith.constant 176 : index
          %get3A_681 = tpu.vector_load %arg5[%get3A_679, %get3A_680] {strides = array<i32>} : memref<224x224xf32, #tpu.memory_space<vmem>>, vector<1x16xf32>,
          %get3A_682 = vector.shape_cast %get3A_681 : vector<1x16xf32> to vector<16xf32>
          %swap3A_683 = arith.index_cast %scan3A_498 : i32 to index
          %swap3A_684 = arith.constant 64 : index
          %swap3A_685 = tpu.vector_load %arg5[%swap3A_683, %swap3A_684] {strides = array<i32>} : memref<224x224xf32, #tpu.memory_space<vmem>>, vector<1x16xf32>,
          %swap3A_686 = vector.shape_cast %swap3A_685 : vector<1x16xf32> to vector<16xf32>
          %swap3A_687 = vector.shape_cast %get3A_682 : vector<16xf32> to vector<1x16xf32>
          tpu.vector_store %arg5[%swap3A_683, %swap3A_684], %swap3A_687 {strides = array<i32>} : memref<224x224xf32, #tpu.memory_space<vmem>>, vector<1x16xf32>,
          %add3A_688 = arith.constant 112 : i32
          %add3A_689 = arith.addi %scan3A_498, %add3A_688 : i32
          %get3A_690 = arith.index_cast %add3A_689 : i32 to index
          %get3A_691 = arith.constant 64 : index
          %get3A_692 = tpu.vector_load %arg5[%get3A_690, %get3A_691] {strides = array<i32>} : memref<224x224xf32, #tpu.memory_space<vmem>>, vector<1x16xf32>,
          %get3A_693 = vector.shape_cast %get3A_692 : vector<1x16xf32> to vector<16xf32>
          %add3A_694 = arith.constant 112 : i32
          %add3A_695 = arith.addi %scan3A_498, %add3A_694 : i32
          %swap3A_696 = arith.index_cast %add3A_695 : i32 to index
          %swap3A_697 = arith.constant 176 : index
          %swap3A_698 = tpu.vector_load %arg5[%swap3A_696, %swap3A_697] {strides = array<i32>} : memref<224x224xf32, #tpu.memory_space<vmem>>, vector<1x16xf32>,
          %swap3A_699 = vector.shape_cast %swap3A_698 : vector<1x16xf32> to vector<16xf32>
          %swap3A_700 = vector.shape_cast %get3A_693 : vector<16xf32> to vector<1x16xf32>
          tpu.vector_store %arg5[%swap3A_696, %swap3A_697], %swap3A_700 {strides = array<i32>} : memref<224x224xf32, #tpu.memory_space<vmem>>, vector<1x16xf32>,
          %get3A_701 = arith.index_cast %scan3A_498 : i32 to index
          %get3A_702 = arith.constant 176 : index
          %get3A_703 = tpu.vector_load %arg5[%get3A_701, %get3A_702] {strides = array<i32>} : memref<224x224xf32, #tpu.memory_space<vmem>>, vector<1x16xf32>,
          %get3A_704 = vector.shape_cast %get3A_703 : vector<1x16xf32> to vector<16xf32>
          %add3A_705 = arith.constant 112 : i32
          %add3A_706 = arith.addi %scan3A_498, %add3A_705 : i32
          %swap3A_707 = arith.index_cast %add3A_706 : i32 to index
          %swap3A_708 = arith.constant 64 : index
          %swap3A_709 = tpu.vector_load %arg5[%swap3A_707, %swap3A_708] {strides = array<i32>} : memref<224x224xf32, #tpu.memory_space<vmem>>, vector<1x16xf32>,
          %swap3A_710 = vector.shape_cast %swap3A_709 : vector<1x16xf32> to vector<16xf32>
          %swap3A_711 = vector.shape_cast %get3A_704 : vector<16xf32> to vector<1x16xf32>
          tpu.vector_store %arg5[%swap3A_707, %swap3A_708], %swap3A_711 {strides = array<i32>} : memref<224x224xf32, #tpu.memory_space<vmem>>, vector<1x16xf32>,
          %swap3A_712 = arith.index_cast %scan3A_498 : i32 to index
          %swap3A_713 = arith.constant 176 : index
          %swap3A_714 = tpu.vector_load %arg5[%swap3A_712, %swap3A_713] {strides = array<i32>} : memref<224x224xf32, #tpu.memory_space<vmem>>, vector<1x16xf32>,
          %swap3A_715 = vector.shape_cast %swap3A_714 : vector<1x16xf32> to vector<16xf32>
          %swap3A_716 = vector.shape_cast %get3A_676 : vector<16xf32> to vector<1x16xf32>
          tpu.vector_store %arg5[%swap3A_712, %swap3A_713], %swap3A_716 {strides = array<i32>} : memref<224x224xf32, #tpu.memory_space<vmem>>, vector<1x16xf32>,
          %get3A_717 = arith.index_cast %scan3A_498 : i32 to index
          %get3A_718 = arith.constant 80 : index
          %get3A_719 = tpu.vector_load %arg5[%get3A_717, %get3A_718] {strides = array<i32>} : memref<224x224xf32, #tpu.memory_space<vmem>>, vector<1x16xf32>,
          %get3A_720 = vector.shape_cast %get3A_719 : vector<1x16xf32> to vector<16xf32>
          %add3A_721 = arith.constant 112 : i32
          %add3A_722 = arith.addi %scan3A_498, %add3A_721 : i32
          %get3A_723 = arith.index_cast %add3A_722 : i32 to index
          %get3A_724 = arith.constant 192 : index
          %get3A_725 = tpu.vector_load %arg5[%get3A_723, %get3A_724] {strides = array<i32>} : memref<224x224xf32, #tpu.memory_space<vmem>>, vector<1x16xf32>,
          %get3A_726 = vector.shape_cast %get3A_725 : vector<1x16xf32> to vector<16xf32>
          %swap3A_727 = arith.index_cast %scan3A_498 : i32 to index
          %swap3A_728 = arith.constant 80 : index
          %swap3A_729 = tpu.vector_load %arg5[%swap3A_727, %swap3A_728] {strides = array<i32>} : memref<224x224xf32, #tpu.memory_space<vmem>>, vector<1x16xf32>,
          %swap3A_730 = vector.shape_cast %swap3A_729 : vector<1x16xf32> to vector<16xf32>
          %swap3A_731 = vector.shape_cast %get3A_726 : vector<16xf32> to vector<1x16xf32>
          tpu.vector_store %arg5[%swap3A_727, %swap3A_728], %swap3A_731 {strides = array<i32>} : memref<224x224xf32, #tpu.memory_space<vmem>>, vector<1x16xf32>,
          %add3A_732 = arith.constant 112 : i32
          %add3A_733 = arith.addi %scan3A_498, %add3A_732 : i32
          %get3A_734 = arith.index_cast %add3A_733 : i32 to index
          %get3A_735 = arith.constant 80 : index
          %get3A_736 = tpu.vector_load %arg5[%get3A_734, %get3A_735] {strides = array<i32>} : memref<224x224xf32, #tpu.memory_space<vmem>>, vector<1x16xf32>,
          %get3A_737 = vector.shape_cast %get3A_736 : vector<1x16xf32> to vector<16xf32>
          %add3A_738 = arith.constant 112 : i32
          %add3A_739 = arith.addi %scan3A_498, %add3A_738 : i32
          %swap3A_740 = arith.index_cast %add3A_739 : i32 to index
          %swap3A_741 = arith.constant 192 : index
          %swap3A_742 = tpu.vector_load %arg5[%swap3A_740, %swap3A_741] {strides = array<i32>} : memref<224x224xf32, #tpu.memory_space<vmem>>, vector<1x16xf32>,
          %swap3A_743 = vector.shape_cast %swap3A_742 : vector<1x16xf32> to vector<16xf32>
          %swap3A_744 = vector.shape_cast %get3A_737 : vector<16xf32> to vector<1x16xf32>
          tpu.vector_store %arg5[%swap3A_740, %swap3A_741], %swap3A_744 {strides = array<i32>} : memref<224x224xf32, #tpu.memory_space<vmem>>, vector<1x16xf32>,
          %get3A_745 = arith.index_cast %scan3A_498 : i32 to index
          %get3A_746 = arith.constant 192 : index
          %get3A_747 = tpu.vector_load %arg5[%get3A_745, %get3A_746] {strides = array<i32>} : memref<224x224xf32, #tpu.memory_space<vmem>>, vector<1x16xf32>,
          %get3A_748 = vector.shape_cast %get3A_747 : vector<1x16xf32> to vector<16xf32>
          %add3A_749 = arith.constant 112 : i32
          %add3A_750 = arith.addi %scan3A_498, %add3A_749 : i32
          %swap3A_751 = arith.index_cast %add3A_750 : i32 to index
          %swap3A_752 = arith.constant 80 : index
          %swap3A_753 = tpu.vector_load %arg5[%swap3A_751, %swap3A_752] {strides = array<i32>} : memref<224x224xf32, #tpu.memory_space<vmem>>, vector<1x16xf32>,
          %swap3A_754 = vector.shape_cast %swap3A_753 : vector<1x16xf32> to vector<16xf32>
          %swap3A_755 = vector.shape_cast %get3A_748 : vector<16xf32> to vector<1x16xf32>
          tpu.vector_store %arg5[%swap3A_751, %swap3A_752], %swap3A_755 {strides = array<i32>} : memref<224x224xf32, #tpu.memory_space<vmem>>, vector<1x16xf32>,
          %swap3A_756 = arith.index_cast %scan3A_498 : i32 to index
          %swap3A_757 = arith.constant 192 : index
          %swap3A_758 = tpu.vector_load %arg5[%swap3A_756, %swap3A_757] {strides = array<i32>} : memref<224x224xf32, #tpu.memory_space<vmem>>, vector<1x16xf32>,
          %swap3A_759 = vector.shape_cast %swap3A_758 : vector<1x16xf32> to vector<16xf32>
          %swap3A_760 = vector.shape_cast %get3A_720 : vector<16xf32> to vector<1x16xf32>
          tpu.vector_store %arg5[%swap3A_756, %swap3A_757], %swap3A_760 {strides = array<i32>} : memref<224x224xf32, #tpu.memory_space<vmem>>, vector<1x16xf32>,
          %get3A_761 = arith.index_cast %scan3A_498 : i32 to index
          %get3A_762 = arith.constant 96 : index
          %get3A_763 = tpu.vector_load %arg5[%get3A_761, %get3A_762] {strides = array<i32>} : memref<224x224xf32, #tpu.memory_space<vmem>>, vector<1x16xf32>,
          %get3A_764 = vector.shape_cast %get3A_763 : vector<1x16xf32> to vector<16xf32>
          %add3A_765 = arith.constant 112 : i32
          %add3A_766 = arith.addi %scan3A_498, %add3A_765 : i32
          %get3A_767 = arith.index_cast %add3A_766 : i32 to index
          %get3A_768 = arith.constant 208 : index
          %get3A_769 = tpu.vector_load %arg5[%get3A_767, %get3A_768] {strides = array<i32>} : memref<224x224xf32, #tpu.memory_space<vmem>>, vector<1x16xf32>,
          %get3A_770 = vector.shape_cast %get3A_769 : vector<1x16xf32> to vector<16xf32>
          %swap3A_771 = arith.index_cast %scan3A_498 : i32 to index
          %swap3A_772 = arith.constant 96 : index
          %swap3A_773 = tpu.vector_load %arg5[%swap3A_771, %swap3A_772] {strides = array<i32>} : memref<224x224xf32, #tpu.memory_space<vmem>>, vector<1x16xf32>,
          %swap3A_774 = vector.shape_cast %swap3A_773 : vector<1x16xf32> to vector<16xf32>
          %swap3A_775 = vector.shape_cast %get3A_770 : vector<16xf32> to vector<1x16xf32>
          tpu.vector_store %arg5[%swap3A_771, %swap3A_772], %swap3A_775 {strides = array<i32>} : memref<224x224xf32, #tpu.memory_space<vmem>>, vector<1x16xf32>,
          %add3A_776 = arith.constant 112 : i32
          %add3A_777 = arith.addi %scan3A_498, %add3A_776 : i32
          %get3A_778 = arith.index_cast %add3A_777 : i32 to index
          %get3A_779 = arith.constant 96 : index
          %get3A_780 = tpu.vector_load %arg5[%get3A_778, %get3A_779] {strides = array<i32>} : memref<224x224xf32, #tpu.memory_space<vmem>>, vector<1x16xf32>,
          %get3A_781 = vector.shape_cast %get3A_780 : vector<1x16xf32> to vector<16xf32>
          %add3A_782 = arith.constant 112 : i32
          %add3A_783 = arith.addi %scan3A_498, %add3A_782 : i32
          %swap3A_784 = arith.index_cast %add3A_783 : i32 to index
          %swap3A_785 = arith.constant 208 : index
          %swap3A_786 = tpu.vector_load %arg5[%swap3A_784, %swap3A_785] {strides = array<i32>} : memref<224x224xf32, #tpu.memory_space<vmem>>, vector<1x16xf32>,
          %swap3A_787 = vector.shape_cast %swap3A_786 : vector<1x16xf32> to vector<16xf32>
          %swap3A_788 = vector.shape_cast %get3A_781 : vector<16xf32> to vector<1x16xf32>
          tpu.vector_store %arg5[%swap3A_784, %swap3A_785], %swap3A_788 {strides = array<i32>} : memref<224x224xf32, #tpu.memory_space<vmem>>, vector<1x16xf32>,
          %get3A_789 = arith.index_cast %scan3A_498 : i32 to index
          %get3A_790 = arith.constant 208 : index
          %get3A_791 = tpu.vector_load %arg5[%get3A_789, %get3A_790] {strides = array<i32>} : memref<224x224xf32, #tpu.memory_space<vmem>>, vector<1x16xf32>,
          %get3A_792 = vector.shape_cast %get3A_791 : vector<1x16xf32> to vector<16xf32>
          %add3A_793 = arith.constant 112 : i32
          %add3A_794 = arith.addi %scan3A_498, %add3A_793 : i32
          %swap3A_795 = arith.index_cast %add3A_794 : i32 to index
          %swap3A_796 = arith.constant 96 : index
          %swap3A_797 = tpu.vector_load %arg5[%swap3A_795, %swap3A_796] {strides = array<i32>} : memref<224x224xf32, #tpu.memory_space<vmem>>, vector<1x16xf32>,
          %swap3A_798 = vector.shape_cast %swap3A_797 : vector<1x16xf32> to vector<16xf32>
          %swap3A_799 = vector.shape_cast %get3A_792 : vector<16xf32> to vector<1x16xf32>
          tpu.vector_store %arg5[%swap3A_795, %swap3A_796], %swap3A_799 {strides = array<i32>} : memref<224x224xf32, #tpu.memory_space<vmem>>, vector<1x16xf32>,
          %swap3A_800 = arith.index_cast %scan3A_498 : i32 to index
          %swap3A_801 = arith.constant 208 : index
          %swap3A_802 = tpu.vector_load %arg5[%swap3A_800, %swap3A_801] {strides = array<i32>} : memref<224x224xf32, #tpu.memory_space<vmem>>, vector<1x16xf32>,
          %swap3A_803 = vector.shape_cast %swap3A_802 : vector<1x16xf32> to vector<16xf32>
          %swap3A_804 = vector.shape_cast %get3A_764 : vector<16xf32> to vector<1x16xf32>
          tpu.vector_store %arg5[%swap3A_800, %swap3A_801], %swap3A_804 {strides = array<i32>} : memref<224x224xf32, #tpu.memory_space<vmem>>, vector<1x16xf32>,
        }
        %scan3A_497 = arith.constant 112 : i32
      } else {
      }
      %dma_start3A_479 = arith.constant 0 : i32
      %dma_start3A_480 = arith.constant 0 : i32
      %dma_start3A_481 = tpu.memref_slice %arg3[%select_n3A_360, %add3A_336, %dma_start3A_479, %dma_start3A_480] : memref<2x384x224x224xf32, #tpu.memory_space<hbm>> -> memref<1x1x224x224xf32, #tpu.memory_space<hbm>>
      %dma_start3A_482 = tpu.memref_squeeze %dma_start3A_481 : memref<1x1x224x224xf32, #tpu.memory_space<hbm>> -> memref<224x224xf32, #tpu.memory_space<hbm>>
      %dma_start3A_483 = arith.constant 0 : i32
      %dma_start3A_484 = arith.constant 0 : i32
      %dma_start3A_485 = tpu.memref_slice %arg3[%select_n3A_360, %add3A_336, %dma_start3A_483, %dma_start3A_484] : memref<2x384x224x224xf32, #tpu.memory_space<hbm>> -> memref<1x1x224x224xf32, #tpu.memory_space<hbm>>
      %dma_start3A_486 = tpu.memref_squeeze %dma_start3A_485 : memref<1x1x224x224xf32, #tpu.memory_space<hbm>> -> memref<224x224xf32, #tpu.memory_space<hbm>>
      tpu.enqueue_dma source(%arg5 : memref<224x224xf32, #tpu.memory_space<vmem>>) target(%dma_start3A_486 : memref<224x224xf32, #tpu.memory_space<hbm>>) target_semaphore(%arg9 : memref<!tpu.dma_semaphore, #tpu.memory_space<semaphore_mem>>)
      %lt3A_487 = arith.constant 3 : i32
      %lt3A_488 = arith.cmpi slt, %scan3A_271, %lt3A_487 : i32
      %convert_element_type3A_489 = arith.extui %lt3A_488 : i1 to i32
      %cond3A_490 = arith.constant 0 : i32
      %cond3A_491 = arith.cmpi ne, %convert_element_type3A_489, %cond3A_490 : i32
      scf.if %cond3A_491 {
        %dma_wait3A_492 = arith.constant 0 : i32
        %dma_wait3A_493 = arith.constant 0 : i32
        %dma_wait3A_494 = tpu.memref_slice %arg3[%select_n3A_318, %add3A_294, %dma_wait3A_492, %dma_wait3A_493] : memref<2x384x224x224xf32, #tpu.memory_space<hbm>> -> memref<1x1x224x224xf32, #tpu.memory_space<hbm>>
        %dma_wait3A_495 = tpu.memref_squeeze %dma_wait3A_494 : memref<1x1x224x224xf32, #tpu.memory_space<hbm>> -> memref<224x224xf32, #tpu.memory_space<hbm>>
        %dma_wait3A_496 = arith.constant 0 : i32
        %dma_wait3A_497 = arith.constant 0 : i32
        %dma_wait3A_498 = tpu.memref_slice %arg3[%select_n3A_318, %add3A_294, %dma_wait3A_496, %dma_wait3A_497] : memref<2x384x224x224xf32, #tpu.memory_space<hbm>> -> memref<1x1x224x224xf32, #tpu.memory_space<hbm>>
        %dma_wait3A_499 = tpu.memref_squeeze %dma_wait3A_498 : memref<1x1x224x224xf32, #tpu.memory_space<hbm>> -> memref<224x224xf32, #tpu.memory_space<hbm>>
        tpu.wait_dma2 semaphore(%arg8 : memref<!tpu.dma_semaphore, #tpu.memory_space<semaphore_mem>>) src(%arg4 : memref<224x224xf32, #tpu.memory_space<vmem>>) dst(%dma_wait3A_499 : memref<224x224xf32, #tpu.memory_space<hbm>>)
        %add3A_500 = arith.constant 2 : i32
        %add3A_501 = arith.addi %add3A_274, %add3A_500 : i32
        %jit3A_502 = arith.constant 144 : i32
        %eq3A_503 = arith.constant 0 : i32
        %eq3A_504 = arith.cmpi eq, %jit3A_502, %eq3A_503 : i32
        %jit3A_505 = arith.constant 1 : i32
        %select_n3A_506 = arith.select %eq3A_504, %jit3A_505, %jit3A_502 : i32
        %rem3A_507 = arith.remsi %add3A_501, %select_n3A_506 : i32
        %ne3A_508 = arith.constant 0 : i32
        %ne3A_509 = arith.cmpi ne, %rem3A_507, %ne3A_508 : i32
        %lt3A_510 = arith.constant 0 : i32
        %lt3A_511 = arith.cmpi slt, %rem3A_507, %lt3A_510 : i32
        %lt3A_512 = arith.constant 0 : i32
        %lt3A_513 = arith.cmpi slt, %select_n3A_506, %lt3A_512 : i32
        %ne3A_514 = arith.xori %lt3A_511, %lt3A_513 : i1
        %and3A_515 = arith.andi %ne3A_514, %ne3A_509 : i1
        %add3A_516 = arith.addi %rem3A_507, %select_n3A_506 : i32
        %select_n3A_517 = arith.select %and3A_515, %add3A_516, %rem3A_507 : i32
        %add3A_518 = arith.constant 240 : i32
        %add3A_519 = arith.addi %add3A_518, %select_n3A_517 : i32
        %jit3A_520 = arith.constant 144 : i32
        %div3A_521 = arith.divsi %add3A_501, %jit3A_520 : i32
        %sign3A_522 = arith.constant 0 : i32
        %sign3A_523 = arith.cmpi sgt, %add3A_501, %sign3A_522 : i32
        %sign3A_524 = arith.extui %sign3A_523 : i1 to i32
        %sign3A_525 = arith.constant 0 : i32
        %sign3A_526 = arith.cmpi slt, %add3A_501, %sign3A_525 : i32
        %sign3A_527 = arith.extui %sign3A_526 : i1 to i32
        %sign3A_528 = arith.subi %sign3A_524, %sign3A_527 : i32
        %sign3A_529 = arith.constant 0 : i32
        %sign3A_530 = arith.cmpi sgt, %jit3A_520, %sign3A_529 : i32
        %sign3A_531 = arith.extui %sign3A_530 : i1 to i32
        %sign3A_532 = arith.constant 0 : i32
        %sign3A_533 = arith.cmpi slt, %jit3A_520, %sign3A_532 : i32
        %sign3A_534 = arith.extui %sign3A_533 : i1 to i32
        %sign3A_535 = arith.subi %sign3A_531, %sign3A_534 : i32
        %ne3A_536 = arith.cmpi ne, %sign3A_528, %sign3A_535 : i32
        %rem3A_537 = arith.remsi %add3A_501, %jit3A_520 : i32
        %ne3A_538 = arith.constant 0 : i32
        %ne3A_539 = arith.cmpi ne, %rem3A_537, %ne3A_538 : i32
        %and3A_540 = arith.andi %ne3A_536, %ne3A_539 : i1
        %sub3A_541 = arith.constant 1 : i32
        %sub3A_542 = arith.subi %div3A_521, %sub3A_541 : i32
        %select_n3A_543 = arith.select %and3A_540, %sub3A_542, %div3A_521 : i32
        %dma_start3A_544 = arith.constant 0 : i32
        %dma_start3A_545 = arith.constant 0 : i32
        %dma_start3A_546 = tpu.memref_slice %arg2[%select_n3A_543, %add3A_519, %dma_start3A_544, %dma_start3A_545] : memref<2x384x224x224xf32, #tpu.memory_space<hbm>> -> memref<1x1x224x224xf32, #tpu.memory_space<hbm>>
        %dma_start3A_547 = tpu.memref_squeeze %dma_start3A_546 : memref<1x1x224x224xf32, #tpu.memory_space<hbm>> -> memref<224x224xf32, #tpu.memory_space<hbm>>
        %dma_start3A_548 = arith.constant 0 : i32
        %dma_start3A_549 = arith.constant 0 : i32
        %dma_start3A_550 = tpu.memref_slice %arg2[%select_n3A_543, %add3A_519, %dma_start3A_548, %dma_start3A_549] : memref<2x384x224x224xf32, #tpu.memory_space<hbm>> -> memref<1x1x224x224xf32, #tpu.memory_space<hbm>>
        %dma_start3A_551 = tpu.memref_squeeze %dma_start3A_550 : memref<1x1x224x224xf32, #tpu.memory_space<hbm>> -> memref<224x224xf32, #tpu.memory_space<hbm>>
        tpu.enqueue_dma source(%dma_start3A_551 : memref<224x224xf32, #tpu.memory_space<hbm>>) target(%arg4 : memref<224x224xf32, #tpu.memory_space<vmem>>) target_semaphore(%arg6 : memref<!tpu.dma_semaphore, #tpu.memory_space<semaphore_mem>>)
      } else {
      }
    }
    %scan3A_46 = arith.constant 4 : i32
    %add3A_47 = arith.constant 8 : i32
    %add3A_48 = arith.addi %mul3A_2, %add3A_47 : i32
    %sub3A_49 = arith.constant 2 : i32
    %sub3A_50 = arith.subi %add3A_48, %sub3A_49 : i32
    %jit3A_51 = arith.constant 144 : i32
    %eq3A_52 = arith.constant 0 : i32
    %eq3A_53 = arith.cmpi eq, %jit3A_51, %eq3A_52 : i32
    %jit3A_54 = arith.constant 1 : i32
    %select_n3A_55 = arith.select %eq3A_53, %jit3A_54, %jit3A_51 : i32
    %rem3A_56 = arith.remsi %sub3A_50, %select_n3A_55 : i32
    %ne3A_57 = arith.constant 0 : i32
    %ne3A_58 = arith.cmpi ne, %rem3A_56, %ne3A_57 : i32
    %lt3A_59 = arith.constant 0 : i32
    %lt3A_60 = arith.cmpi slt, %rem3A_56, %lt3A_59 : i32
    %lt3A_61 = arith.constant 0 : i32
    %lt3A_62 = arith.cmpi slt, %select_n3A_55, %lt3A_61 : i32
    %ne3A_63 = arith.xori %lt3A_60, %lt3A_62 : i1
    %and3A_64 = arith.andi %ne3A_63, %ne3A_58 : i1
    %add3A_65 = arith.addi %rem3A_56, %select_n3A_55 : i32
    %select_n3A_66 = arith.select %and3A_64, %add3A_65, %rem3A_56 : i32
    %add3A_67 = arith.constant 240 : i32
    %add3A_68 = arith.addi %add3A_67, %select_n3A_66 : i32
    %jit3A_69 = arith.constant 144 : i32
    %div3A_70 = arith.divsi %sub3A_50, %jit3A_69 : i32
    %sign3A_71 = arith.constant 0 : i32
    %sign3A_72 = arith.cmpi sgt, %sub3A_50, %sign3A_71 : i32
    %sign3A_73 = arith.extui %sign3A_72 : i1 to i32
    %sign3A_74 = arith.constant 0 : i32
    %sign3A_75 = arith.cmpi slt, %sub3A_50, %sign3A_74 : i32
    %sign3A_76 = arith.extui %sign3A_75 : i1 to i32
    %sign3A_77 = arith.subi %sign3A_73, %sign3A_76 : i32
    %sign3A_78 = arith.constant 0 : i32
    %sign3A_79 = arith.cmpi sgt, %jit3A_69, %sign3A_78 : i32
    %sign3A_80 = arith.extui %sign3A_79 : i1 to i32
    %sign3A_81 = arith.constant 0 : i32
    %sign3A_82 = arith.cmpi slt, %jit3A_69, %sign3A_81 : i32
    %sign3A_83 = arith.extui %sign3A_82 : i1 to i32
    %sign3A_84 = arith.subi %sign3A_80, %sign3A_83 : i32
    %ne3A_85 = arith.cmpi ne, %sign3A_77, %sign3A_84 : i32
    %rem3A_86 = arith.remsi %sub3A_50, %jit3A_69 : i32
    %ne3A_87 = arith.constant 0 : i32
    %ne3A_88 = arith.cmpi ne, %rem3A_86, %ne3A_87 : i32
    %and3A_89 = arith.andi %ne3A_85, %ne3A_88 : i1
    %sub3A_90 = arith.constant 1 : i32
    %sub3A_91 = arith.subi %div3A_70, %sub3A_90 : i32
    %select_n3A_92 = arith.select %and3A_89, %sub3A_91, %div3A_70 : i32
    %dma_wait3A = arith.constant 0 : i32
    %dma_wait3A_93 = arith.constant 0 : i32
    %dma_wait3A_94 = tpu.memref_slice %arg3[%select_n3A_92, %add3A_68, %dma_wait3A, %dma_wait3A_93] : memref<2x384x224x224xf32, #tpu.memory_space<hbm>> -> memref<1x1x224x224xf32, #tpu.memory_space<hbm>>
    %dma_wait3A_95 = tpu.memref_squeeze %dma_wait3A_94 : memref<1x1x224x224xf32, #tpu.memory_space<hbm>> -> memref<224x224xf32, #tpu.memory_space<hbm>>
    %dma_wait3A_96 = arith.constant 0 : i32
    %dma_wait3A_97 = arith.constant 0 : i32
    %dma_wait3A_98 = tpu.memref_slice %arg3[%select_n3A_92, %add3A_68, %dma_wait3A_96, %dma_wait3A_97] : memref<2x384x224x224xf32, #tpu.memory_space<hbm>> -> memref<1x1x224x224xf32, #tpu.memory_space<hbm>>
    %dma_wait3A_99 = tpu.memref_squeeze %dma_wait3A_98 : memref<1x1x224x224xf32, #tpu.memory_space<hbm>> -> memref<224x224xf32, #tpu.memory_space<hbm>>
    tpu.wait_dma2 semaphore(%arg8 : memref<!tpu.dma_semaphore, #tpu.memory_space<semaphore_mem>>) src(%arg4 : memref<224x224xf32, #tpu.memory_space<vmem>>) dst(%dma_wait3A_99 : memref<224x224xf32, #tpu.memory_space<hbm>>)
    %add3A_100 = arith.constant 9 : i32
    %add3A_101 = arith.addi %mul3A_2, %add3A_100 : i32
    %sub3A_102 = arith.constant 1 : i32
    %sub3A_103 = arith.subi %add3A_101, %sub3A_102 : i32
    %jit3A_104 = arith.constant 144 : i32
    %eq3A_105 = arith.constant 0 : i32
    %eq3A_106 = arith.cmpi eq, %jit3A_104, %eq3A_105 : i32
    %jit3A_107 = arith.constant 1 : i32
    %select_n3A_108 = arith.select %eq3A_106, %jit3A_107, %jit3A_104 : i32
    %rem3A_109 = arith.remsi %sub3A_103, %select_n3A_108 : i32
    %ne3A_110 = arith.constant 0 : i32
    %ne3A_111 = arith.cmpi ne, %rem3A_109, %ne3A_110 : i32
    %lt3A_112 = arith.constant 0 : i32
    %lt3A_113 = arith.cmpi slt, %rem3A_109, %lt3A_112 : i32
    %lt3A_114 = arith.constant 0 : i32
    %lt3A_115 = arith.cmpi slt, %select_n3A_108, %lt3A_114 : i32
    %ne3A_116 = arith.xori %lt3A_113, %lt3A_115 : i1
    %and3A_117 = arith.andi %ne3A_116, %ne3A_111 : i1
    %add3A_118 = arith.addi %rem3A_109, %select_n3A_108 : i32
    %select_n3A_119 = arith.select %and3A_117, %add3A_118, %rem3A_109 : i32
    %add3A_120 = arith.constant 240 : i32
    %add3A_121 = arith.addi %add3A_120, %select_n3A_119 : i32
    %jit3A_122 = arith.constant 144 : i32
    %div3A_123 = arith.divsi %sub3A_103, %jit3A_122 : i32
    %sign3A_124 = arith.constant 0 : i32
    %sign3A_125 = arith.cmpi sgt, %sub3A_103, %sign3A_124 : i32
    %sign3A_126 = arith.extui %sign3A_125 : i1 to i32
    %sign3A_127 = arith.constant 0 : i32
    %sign3A_128 = arith.cmpi slt, %sub3A_103, %sign3A_127 : i32
    %sign3A_129 = arith.extui %sign3A_128 : i1 to i32
    %sign3A_130 = arith.subi %sign3A_126, %sign3A_129 : i32
    %sign3A_131 = arith.constant 0 : i32
    %sign3A_132 = arith.cmpi sgt, %jit3A_122, %sign3A_131 : i32
    %sign3A_133 = arith.extui %sign3A_132 : i1 to i32
    %sign3A_134 = arith.constant 0 : i32
    %sign3A_135 = arith.cmpi slt, %jit3A_122, %sign3A_134 : i32
    %sign3A_136 = arith.extui %sign3A_135 : i1 to i32
    %sign3A_137 = arith.subi %sign3A_133, %sign3A_136 : i32
    %ne3A_138 = arith.cmpi ne, %sign3A_130, %sign3A_137 : i32
    %rem3A_139 = arith.remsi %sub3A_103, %jit3A_122 : i32
    %ne3A_140 = arith.constant 0 : i32
    %ne3A_141 = arith.cmpi ne, %rem3A_139, %ne3A_140 : i32
    %and3A_142 = arith.andi %ne3A_138, %ne3A_141 : i1
    %sub3A_143 = arith.constant 1 : i32
    %sub3A_144 = arith.subi %div3A_123, %sub3A_143 : i32
    %select_n3A_145 = arith.select %and3A_142, %sub3A_144, %div3A_123 : i32
    %dma_start3A_146 = arith.constant 0 : i32
    %dma_start3A_147 = arith.constant 0 : i32
    %dma_start3A_148 = tpu.memref_slice %arg2[%select_n3A_145, %add3A_121, %dma_start3A_146, %dma_start3A_147] : memref<2x384x224x224xf32, #tpu.memory_space<hbm>> -> memref<1x1x224x224xf32, #tpu.memory_space<hbm>>
    %dma_start3A_149 = tpu.memref_squeeze %dma_start3A_148 : memref<1x1x224x224xf32, #tpu.memory_space<hbm>> -> memref<224x224xf32, #tpu.memory_space<hbm>>
    %dma_start3A_150 = arith.constant 0 : i32
    %dma_start3A_151 = arith.constant 0 : i32
    %dma_start3A_152 = tpu.memref_slice %arg2[%select_n3A_145, %add3A_121, %dma_start3A_150, %dma_start3A_151] : memref<2x384x224x224xf32, #tpu.memory_space<hbm>> -> memref<1x1x224x224xf32, #tpu.memory_space<hbm>>
    %dma_start3A_153 = tpu.memref_squeeze %dma_start3A_152 : memref<1x1x224x224xf32, #tpu.memory_space<hbm>> -> memref<224x224xf32, #tpu.memory_space<hbm>>
    tpu.enqueue_dma source(%dma_start3A_153 : memref<224x224xf32, #tpu.memory_space<hbm>>) target(%arg4 : memref<224x224xf32, #tpu.memory_space<vmem>>) target_semaphore(%arg6 : memref<!tpu.dma_semaphore, #tpu.memory_space<semaphore_mem>>)
    %dma_wait3A_154 = arith.constant 0 : i32
    %dma_wait3A_155 = arith.constant 0 : i32
    %dma_wait3A_156 = tpu.memref_slice %arg2[%select_n3A_145, %add3A_121, %dma_wait3A_154, %dma_wait3A_155] : memref<2x384x224x224xf32, #tpu.memory_space<hbm>> -> memref<1x1x224x224xf32, #tpu.memory_space<hbm>>
    %dma_wait3A_157 = tpu.memref_squeeze %dma_wait3A_156 : memref<1x1x224x224xf32, #tpu.memory_space<hbm>> -> memref<224x224xf32, #tpu.memory_space<hbm>>
    %dma_wait3A_158 = arith.constant 0 : i32
    %dma_wait3A_159 = arith.constant 0 : i32
    %dma_wait3A_160 = tpu.memref_slice %arg2[%select_n3A_145, %add3A_121, %dma_wait3A_158, %dma_wait3A_159] : memref<2x384x224x224xf32, #tpu.memory_space<hbm>> -> memref<1x1x224x224xf32, #tpu.memory_space<hbm>>
    %dma_wait3A_161 = tpu.memref_squeeze %dma_wait3A_160 : memref<1x1x224x224xf32, #tpu.memory_space<hbm>> -> memref<224x224xf32, #tpu.memory_space<hbm>>
    tpu.wait_dma2 semaphore(%arg6 : memref<!tpu.dma_semaphore, #tpu.memory_space<semaphore_mem>>) src(%dma_wait3A_161 : memref<224x224xf32, #tpu.memory_space<hbm>>) dst(%arg4 : memref<224x224xf32, #tpu.memory_space<vmem>>)
    %sub3A_162 = arith.constant 192 : i32
    %sub3A_163 = arith.subi %add3A_121, %sub3A_162 : i32
    %jit3A_164 = arith.constant 48 : i32
    %div3A_165 = arith.divsi %sub3A_163, %jit3A_164 : i32
    %sign3A_166 = arith.constant 0 : i32
    %sign3A_167 = arith.cmpi sgt, %sub3A_163, %sign3A_166 : i32
    %sign3A_168 = arith.extui %sign3A_167 : i1 to i32
    %sign3A_169 = arith.constant 0 : i32
    %sign3A_170 = arith.cmpi slt, %sub3A_163, %sign3A_169 : i32
    %sign3A_171 = arith.extui %sign3A_170 : i1 to i32
    %sign3A_172 = arith.subi %sign3A_168, %sign3A_171 : i32
    %sign3A_173 = arith.constant 0 : i32
    %sign3A_174 = arith.cmpi sgt, %jit3A_164, %sign3A_173 : i32
    %sign3A_175 = arith.extui %sign3A_174 : i1 to i32
    %sign3A_176 = arith.constant 0 : i32
    %sign3A_177 = arith.cmpi slt, %jit3A_164, %sign3A_176 : i32
    %sign3A_178 = arith.extui %sign3A_177 : i1 to i32
    %sign3A_179 = arith.subi %sign3A_175, %sign3A_178 : i32
    %ne3A_180 = arith.cmpi ne, %sign3A_172, %sign3A_179 : i32
    %rem3A_181 = arith.remsi %sub3A_163, %jit3A_164 : i32
    %ne3A_182 = arith.constant 0 : i32
    %ne3A_183 = arith.cmpi ne, %rem3A_181, %ne3A_182 : i32
    %and3A_184 = arith.andi %ne3A_180, %ne3A_183 : i1
    %sub3A_185 = arith.constant 1 : i32
    %sub3A_186 = arith.subi %div3A_165, %sub3A_185 : i32
    %select_n3A_187 = arith.select %and3A_184, %sub3A_186, %div3A_165 : i32
    %eq3A_188 = arith.constant 1 : i32
    %eq3A_189 = arith.cmpi eq, %select_n3A_187, %eq3A_188 : i32
    %convert_element_type3A = arith.extui %eq3A_189 : i1 to i32
    %cond3A = arith.constant 0 : i32
    %cond3A_190 = arith.cmpi ne, %convert_element_type3A, %cond3A : i32
    scf.if %cond3A_190 {
      %scan3A_271 = arith.constant 0 : i32
      %scan3A_272 = arith.constant 0 : i32
      %scan3A_273 = arith.constant 112 : i32
      %scan3A_274 = arith.addi %scan3A_272, %scan3A_273 : i32
      %scan3A_275 = arith.constant 1 : i32
      scf.for %scan3A_277 = %scan3A_272 to %scan3A_274 step %scan3A_275  : i32 {
        %get3A = arith.index_cast %scan3A_277 : i32 to index
        %get3A_278 = arith.constant 0 : index
        %get3A_279 = tpu.vector_load %arg4[%get3A, %get3A_278] {strides = array<i32>} : memref<224x224xf32, #tpu.memory_space<vmem>>, vector<1x16xf32>,
        %get3A_280 = vector.shape_cast %get3A_279 : vector<1x16xf32> to vector<16xf32>
        %get3A_281 = arith.index_cast %scan3A_277 : i32 to index
        %get3A_282 = arith.constant 112 : index
        %get3A_283 = tpu.vector_load %arg4[%get3A_281, %get3A_282] {strides = array<i32>} : memref<224x224xf32, #tpu.memory_space<vmem>>, vector<1x16xf32>,
        %get3A_284 = vector.shape_cast %get3A_283 : vector<1x16xf32> to vector<16xf32>
        %swap3A = arith.index_cast %scan3A_277 : i32 to index
        %swap3A_285 = arith.constant 0 : index
        %swap3A_286 = tpu.vector_load %arg4[%swap3A, %swap3A_285] {strides = array<i32>} : memref<224x224xf32, #tpu.memory_space<vmem>>, vector<1x16xf32>,
        %swap3A_287 = vector.shape_cast %swap3A_286 : vector<1x16xf32> to vector<16xf32>
        %swap3A_288 = vector.shape_cast %get3A_284 : vector<16xf32> to vector<1x16xf32>
        tpu.vector_store %arg4[%swap3A, %swap3A_285], %swap3A_288 {strides = array<i32>} : memref<224x224xf32, #tpu.memory_space<vmem>>, vector<1x16xf32>,
        %add3A_289 = arith.constant 112 : i32
        %add3A_290 = arith.addi %scan3A_277, %add3A_289 : i32
        %get3A_291 = arith.index_cast %add3A_290 : i32 to index
        %get3A_292 = arith.constant 0 : index
        %get3A_293 = tpu.vector_load %arg4[%get3A_291, %get3A_292] {strides = array<i32>} : memref<224x224xf32, #tpu.memory_space<vmem>>, vector<1x16xf32>,
        %get3A_294 = vector.shape_cast %get3A_293 : vector<1x16xf32> to vector<16xf32>
        %swap3A_295 = arith.index_cast %scan3A_277 : i32 to index
        %swap3A_296 = arith.constant 112 : index
        %swap3A_297 = tpu.vector_load %arg4[%swap3A_295, %swap3A_296] {strides = array<i32>} : memref<224x224xf32, #tpu.memory_space<vmem>>, vector<1x16xf32>,
        %swap3A_298 = vector.shape_cast %swap3A_297 : vector<1x16xf32> to vector<16xf32>
        %swap3A_299 = vector.shape_cast %get3A_294 : vector<16xf32> to vector<1x16xf32>
        tpu.vector_store %arg4[%swap3A_295, %swap3A_296], %swap3A_299 {strides = array<i32>} : memref<224x224xf32, #tpu.memory_space<vmem>>, vector<1x16xf32>,
        %add3A_300 = arith.constant 112 : i32
        %add3A_301 = arith.addi %scan3A_277, %add3A_300 : i32
        %get3A_302 = arith.index_cast %add3A_301 : i32 to index
        %get3A_303 = arith.constant 112 : index
        %get3A_304 = tpu.vector_load %arg4[%get3A_302, %get3A_303] {strides = array<i32>} : memref<224x224xf32, #tpu.memory_space<vmem>>, vector<1x16xf32>,
        %get3A_305 = vector.shape_cast %get3A_304 : vector<1x16xf32> to vector<16xf32>
        %add3A_306 = arith.constant 112 : i32
        %add3A_307 = arith.addi %scan3A_277, %add3A_306 : i32
        %swap3A_308 = arith.index_cast %add3A_307 : i32 to index
        %swap3A_309 = arith.constant 0 : index
        %swap3A_310 = tpu.vector_load %arg4[%swap3A_308, %swap3A_309] {strides = array<i32>} : memref<224x224xf32, #tpu.memory_space<vmem>>, vector<1x16xf32>,
        %swap3A_311 = vector.shape_cast %swap3A_310 : vector<1x16xf32> to vector<16xf32>
        %swap3A_312 = vector.shape_cast %get3A_305 : vector<16xf32> to vector<1x16xf32>
        tpu.vector_store %arg4[%swap3A_308, %swap3A_309], %swap3A_312 {strides = array<i32>} : memref<224x224xf32, #tpu.memory_space<vmem>>, vector<1x16xf32>,
        %add3A_313 = arith.constant 112 : i32
        %add3A_314 = arith.addi %scan3A_277, %add3A_313 : i32
        %swap3A_315 = arith.index_cast %add3A_314 : i32 to index
        %swap3A_316 = arith.constant 112 : index
        %swap3A_317 = tpu.vector_load %arg4[%swap3A_315, %swap3A_316] {strides = array<i32>} : memref<224x224xf32, #tpu.memory_space<vmem>>, vector<1x16xf32>,
        %swap3A_318 = vector.shape_cast %swap3A_317 : vector<1x16xf32> to vector<16xf32>
        %swap3A_319 = vector.shape_cast %get3A_280 : vector<16xf32> to vector<1x16xf32>
        tpu.vector_store %arg4[%swap3A_315, %swap3A_316], %swap3A_319 {strides = array<i32>} : memref<224x224xf32, #tpu.memory_space<vmem>>, vector<1x16xf32>,
        %get3A_320 = arith.index_cast %scan3A_277 : i32 to index
        %get3A_321 = arith.constant 16 : index
        %get3A_322 = tpu.vector_load %arg4[%get3A_320, %get3A_321] {strides = array<i32>} : memref<224x224xf32, #tpu.memory_space<vmem>>, vector<1x16xf32>,
        %get3A_323 = vector.shape_cast %get3A_322 : vector<1x16xf32> to vector<16xf32>
        %get3A_324 = arith.index_cast %scan3A_277 : i32 to index
        %get3A_325 = arith.constant 128 : index
        %get3A_326 = tpu.vector_load %arg4[%get3A_324, %get3A_325] {strides = array<i32>} : memref<224x224xf32, #tpu.memory_space<vmem>>, vector<1x16xf32>,
        %get3A_327 = vector.shape_cast %get3A_326 : vector<1x16xf32> to vector<16xf32>
        %swap3A_328 = arith.index_cast %scan3A_277 : i32 to index
        %swap3A_329 = arith.constant 16 : index
        %swap3A_330 = tpu.vector_load %arg4[%swap3A_328, %swap3A_329] {strides = array<i32>} : memref<224x224xf32, #tpu.memory_space<vmem>>, vector<1x16xf32>,
        %swap3A_331 = vector.shape_cast %swap3A_330 : vector<1x16xf32> to vector<16xf32>
        %swap3A_332 = vector.shape_cast %get3A_327 : vector<16xf32> to vector<1x16xf32>
        tpu.vector_store %arg4[%swap3A_328, %swap3A_329], %swap3A_332 {strides = array<i32>} : memref<224x224xf32, #tpu.memory_space<vmem>>, vector<1x16xf32>,
        %add3A_333 = arith.constant 112 : i32
        %add3A_334 = arith.addi %scan3A_277, %add3A_333 : i32
        %get3A_335 = arith.index_cast %add3A_334 : i32 to index
        %get3A_336 = arith.constant 16 : index
        %get3A_337 = tpu.vector_load %arg4[%get3A_335, %get3A_336] {strides = array<i32>} : memref<224x224xf32, #tpu.memory_space<vmem>>, vector<1x16xf32>,
        %get3A_338 = vector.shape_cast %get3A_337 : vector<1x16xf32> to vector<16xf32>
        %swap3A_339 = arith.index_cast %scan3A_277 : i32 to index
        %swap3A_340 = arith.constant 128 : index
        %swap3A_341 = tpu.vector_load %arg4[%swap3A_339, %swap3A_340] {strides = array<i32>} : memref<224x224xf32, #tpu.memory_space<vmem>>, vector<1x16xf32>,
        %swap3A_342 = vector.shape_cast %swap3A_341 : vector<1x16xf32> to vector<16xf32>
        %swap3A_343 = vector.shape_cast %get3A_338 : vector<16xf32> to vector<1x16xf32>
        tpu.vector_store %arg4[%swap3A_339, %swap3A_340], %swap3A_343 {strides = array<i32>} : memref<224x224xf32, #tpu.memory_space<vmem>>, vector<1x16xf32>,
        %add3A_344 = arith.constant 112 : i32
        %add3A_345 = arith.addi %scan3A_277, %add3A_344 : i32
        %get3A_346 = arith.index_cast %add3A_345 : i32 to index
        %get3A_347 = arith.constant 128 : index
        %get3A_348 = tpu.vector_load %arg4[%get3A_346, %get3A_347] {strides = array<i32>} : memref<224x224xf32, #tpu.memory_space<vmem>>, vector<1x16xf32>,
        %get3A_349 = vector.shape_cast %get3A_348 : vector<1x16xf32> to vector<16xf32>
        %add3A_350 = arith.constant 112 : i32
        %add3A_351 = arith.addi %scan3A_277, %add3A_350 : i32
        %swap3A_352 = arith.index_cast %add3A_351 : i32 to index
        %swap3A_353 = arith.constant 16 : index
        %swap3A_354 = tpu.vector_load %arg4[%swap3A_352, %swap3A_353] {strides = array<i32>} : memref<224x224xf32, #tpu.memory_space<vmem>>, vector<1x16xf32>,
        %swap3A_355 = vector.shape_cast %swap3A_354 : vector<1x16xf32> to vector<16xf32>
        %swap3A_356 = vector.shape_cast %get3A_349 : vector<16xf32> to vector<1x16xf32>
        tpu.vector_store %arg4[%swap3A_352, %swap3A_353], %swap3A_356 {strides = array<i32>} : memref<224x224xf32, #tpu.memory_space<vmem>>, vector<1x16xf32>,
        %add3A_357 = arith.constant 112 : i32
        %add3A_358 = arith.addi %scan3A_277, %add3A_357 : i32
        %swap3A_359 = arith.index_cast %add3A_358 : i32 to index
        %swap3A_360 = arith.constant 128 : index
        %swap3A_361 = tpu.vector_load %arg4[%swap3A_359, %swap3A_360] {strides = array<i32>} : memref<224x224xf32, #tpu.memory_space<vmem>>, vector<1x16xf32>,
        %swap3A_362 = vector.shape_cast %swap3A_361 : vector<1x16xf32> to vector<16xf32>
        %swap3A_363 = vector.shape_cast %get3A_323 : vector<16xf32> to vector<1x16xf32>
        tpu.vector_store %arg4[%swap3A_359, %swap3A_360], %swap3A_363 {strides = array<i32>} : memref<224x224xf32, #tpu.memory_space<vmem>>, vector<1x16xf32>,
        %get3A_364 = arith.index_cast %scan3A_277 : i32 to index
        %get3A_365 = arith.constant 32 : index
        %get3A_366 = tpu.vector_load %arg4[%get3A_364, %get3A_365] {strides = array<i32>} : memref<224x224xf32, #tpu.memory_space<vmem>>, vector<1x16xf32>,
        %get3A_367 = vector.shape_cast %get3A_366 : vector<1x16xf32> to vector<16xf32>
        %get3A_368 = arith.index_cast %scan3A_277 : i32 to index
        %get3A_369 = arith.constant 144 : index
        %get3A_370 = tpu.vector_load %arg4[%get3A_368, %get3A_369] {strides = array<i32>} : memref<224x224xf32, #tpu.memory_space<vmem>>, vector<1x16xf32>,
        %get3A_371 = vector.shape_cast %get3A_370 : vector<1x16xf32> to vector<16xf32>
        %swap3A_372 = arith.index_cast %scan3A_277 : i32 to index
        %swap3A_373 = arith.constant 32 : index
        %swap3A_374 = tpu.vector_load %arg4[%swap3A_372, %swap3A_373] {strides = array<i32>} : memref<224x224xf32, #tpu.memory_space<vmem>>, vector<1x16xf32>,
        %swap3A_375 = vector.shape_cast %swap3A_374 : vector<1x16xf32> to vector<16xf32>
        %swap3A_376 = vector.shape_cast %get3A_371 : vector<16xf32> to vector<1x16xf32>
        tpu.vector_store %arg4[%swap3A_372, %swap3A_373], %swap3A_376 {strides = array<i32>} : memref<224x224xf32, #tpu.memory_space<vmem>>, vector<1x16xf32>,
        %add3A_377 = arith.constant 112 : i32
        %add3A_378 = arith.addi %scan3A_277, %add3A_377 : i32
        %get3A_379 = arith.index_cast %add3A_378 : i32 to index
        %get3A_380 = arith.constant 32 : index
        %get3A_381 = tpu.vector_load %arg4[%get3A_379, %get3A_380] {strides = array<i32>} : memref<224x224xf32, #tpu.memory_space<vmem>>, vector<1x16xf32>,
        %get3A_382 = vector.shape_cast %get3A_381 : vector<1x16xf32> to vector<16xf32>
        %swap3A_383 = arith.index_cast %scan3A_277 : i32 to index
        %swap3A_384 = arith.constant 144 : index
        %swap3A_385 = tpu.vector_load %arg4[%swap3A_383, %swap3A_384] {strides = array<i32>} : memref<224x224xf32, #tpu.memory_space<vmem>>, vector<1x16xf32>,
        %swap3A_386 = vector.shape_cast %swap3A_385 : vector<1x16xf32> to vector<16xf32>
        %swap3A_387 = vector.shape_cast %get3A_382 : vector<16xf32> to vector<1x16xf32>
        tpu.vector_store %arg4[%swap3A_383, %swap3A_384], %swap3A_387 {strides = array<i32>} : memref<224x224xf32, #tpu.memory_space<vmem>>, vector<1x16xf32>,
        %add3A_388 = arith.constant 112 : i32
        %add3A_389 = arith.addi %scan3A_277, %add3A_388 : i32
        %get3A_390 = arith.index_cast %add3A_389 : i32 to index
        %get3A_391 = arith.constant 144 : index
        %get3A_392 = tpu.vector_load %arg4[%get3A_390, %get3A_391] {strides = array<i32>} : memref<224x224xf32, #tpu.memory_space<vmem>>, vector<1x16xf32>,
        %get3A_393 = vector.shape_cast %get3A_392 : vector<1x16xf32> to vector<16xf32>
        %add3A_394 = arith.constant 112 : i32
        %add3A_395 = arith.addi %scan3A_277, %add3A_394 : i32
        %swap3A_396 = arith.index_cast %add3A_395 : i32 to index
        %swap3A_397 = arith.constant 32 : index
        %swap3A_398 = tpu.vector_load %arg4[%swap3A_396, %swap3A_397] {strides = array<i32>} : memref<224x224xf32, #tpu.memory_space<vmem>>, vector<1x16xf32>,
        %swap3A_399 = vector.shape_cast %swap3A_398 : vector<1x16xf32> to vector<16xf32>
        %swap3A_400 = vector.shape_cast %get3A_393 : vector<16xf32> to vector<1x16xf32>
        tpu.vector_store %arg4[%swap3A_396, %swap3A_397], %swap3A_400 {strides = array<i32>} : memref<224x224xf32, #tpu.memory_space<vmem>>, vector<1x16xf32>,
        %add3A_401 = arith.constant 112 : i32
        %add3A_402 = arith.addi %scan3A_277, %add3A_401 : i32
        %swap3A_403 = arith.index_cast %add3A_402 : i32 to index
        %swap3A_404 = arith.constant 144 : index
        %swap3A_405 = tpu.vector_load %arg4[%swap3A_403, %swap3A_404] {strides = array<i32>} : memref<224x224xf32, #tpu.memory_space<vmem>>, vector<1x16xf32>,
        %swap3A_406 = vector.shape_cast %swap3A_405 : vector<1x16xf32> to vector<16xf32>
        %swap3A_407 = vector.shape_cast %get3A_367 : vector<16xf32> to vector<1x16xf32>
        tpu.vector_store %arg4[%swap3A_403, %swap3A_404], %swap3A_407 {strides = array<i32>} : memref<224x224xf32, #tpu.memory_space<vmem>>, vector<1x16xf32>,
        %get3A_408 = arith.index_cast %scan3A_277 : i32 to index
        %get3A_409 = arith.constant 48 : index
        %get3A_410 = tpu.vector_load %arg4[%get3A_408, %get3A_409] {strides = array<i32>} : memref<224x224xf32, #tpu.memory_space<vmem>>, vector<1x16xf32>,
        %get3A_411 = vector.shape_cast %get3A_410 : vector<1x16xf32> to vector<16xf32>
        %get3A_412 = arith.index_cast %scan3A_277 : i32 to index
        %get3A_413 = arith.constant 160 : index
        %get3A_414 = tpu.vector_load %arg4[%get3A_412, %get3A_413] {strides = array<i32>} : memref<224x224xf32, #tpu.memory_space<vmem>>, vector<1x16xf32>,
        %get3A_415 = vector.shape_cast %get3A_414 : vector<1x16xf32> to vector<16xf32>
        %swap3A_416 = arith.index_cast %scan3A_277 : i32 to index
        %swap3A_417 = arith.constant 48 : index
        %swap3A_418 = tpu.vector_load %arg4[%swap3A_416, %swap3A_417] {strides = array<i32>} : memref<224x224xf32, #tpu.memory_space<vmem>>, vector<1x16xf32>,
        %swap3A_419 = vector.shape_cast %swap3A_418 : vector<1x16xf32> to vector<16xf32>
        %swap3A_420 = vector.shape_cast %get3A_415 : vector<16xf32> to vector<1x16xf32>
        tpu.vector_store %arg4[%swap3A_416, %swap3A_417], %swap3A_420 {strides = array<i32>} : memref<224x224xf32, #tpu.memory_space<vmem>>, vector<1x16xf32>,
        %add3A_421 = arith.constant 112 : i32
        %add3A_422 = arith.addi %scan3A_277, %add3A_421 : i32
        %get3A_423 = arith.index_cast %add3A_422 : i32 to index
        %get3A_424 = arith.constant 48 : index
        %get3A_425 = tpu.vector_load %arg4[%get3A_423, %get3A_424] {strides = array<i32>} : memref<224x224xf32, #tpu.memory_space<vmem>>, vector<1x16xf32>,
        %get3A_426 = vector.shape_cast %get3A_425 : vector<1x16xf32> to vector<16xf32>
        %swap3A_427 = arith.index_cast %scan3A_277 : i32 to index
        %swap3A_428 = arith.constant 160 : index
        %swap3A_429 = tpu.vector_load %arg4[%swap3A_427, %swap3A_428] {strides = array<i32>} : memref<224x224xf32, #tpu.memory_space<vmem>>, vector<1x16xf32>,
        %swap3A_430 = vector.shape_cast %swap3A_429 : vector<1x16xf32> to vector<16xf32>
        %swap3A_431 = vector.shape_cast %get3A_426 : vector<16xf32> to vector<1x16xf32>
        tpu.vector_store %arg4[%swap3A_427, %swap3A_428], %swap3A_431 {strides = array<i32>} : memref<224x224xf32, #tpu.memory_space<vmem>>, vector<1x16xf32>,
        %add3A_432 = arith.constant 112 : i32
        %add3A_433 = arith.addi %scan3A_277, %add3A_432 : i32
        %get3A_434 = arith.index_cast %add3A_433 : i32 to index
        %get3A_435 = arith.constant 160 : index
        %get3A_436 = tpu.vector_load %arg4[%get3A_434, %get3A_435] {strides = array<i32>} : memref<224x224xf32, #tpu.memory_space<vmem>>, vector<1x16xf32>,
        %get3A_437 = vector.shape_cast %get3A_436 : vector<1x16xf32> to vector<16xf32>
        %add3A_438 = arith.constant 112 : i32
        %add3A_439 = arith.addi %scan3A_277, %add3A_438 : i32
        %swap3A_440 = arith.index_cast %add3A_439 : i32 to index
        %swap3A_441 = arith.constant 48 : index
        %swap3A_442 = tpu.vector_load %arg4[%swap3A_440, %swap3A_441] {strides = array<i32>} : memref<224x224xf32, #tpu.memory_space<vmem>>, vector<1x16xf32>,
        %swap3A_443 = vector.shape_cast %swap3A_442 : vector<1x16xf32> to vector<16xf32>
        %swap3A_444 = vector.shape_cast %get3A_437 : vector<16xf32> to vector<1x16xf32>
        tpu.vector_store %arg4[%swap3A_440, %swap3A_441], %swap3A_444 {strides = array<i32>} : memref<224x224xf32, #tpu.memory_space<vmem>>, vector<1x16xf32>,
        %add3A_445 = arith.constant 112 : i32
        %add3A_446 = arith.addi %scan3A_277, %add3A_445 : i32
        %swap3A_447 = arith.index_cast %add3A_446 : i32 to index
        %swap3A_448 = arith.constant 160 : index
        %swap3A_449 = tpu.vector_load %arg4[%swap3A_447, %swap3A_448] {strides = array<i32>} : memref<224x224xf32, #tpu.memory_space<vmem>>, vector<1x16xf32>,
        %swap3A_450 = vector.shape_cast %swap3A_449 : vector<1x16xf32> to vector<16xf32>
        %swap3A_451 = vector.shape_cast %get3A_411 : vector<16xf32> to vector<1x16xf32>
        tpu.vector_store %arg4[%swap3A_447, %swap3A_448], %swap3A_451 {strides = array<i32>} : memref<224x224xf32, #tpu.memory_space<vmem>>, vector<1x16xf32>,
        %get3A_452 = arith.index_cast %scan3A_277 : i32 to index
        %get3A_453 = arith.constant 64 : index
        %get3A_454 = tpu.vector_load %arg4[%get3A_452, %get3A_453] {strides = array<i32>} : memref<224x224xf32, #tpu.memory_space<vmem>>, vector<1x16xf32>,
        %get3A_455 = vector.shape_cast %get3A_454 : vector<1x16xf32> to vector<16xf32>
        %get3A_456 = arith.index_cast %scan3A_277 : i32 to index
        %get3A_457 = arith.constant 176 : index
        %get3A_458 = tpu.vector_load %arg4[%get3A_456, %get3A_457] {strides = array<i32>} : memref<224x224xf32, #tpu.memory_space<vmem>>, vector<1x16xf32>,
        %get3A_459 = vector.shape_cast %get3A_458 : vector<1x16xf32> to vector<16xf32>
        %swap3A_460 = arith.index_cast %scan3A_277 : i32 to index
        %swap3A_461 = arith.constant 64 : index
        %swap3A_462 = tpu.vector_load %arg4[%swap3A_460, %swap3A_461] {strides = array<i32>} : memref<224x224xf32, #tpu.memory_space<vmem>>, vector<1x16xf32>,
        %swap3A_463 = vector.shape_cast %swap3A_462 : vector<1x16xf32> to vector<16xf32>
        %swap3A_464 = vector.shape_cast %get3A_459 : vector<16xf32> to vector<1x16xf32>
        tpu.vector_store %arg4[%swap3A_460, %swap3A_461], %swap3A_464 {strides = array<i32>} : memref<224x224xf32, #tpu.memory_space<vmem>>, vector<1x16xf32>,
        %add3A_465 = arith.constant 112 : i32
        %add3A_466 = arith.addi %scan3A_277, %add3A_465 : i32
        %get3A_467 = arith.index_cast %add3A_466 : i32 to index
        %get3A_468 = arith.constant 64 : index
        %get3A_469 = tpu.vector_load %arg4[%get3A_467, %get3A_468] {strides = array<i32>} : memref<224x224xf32, #tpu.memory_space<vmem>>, vector<1x16xf32>,
        %get3A_470 = vector.shape_cast %get3A_469 : vector<1x16xf32> to vector<16xf32>
        %swap3A_471 = arith.index_cast %scan3A_277 : i32 to index
        %swap3A_472 = arith.constant 176 : index
        %swap3A_473 = tpu.vector_load %arg4[%swap3A_471, %swap3A_472] {strides = array<i32>} : memref<224x224xf32, #tpu.memory_space<vmem>>, vector<1x16xf32>,
        %swap3A_474 = vector.shape_cast %swap3A_473 : vector<1x16xf32> to vector<16xf32>
        %swap3A_475 = vector.shape_cast %get3A_470 : vector<16xf32> to vector<1x16xf32>
        tpu.vector_store %arg4[%swap3A_471, %swap3A_472], %swap3A_475 {strides = array<i32>} : memref<224x224xf32, #tpu.memory_space<vmem>>, vector<1x16xf32>,
        %add3A_476 = arith.constant 112 : i32
        %add3A_477 = arith.addi %scan3A_277, %add3A_476 : i32
        %get3A_478 = arith.index_cast %add3A_477 : i32 to index
        %get3A_479 = arith.constant 176 : index
        %get3A_480 = tpu.vector_load %arg4[%get3A_478, %get3A_479] {strides = array<i32>} : memref<224x224xf32, #tpu.memory_space<vmem>>, vector<1x16xf32>,
        %get3A_481 = vector.shape_cast %get3A_480 : vector<1x16xf32> to vector<16xf32>
        %add3A_482 = arith.constant 112 : i32
        %add3A_483 = arith.addi %scan3A_277, %add3A_482 : i32
        %swap3A_484 = arith.index_cast %add3A_483 : i32 to index
        %swap3A_485 = arith.constant 64 : index
        %swap3A_486 = tpu.vector_load %arg4[%swap3A_484, %swap3A_485] {strides = array<i32>} : memref<224x224xf32, #tpu.memory_space<vmem>>, vector<1x16xf32>,
        %swap3A_487 = vector.shape_cast %swap3A_486 : vector<1x16xf32> to vector<16xf32>
        %swap3A_488 = vector.shape_cast %get3A_481 : vector<16xf32> to vector<1x16xf32>
        tpu.vector_store %arg4[%swap3A_484, %swap3A_485], %swap3A_488 {strides = array<i32>} : memref<224x224xf32, #tpu.memory_space<vmem>>, vector<1x16xf32>,
        %add3A_489 = arith.constant 112 : i32
        %add3A_490 = arith.addi %scan3A_277, %add3A_489 : i32
        %swap3A_491 = arith.index_cast %add3A_490 : i32 to index
        %swap3A_492 = arith.constant 176 : index
        %swap3A_493 = tpu.vector_load %arg4[%swap3A_491, %swap3A_492] {strides = array<i32>} : memref<224x224xf32, #tpu.memory_space<vmem>>, vector<1x16xf32>,
        %swap3A_494 = vector.shape_cast %swap3A_493 : vector<1x16xf32> to vector<16xf32>
        %swap3A_495 = vector.shape_cast %get3A_455 : vector<16xf32> to vector<1x16xf32>
        tpu.vector_store %arg4[%swap3A_491, %swap3A_492], %swap3A_495 {strides = array<i32>} : memref<224x224xf32, #tpu.memory_space<vmem>>, vector<1x16xf32>,
        %get3A_496 = arith.index_cast %scan3A_277 : i32 to index
        %get3A_497 = arith.constant 80 : index
        %get3A_498 = tpu.vector_load %arg4[%get3A_496, %get3A_497] {strides = array<i32>} : memref<224x224xf32, #tpu.memory_space<vmem>>, vector<1x16xf32>,
        %get3A_499 = vector.shape_cast %get3A_498 : vector<1x16xf32> to vector<16xf32>
        %get3A_500 = arith.index_cast %scan3A_277 : i32 to index
        %get3A_501 = arith.constant 192 : index
        %get3A_502 = tpu.vector_load %arg4[%get3A_500, %get3A_501] {strides = array<i32>} : memref<224x224xf32, #tpu.memory_space<vmem>>, vector<1x16xf32>,
        %get3A_503 = vector.shape_cast %get3A_502 : vector<1x16xf32> to vector<16xf32>
        %swap3A_504 = arith.index_cast %scan3A_277 : i32 to index
        %swap3A_505 = arith.constant 80 : index
        %swap3A_506 = tpu.vector_load %arg4[%swap3A_504, %swap3A_505] {strides = array<i32>} : memref<224x224xf32, #tpu.memory_space<vmem>>, vector<1x16xf32>,
        %swap3A_507 = vector.shape_cast %swap3A_506 : vector<1x16xf32> to vector<16xf32>
        %swap3A_508 = vector.shape_cast %get3A_503 : vector<16xf32> to vector<1x16xf32>
        tpu.vector_store %arg4[%swap3A_504, %swap3A_505], %swap3A_508 {strides = array<i32>} : memref<224x224xf32, #tpu.memory_space<vmem>>, vector<1x16xf32>,
        %add3A_509 = arith.constant 112 : i32
        %add3A_510 = arith.addi %scan3A_277, %add3A_509 : i32
        %get3A_511 = arith.index_cast %add3A_510 : i32 to index
        %get3A_512 = arith.constant 80 : index
        %get3A_513 = tpu.vector_load %arg4[%get3A_511, %get3A_512] {strides = array<i32>} : memref<224x224xf32, #tpu.memory_space<vmem>>, vector<1x16xf32>,
        %get3A_514 = vector.shape_cast %get3A_513 : vector<1x16xf32> to vector<16xf32>
        %swap3A_515 = arith.index_cast %scan3A_277 : i32 to index
        %swap3A_516 = arith.constant 192 : index
        %swap3A_517 = tpu.vector_load %arg4[%swap3A_515, %swap3A_516] {strides = array<i32>} : memref<224x224xf32, #tpu.memory_space<vmem>>, vector<1x16xf32>,
        %swap3A_518 = vector.shape_cast %swap3A_517 : vector<1x16xf32> to vector<16xf32>
        %swap3A_519 = vector.shape_cast %get3A_514 : vector<16xf32> to vector<1x16xf32>
        tpu.vector_store %arg4[%swap3A_515, %swap3A_516], %swap3A_519 {strides = array<i32>} : memref<224x224xf32, #tpu.memory_space<vmem>>, vector<1x16xf32>,
        %add3A_520 = arith.constant 112 : i32
        %add3A_521 = arith.addi %scan3A_277, %add3A_520 : i32
        %get3A_522 = arith.index_cast %add3A_521 : i32 to index
        %get3A_523 = arith.constant 192 : index
        %get3A_524 = tpu.vector_load %arg4[%get3A_522, %get3A_523] {strides = array<i32>} : memref<224x224xf32, #tpu.memory_space<vmem>>, vector<1x16xf32>,
        %get3A_525 = vector.shape_cast %get3A_524 : vector<1x16xf32> to vector<16xf32>
        %add3A_526 = arith.constant 112 : i32
        %add3A_527 = arith.addi %scan3A_277, %add3A_526 : i32
        %swap3A_528 = arith.index_cast %add3A_527 : i32 to index
        %swap3A_529 = arith.constant 80 : index
        %swap3A_530 = tpu.vector_load %arg4[%swap3A_528, %swap3A_529] {strides = array<i32>} : memref<224x224xf32, #tpu.memory_space<vmem>>, vector<1x16xf32>,
        %swap3A_531 = vector.shape_cast %swap3A_530 : vector<1x16xf32> to vector<16xf32>
        %swap3A_532 = vector.shape_cast %get3A_525 : vector<16xf32> to vector<1x16xf32>
        tpu.vector_store %arg4[%swap3A_528, %swap3A_529], %swap3A_532 {strides = array<i32>} : memref<224x224xf32, #tpu.memory_space<vmem>>, vector<1x16xf32>,
        %add3A_533 = arith.constant 112 : i32
        %add3A_534 = arith.addi %scan3A_277, %add3A_533 : i32
        %swap3A_535 = arith.index_cast %add3A_534 : i32 to index
        %swap3A_536 = arith.constant 192 : index
        %swap3A_537 = tpu.vector_load %arg4[%swap3A_535, %swap3A_536] {strides = array<i32>} : memref<224x224xf32, #tpu.memory_space<vmem>>, vector<1x16xf32>,
        %swap3A_538 = vector.shape_cast %swap3A_537 : vector<1x16xf32> to vector<16xf32>
        %swap3A_539 = vector.shape_cast %get3A_499 : vector<16xf32> to vector<1x16xf32>
        tpu.vector_store %arg4[%swap3A_535, %swap3A_536], %swap3A_539 {strides = array<i32>} : memref<224x224xf32, #tpu.memory_space<vmem>>, vector<1x16xf32>,
        %get3A_540 = arith.index_cast %scan3A_277 : i32 to index
        %get3A_541 = arith.constant 96 : index
        %get3A_542 = tpu.vector_load %arg4[%get3A_540, %get3A_541] {strides = array<i32>} : memref<224x224xf32, #tpu.memory_space<vmem>>, vector<1x16xf32>,
        %get3A_543 = vector.shape_cast %get3A_542 : vector<1x16xf32> to vector<16xf32>
        %get3A_544 = arith.index_cast %scan3A_277 : i32 to index
        %get3A_545 = arith.constant 208 : index
        %get3A_546 = tpu.vector_load %arg4[%get3A_544, %get3A_545] {strides = array<i32>} : memref<224x224xf32, #tpu.memory_space<vmem>>, vector<1x16xf32>,
        %get3A_547 = vector.shape_cast %get3A_546 : vector<1x16xf32> to vector<16xf32>
        %swap3A_548 = arith.index_cast %scan3A_277 : i32 to index
        %swap3A_549 = arith.constant 96 : index
        %swap3A_550 = tpu.vector_load %arg4[%swap3A_548, %swap3A_549] {strides = array<i32>} : memref<224x224xf32, #tpu.memory_space<vmem>>, vector<1x16xf32>,
        %swap3A_551 = vector.shape_cast %swap3A_550 : vector<1x16xf32> to vector<16xf32>
        %swap3A_552 = vector.shape_cast %get3A_547 : vector<16xf32> to vector<1x16xf32>
        tpu.vector_store %arg4[%swap3A_548, %swap3A_549], %swap3A_552 {strides = array<i32>} : memref<224x224xf32, #tpu.memory_space<vmem>>, vector<1x16xf32>,
        %add3A_553 = arith.constant 112 : i32
        %add3A_554 = arith.addi %scan3A_277, %add3A_553 : i32
        %get3A_555 = arith.index_cast %add3A_554 : i32 to index
        %get3A_556 = arith.constant 96 : index
        %get3A_557 = tpu.vector_load %arg4[%get3A_555, %get3A_556] {strides = array<i32>} : memref<224x224xf32, #tpu.memory_space<vmem>>, vector<1x16xf32>,
        %get3A_558 = vector.shape_cast %get3A_557 : vector<1x16xf32> to vector<16xf32>
        %swap3A_559 = arith.index_cast %scan3A_277 : i32 to index
        %swap3A_560 = arith.constant 208 : index
        %swap3A_561 = tpu.vector_load %arg4[%swap3A_559, %swap3A_560] {strides = array<i32>} : memref<224x224xf32, #tpu.memory_space<vmem>>, vector<1x16xf32>,
        %swap3A_562 = vector.shape_cast %swap3A_561 : vector<1x16xf32> to vector<16xf32>
        %swap3A_563 = vector.shape_cast %get3A_558 : vector<16xf32> to vector<1x16xf32>
        tpu.vector_store %arg4[%swap3A_559, %swap3A_560], %swap3A_563 {strides = array<i32>} : memref<224x224xf32, #tpu.memory_space<vmem>>, vector<1x16xf32>,
        %add3A_564 = arith.constant 112 : i32
        %add3A_565 = arith.addi %scan3A_277, %add3A_564 : i32
        %get3A_566 = arith.index_cast %add3A_565 : i32 to index
        %get3A_567 = arith.constant 208 : index
        %get3A_568 = tpu.vector_load %arg4[%get3A_566, %get3A_567] {strides = array<i32>} : memref<224x224xf32, #tpu.memory_space<vmem>>, vector<1x16xf32>,
        %get3A_569 = vector.shape_cast %get3A_568 : vector<1x16xf32> to vector<16xf32>
        %add3A_570 = arith.constant 112 : i32
        %add3A_571 = arith.addi %scan3A_277, %add3A_570 : i32
        %swap3A_572 = arith.index_cast %add3A_571 : i32 to index
        %swap3A_573 = arith.constant 96 : index
        %swap3A_574 = tpu.vector_load %arg4[%swap3A_572, %swap3A_573] {strides = array<i32>} : memref<224x224xf32, #tpu.memory_space<vmem>>, vector<1x16xf32>,
        %swap3A_575 = vector.shape_cast %swap3A_574 : vector<1x16xf32> to vector<16xf32>
        %swap3A_576 = vector.shape_cast %get3A_569 : vector<16xf32> to vector<1x16xf32>
        tpu.vector_store %arg4[%swap3A_572, %swap3A_573], %swap3A_576 {strides = array<i32>} : memref<224x224xf32, #tpu.memory_space<vmem>>, vector<1x16xf32>,
        %add3A_577 = arith.constant 112 : i32
        %add3A_578 = arith.addi %scan3A_277, %add3A_577 : i32
        %swap3A_579 = arith.index_cast %add3A_578 : i32 to index
        %swap3A_580 = arith.constant 208 : index
        %swap3A_581 = tpu.vector_load %arg4[%swap3A_579, %swap3A_580] {strides = array<i32>} : memref<224x224xf32, #tpu.memory_space<vmem>>, vector<1x16xf32>,
        %swap3A_582 = vector.shape_cast %swap3A_581 : vector<1x16xf32> to vector<16xf32>
        %swap3A_583 = vector.shape_cast %get3A_543 : vector<16xf32> to vector<1x16xf32>
        tpu.vector_store %arg4[%swap3A_579, %swap3A_580], %swap3A_583 {strides = array<i32>} : memref<224x224xf32, #tpu.memory_space<vmem>>, vector<1x16xf32>,
      }
      %scan3A_276 = arith.constant 112 : i32
    } else {
    }
    %eq3A_191 = arith.constant 2 : i32
    %eq3A_192 = arith.cmpi eq, %select_n3A_187, %eq3A_191 : i32
    %convert_element_type3A_193 = arith.extui %eq3A_192 : i1 to i32
    %cond3A_194 = arith.constant 0 : i32
    %cond3A_195 = arith.cmpi ne, %convert_element_type3A_193, %cond3A_194 : i32
    scf.if %cond3A_195 {
      %scan3A_271 = arith.constant 0 : i32
      %scan3A_272 = arith.constant 0 : i32
      %scan3A_273 = arith.constant 112 : i32
      %scan3A_274 = arith.addi %scan3A_272, %scan3A_273 : i32
      %scan3A_275 = arith.constant 1 : i32
      scf.for %scan3A_277 = %scan3A_272 to %scan3A_274 step %scan3A_275  : i32 {
        %get3A = arith.index_cast %scan3A_277 : i32 to index
        %get3A_278 = arith.constant 0 : index
        %get3A_279 = tpu.vector_load %arg4[%get3A, %get3A_278] {strides = array<i32>} : memref<224x224xf32, #tpu.memory_space<vmem>>, vector<1x16xf32>,
        %get3A_280 = vector.shape_cast %get3A_279 : vector<1x16xf32> to vector<16xf32>
        %add3A_281 = arith.constant 112 : i32
        %add3A_282 = arith.addi %scan3A_277, %add3A_281 : i32
        %get3A_283 = arith.index_cast %add3A_282 : i32 to index
        %get3A_284 = arith.constant 0 : index
        %get3A_285 = tpu.vector_load %arg4[%get3A_283, %get3A_284] {strides = array<i32>} : memref<224x224xf32, #tpu.memory_space<vmem>>, vector<1x16xf32>,
        %get3A_286 = vector.shape_cast %get3A_285 : vector<1x16xf32> to vector<16xf32>
        %swap3A = arith.index_cast %scan3A_277 : i32 to index
        %swap3A_287 = arith.constant 0 : index
        %swap3A_288 = tpu.vector_load %arg4[%swap3A, %swap3A_287] {strides = array<i32>} : memref<224x224xf32, #tpu.memory_space<vmem>>, vector<1x16xf32>,
        %swap3A_289 = vector.shape_cast %swap3A_288 : vector<1x16xf32> to vector<16xf32>
        %swap3A_290 = vector.shape_cast %get3A_286 : vector<16xf32> to vector<1x16xf32>
        tpu.vector_store %arg4[%swap3A, %swap3A_287], %swap3A_290 {strides = array<i32>} : memref<224x224xf32, #tpu.memory_space<vmem>>, vector<1x16xf32>,
        %add3A_291 = arith.constant 112 : i32
        %add3A_292 = arith.addi %scan3A_277, %add3A_291 : i32
        %swap3A_293 = arith.index_cast %add3A_292 : i32 to index
        %swap3A_294 = arith.constant 0 : index
        %swap3A_295 = tpu.vector_load %arg4[%swap3A_293, %swap3A_294] {strides = array<i32>} : memref<224x224xf32, #tpu.memory_space<vmem>>, vector<1x16xf32>,
        %swap3A_296 = vector.shape_cast %swap3A_295 : vector<1x16xf32> to vector<16xf32>
        %swap3A_297 = vector.shape_cast %get3A_280 : vector<16xf32> to vector<1x16xf32>
        tpu.vector_store %arg4[%swap3A_293, %swap3A_294], %swap3A_297 {strides = array<i32>} : memref<224x224xf32, #tpu.memory_space<vmem>>, vector<1x16xf32>,
        %get3A_298 = arith.index_cast %scan3A_277 : i32 to index
        %get3A_299 = arith.constant 16 : index
        %get3A_300 = tpu.vector_load %arg4[%get3A_298, %get3A_299] {strides = array<i32>} : memref<224x224xf32, #tpu.memory_space<vmem>>, vector<1x16xf32>,
        %get3A_301 = vector.shape_cast %get3A_300 : vector<1x16xf32> to vector<16xf32>
        %add3A_302 = arith.constant 112 : i32
        %add3A_303 = arith.addi %scan3A_277, %add3A_302 : i32
        %get3A_304 = arith.index_cast %add3A_303 : i32 to index
        %get3A_305 = arith.constant 16 : index
        %get3A_306 = tpu.vector_load %arg4[%get3A_304, %get3A_305] {strides = array<i32>} : memref<224x224xf32, #tpu.memory_space<vmem>>, vector<1x16xf32>,
        %get3A_307 = vector.shape_cast %get3A_306 : vector<1x16xf32> to vector<16xf32>
        %swap3A_308 = arith.index_cast %scan3A_277 : i32 to index
        %swap3A_309 = arith.constant 16 : index
        %swap3A_310 = tpu.vector_load %arg4[%swap3A_308, %swap3A_309] {strides = array<i32>} : memref<224x224xf32, #tpu.memory_space<vmem>>, vector<1x16xf32>,
        %swap3A_311 = vector.shape_cast %swap3A_310 : vector<1x16xf32> to vector<16xf32>
        %swap3A_312 = vector.shape_cast %get3A_307 : vector<16xf32> to vector<1x16xf32>
        tpu.vector_store %arg4[%swap3A_308, %swap3A_309], %swap3A_312 {strides = array<i32>} : memref<224x224xf32, #tpu.memory_space<vmem>>, vector<1x16xf32>,
        %add3A_313 = arith.constant 112 : i32
        %add3A_314 = arith.addi %scan3A_277, %add3A_313 : i32
        %swap3A_315 = arith.index_cast %add3A_314 : i32 to index
        %swap3A_316 = arith.constant 16 : index
        %swap3A_317 = tpu.vector_load %arg4[%swap3A_315, %swap3A_316] {strides = array<i32>} : memref<224x224xf32, #tpu.memory_space<vmem>>, vector<1x16xf32>,
        %swap3A_318 = vector.shape_cast %swap3A_317 : vector<1x16xf32> to vector<16xf32>
        %swap3A_319 = vector.shape_cast %get3A_301 : vector<16xf32> to vector<1x16xf32>
        tpu.vector_store %arg4[%swap3A_315, %swap3A_316], %swap3A_319 {strides = array<i32>} : memref<224x224xf32, #tpu.memory_space<vmem>>, vector<1x16xf32>,
        %get3A_320 = arith.index_cast %scan3A_277 : i32 to index
        %get3A_321 = arith.constant 32 : index
        %get3A_322 = tpu.vector_load %arg4[%get3A_320, %get3A_321] {strides = array<i32>} : memref<224x224xf32, #tpu.memory_space<vmem>>, vector<1x16xf32>,
        %get3A_323 = vector.shape_cast %get3A_322 : vector<1x16xf32> to vector<16xf32>
        %add3A_324 = arith.constant 112 : i32
        %add3A_325 = arith.addi %scan3A_277, %add3A_324 : i32
        %get3A_326 = arith.index_cast %add3A_325 : i32 to index
        %get3A_327 = arith.constant 32 : index
        %get3A_328 = tpu.vector_load %arg4[%get3A_326, %get3A_327] {strides = array<i32>} : memref<224x224xf32, #tpu.memory_space<vmem>>, vector<1x16xf32>,
        %get3A_329 = vector.shape_cast %get3A_328 : vector<1x16xf32> to vector<16xf32>
        %swap3A_330 = arith.index_cast %scan3A_277 : i32 to index
        %swap3A_331 = arith.constant 32 : index
        %swap3A_332 = tpu.vector_load %arg4[%swap3A_330, %swap3A_331] {strides = array<i32>} : memref<224x224xf32, #tpu.memory_space<vmem>>, vector<1x16xf32>,
        %swap3A_333 = vector.shape_cast %swap3A_332 : vector<1x16xf32> to vector<16xf32>
        %swap3A_334 = vector.shape_cast %get3A_329 : vector<16xf32> to vector<1x16xf32>
        tpu.vector_store %arg4[%swap3A_330, %swap3A_331], %swap3A_334 {strides = array<i32>} : memref<224x224xf32, #tpu.memory_space<vmem>>, vector<1x16xf32>,
        %add3A_335 = arith.constant 112 : i32
        %add3A_336 = arith.addi %scan3A_277, %add3A_335 : i32
        %swap3A_337 = arith.index_cast %add3A_336 : i32 to index
        %swap3A_338 = arith.constant 32 : index
        %swap3A_339 = tpu.vector_load %arg4[%swap3A_337, %swap3A_338] {strides = array<i32>} : memref<224x224xf32, #tpu.memory_space<vmem>>, vector<1x16xf32>,
        %swap3A_340 = vector.shape_cast %swap3A_339 : vector<1x16xf32> to vector<16xf32>
        %swap3A_341 = vector.shape_cast %get3A_323 : vector<16xf32> to vector<1x16xf32>
        tpu.vector_store %arg4[%swap3A_337, %swap3A_338], %swap3A_341 {strides = array<i32>} : memref<224x224xf32, #tpu.memory_space<vmem>>, vector<1x16xf32>,
        %get3A_342 = arith.index_cast %scan3A_277 : i32 to index
        %get3A_343 = arith.constant 48 : index
        %get3A_344 = tpu.vector_load %arg4[%get3A_342, %get3A_343] {strides = array<i32>} : memref<224x224xf32, #tpu.memory_space<vmem>>, vector<1x16xf32>,
        %get3A_345 = vector.shape_cast %get3A_344 : vector<1x16xf32> to vector<16xf32>
        %add3A_346 = arith.constant 112 : i32
        %add3A_347 = arith.addi %scan3A_277, %add3A_346 : i32
        %get3A_348 = arith.index_cast %add3A_347 : i32 to index
        %get3A_349 = arith.constant 48 : index
        %get3A_350 = tpu.vector_load %arg4[%get3A_348, %get3A_349] {strides = array<i32>} : memref<224x224xf32, #tpu.memory_space<vmem>>, vector<1x16xf32>,
        %get3A_351 = vector.shape_cast %get3A_350 : vector<1x16xf32> to vector<16xf32>
        %swap3A_352 = arith.index_cast %scan3A_277 : i32 to index
        %swap3A_353 = arith.constant 48 : index
        %swap3A_354 = tpu.vector_load %arg4[%swap3A_352, %swap3A_353] {strides = array<i32>} : memref<224x224xf32, #tpu.memory_space<vmem>>, vector<1x16xf32>,
        %swap3A_355 = vector.shape_cast %swap3A_354 : vector<1x16xf32> to vector<16xf32>
        %swap3A_356 = vector.shape_cast %get3A_351 : vector<16xf32> to vector<1x16xf32>
        tpu.vector_store %arg4[%swap3A_352, %swap3A_353], %swap3A_356 {strides = array<i32>} : memref<224x224xf32, #tpu.memory_space<vmem>>, vector<1x16xf32>,
        %add3A_357 = arith.constant 112 : i32
        %add3A_358 = arith.addi %scan3A_277, %add3A_357 : i32
        %swap3A_359 = arith.index_cast %add3A_358 : i32 to index
        %swap3A_360 = arith.constant 48 : index
        %swap3A_361 = tpu.vector_load %arg4[%swap3A_359, %swap3A_360] {strides = array<i32>} : memref<224x224xf32, #tpu.memory_space<vmem>>, vector<1x16xf32>,
        %swap3A_362 = vector.shape_cast %swap3A_361 : vector<1x16xf32> to vector<16xf32>
        %swap3A_363 = vector.shape_cast %get3A_345 : vector<16xf32> to vector<1x16xf32>
        tpu.vector_store %arg4[%swap3A_359, %swap3A_360], %swap3A_363 {strides = array<i32>} : memref<224x224xf32, #tpu.memory_space<vmem>>, vector<1x16xf32>,
        %get3A_364 = arith.index_cast %scan3A_277 : i32 to index
        %get3A_365 = arith.constant 64 : index
        %get3A_366 = tpu.vector_load %arg4[%get3A_364, %get3A_365] {strides = array<i32>} : memref<224x224xf32, #tpu.memory_space<vmem>>, vector<1x16xf32>,
        %get3A_367 = vector.shape_cast %get3A_366 : vector<1x16xf32> to vector<16xf32>
        %add3A_368 = arith.constant 112 : i32
        %add3A_369 = arith.addi %scan3A_277, %add3A_368 : i32
        %get3A_370 = arith.index_cast %add3A_369 : i32 to index
        %get3A_371 = arith.constant 64 : index
        %get3A_372 = tpu.vector_load %arg4[%get3A_370, %get3A_371] {strides = array<i32>} : memref<224x224xf32, #tpu.memory_space<vmem>>, vector<1x16xf32>,
        %get3A_373 = vector.shape_cast %get3A_372 : vector<1x16xf32> to vector<16xf32>
        %swap3A_374 = arith.index_cast %scan3A_277 : i32 to index
        %swap3A_375 = arith.constant 64 : index
        %swap3A_376 = tpu.vector_load %arg4[%swap3A_374, %swap3A_375] {strides = array<i32>} : memref<224x224xf32, #tpu.memory_space<vmem>>, vector<1x16xf32>,
        %swap3A_377 = vector.shape_cast %swap3A_376 : vector<1x16xf32> to vector<16xf32>
        %swap3A_378 = vector.shape_cast %get3A_373 : vector<16xf32> to vector<1x16xf32>
        tpu.vector_store %arg4[%swap3A_374, %swap3A_375], %swap3A_378 {strides = array<i32>} : memref<224x224xf32, #tpu.memory_space<vmem>>, vector<1x16xf32>,
        %add3A_379 = arith.constant 112 : i32
        %add3A_380 = arith.addi %scan3A_277, %add3A_379 : i32
        %swap3A_381 = arith.index_cast %add3A_380 : i32 to index
        %swap3A_382 = arith.constant 64 : index
        %swap3A_383 = tpu.vector_load %arg4[%swap3A_381, %swap3A_382] {strides = array<i32>} : memref<224x224xf32, #tpu.memory_space<vmem>>, vector<1x16xf32>,
        %swap3A_384 = vector.shape_cast %swap3A_383 : vector<1x16xf32> to vector<16xf32>
        %swap3A_385 = vector.shape_cast %get3A_367 : vector<16xf32> to vector<1x16xf32>
        tpu.vector_store %arg4[%swap3A_381, %swap3A_382], %swap3A_385 {strides = array<i32>} : memref<224x224xf32, #tpu.memory_space<vmem>>, vector<1x16xf32>,
        %get3A_386 = arith.index_cast %scan3A_277 : i32 to index
        %get3A_387 = arith.constant 80 : index
        %get3A_388 = tpu.vector_load %arg4[%get3A_386, %get3A_387] {strides = array<i32>} : memref<224x224xf32, #tpu.memory_space<vmem>>, vector<1x16xf32>,
        %get3A_389 = vector.shape_cast %get3A_388 : vector<1x16xf32> to vector<16xf32>
        %add3A_390 = arith.constant 112 : i32
        %add3A_391 = arith.addi %scan3A_277, %add3A_390 : i32
        %get3A_392 = arith.index_cast %add3A_391 : i32 to index
        %get3A_393 = arith.constant 80 : index
        %get3A_394 = tpu.vector_load %arg4[%get3A_392, %get3A_393] {strides = array<i32>} : memref<224x224xf32, #tpu.memory_space<vmem>>, vector<1x16xf32>,
        %get3A_395 = vector.shape_cast %get3A_394 : vector<1x16xf32> to vector<16xf32>
        %swap3A_396 = arith.index_cast %scan3A_277 : i32 to index
        %swap3A_397 = arith.constant 80 : index
        %swap3A_398 = tpu.vector_load %arg4[%swap3A_396, %swap3A_397] {strides = array<i32>} : memref<224x224xf32, #tpu.memory_space<vmem>>, vector<1x16xf32>,
        %swap3A_399 = vector.shape_cast %swap3A_398 : vector<1x16xf32> to vector<16xf32>
        %swap3A_400 = vector.shape_cast %get3A_395 : vector<16xf32> to vector<1x16xf32>
        tpu.vector_store %arg4[%swap3A_396, %swap3A_397], %swap3A_400 {strides = array<i32>} : memref<224x224xf32, #tpu.memory_space<vmem>>, vector<1x16xf32>,
        %add3A_401 = arith.constant 112 : i32
        %add3A_402 = arith.addi %scan3A_277, %add3A_401 : i32
        %swap3A_403 = arith.index_cast %add3A_402 : i32 to index
        %swap3A_404 = arith.constant 80 : index
        %swap3A_405 = tpu.vector_load %arg4[%swap3A_403, %swap3A_404] {strides = array<i32>} : memref<224x224xf32, #tpu.memory_space<vmem>>, vector<1x16xf32>,
        %swap3A_406 = vector.shape_cast %swap3A_405 : vector<1x16xf32> to vector<16xf32>
        %swap3A_407 = vector.shape_cast %get3A_389 : vector<16xf32> to vector<1x16xf32>
        tpu.vector_store %arg4[%swap3A_403, %swap3A_404], %swap3A_407 {strides = array<i32>} : memref<224x224xf32, #tpu.memory_space<vmem>>, vector<1x16xf32>,
        %get3A_408 = arith.index_cast %scan3A_277 : i32 to index
        %get3A_409 = arith.constant 96 : index
        %get3A_410 = tpu.vector_load %arg4[%get3A_408, %get3A_409] {strides = array<i32>} : memref<224x224xf32, #tpu.memory_space<vmem>>, vector<1x16xf32>,
        %get3A_411 = vector.shape_cast %get3A_410 : vector<1x16xf32> to vector<16xf32>
        %add3A_412 = arith.constant 112 : i32
        %add3A_413 = arith.addi %scan3A_277, %add3A_412 : i32
        %get3A_414 = arith.index_cast %add3A_413 : i32 to index
        %get3A_415 = arith.constant 96 : index
        %get3A_416 = tpu.vector_load %arg4[%get3A_414, %get3A_415] {strides = array<i32>} : memref<224x224xf32, #tpu.memory_space<vmem>>, vector<1x16xf32>,
        %get3A_417 = vector.shape_cast %get3A_416 : vector<1x16xf32> to vector<16xf32>
        %swap3A_418 = arith.index_cast %scan3A_277 : i32 to index
        %swap3A_419 = arith.constant 96 : index
        %swap3A_420 = tpu.vector_load %arg4[%swap3A_418, %swap3A_419] {strides = array<i32>} : memref<224x224xf32, #tpu.memory_space<vmem>>, vector<1x16xf32>,
        %swap3A_421 = vector.shape_cast %swap3A_420 : vector<1x16xf32> to vector<16xf32>
        %swap3A_422 = vector.shape_cast %get3A_417 : vector<16xf32> to vector<1x16xf32>
        tpu.vector_store %arg4[%swap3A_418, %swap3A_419], %swap3A_422 {strides = array<i32>} : memref<224x224xf32, #tpu.memory_space<vmem>>, vector<1x16xf32>,
        %add3A_423 = arith.constant 112 : i32
        %add3A_424 = arith.addi %scan3A_277, %add3A_423 : i32
        %swap3A_425 = arith.index_cast %add3A_424 : i32 to index
        %swap3A_426 = arith.constant 96 : index
        %swap3A_427 = tpu.vector_load %arg4[%swap3A_425, %swap3A_426] {strides = array<i32>} : memref<224x224xf32, #tpu.memory_space<vmem>>, vector<1x16xf32>,
        %swap3A_428 = vector.shape_cast %swap3A_427 : vector<1x16xf32> to vector<16xf32>
        %swap3A_429 = vector.shape_cast %get3A_411 : vector<16xf32> to vector<1x16xf32>
        tpu.vector_store %arg4[%swap3A_425, %swap3A_426], %swap3A_429 {strides = array<i32>} : memref<224x224xf32, #tpu.memory_space<vmem>>, vector<1x16xf32>,
        %get3A_430 = arith.index_cast %scan3A_277 : i32 to index
        %get3A_431 = arith.constant 112 : index
        %get3A_432 = tpu.vector_load %arg4[%get3A_430, %get3A_431] {strides = array<i32>} : memref<224x224xf32, #tpu.memory_space<vmem>>, vector<1x16xf32>,
        %get3A_433 = vector.shape_cast %get3A_432 : vector<1x16xf32> to vector<16xf32>
        %add3A_434 = arith.constant 112 : i32
        %add3A_435 = arith.addi %scan3A_277, %add3A_434 : i32
        %get3A_436 = arith.index_cast %add3A_435 : i32 to index
        %get3A_437 = arith.constant 112 : index
        %get3A_438 = tpu.vector_load %arg4[%get3A_436, %get3A_437] {strides = array<i32>} : memref<224x224xf32, #tpu.memory_space<vmem>>, vector<1x16xf32>,
        %get3A_439 = vector.shape_cast %get3A_438 : vector<1x16xf32> to vector<16xf32>
        %swap3A_440 = arith.index_cast %scan3A_277 : i32 to index
        %swap3A_441 = arith.constant 112 : index
        %swap3A_442 = tpu.vector_load %arg4[%swap3A_440, %swap3A_441] {strides = array<i32>} : memref<224x224xf32, #tpu.memory_space<vmem>>, vector<1x16xf32>,
        %swap3A_443 = vector.shape_cast %swap3A_442 : vector<1x16xf32> to vector<16xf32>
        %swap3A_444 = vector.shape_cast %get3A_439 : vector<16xf32> to vector<1x16xf32>
        tpu.vector_store %arg4[%swap3A_440, %swap3A_441], %swap3A_444 {strides = array<i32>} : memref<224x224xf32, #tpu.memory_space<vmem>>, vector<1x16xf32>,
        %add3A_445 = arith.constant 112 : i32
        %add3A_446 = arith.addi %scan3A_277, %add3A_445 : i32
        %swap3A_447 = arith.index_cast %add3A_446 : i32 to index
        %swap3A_448 = arith.constant 112 : index
        %swap3A_449 = tpu.vector_load %arg4[%swap3A_447, %swap3A_448] {strides = array<i32>} : memref<224x224xf32, #tpu.memory_space<vmem>>, vector<1x16xf32>,
        %swap3A_450 = vector.shape_cast %swap3A_449 : vector<1x16xf32> to vector<16xf32>
        %swap3A_451 = vector.shape_cast %get3A_433 : vector<16xf32> to vector<1x16xf32>
        tpu.vector_store %arg4[%swap3A_447, %swap3A_448], %swap3A_451 {strides = array<i32>} : memref<224x224xf32, #tpu.memory_space<vmem>>, vector<1x16xf32>,
        %get3A_452 = arith.index_cast %scan3A_277 : i32 to index
        %get3A_453 = arith.constant 128 : index
        %get3A_454 = tpu.vector_load %arg4[%get3A_452, %get3A_453] {strides = array<i32>} : memref<224x224xf32, #tpu.memory_space<vmem>>, vector<1x16xf32>,
        %get3A_455 = vector.shape_cast %get3A_454 : vector<1x16xf32> to vector<16xf32>
        %add3A_456 = arith.constant 112 : i32
        %add3A_457 = arith.addi %scan3A_277, %add3A_456 : i32
        %get3A_458 = arith.index_cast %add3A_457 : i32 to index
        %get3A_459 = arith.constant 128 : index
        %get3A_460 = tpu.vector_load %arg4[%get3A_458, %get3A_459] {strides = array<i32>} : memref<224x224xf32, #tpu.memory_space<vmem>>, vector<1x16xf32>,
        %get3A_461 = vector.shape_cast %get3A_460 : vector<1x16xf32> to vector<16xf32>
        %swap3A_462 = arith.index_cast %scan3A_277 : i32 to index
        %swap3A_463 = arith.constant 128 : index
        %swap3A_464 = tpu.vector_load %arg4[%swap3A_462, %swap3A_463] {strides = array<i32>} : memref<224x224xf32, #tpu.memory_space<vmem>>, vector<1x16xf32>,
        %swap3A_465 = vector.shape_cast %swap3A_464 : vector<1x16xf32> to vector<16xf32>
        %swap3A_466 = vector.shape_cast %get3A_461 : vector<16xf32> to vector<1x16xf32>
        tpu.vector_store %arg4[%swap3A_462, %swap3A_463], %swap3A_466 {strides = array<i32>} : memref<224x224xf32, #tpu.memory_space<vmem>>, vector<1x16xf32>,
        %add3A_467 = arith.constant 112 : i32
        %add3A_468 = arith.addi %scan3A_277, %add3A_467 : i32
        %swap3A_469 = arith.index_cast %add3A_468 : i32 to index
        %swap3A_470 = arith.constant 128 : index
        %swap3A_471 = tpu.vector_load %arg4[%swap3A_469, %swap3A_470] {strides = array<i32>} : memref<224x224xf32, #tpu.memory_space<vmem>>, vector<1x16xf32>,
        %swap3A_472 = vector.shape_cast %swap3A_471 : vector<1x16xf32> to vector<16xf32>
        %swap3A_473 = vector.shape_cast %get3A_455 : vector<16xf32> to vector<1x16xf32>
        tpu.vector_store %arg4[%swap3A_469, %swap3A_470], %swap3A_473 {strides = array<i32>} : memref<224x224xf32, #tpu.memory_space<vmem>>, vector<1x16xf32>,
        %get3A_474 = arith.index_cast %scan3A_277 : i32 to index
        %get3A_475 = arith.constant 144 : index
        %get3A_476 = tpu.vector_load %arg4[%get3A_474, %get3A_475] {strides = array<i32>} : memref<224x224xf32, #tpu.memory_space<vmem>>, vector<1x16xf32>,
        %get3A_477 = vector.shape_cast %get3A_476 : vector<1x16xf32> to vector<16xf32>
        %add3A_478 = arith.constant 112 : i32
        %add3A_479 = arith.addi %scan3A_277, %add3A_478 : i32
        %get3A_480 = arith.index_cast %add3A_479 : i32 to index
        %get3A_481 = arith.constant 144 : index
        %get3A_482 = tpu.vector_load %arg4[%get3A_480, %get3A_481] {strides = array<i32>} : memref<224x224xf32, #tpu.memory_space<vmem>>, vector<1x16xf32>,
        %get3A_483 = vector.shape_cast %get3A_482 : vector<1x16xf32> to vector<16xf32>
        %swap3A_484 = arith.index_cast %scan3A_277 : i32 to index
        %swap3A_485 = arith.constant 144 : index
        %swap3A_486 = tpu.vector_load %arg4[%swap3A_484, %swap3A_485] {strides = array<i32>} : memref<224x224xf32, #tpu.memory_space<vmem>>, vector<1x16xf32>,
        %swap3A_487 = vector.shape_cast %swap3A_486 : vector<1x16xf32> to vector<16xf32>
        %swap3A_488 = vector.shape_cast %get3A_483 : vector<16xf32> to vector<1x16xf32>
        tpu.vector_store %arg4[%swap3A_484, %swap3A_485], %swap3A_488 {strides = array<i32>} : memref<224x224xf32, #tpu.memory_space<vmem>>, vector<1x16xf32>,
        %add3A_489 = arith.constant 112 : i32
        %add3A_490 = arith.addi %scan3A_277, %add3A_489 : i32
        %swap3A_491 = arith.index_cast %add3A_490 : i32 to index
        %swap3A_492 = arith.constant 144 : index
        %swap3A_493 = tpu.vector_load %arg4[%swap3A_491, %swap3A_492] {strides = array<i32>} : memref<224x224xf32, #tpu.memory_space<vmem>>, vector<1x16xf32>,
        %swap3A_494 = vector.shape_cast %swap3A_493 : vector<1x16xf32> to vector<16xf32>
        %swap3A_495 = vector.shape_cast %get3A_477 : vector<16xf32> to vector<1x16xf32>
        tpu.vector_store %arg4[%swap3A_491, %swap3A_492], %swap3A_495 {strides = array<i32>} : memref<224x224xf32, #tpu.memory_space<vmem>>, vector<1x16xf32>,
        %get3A_496 = arith.index_cast %scan3A_277 : i32 to index
        %get3A_497 = arith.constant 160 : index
        %get3A_498 = tpu.vector_load %arg4[%get3A_496, %get3A_497] {strides = array<i32>} : memref<224x224xf32, #tpu.memory_space<vmem>>, vector<1x16xf32>,
        %get3A_499 = vector.shape_cast %get3A_498 : vector<1x16xf32> to vector<16xf32>
        %add3A_500 = arith.constant 112 : i32
        %add3A_501 = arith.addi %scan3A_277, %add3A_500 : i32
        %get3A_502 = arith.index_cast %add3A_501 : i32 to index
        %get3A_503 = arith.constant 160 : index
        %get3A_504 = tpu.vector_load %arg4[%get3A_502, %get3A_503] {strides = array<i32>} : memref<224x224xf32, #tpu.memory_space<vmem>>, vector<1x16xf32>,
        %get3A_505 = vector.shape_cast %get3A_504 : vector<1x16xf32> to vector<16xf32>
        %swap3A_506 = arith.index_cast %scan3A_277 : i32 to index
        %swap3A_507 = arith.constant 160 : index
        %swap3A_508 = tpu.vector_load %arg4[%swap3A_506, %swap3A_507] {strides = array<i32>} : memref<224x224xf32, #tpu.memory_space<vmem>>, vector<1x16xf32>,
        %swap3A_509 = vector.shape_cast %swap3A_508 : vector<1x16xf32> to vector<16xf32>
        %swap3A_510 = vector.shape_cast %get3A_505 : vector<16xf32> to vector<1x16xf32>
        tpu.vector_store %arg4[%swap3A_506, %swap3A_507], %swap3A_510 {strides = array<i32>} : memref<224x224xf32, #tpu.memory_space<vmem>>, vector<1x16xf32>,
        %add3A_511 = arith.constant 112 : i32
        %add3A_512 = arith.addi %scan3A_277, %add3A_511 : i32
        %swap3A_513 = arith.index_cast %add3A_512 : i32 to index
        %swap3A_514 = arith.constant 160 : index
        %swap3A_515 = tpu.vector_load %arg4[%swap3A_513, %swap3A_514] {strides = array<i32>} : memref<224x224xf32, #tpu.memory_space<vmem>>, vector<1x16xf32>,
        %swap3A_516 = vector.shape_cast %swap3A_515 : vector<1x16xf32> to vector<16xf32>
        %swap3A_517 = vector.shape_cast %get3A_499 : vector<16xf32> to vector<1x16xf32>
        tpu.vector_store %arg4[%swap3A_513, %swap3A_514], %swap3A_517 {strides = array<i32>} : memref<224x224xf32, #tpu.memory_space<vmem>>, vector<1x16xf32>,
        %get3A_518 = arith.index_cast %scan3A_277 : i32 to index
        %get3A_519 = arith.constant 176 : index
        %get3A_520 = tpu.vector_load %arg4[%get3A_518, %get3A_519] {strides = array<i32>} : memref<224x224xf32, #tpu.memory_space<vmem>>, vector<1x16xf32>,
        %get3A_521 = vector.shape_cast %get3A_520 : vector<1x16xf32> to vector<16xf32>
        %add3A_522 = arith.constant 112 : i32
        %add3A_523 = arith.addi %scan3A_277, %add3A_522 : i32
        %get3A_524 = arith.index_cast %add3A_523 : i32 to index
        %get3A_525 = arith.constant 176 : index
        %get3A_526 = tpu.vector_load %arg4[%get3A_524, %get3A_525] {strides = array<i32>} : memref<224x224xf32, #tpu.memory_space<vmem>>, vector<1x16xf32>,
        %get3A_527 = vector.shape_cast %get3A_526 : vector<1x16xf32> to vector<16xf32>
        %swap3A_528 = arith.index_cast %scan3A_277 : i32 to index
        %swap3A_529 = arith.constant 176 : index
        %swap3A_530 = tpu.vector_load %arg4[%swap3A_528, %swap3A_529] {strides = array<i32>} : memref<224x224xf32, #tpu.memory_space<vmem>>, vector<1x16xf32>,
        %swap3A_531 = vector.shape_cast %swap3A_530 : vector<1x16xf32> to vector<16xf32>
        %swap3A_532 = vector.shape_cast %get3A_527 : vector<16xf32> to vector<1x16xf32>
        tpu.vector_store %arg4[%swap3A_528, %swap3A_529], %swap3A_532 {strides = array<i32>} : memref<224x224xf32, #tpu.memory_space<vmem>>, vector<1x16xf32>,
        %add3A_533 = arith.constant 112 : i32
        %add3A_534 = arith.addi %scan3A_277, %add3A_533 : i32
        %swap3A_535 = arith.index_cast %add3A_534 : i32 to index
        %swap3A_536 = arith.constant 176 : index
        %swap3A_537 = tpu.vector_load %arg4[%swap3A_535, %swap3A_536] {strides = array<i32>} : memref<224x224xf32, #tpu.memory_space<vmem>>, vector<1x16xf32>,
        %swap3A_538 = vector.shape_cast %swap3A_537 : vector<1x16xf32> to vector<16xf32>
        %swap3A_539 = vector.shape_cast %get3A_521 : vector<16xf32> to vector<1x16xf32>
        tpu.vector_store %arg4[%swap3A_535, %swap3A_536], %swap3A_539 {strides = array<i32>} : memref<224x224xf32, #tpu.memory_space<vmem>>, vector<1x16xf32>,
        %get3A_540 = arith.index_cast %scan3A_277 : i32 to index
        %get3A_541 = arith.constant 192 : index
        %get3A_542 = tpu.vector_load %arg4[%get3A_540, %get3A_541] {strides = array<i32>} : memref<224x224xf32, #tpu.memory_space<vmem>>, vector<1x16xf32>,
        %get3A_543 = vector.shape_cast %get3A_542 : vector<1x16xf32> to vector<16xf32>
        %add3A_544 = arith.constant 112 : i32
        %add3A_545 = arith.addi %scan3A_277, %add3A_544 : i32
        %get3A_546 = arith.index_cast %add3A_545 : i32 to index
        %get3A_547 = arith.constant 192 : index
        %get3A_548 = tpu.vector_load %arg4[%get3A_546, %get3A_547] {strides = array<i32>} : memref<224x224xf32, #tpu.memory_space<vmem>>, vector<1x16xf32>,
        %get3A_549 = vector.shape_cast %get3A_548 : vector<1x16xf32> to vector<16xf32>
        %swap3A_550 = arith.index_cast %scan3A_277 : i32 to index
        %swap3A_551 = arith.constant 192 : index
        %swap3A_552 = tpu.vector_load %arg4[%swap3A_550, %swap3A_551] {strides = array<i32>} : memref<224x224xf32, #tpu.memory_space<vmem>>, vector<1x16xf32>,
        %swap3A_553 = vector.shape_cast %swap3A_552 : vector<1x16xf32> to vector<16xf32>
        %swap3A_554 = vector.shape_cast %get3A_549 : vector<16xf32> to vector<1x16xf32>
        tpu.vector_store %arg4[%swap3A_550, %swap3A_551], %swap3A_554 {strides = array<i32>} : memref<224x224xf32, #tpu.memory_space<vmem>>, vector<1x16xf32>,
        %add3A_555 = arith.constant 112 : i32
        %add3A_556 = arith.addi %scan3A_277, %add3A_555 : i32
        %swap3A_557 = arith.index_cast %add3A_556 : i32 to index
        %swap3A_558 = arith.constant 192 : index
        %swap3A_559 = tpu.vector_load %arg4[%swap3A_557, %swap3A_558] {strides = array<i32>} : memref<224x224xf32, #tpu.memory_space<vmem>>, vector<1x16xf32>,
        %swap3A_560 = vector.shape_cast %swap3A_559 : vector<1x16xf32> to vector<16xf32>
        %swap3A_561 = vector.shape_cast %get3A_543 : vector<16xf32> to vector<1x16xf32>
        tpu.vector_store %arg4[%swap3A_557, %swap3A_558], %swap3A_561 {strides = array<i32>} : memref<224x224xf32, #tpu.memory_space<vmem>>, vector<1x16xf32>,
        %get3A_562 = arith.index_cast %scan3A_277 : i32 to index
        %get3A_563 = arith.constant 208 : index
        %get3A_564 = tpu.vector_load %arg4[%get3A_562, %get3A_563] {strides = array<i32>} : memref<224x224xf32, #tpu.memory_space<vmem>>, vector<1x16xf32>,
        %get3A_565 = vector.shape_cast %get3A_564 : vector<1x16xf32> to vector<16xf32>
        %add3A_566 = arith.constant 112 : i32
        %add3A_567 = arith.addi %scan3A_277, %add3A_566 : i32
        %get3A_568 = arith.index_cast %add3A_567 : i32 to index
        %get3A_569 = arith.constant 208 : index
        %get3A_570 = tpu.vector_load %arg4[%get3A_568, %get3A_569] {strides = array<i32>} : memref<224x224xf32, #tpu.memory_space<vmem>>, vector<1x16xf32>,
        %get3A_571 = vector.shape_cast %get3A_570 : vector<1x16xf32> to vector<16xf32>
        %swap3A_572 = arith.index_cast %scan3A_277 : i32 to index
        %swap3A_573 = arith.constant 208 : index
        %swap3A_574 = tpu.vector_load %arg4[%swap3A_572, %swap3A_573] {strides = array<i32>} : memref<224x224xf32, #tpu.memory_space<vmem>>, vector<1x16xf32>,
        %swap3A_575 = vector.shape_cast %swap3A_574 : vector<1x16xf32> to vector<16xf32>
        %swap3A_576 = vector.shape_cast %get3A_571 : vector<16xf32> to vector<1x16xf32>
        tpu.vector_store %arg4[%swap3A_572, %swap3A_573], %swap3A_576 {strides = array<i32>} : memref<224x224xf32, #tpu.memory_space<vmem>>, vector<1x16xf32>,
        %add3A_577 = arith.constant 112 : i32
        %add3A_578 = arith.addi %scan3A_277, %add3A_577 : i32
        %swap3A_579 = arith.index_cast %add3A_578 : i32 to index
        %swap3A_580 = arith.constant 208 : index
        %swap3A_581 = tpu.vector_load %arg4[%swap3A_579, %swap3A_580] {strides = array<i32>} : memref<224x224xf32, #tpu.memory_space<vmem>>, vector<1x16xf32>,
        %swap3A_582 = vector.shape_cast %swap3A_581 : vector<1x16xf32> to vector<16xf32>
        %swap3A_583 = vector.shape_cast %get3A_565 : vector<16xf32> to vector<1x16xf32>
        tpu.vector_store %arg4[%swap3A_579, %swap3A_580], %swap3A_583 {strides = array<i32>} : memref<224x224xf32, #tpu.memory_space<vmem>>, vector<1x16xf32>,
      }
      %scan3A_276 = arith.constant 112 : i32
    } else {
    }
    %eq3A_196 = arith.constant 3 : i32
    %eq3A_197 = arith.cmpi eq, %select_n3A_187, %eq3A_196 : i32
    %convert_element_type3A_198 = arith.extui %eq3A_197 : i1 to i32
    %cond3A_199 = arith.constant 0 : i32
    %cond3A_200 = arith.cmpi ne, %convert_element_type3A_198, %cond3A_199 : i32
    scf.if %cond3A_200 {
      %scan3A_271 = arith.constant 0 : i32
      %scan3A_272 = arith.constant 0 : i32
      %scan3A_273 = arith.constant 112 : i32
      %scan3A_274 = arith.addi %scan3A_272, %scan3A_273 : i32
      %scan3A_275 = arith.constant 1 : i32
      scf.for %scan3A_277 = %scan3A_272 to %scan3A_274 step %scan3A_275  : i32 {
        %get3A = arith.index_cast %scan3A_277 : i32 to index
        %get3A_278 = arith.constant 0 : index
        %get3A_279 = tpu.vector_load %arg4[%get3A, %get3A_278] {strides = array<i32>} : memref<224x224xf32, #tpu.memory_space<vmem>>, vector<1x16xf32>,
        %get3A_280 = vector.shape_cast %get3A_279 : vector<1x16xf32> to vector<16xf32>
        %add3A_281 = arith.constant 112 : i32
        %add3A_282 = arith.addi %scan3A_277, %add3A_281 : i32
        %get3A_283 = arith.index_cast %add3A_282 : i32 to index
        %get3A_284 = arith.constant 112 : index
        %get3A_285 = tpu.vector_load %arg4[%get3A_283, %get3A_284] {strides = array<i32>} : memref<224x224xf32, #tpu.memory_space<vmem>>, vector<1x16xf32>,
        %get3A_286 = vector.shape_cast %get3A_285 : vector<1x16xf32> to vector<16xf32>
        %swap3A = arith.index_cast %scan3A_277 : i32 to index
        %swap3A_287 = arith.constant 0 : index
        %swap3A_288 = tpu.vector_load %arg4[%swap3A, %swap3A_287] {strides = array<i32>} : memref<224x224xf32, #tpu.memory_space<vmem>>, vector<1x16xf32>,
        %swap3A_289 = vector.shape_cast %swap3A_288 : vector<1x16xf32> to vector<16xf32>
        %swap3A_290 = vector.shape_cast %get3A_286 : vector<16xf32> to vector<1x16xf32>
        tpu.vector_store %arg4[%swap3A, %swap3A_287], %swap3A_290 {strides = array<i32>} : memref<224x224xf32, #tpu.memory_space<vmem>>, vector<1x16xf32>,
        %add3A_291 = arith.constant 112 : i32
        %add3A_292 = arith.addi %scan3A_277, %add3A_291 : i32
        %get3A_293 = arith.index_cast %add3A_292 : i32 to index
        %get3A_294 = arith.constant 0 : index
        %get3A_295 = tpu.vector_load %arg4[%get3A_293, %get3A_294] {strides = array<i32>} : memref<224x224xf32, #tpu.memory_space<vmem>>, vector<1x16xf32>,
        %get3A_296 = vector.shape_cast %get3A_295 : vector<1x16xf32> to vector<16xf32>
        %add3A_297 = arith.constant 112 : i32
        %add3A_298 = arith.addi %scan3A_277, %add3A_297 : i32
        %swap3A_299 = arith.index_cast %add3A_298 : i32 to index
        %swap3A_300 = arith.constant 112 : index
        %swap3A_301 = tpu.vector_load %arg4[%swap3A_299, %swap3A_300] {strides = array<i32>} : memref<224x224xf32, #tpu.memory_space<vmem>>, vector<1x16xf32>,
        %swap3A_302 = vector.shape_cast %swap3A_301 : vector<1x16xf32> to vector<16xf32>
        %swap3A_303 = vector.shape_cast %get3A_296 : vector<16xf32> to vector<1x16xf32>
        tpu.vector_store %arg4[%swap3A_299, %swap3A_300], %swap3A_303 {strides = array<i32>} : memref<224x224xf32, #tpu.memory_space<vmem>>, vector<1x16xf32>,
        %get3A_304 = arith.index_cast %scan3A_277 : i32 to index
        %get3A_305 = arith.constant 112 : index
        %get3A_306 = tpu.vector_load %arg4[%get3A_304, %get3A_305] {strides = array<i32>} : memref<224x224xf32, #tpu.memory_space<vmem>>, vector<1x16xf32>,
        %get3A_307 = vector.shape_cast %get3A_306 : vector<1x16xf32> to vector<16xf32>
        %add3A_308 = arith.constant 112 : i32
        %add3A_309 = arith.addi %scan3A_277, %add3A_308 : i32
        %swap3A_310 = arith.index_cast %add3A_309 : i32 to index
        %swap3A_311 = arith.constant 0 : index
        %swap3A_312 = tpu.vector_load %arg4[%swap3A_310, %swap3A_311] {strides = array<i32>} : memref<224x224xf32, #tpu.memory_space<vmem>>, vector<1x16xf32>,
        %swap3A_313 = vector.shape_cast %swap3A_312 : vector<1x16xf32> to vector<16xf32>
        %swap3A_314 = vector.shape_cast %get3A_307 : vector<16xf32> to vector<1x16xf32>
        tpu.vector_store %arg4[%swap3A_310, %swap3A_311], %swap3A_314 {strides = array<i32>} : memref<224x224xf32, #tpu.memory_space<vmem>>, vector<1x16xf32>,
        %swap3A_315 = arith.index_cast %scan3A_277 : i32 to index
        %swap3A_316 = arith.constant 112 : index
        %swap3A_317 = tpu.vector_load %arg4[%swap3A_315, %swap3A_316] {strides = array<i32>} : memref<224x224xf32, #tpu.memory_space<vmem>>, vector<1x16xf32>,
        %swap3A_318 = vector.shape_cast %swap3A_317 : vector<1x16xf32> to vector<16xf32>
        %swap3A_319 = vector.shape_cast %get3A_280 : vector<16xf32> to vector<1x16xf32>
        tpu.vector_store %arg4[%swap3A_315, %swap3A_316], %swap3A_319 {strides = array<i32>} : memref<224x224xf32, #tpu.memory_space<vmem>>, vector<1x16xf32>,
        %get3A_320 = arith.index_cast %scan3A_277 : i32 to index
        %get3A_321 = arith.constant 16 : index
        %get3A_322 = tpu.vector_load %arg4[%get3A_320, %get3A_321] {strides = array<i32>} : memref<224x224xf32, #tpu.memory_space<vmem>>, vector<1x16xf32>,
        %get3A_323 = vector.shape_cast %get3A_322 : vector<1x16xf32> to vector<16xf32>
        %add3A_324 = arith.constant 112 : i32
        %add3A_325 = arith.addi %scan3A_277, %add3A_324 : i32
        %get3A_326 = arith.index_cast %add3A_325 : i32 to index
        %get3A_327 = arith.constant 128 : index
        %get3A_328 = tpu.vector_load %arg4[%get3A_326, %get3A_327] {strides = array<i32>} : memref<224x224xf32, #tpu.memory_space<vmem>>, vector<1x16xf32>,
        %get3A_329 = vector.shape_cast %get3A_328 : vector<1x16xf32> to vector<16xf32>
        %swap3A_330 = arith.index_cast %scan3A_277 : i32 to index
        %swap3A_331 = arith.constant 16 : index
        %swap3A_332 = tpu.vector_load %arg4[%swap3A_330, %swap3A_331] {strides = array<i32>} : memref<224x224xf32, #tpu.memory_space<vmem>>, vector<1x16xf32>,
        %swap3A_333 = vector.shape_cast %swap3A_332 : vector<1x16xf32> to vector<16xf32>
        %swap3A_334 = vector.shape_cast %get3A_329 : vector<16xf32> to vector<1x16xf32>
        tpu.vector_store %arg4[%swap3A_330, %swap3A_331], %swap3A_334 {strides = array<i32>} : memref<224x224xf32, #tpu.memory_space<vmem>>, vector<1x16xf32>,
        %add3A_335 = arith.constant 112 : i32
        %add3A_336 = arith.addi %scan3A_277, %add3A_335 : i32
        %get3A_337 = arith.index_cast %add3A_336 : i32 to index
        %get3A_338 = arith.constant 16 : index
        %get3A_339 = tpu.vector_load %arg4[%get3A_337, %get3A_338] {strides = array<i32>} : memref<224x224xf32, #tpu.memory_space<vmem>>, vector<1x16xf32>,
        %get3A_340 = vector.shape_cast %get3A_339 : vector<1x16xf32> to vector<16xf32>
        %add3A_341 = arith.constant 112 : i32
        %add3A_342 = arith.addi %scan3A_277, %add3A_341 : i32
        %swap3A_343 = arith.index_cast %add3A_342 : i32 to index
        %swap3A_344 = arith.constant 128 : index
        %swap3A_345 = tpu.vector_load %arg4[%swap3A_343, %swap3A_344] {strides = array<i32>} : memref<224x224xf32, #tpu.memory_space<vmem>>, vector<1x16xf32>,
        %swap3A_346 = vector.shape_cast %swap3A_345 : vector<1x16xf32> to vector<16xf32>
        %swap3A_347 = vector.shape_cast %get3A_340 : vector<16xf32> to vector<1x16xf32>
        tpu.vector_store %arg4[%swap3A_343, %swap3A_344], %swap3A_347 {strides = array<i32>} : memref<224x224xf32, #tpu.memory_space<vmem>>, vector<1x16xf32>,
        %get3A_348 = arith.index_cast %scan3A_277 : i32 to index
        %get3A_349 = arith.constant 128 : index
        %get3A_350 = tpu.vector_load %arg4[%get3A_348, %get3A_349] {strides = array<i32>} : memref<224x224xf32, #tpu.memory_space<vmem>>, vector<1x16xf32>,
        %get3A_351 = vector.shape_cast %get3A_350 : vector<1x16xf32> to vector<16xf32>
        %add3A_352 = arith.constant 112 : i32
        %add3A_353 = arith.addi %scan3A_277, %add3A_352 : i32
        %swap3A_354 = arith.index_cast %add3A_353 : i32 to index
        %swap3A_355 = arith.constant 16 : index
        %swap3A_356 = tpu.vector_load %arg4[%swap3A_354, %swap3A_355] {strides = array<i32>} : memref<224x224xf32, #tpu.memory_space<vmem>>, vector<1x16xf32>,
        %swap3A_357 = vector.shape_cast %swap3A_356 : vector<1x16xf32> to vector<16xf32>
        %swap3A_358 = vector.shape_cast %get3A_351 : vector<16xf32> to vector<1x16xf32>
        tpu.vector_store %arg4[%swap3A_354, %swap3A_355], %swap3A_358 {strides = array<i32>} : memref<224x224xf32, #tpu.memory_space<vmem>>, vector<1x16xf32>,
        %swap3A_359 = arith.index_cast %scan3A_277 : i32 to index
        %swap3A_360 = arith.constant 128 : index
        %swap3A_361 = tpu.vector_load %arg4[%swap3A_359, %swap3A_360] {strides = array<i32>} : memref<224x224xf32, #tpu.memory_space<vmem>>, vector<1x16xf32>,
        %swap3A_362 = vector.shape_cast %swap3A_361 : vector<1x16xf32> to vector<16xf32>
        %swap3A_363 = vector.shape_cast %get3A_323 : vector<16xf32> to vector<1x16xf32>
        tpu.vector_store %arg4[%swap3A_359, %swap3A_360], %swap3A_363 {strides = array<i32>} : memref<224x224xf32, #tpu.memory_space<vmem>>, vector<1x16xf32>,
        %get3A_364 = arith.index_cast %scan3A_277 : i32 to index
        %get3A_365 = arith.constant 32 : index
        %get3A_366 = tpu.vector_load %arg4[%get3A_364, %get3A_365] {strides = array<i32>} : memref<224x224xf32, #tpu.memory_space<vmem>>, vector<1x16xf32>,
        %get3A_367 = vector.shape_cast %get3A_366 : vector<1x16xf32> to vector<16xf32>
        %add3A_368 = arith.constant 112 : i32
        %add3A_369 = arith.addi %scan3A_277, %add3A_368 : i32
        %get3A_370 = arith.index_cast %add3A_369 : i32 to index
        %get3A_371 = arith.constant 144 : index
        %get3A_372 = tpu.vector_load %arg4[%get3A_370, %get3A_371] {strides = array<i32>} : memref<224x224xf32, #tpu.memory_space<vmem>>, vector<1x16xf32>,
        %get3A_373 = vector.shape_cast %get3A_372 : vector<1x16xf32> to vector<16xf32>
        %swap3A_374 = arith.index_cast %scan3A_277 : i32 to index
        %swap3A_375 = arith.constant 32 : index
        %swap3A_376 = tpu.vector_load %arg4[%swap3A_374, %swap3A_375] {strides = array<i32>} : memref<224x224xf32, #tpu.memory_space<vmem>>, vector<1x16xf32>,
        %swap3A_377 = vector.shape_cast %swap3A_376 : vector<1x16xf32> to vector<16xf32>
        %swap3A_378 = vector.shape_cast %get3A_373 : vector<16xf32> to vector<1x16xf32>
        tpu.vector_store %arg4[%swap3A_374, %swap3A_375], %swap3A_378 {strides = array<i32>} : memref<224x224xf32, #tpu.memory_space<vmem>>, vector<1x16xf32>,
        %add3A_379 = arith.constant 112 : i32
        %add3A_380 = arith.addi %scan3A_277, %add3A_379 : i32
        %get3A_381 = arith.index_cast %add3A_380 : i32 to index
        %get3A_382 = arith.constant 32 : index
        %get3A_383 = tpu.vector_load %arg4[%get3A_381, %get3A_382] {strides = array<i32>} : memref<224x224xf32, #tpu.memory_space<vmem>>, vector<1x16xf32>,
        %get3A_384 = vector.shape_cast %get3A_383 : vector<1x16xf32> to vector<16xf32>
        %add3A_385 = arith.constant 112 : i32
        %add3A_386 = arith.addi %scan3A_277, %add3A_385 : i32
        %swap3A_387 = arith.index_cast %add3A_386 : i32 to index
        %swap3A_388 = arith.constant 144 : index
        %swap3A_389 = tpu.vector_load %arg4[%swap3A_387, %swap3A_388] {strides = array<i32>} : memref<224x224xf32, #tpu.memory_space<vmem>>, vector<1x16xf32>,
        %swap3A_390 = vector.shape_cast %swap3A_389 : vector<1x16xf32> to vector<16xf32>
        %swap3A_391 = vector.shape_cast %get3A_384 : vector<16xf32> to vector<1x16xf32>
        tpu.vector_store %arg4[%swap3A_387, %swap3A_388], %swap3A_391 {strides = array<i32>} : memref<224x224xf32, #tpu.memory_space<vmem>>, vector<1x16xf32>,
        %get3A_392 = arith.index_cast %scan3A_277 : i32 to index
        %get3A_393 = arith.constant 144 : index
        %get3A_394 = tpu.vector_load %arg4[%get3A_392, %get3A_393] {strides = array<i32>} : memref<224x224xf32, #tpu.memory_space<vmem>>, vector<1x16xf32>,
        %get3A_395 = vector.shape_cast %get3A_394 : vector<1x16xf32> to vector<16xf32>
        %add3A_396 = arith.constant 112 : i32
        %add3A_397 = arith.addi %scan3A_277, %add3A_396 : i32
        %swap3A_398 = arith.index_cast %add3A_397 : i32 to index
        %swap3A_399 = arith.constant 32 : index
        %swap3A_400 = tpu.vector_load %arg4[%swap3A_398, %swap3A_399] {strides = array<i32>} : memref<224x224xf32, #tpu.memory_space<vmem>>, vector<1x16xf32>,
        %swap3A_401 = vector.shape_cast %swap3A_400 : vector<1x16xf32> to vector<16xf32>
        %swap3A_402 = vector.shape_cast %get3A_395 : vector<16xf32> to vector<1x16xf32>
        tpu.vector_store %arg4[%swap3A_398, %swap3A_399], %swap3A_402 {strides = array<i32>} : memref<224x224xf32, #tpu.memory_space<vmem>>, vector<1x16xf32>,
        %swap3A_403 = arith.index_cast %scan3A_277 : i32 to index
        %swap3A_404 = arith.constant 144 : index
        %swap3A_405 = tpu.vector_load %arg4[%swap3A_403, %swap3A_404] {strides = array<i32>} : memref<224x224xf32, #tpu.memory_space<vmem>>, vector<1x16xf32>,
        %swap3A_406 = vector.shape_cast %swap3A_405 : vector<1x16xf32> to vector<16xf32>
        %swap3A_407 = vector.shape_cast %get3A_367 : vector<16xf32> to vector<1x16xf32>
        tpu.vector_store %arg4[%swap3A_403, %swap3A_404], %swap3A_407 {strides = array<i32>} : memref<224x224xf32, #tpu.memory_space<vmem>>, vector<1x16xf32>,
        %get3A_408 = arith.index_cast %scan3A_277 : i32 to index
        %get3A_409 = arith.constant 48 : index
        %get3A_410 = tpu.vector_load %arg4[%get3A_408, %get3A_409] {strides = array<i32>} : memref<224x224xf32, #tpu.memory_space<vmem>>, vector<1x16xf32>,
        %get3A_411 = vector.shape_cast %get3A_410 : vector<1x16xf32> to vector<16xf32>
        %add3A_412 = arith.constant 112 : i32
        %add3A_413 = arith.addi %scan3A_277, %add3A_412 : i32
        %get3A_414 = arith.index_cast %add3A_413 : i32 to index
        %get3A_415 = arith.constant 160 : index
        %get3A_416 = tpu.vector_load %arg4[%get3A_414, %get3A_415] {strides = array<i32>} : memref<224x224xf32, #tpu.memory_space<vmem>>, vector<1x16xf32>,
        %get3A_417 = vector.shape_cast %get3A_416 : vector<1x16xf32> to vector<16xf32>
        %swap3A_418 = arith.index_cast %scan3A_277 : i32 to index
        %swap3A_419 = arith.constant 48 : index
        %swap3A_420 = tpu.vector_load %arg4[%swap3A_418, %swap3A_419] {strides = array<i32>} : memref<224x224xf32, #tpu.memory_space<vmem>>, vector<1x16xf32>,
        %swap3A_421 = vector.shape_cast %swap3A_420 : vector<1x16xf32> to vector<16xf32>
        %swap3A_422 = vector.shape_cast %get3A_417 : vector<16xf32> to vector<1x16xf32>
        tpu.vector_store %arg4[%swap3A_418, %swap3A_419], %swap3A_422 {strides = array<i32>} : memref<224x224xf32, #tpu.memory_space<vmem>>, vector<1x16xf32>,
        %add3A_423 = arith.constant 112 : i32
        %add3A_424 = arith.addi %scan3A_277, %add3A_423 : i32
        %get3A_425 = arith.index_cast %add3A_424 : i32 to index
        %get3A_426 = arith.constant 48 : index
        %get3A_427 = tpu.vector_load %arg4[%get3A_425, %get3A_426] {strides = array<i32>} : memref<224x224xf32, #tpu.memory_space<vmem>>, vector<1x16xf32>,
        %get3A_428 = vector.shape_cast %get3A_427 : vector<1x16xf32> to vector<16xf32>
        %add3A_429 = arith.constant 112 : i32
        %add3A_430 = arith.addi %scan3A_277, %add3A_429 : i32
        %swap3A_431 = arith.index_cast %add3A_430 : i32 to index
        %swap3A_432 = arith.constant 160 : index
        %swap3A_433 = tpu.vector_load %arg4[%swap3A_431, %swap3A_432] {strides = array<i32>} : memref<224x224xf32, #tpu.memory_space<vmem>>, vector<1x16xf32>,
        %swap3A_434 = vector.shape_cast %swap3A_433 : vector<1x16xf32> to vector<16xf32>
        %swap3A_435 = vector.shape_cast %get3A_428 : vector<16xf32> to vector<1x16xf32>
        tpu.vector_store %arg4[%swap3A_431, %swap3A_432], %swap3A_435 {strides = array<i32>} : memref<224x224xf32, #tpu.memory_space<vmem>>, vector<1x16xf32>,
        %get3A_436 = arith.index_cast %scan3A_277 : i32 to index
        %get3A_437 = arith.constant 160 : index
        %get3A_438 = tpu.vector_load %arg4[%get3A_436, %get3A_437] {strides = array<i32>} : memref<224x224xf32, #tpu.memory_space<vmem>>, vector<1x16xf32>,
        %get3A_439 = vector.shape_cast %get3A_438 : vector<1x16xf32> to vector<16xf32>
        %add3A_440 = arith.constant 112 : i32
        %add3A_441 = arith.addi %scan3A_277, %add3A_440 : i32
        %swap3A_442 = arith.index_cast %add3A_441 : i32 to index
        %swap3A_443 = arith.constant 48 : index
        %swap3A_444 = tpu.vector_load %arg4[%swap3A_442, %swap3A_443] {strides = array<i32>} : memref<224x224xf32, #tpu.memory_space<vmem>>, vector<1x16xf32>,
        %swap3A_445 = vector.shape_cast %swap3A_444 : vector<1x16xf32> to vector<16xf32>
        %swap3A_446 = vector.shape_cast %get3A_439 : vector<16xf32> to vector<1x16xf32>
        tpu.vector_store %arg4[%swap3A_442, %swap3A_443], %swap3A_446 {strides = array<i32>} : memref<224x224xf32, #tpu.memory_space<vmem>>, vector<1x16xf32>,
        %swap3A_447 = arith.index_cast %scan3A_277 : i32 to index
        %swap3A_448 = arith.constant 160 : index
        %swap3A_449 = tpu.vector_load %arg4[%swap3A_447, %swap3A_448] {strides = array<i32>} : memref<224x224xf32, #tpu.memory_space<vmem>>, vector<1x16xf32>,
        %swap3A_450 = vector.shape_cast %swap3A_449 : vector<1x16xf32> to vector<16xf32>
        %swap3A_451 = vector.shape_cast %get3A_411 : vector<16xf32> to vector<1x16xf32>
        tpu.vector_store %arg4[%swap3A_447, %swap3A_448], %swap3A_451 {strides = array<i32>} : memref<224x224xf32, #tpu.memory_space<vmem>>, vector<1x16xf32>,
        %get3A_452 = arith.index_cast %scan3A_277 : i32 to index
        %get3A_453 = arith.constant 64 : index
        %get3A_454 = tpu.vector_load %arg4[%get3A_452, %get3A_453] {strides = array<i32>} : memref<224x224xf32, #tpu.memory_space<vmem>>, vector<1x16xf32>,
        %get3A_455 = vector.shape_cast %get3A_454 : vector<1x16xf32> to vector<16xf32>
        %add3A_456 = arith.constant 112 : i32
        %add3A_457 = arith.addi %scan3A_277, %add3A_456 : i32
        %get3A_458 = arith.index_cast %add3A_457 : i32 to index
        %get3A_459 = arith.constant 176 : index
        %get3A_460 = tpu.vector_load %arg4[%get3A_458, %get3A_459] {strides = array<i32>} : memref<224x224xf32, #tpu.memory_space<vmem>>, vector<1x16xf32>,
        %get3A_461 = vector.shape_cast %get3A_460 : vector<1x16xf32> to vector<16xf32>
        %swap3A_462 = arith.index_cast %scan3A_277 : i32 to index
        %swap3A_463 = arith.constant 64 : index
        %swap3A_464 = tpu.vector_load %arg4[%swap3A_462, %swap3A_463] {strides = array<i32>} : memref<224x224xf32, #tpu.memory_space<vmem>>, vector<1x16xf32>,
        %swap3A_465 = vector.shape_cast %swap3A_464 : vector<1x16xf32> to vector<16xf32>
        %swap3A_466 = vector.shape_cast %get3A_461 : vector<16xf32> to vector<1x16xf32>
        tpu.vector_store %arg4[%swap3A_462, %swap3A_463], %swap3A_466 {strides = array<i32>} : memref<224x224xf32, #tpu.memory_space<vmem>>, vector<1x16xf32>,
        %add3A_467 = arith.constant 112 : i32
        %add3A_468 = arith.addi %scan3A_277, %add3A_467 : i32
        %get3A_469 = arith.index_cast %add3A_468 : i32 to index
        %get3A_470 = arith.constant 64 : index
        %get3A_471 = tpu.vector_load %arg4[%get3A_469, %get3A_470] {strides = array<i32>} : memref<224x224xf32, #tpu.memory_space<vmem>>, vector<1x16xf32>,
        %get3A_472 = vector.shape_cast %get3A_471 : vector<1x16xf32> to vector<16xf32>
        %add3A_473 = arith.constant 112 : i32
        %add3A_474 = arith.addi %scan3A_277, %add3A_473 : i32
        %swap3A_475 = arith.index_cast %add3A_474 : i32 to index
        %swap3A_476 = arith.constant 176 : index
        %swap3A_477 = tpu.vector_load %arg4[%swap3A_475, %swap3A_476] {strides = array<i32>} : memref<224x224xf32, #tpu.memory_space<vmem>>, vector<1x16xf32>,
        %swap3A_478 = vector.shape_cast %swap3A_477 : vector<1x16xf32> to vector<16xf32>
        %swap3A_479 = vector.shape_cast %get3A_472 : vector<16xf32> to vector<1x16xf32>
        tpu.vector_store %arg4[%swap3A_475, %swap3A_476], %swap3A_479 {strides = array<i32>} : memref<224x224xf32, #tpu.memory_space<vmem>>, vector<1x16xf32>,
        %get3A_480 = arith.index_cast %scan3A_277 : i32 to index
        %get3A_481 = arith.constant 176 : index
        %get3A_482 = tpu.vector_load %arg4[%get3A_480, %get3A_481] {strides = array<i32>} : memref<224x224xf32, #tpu.memory_space<vmem>>, vector<1x16xf32>,
        %get3A_483 = vector.shape_cast %get3A_482 : vector<1x16xf32> to vector<16xf32>
        %add3A_484 = arith.constant 112 : i32
        %add3A_485 = arith.addi %scan3A_277, %add3A_484 : i32
        %swap3A_486 = arith.index_cast %add3A_485 : i32 to index
        %swap3A_487 = arith.constant 64 : index
        %swap3A_488 = tpu.vector_load %arg4[%swap3A_486, %swap3A_487] {strides = array<i32>} : memref<224x224xf32, #tpu.memory_space<vmem>>, vector<1x16xf32>,
        %swap3A_489 = vector.shape_cast %swap3A_488 : vector<1x16xf32> to vector<16xf32>
        %swap3A_490 = vector.shape_cast %get3A_483 : vector<16xf32> to vector<1x16xf32>
        tpu.vector_store %arg4[%swap3A_486, %swap3A_487], %swap3A_490 {strides = array<i32>} : memref<224x224xf32, #tpu.memory_space<vmem>>, vector<1x16xf32>,
        %swap3A_491 = arith.index_cast %scan3A_277 : i32 to index
        %swap3A_492 = arith.constant 176 : index
        %swap3A_493 = tpu.vector_load %arg4[%swap3A_491, %swap3A_492] {strides = array<i32>} : memref<224x224xf32, #tpu.memory_space<vmem>>, vector<1x16xf32>,
        %swap3A_494 = vector.shape_cast %swap3A_493 : vector<1x16xf32> to vector<16xf32>
        %swap3A_495 = vector.shape_cast %get3A_455 : vector<16xf32> to vector<1x16xf32>
        tpu.vector_store %arg4[%swap3A_491, %swap3A_492], %swap3A_495 {strides = array<i32>} : memref<224x224xf32, #tpu.memory_space<vmem>>, vector<1x16xf32>,
        %get3A_496 = arith.index_cast %scan3A_277 : i32 to index
        %get3A_497 = arith.constant 80 : index
        %get3A_498 = tpu.vector_load %arg4[%get3A_496, %get3A_497] {strides = array<i32>} : memref<224x224xf32, #tpu.memory_space<vmem>>, vector<1x16xf32>,
        %get3A_499 = vector.shape_cast %get3A_498 : vector<1x16xf32> to vector<16xf32>
        %add3A_500 = arith.constant 112 : i32
        %add3A_501 = arith.addi %scan3A_277, %add3A_500 : i32
        %get3A_502 = arith.index_cast %add3A_501 : i32 to index
        %get3A_503 = arith.constant 192 : index
        %get3A_504 = tpu.vector_load %arg4[%get3A_502, %get3A_503] {strides = array<i32>} : memref<224x224xf32, #tpu.memory_space<vmem>>, vector<1x16xf32>,
        %get3A_505 = vector.shape_cast %get3A_504 : vector<1x16xf32> to vector<16xf32>
        %swap3A_506 = arith.index_cast %scan3A_277 : i32 to index
        %swap3A_507 = arith.constant 80 : index
        %swap3A_508 = tpu.vector_load %arg4[%swap3A_506, %swap3A_507] {strides = array<i32>} : memref<224x224xf32, #tpu.memory_space<vmem>>, vector<1x16xf32>,
        %swap3A_509 = vector.shape_cast %swap3A_508 : vector<1x16xf32> to vector<16xf32>
        %swap3A_510 = vector.shape_cast %get3A_505 : vector<16xf32> to vector<1x16xf32>
        tpu.vector_store %arg4[%swap3A_506, %swap3A_507], %swap3A_510 {strides = array<i32>} : memref<224x224xf32, #tpu.memory_space<vmem>>, vector<1x16xf32>,
        %add3A_511 = arith.constant 112 : i32
        %add3A_512 = arith.addi %scan3A_277, %add3A_511 : i32
        %get3A_513 = arith.index_cast %add3A_512 : i32 to index
        %get3A_514 = arith.constant 80 : index
        %get3A_515 = tpu.vector_load %arg4[%get3A_513, %get3A_514] {strides = array<i32>} : memref<224x224xf32, #tpu.memory_space<vmem>>, vector<1x16xf32>,
        %get3A_516 = vector.shape_cast %get3A_515 : vector<1x16xf32> to vector<16xf32>
        %add3A_517 = arith.constant 112 : i32
        %add3A_518 = arith.addi %scan3A_277, %add3A_517 : i32
        %swap3A_519 = arith.index_cast %add3A_518 : i32 to index
        %swap3A_520 = arith.constant 192 : index
        %swap3A_521 = tpu.vector_load %arg4[%swap3A_519, %swap3A_520] {strides = array<i32>} : memref<224x224xf32, #tpu.memory_space<vmem>>, vector<1x16xf32>,
        %swap3A_522 = vector.shape_cast %swap3A_521 : vector<1x16xf32> to vector<16xf32>
        %swap3A_523 = vector.shape_cast %get3A_516 : vector<16xf32> to vector<1x16xf32>
        tpu.vector_store %arg4[%swap3A_519, %swap3A_520], %swap3A_523 {strides = array<i32>} : memref<224x224xf32, #tpu.memory_space<vmem>>, vector<1x16xf32>,
        %get3A_524 = arith.index_cast %scan3A_277 : i32 to index
        %get3A_525 = arith.constant 192 : index
        %get3A_526 = tpu.vector_load %arg4[%get3A_524, %get3A_525] {strides = array<i32>} : memref<224x224xf32, #tpu.memory_space<vmem>>, vector<1x16xf32>,
        %get3A_527 = vector.shape_cast %get3A_526 : vector<1x16xf32> to vector<16xf32>
        %add3A_528 = arith.constant 112 : i32
        %add3A_529 = arith.addi %scan3A_277, %add3A_528 : i32
        %swap3A_530 = arith.index_cast %add3A_529 : i32 to index
        %swap3A_531 = arith.constant 80 : index
        %swap3A_532 = tpu.vector_load %arg4[%swap3A_530, %swap3A_531] {strides = array<i32>} : memref<224x224xf32, #tpu.memory_space<vmem>>, vector<1x16xf32>,
        %swap3A_533 = vector.shape_cast %swap3A_532 : vector<1x16xf32> to vector<16xf32>
        %swap3A_534 = vector.shape_cast %get3A_527 : vector<16xf32> to vector<1x16xf32>
        tpu.vector_store %arg4[%swap3A_530, %swap3A_531], %swap3A_534 {strides = array<i32>} : memref<224x224xf32, #tpu.memory_space<vmem>>, vector<1x16xf32>,
        %swap3A_535 = arith.index_cast %scan3A_277 : i32 to index
        %swap3A_536 = arith.constant 192 : index
        %swap3A_537 = tpu.vector_load %arg4[%swap3A_535, %swap3A_536] {strides = array<i32>} : memref<224x224xf32, #tpu.memory_space<vmem>>, vector<1x16xf32>,
        %swap3A_538 = vector.shape_cast %swap3A_537 : vector<1x16xf32> to vector<16xf32>
        %swap3A_539 = vector.shape_cast %get3A_499 : vector<16xf32> to vector<1x16xf32>
        tpu.vector_store %arg4[%swap3A_535, %swap3A_536], %swap3A_539 {strides = array<i32>} : memref<224x224xf32, #tpu.memory_space<vmem>>, vector<1x16xf32>,
        %get3A_540 = arith.index_cast %scan3A_277 : i32 to index
        %get3A_541 = arith.constant 96 : index
        %get3A_542 = tpu.vector_load %arg4[%get3A_540, %get3A_541] {strides = array<i32>} : memref<224x224xf32, #tpu.memory_space<vmem>>, vector<1x16xf32>,
        %get3A_543 = vector.shape_cast %get3A_542 : vector<1x16xf32> to vector<16xf32>
        %add3A_544 = arith.constant 112 : i32
        %add3A_545 = arith.addi %scan3A_277, %add3A_544 : i32
        %get3A_546 = arith.index_cast %add3A_545 : i32 to index
        %get3A_547 = arith.constant 208 : index
        %get3A_548 = tpu.vector_load %arg4[%get3A_546, %get3A_547] {strides = array<i32>} : memref<224x224xf32, #tpu.memory_space<vmem>>, vector<1x16xf32>,
        %get3A_549 = vector.shape_cast %get3A_548 : vector<1x16xf32> to vector<16xf32>
        %swap3A_550 = arith.index_cast %scan3A_277 : i32 to index
        %swap3A_551 = arith.constant 96 : index
        %swap3A_552 = tpu.vector_load %arg4[%swap3A_550, %swap3A_551] {strides = array<i32>} : memref<224x224xf32, #tpu.memory_space<vmem>>, vector<1x16xf32>,
        %swap3A_553 = vector.shape_cast %swap3A_552 : vector<1x16xf32> to vector<16xf32>
        %swap3A_554 = vector.shape_cast %get3A_549 : vector<16xf32> to vector<1x16xf32>
        tpu.vector_store %arg4[%swap3A_550, %swap3A_551], %swap3A_554 {strides = array<i32>} : memref<224x224xf32, #tpu.memory_space<vmem>>, vector<1x16xf32>,
        %add3A_555 = arith.constant 112 : i32
        %add3A_556 = arith.addi %scan3A_277, %add3A_555 : i32
        %get3A_557 = arith.index_cast %add3A_556 : i32 to index
        %get3A_558 = arith.constant 96 : index
        %get3A_559 = tpu.vector_load %arg4[%get3A_557, %get3A_558] {strides = array<i32>} : memref<224x224xf32, #tpu.memory_space<vmem>>, vector<1x16xf32>,
        %get3A_560 = vector.shape_cast %get3A_559 : vector<1x16xf32> to vector<16xf32>
        %add3A_561 = arith.constant 112 : i32
        %add3A_562 = arith.addi %scan3A_277, %add3A_561 : i32
        %swap3A_563 = arith.index_cast %add3A_562 : i32 to index
        %swap3A_564 = arith.constant 208 : index
        %swap3A_565 = tpu.vector_load %arg4[%swap3A_563, %swap3A_564] {strides = array<i32>} : memref<224x224xf32, #tpu.memory_space<vmem>>, vector<1x16xf32>,
        %swap3A_566 = vector.shape_cast %swap3A_565 : vector<1x16xf32> to vector<16xf32>
        %swap3A_567 = vector.shape_cast %get3A_560 : vector<16xf32> to vector<1x16xf32>
        tpu.vector_store %arg4[%swap3A_563, %swap3A_564], %swap3A_567 {strides = array<i32>} : memref<224x224xf32, #tpu.memory_space<vmem>>, vector<1x16xf32>,
        %get3A_568 = arith.index_cast %scan3A_277 : i32 to index
        %get3A_569 = arith.constant 208 : index
        %get3A_570 = tpu.vector_load %arg4[%get3A_568, %get3A_569] {strides = array<i32>} : memref<224x224xf32, #tpu.memory_space<vmem>>, vector<1x16xf32>,
        %get3A_571 = vector.shape_cast %get3A_570 : vector<1x16xf32> to vector<16xf32>
        %add3A_572 = arith.constant 112 : i32
        %add3A_573 = arith.addi %scan3A_277, %add3A_572 : i32
        %swap3A_574 = arith.index_cast %add3A_573 : i32 to index
        %swap3A_575 = arith.constant 96 : index
        %swap3A_576 = tpu.vector_load %arg4[%swap3A_574, %swap3A_575] {strides = array<i32>} : memref<224x224xf32, #tpu.memory_space<vmem>>, vector<1x16xf32>,
        %swap3A_577 = vector.shape_cast %swap3A_576 : vector<1x16xf32> to vector<16xf32>
        %swap3A_578 = vector.shape_cast %get3A_571 : vector<16xf32> to vector<1x16xf32>
        tpu.vector_store %arg4[%swap3A_574, %swap3A_575], %swap3A_578 {strides = array<i32>} : memref<224x224xf32, #tpu.memory_space<vmem>>, vector<1x16xf32>,
        %swap3A_579 = arith.index_cast %scan3A_277 : i32 to index
        %swap3A_580 = arith.constant 208 : index
        %swap3A_581 = tpu.vector_load %arg4[%swap3A_579, %swap3A_580] {strides = array<i32>} : memref<224x224xf32, #tpu.memory_space<vmem>>, vector<1x16xf32>,
        %swap3A_582 = vector.shape_cast %swap3A_581 : vector<1x16xf32> to vector<16xf32>
        %swap3A_583 = vector.shape_cast %get3A_543 : vector<16xf32> to vector<1x16xf32>
        tpu.vector_store %arg4[%swap3A_579, %swap3A_580], %swap3A_583 {strides = array<i32>} : memref<224x224xf32, #tpu.memory_space<vmem>>, vector<1x16xf32>,
      }
      %scan3A_276 = arith.constant 112 : i32
    } else {
    }
    %dma_start3A_201 = arith.constant 0 : i32
    %dma_start3A_202 = arith.constant 0 : i32
    %dma_start3A_203 = tpu.memref_slice %arg3[%select_n3A_145, %add3A_121, %dma_start3A_201, %dma_start3A_202] : memref<2x384x224x224xf32, #tpu.memory_space<hbm>> -> memref<1x1x224x224xf32, #tpu.memory_space<hbm>>
    %dma_start3A_204 = tpu.memref_squeeze %dma_start3A_203 : memref<1x1x224x224xf32, #tpu.memory_space<hbm>> -> memref<224x224xf32, #tpu.memory_space<hbm>>
    %dma_start3A_205 = arith.constant 0 : i32
    %dma_start3A_206 = arith.constant 0 : i32
    %dma_start3A_207 = tpu.memref_slice %arg3[%select_n3A_145, %add3A_121, %dma_start3A_205, %dma_start3A_206] : memref<2x384x224x224xf32, #tpu.memory_space<hbm>> -> memref<1x1x224x224xf32, #tpu.memory_space<hbm>>
    %dma_start3A_208 = tpu.memref_squeeze %dma_start3A_207 : memref<1x1x224x224xf32, #tpu.memory_space<hbm>> -> memref<224x224xf32, #tpu.memory_space<hbm>>
    tpu.enqueue_dma source(%arg4 : memref<224x224xf32, #tpu.memory_space<vmem>>) target(%dma_start3A_208 : memref<224x224xf32, #tpu.memory_space<hbm>>) target_semaphore(%arg8 : memref<!tpu.dma_semaphore, #tpu.memory_space<semaphore_mem>>)
    %add3A_209 = arith.constant 8 : i32
    %add3A_210 = arith.addi %mul3A_2, %add3A_209 : i32
    %sub3A_211 = arith.constant 1 : i32
    %sub3A_212 = arith.subi %add3A_210, %sub3A_211 : i32
    %jit3A_213 = arith.constant 144 : i32
    %eq3A_214 = arith.constant 0 : i32
    %eq3A_215 = arith.cmpi eq, %jit3A_213, %eq3A_214 : i32
    %jit3A_216 = arith.constant 1 : i32
    %select_n3A_217 = arith.select %eq3A_215, %jit3A_216, %jit3A_213 : i32
    %rem3A_218 = arith.remsi %sub3A_212, %select_n3A_217 : i32
    %ne3A_219 = arith.constant 0 : i32
    %ne3A_220 = arith.cmpi ne, %rem3A_218, %ne3A_219 : i32
    %lt3A_221 = arith.constant 0 : i32
    %lt3A_222 = arith.cmpi slt, %rem3A_218, %lt3A_221 : i32
    %lt3A_223 = arith.constant 0 : i32
    %lt3A_224 = arith.cmpi slt, %select_n3A_217, %lt3A_223 : i32
    %ne3A_225 = arith.xori %lt3A_222, %lt3A_224 : i1
    %and3A_226 = arith.andi %ne3A_225, %ne3A_220 : i1
    %add3A_227 = arith.addi %rem3A_218, %select_n3A_217 : i32
    %select_n3A_228 = arith.select %and3A_226, %add3A_227, %rem3A_218 : i32
    %add3A_229 = arith.constant 240 : i32
    %add3A_230 = arith.addi %add3A_229, %select_n3A_228 : i32
    %jit3A_231 = arith.constant 144 : i32
    %div3A_232 = arith.divsi %sub3A_212, %jit3A_231 : i32
    %sign3A_233 = arith.constant 0 : i32
    %sign3A_234 = arith.cmpi sgt, %sub3A_212, %sign3A_233 : i32
    %sign3A_235 = arith.extui %sign3A_234 : i1 to i32
    %sign3A_236 = arith.constant 0 : i32
    %sign3A_237 = arith.cmpi slt, %sub3A_212, %sign3A_236 : i32
    %sign3A_238 = arith.extui %sign3A_237 : i1 to i32
    %sign3A_239 = arith.subi %sign3A_235, %sign3A_238 : i32
    %sign3A_240 = arith.constant 0 : i32
    %sign3A_241 = arith.cmpi sgt, %jit3A_231, %sign3A_240 : i32
    %sign3A_242 = arith.extui %sign3A_241 : i1 to i32
    %sign3A_243 = arith.constant 0 : i32
    %sign3A_244 = arith.cmpi slt, %jit3A_231, %sign3A_243 : i32
    %sign3A_245 = arith.extui %sign3A_244 : i1 to i32
    %sign3A_246 = arith.subi %sign3A_242, %sign3A_245 : i32
    %ne3A_247 = arith.cmpi ne, %sign3A_239, %sign3A_246 : i32
    %rem3A_248 = arith.remsi %sub3A_212, %jit3A_231 : i32
    %ne3A_249 = arith.constant 0 : i32
    %ne3A_250 = arith.cmpi ne, %rem3A_248, %ne3A_249 : i32
    %and3A_251 = arith.andi %ne3A_247, %ne3A_250 : i1
    %sub3A_252 = arith.constant 1 : i32
    %sub3A_253 = arith.subi %div3A_232, %sub3A_252 : i32
    %select_n3A_254 = arith.select %and3A_251, %sub3A_253, %div3A_232 : i32
    %dma_wait3A_255 = arith.constant 0 : i32
    %dma_wait3A_256 = arith.constant 0 : i32
    %dma_wait3A_257 = tpu.memref_slice %arg3[%select_n3A_254, %add3A_230, %dma_wait3A_255, %dma_wait3A_256] : memref<2x384x224x224xf32, #tpu.memory_space<hbm>> -> memref<1x1x224x224xf32, #tpu.memory_space<hbm>>
    %dma_wait3A_258 = tpu.memref_squeeze %dma_wait3A_257 : memref<1x1x224x224xf32, #tpu.memory_space<hbm>> -> memref<224x224xf32, #tpu.memory_space<hbm>>
    %dma_wait3A_259 = arith.constant 0 : i32
    %dma_wait3A_260 = arith.constant 0 : i32
    %dma_wait3A_261 = tpu.memref_slice %arg3[%select_n3A_254, %add3A_230, %dma_wait3A_259, %dma_wait3A_260] : memref<2x384x224x224xf32, #tpu.memory_space<hbm>> -> memref<1x1x224x224xf32, #tpu.memory_space<hbm>>
    %dma_wait3A_262 = tpu.memref_squeeze %dma_wait3A_261 : memref<1x1x224x224xf32, #tpu.memory_space<hbm>> -> memref<224x224xf32, #tpu.memory_space<hbm>>
    tpu.wait_dma2 semaphore(%arg9 : memref<!tpu.dma_semaphore, #tpu.memory_space<semaphore_mem>>) src(%arg5 : memref<224x224xf32, #tpu.memory_space<vmem>>) dst(%dma_wait3A_262 : memref<224x224xf32, #tpu.memory_space<hbm>>)
    %dma_wait3A_263 = arith.constant 0 : i32
    %dma_wait3A_264 = arith.constant 0 : i32
    %dma_wait3A_265 = tpu.memref_slice %arg3[%select_n3A_145, %add3A_121, %dma_wait3A_263, %dma_wait3A_264] : memref<2x384x224x224xf32, #tpu.memory_space<hbm>> -> memref<1x1x224x224xf32, #tpu.memory_space<hbm>>
    %dma_wait3A_266 = tpu.memref_squeeze %dma_wait3A_265 : memref<1x1x224x224xf32, #tpu.memory_space<hbm>> -> memref<224x224xf32, #tpu.memory_space<hbm>>
    %dma_wait3A_267 = arith.constant 0 : i32
    %dma_wait3A_268 = arith.constant 0 : i32
    %dma_wait3A_269 = tpu.memref_slice %arg3[%select_n3A_145, %add3A_121, %dma_wait3A_267, %dma_wait3A_268] : memref<2x384x224x224xf32, #tpu.memory_space<hbm>> -> memref<1x1x224x224xf32, #tpu.memory_space<hbm>>
    %dma_wait3A_270 = tpu.memref_squeeze %dma_wait3A_269 : memref<1x1x224x224xf32, #tpu.memory_space<hbm>> -> memref<224x224xf32, #tpu.memory_space<hbm>>
    tpu.wait_dma2 semaphore(%arg8 : memref<!tpu.dma_semaphore, #tpu.memory_space<semaphore_mem>>) src(%arg4 : memref<224x224xf32, #tpu.memory_space<vmem>>) dst(%dma_wait3A_270 : memref<224x224xf32, #tpu.memory_space<hbm>>)
    return
  }
}

module attributes {stable_mosaic.version = 14 : i64} {
  func.func @copy_body(%arg0: i32, %arg1: i32, %arg2: memref<2x384x224x224xf32, #tpu.memory_space<any>>, %arg3: memref<1x16x224x224xf32, #tpu.memory_space<vmem>>, %arg4: memref<1x16x224x224xf32, #tpu.memory_space<vmem>>) attributes {dimension_semantics = [#tpu.dimension_semantics<parallel>, #tpu.dimension_semantics<parallel>], iteration_bounds = array<i64: 2, 15>, scalar_prefetch = 0 : i64, scratch_operands = 0 : i64, tpu.core_type = #tpu.core_type<tc>, window_params = [{}, {transform_indices = @transform_1, window_bounds = array<i64: 1, 16, 224, 224>}, {transform_indices = @transform_2, window_bounds = array<i64: 1, 16, 224, 224>}]} {
    %get3A = arith.constant 0 : index
    %get3A_0 = arith.constant 0 : index
    %get3A_1 = arith.constant 0 : index
    %get3A_2 = arith.constant 0 : index
    %get3A_3 = vector.load %arg3[%get3A, %get3A_0, %get3A_1, %get3A_2] : memref<1x16x224x224xf32, #tpu.memory_space<vmem>>, vector<1x16x224x224xf32>
    %swap3A = arith.constant 0 : index
    %swap3A_4 = arith.constant 0 : index
    %swap3A_5 = arith.constant 0 : index
    %swap3A_6 = arith.constant 0 : index
    %swap3A_7 = vector.load %arg4[%swap3A, %swap3A_4, %swap3A_5, %swap3A_6] : memref<1x16x224x224xf32, #tpu.memory_space<vmem>>, vector<1x16x224x224xf32>
    tpu.vector_store %arg4[%swap3A, %swap3A_4, %swap3A_5, %swap3A_6], %get3A_3 {strides = array<i32>} : memref<1x16x224x224xf32, #tpu.memory_space<vmem>>, vector<1x16x224x224xf32>,
    return
  }
  func.func @transform_1(%arg0: i32, %arg1: i32) -> (i32, i32, i32, i32) {
    %c0_i32 = arith.constant 0 : i32
    %c0_i32_0 = arith.constant 0 : i32
    %c0_i32_1 = arith.constant 0 : i32
    return %arg0, %arg1, %c0_i32, %c0_i32_0 : i32, i32, i32, i32
  }
  func.func @transform_2(%arg0: i32, %arg1: i32) -> (i32, i32, i32, i32) {
    %c0_i32 = arith.constant 0 : i32
    %c0_i32_0 = arith.constant 0 : i32
    %c0_i32_1 = arith.constant 0 : i32
    return %arg0, %arg1, %c0_i32, %c0_i32_0 : i32, i32, i32, i32
  }
}

</mosaic_0001>

<sc_bundles>
// kernel: kernel.4.cloned.1.call-start
scs
__scs_entry_jumppad:
0x0: {  	(pc) =	sbr.rel $0x88, $3  }
0x1: {  	(tag) =	ssettag $0x0;
	lr =	simm.s32 $0x1  }
0x2: {  	[smem:$0x3FA0] =	sst lr;
	_ =	strace $0xD0000000  }
0x3: {  	_ = 	snop  }
0x4: {  	_ = 	snop  }
0x5: {  	_ = 	snop  }
0x6: {  	_ = 	snop  }
0x7: {  	_ = 	snop  }
__scs_overlays_trampoline_lowered:
0x8: {  	[smem:$0x3FAF] =	sst s0  }
0x9: {  	[smem:$0x3FB0] =	sst s1  }
0xa: {  	[smem:$0x3FB1] =	sst s2  }
0xb: {  	[smem:$0x3FB2] =	sst s3  }
0xc: {  	[smem:$0x3FB3] =	sst s4  }
0xd: {  	[smem:$0x3FB4] =	sst s5  }
0xe: {  	[smem:$0x3FB5] =	sst s6  }
0xf: {  	[smem:$0x3FB6] =	sst s7  }
0x10: {  	[smem:$0x3FB7] =	sst s8  }
0x11: {  	[smem:$0x3FB8] =	sst s9;
	s0 =	simm.s32 @!p0 $0x0  }
0x12: {  	s1 =	sld [smem:$0x3F9E];
	s0 =	simm.s32 @p0 $0x1  }
0x13: {  	[smem:$0x3FB9] =	sst s0;
	s0 =	simm.s32 @!p1 $0x0  }
0x14: {  	s2 =	sld [smem:$0x3F9D];
	s0 =	simm.s32 @p1 $0x1  }
0x15: {  	[smem:$0x3FBA] =	sst s0;
	s0 =	simm.s32 @!p2 $0x0  }
0x16: {  	s3 =	sld [smem:$0x3FDB];
	s0 =	simm.s32 @p2 $0x1  }
0x17: {  	s4 =	simm.s32 $0x1BF5;
	[smem:$0x3FBC] =	sst s0  }
0x18: {  	s0 =	sld [smem:$0x3F9F];
	_ =	swait.ge [sflag:s4], $0x0  }
0x19: {  	s7 =	sld [smem:$0x3FA0]  }
0x1a: {  	s8 =	sadd.s32 $0xFFFFE003, lr  }
0x1b: {  	s9 =	sadd.s32 $0xFFFFFEF7, lr;
	s5 =	simm.s32 $0xFFFFFFFF;
	p2 =	slt.u32 s8, $0xFFFFF086  }
0x1c: {  	p1 =	slt.u32 s9, $0xF7A;
	s5 =	simm.s32 @!p2 $0x0  }
0x1d: {  	s5 =	simm.s32 @p1 $0x1;
	p0 =	seq.s32 s7, s2  }
0x1e: {  	s7 =	smul.u32 @!p0 $0xF7A, s2;
	p2 =	seq.s32 @!p0 s5, $0x0  }
0x1f: {  	s9 =	smul.u32 $0xF7A, s1;
	s8 =	simm.s32 @!p0 $0x1BF5;
	p2 =	por !p2, p0  }
0x20: {  	[sflag:s8] =	ssyncset.s32 @!p0 $0xFFFFF086;
	s6 =	sadd.s32 @!p0 s3, s7;
	s7 =	simm.s32 @!p0 $0x108  }
0x21: {  	s3 =	sadd.s32 s3, s9;
	s6 =	sadd.s32 @!p0 $0x88, s6;
	s7 =	simm.s32 @p2 $0x1082  }
0x22: {  	[simem:s7], [sflag:s8] =	dma.local @!p0 [hbm:s6], $0xF7A  }
0x23: {  	s9 =	sor.u32 $0xD0000000, s2;
	s6 =	simm.s32 $0x108;
	_ =	swait.ge @!p0 [sflag:s8], $0x0  }
0x24: {  	s3 =	sadd.s32 $0x88, s3;
	s6 =	simm.s32 @!p1 $0x1082;
	[sflag:s4] =	ssyncset.s32 $0xFFFFF086  }
0x25: {  	[simem:s6], [sflag:s4] =	dma.local [hbm:s3], $0xF7A  }
0x26: {  	[smem:$0x3FA0] =	sst s1;
	(tag) =	ssettag s2;
	_ =	strace s9  }
0x27: {  	s1 =	sld [smem:$0x3FB0]  }
0x28: {  	s2 =	sld [smem:$0x3FB1]  }
0x29: {  	s4 =	sld [smem:$0x3FB3]  }
0x2a: {  	p0 =	seq.s32 s5, $0x0;
	s5 =	sld [smem:$0x3FB4]  }
0x2b: {  	s6 =	sld [smem:$0x3FB5]  }
0x2c: {  	s7 =	sld [smem:$0x3FB6]  }
0x2d: {  	s3 =	simm.s32 $0x108;
	s8 =	sld [smem:$0x3FB7]  }
0x2e: {  	s3 =	simm.s32 @!p0 $0x1082;
	s9 =	sld [smem:$0x3FB8]  }
0x2f: {  	lr =	sadd.s32 s0, s3;
	s0 =	sld [smem:$0x3FAF]  }
0x30: {  	s3 =	sld [smem:$0x3FB2]  }
0x31: {  	[smem:$0x3FBB] =	sst s10  }
0x32: {  	s10 =	sld [smem:$0x3FB9];
	_ =	sdelay $0x3  }
0x33: {  	p0 =	seq.s32 s10, $0x1;
	s10 =	sld [smem:$0x3FBB];
	_ =	sdelay $0x3  }
0x34: {  	[smem:$0x3FBB] =	sst s10  }
0x35: {  	s10 =	sld [smem:$0x3FBA];
	_ =	sdelay $0x3  }
0x36: {  	p1 =	seq.s32 s10, $0x1;
	s10 =	sld [smem:$0x3FBB];
	_ =	sdelay $0x3  }
0x37: {  	[smem:$0x3FBB] =	sst s10  }
0x38: {  	s10 =	sld [smem:$0x3FBC]  }
0x39: {  	_ = 	snop;
	(pc) =	sbr.ind lr, $3  }
0x3a: {  	_ = 	snop  }
0x3b: {  	_ = 	snop  }
0x3c: {  	p2 =	seq.s32 s10, $0x1;
	s10 =	sld [smem:$0x3FBB]  }
0x3d: {  	_ =	shalt  }
0x3e: {  	_ =	shalt  }
0x3f: {  	_ =	shalt  }
0x40: {  	_ =	shalt  }
0x41: {  	_ =	shalt  }
0x42: {  	_ =	shalt  }
0x43: {  	_ =	shalt  }
0x44: {  	_ =	shalt  }
0x45: {  	_ =	shalt  }
0x46: {  	_ =	shalt  }
0x47: {  	_ =	shalt  }
0x48: {  	_ =	shalt  }
0x49: {  	_ =	shalt  }
0x4a: {  	_ =	shalt  }
0x4b: {  	_ =	shalt  }
0x4c: {  	_ =	shalt  }
0x4d: {  	_ =	shalt  }
0x4e: {  	_ =	shalt  }
0x4f: {  	_ =	shalt  }
0x50: {  	_ =	shalt  }
0x51: {  	_ =	shalt  }
0x52: {  	_ =	shalt  }
0x53: {  	_ =	shalt  }
0x54: {  	_ =	shalt  }
0x55: {  	_ =	shalt  }
0x56: {  	_ =	shalt  }
0x57: {  	_ =	shalt  }
0x58: {  	_ =	shalt  }
0x59: {  	_ =	shalt  }
0x5a: {  	_ =	shalt  }
0x5b: {  	_ =	shalt  }
0x5c: {  	_ =	shalt  }
0x5d: {  	_ =	shalt  }
0x5e: {  	_ =	shalt  }
0x5f: {  	_ =	shalt  }
0x60: {  	_ =	shalt  }
0x61: {  	_ =	shalt  }
0x62: {  	_ =	shalt  }
0x63: {  	_ =	shalt  }
0x64: {  	_ =	shalt  }
0x65: {  	_ =	shalt  }
0x66: {  	_ =	shalt  }
0x67: {  	_ =	shalt  }
0x68: {  	_ =	shalt  }
0x69: {  	_ =	shalt  }
0x6a: {  	_ =	shalt  }
0x6b: {  	_ =	shalt  }
0x6c: {  	_ =	shalt  }
0x6d: {  	_ =	shalt  }
0x6e: {  	_ =	shalt  }
0x6f: {  	_ =	shalt  }
0x70: {  	_ =	shalt  }
0x71: {  	_ =	shalt  }
0x72: {  	_ =	shalt  }
0x73: {  	_ =	shalt  }
0x74: {  	_ =	shalt  }
0x75: {  	_ =	shalt  }
0x76: {  	_ =	shalt  }
0x77: {  	_ =	shalt  }
0x78: {  	_ =	shalt  }
0x79: {  	_ =	shalt  }
0x7a: {  	_ =	shalt  }
0x7b: {  	_ =	shalt  }
0x7c: {  	_ =	shalt  }
0x7d: {  	_ =	shalt  }
0x7e: {  	_ =	shalt  }
0x7f: {  	_ =	shalt  }
0x80: {  	_ =	shalt  }
0x81: {  	_ =	shalt  }
0x82: {  	_ =	shalt  }
0x83: {  	_ =	shalt  }
0x84: {  	_ =	shalt  }
0x85: {  	_ =	shalt  }
0x86: {  	_ =	shalt  }
0x87: {  	_ =	shalt  }
.Lfunc_end0:
.L_simem_size_0:
called_computation_lowered:
.L_overlay_start_0:
0x88: {  	s2 =	sld [smem:$0x3FD9]  }
0x89: {  	s3 =	sld [smem:$0x3FFE];
	_ =	sdelay $0x1  }
0x8a: {  	s1 =	srdreg.scid  }
0x8b: {  	s0 =	sand.u32 $0x1, s1  }
0x8c: {  	s16 =	sshll.u32 s0, $0xA;
	s2 =	sadd.s32 s3, s2  }
0x8d: {  	s2 =	sadd.s32 s2, s16  }
0x8e: {  	[smem:$0x3FC7] =	sst s2  }
0x8f: {  	_ = 	snop  }
0x90: {  	(tm) =	ssettm $0x1  }
0x91: {  	s17 =	sld [smem:$0x3FFB];
	_ =	sdelay $0x3  }
0x92: {  	_ =	strace s17  }
0x93: {  	s2 =	sld [smem:$0x3FFC];
	_ =	sdelay $0x3  }
0x94: {  	_ =	strace s2  }
0x95: {  	s2 =	sld [smem:$0x3FFD];
	_ =	sdelay $0x3  }
0x96: {  	_ =	strace s2  }
0x97: {  	_ =	strace $0x8FFFFFFF  }
0x98: {  	s18 =	sld [smem:$0x3FDB];
	_ =	sdelay $0x1  }
0x99: {  	s19 =	simm.s32 $_scs_section_size  }
0x9a: {  	s4 =	simm.s32 $_size__tile_overlayer_lowered;
	s5 =	simm.s32 $_tile_overlayer_lowered  }
0x9b: {  	s22 =	simm.s32 $0x1BFF;
	s21 =	sshll.u32 s5, $0x1;
	s2 =	sadd.s32 s19, s18  }
0x9c: {  	s6 =	simm.s32 $0x0;
	s20 =	sshll.u32 s4, $0x1;
	s4 =	sadd.s32 s21, s2  }
0x9d: {  	[timem:s6], [sflag:s22] =	dma.local [hbm:s4], s20  }
0x9e: {  	_ =	swait.ge [sflag:s22], s20  }
0x9f: {  	s3 =	ssub.s32 $0x0, s20;
	[sflag:s22] =	ssyncset.done $0x0  }
0xa0: {  	[sflag:s22] =	ssyncadd.s32 s3;
	_ =	sdelay $0x1  }
0xa1: {  	s23 =	simm.s32 $0x1B8B  }
0xa2: {  	_ =	swait.ge [sflag:s23], $0x1  }
0xa3: {  	[sflag:s23] =	ssyncset.done $0x0  }
0xa4: {  	s25 =	simm.s32 $0x1B8E;
	s24 =	sld [smem:$0x3FFE];
	[sflag:s23] =	ssyncadd.s32 $0xFFFFFFFF  }
0xa5: {  	s26 =	simm.s32 $execute0_lowered;
	[smem:$0x3FD2] =	sst s25  }
0xa6: {  	s4 =	sshll.u32 s26, $0x1;
	_ =	strace $0x80000046;
	[dreg:$0x1] =	wrdreg $0xFFFFFFFF  }
0xa7: {  	s28 =	simm.s32 $_size_execute0_lowered;
	s2 =	sadd.s32 s2, s4;
	[dreg:$0x0] =	wrdreg $0x0  }
0xa8: {  	s4 =	sshll.u32 s28, $0x1;
	[dreg:$0x2] =	wrdreg s2  }
0xa9: {  	[dreg:$0x3] =	wrdreg s4  }
0xaa: {  	[dreg:$0x4] =	wrdreg $0xC0  }
0xab: {  	_ =	task [dreg:s6], $0x5FFFF  }
0xac: {  	[dreg:$0x1] =	wrdreg $0xFFFFFFFF  }
0xad: {  	[dreg:$0x0] =	wrdreg $0x60  }
0xae: {  	[dreg:$0x2] =	wrdreg s24  }
0xaf: {  	[dreg:$0x3] =	wrdreg $0x9  }
0xb0: {  	_ =	task.clear_ibuf [dreg:s6], $0x4FFFF;
	_ =	strace $0x90000046  }
0xb1: {  	s29 =	simm.s32 $0x9;
	_ =	strace $0x80000048  }
0xb2: {  	_ =	swait.ge [sflag:s29], $0x1  }
0xb3: {  	[sflag:s29] =	ssyncadd.s32 $0xFFFFFFFF  }
0xb4: {  	_ =	strace $0x90000048  }
0xb5: {  	_ =	sfence  }
0xb6: {  	s30 =	sld [smem:$0x0];
	_ =	sdelay $0x2  }
0xb7: {  	s31 =	sshll.u32 s1, $0xD;
	s1 =	sshrl.u32 s1, $0x2  }
0xb8: {  	s3 =	sand.u32 $0x4000, s31;
	s1 =	sadd.s32 s1, s30  }
0xb9: {  	s0 =	sor.u32 s3, s0;
	s1 =	sshll.u32 s1, $0x11  }
0xba: {  	s0 =	sor.u32 s1, s0  }
0xbb: {  	s0 =	sadd.s32 $0x8F2B, s0  }
0xbc: {  	[sflag:s0] =	ssyncadd.remote.s32 $0x1  }
0xbd: {  	_ =	sfence.sel $0xFFFF  }
0xbe: {  	[dreg:$0x0] =	wrdreg $0xFFFFFFFF;
	(pc) =	sbr.abs _section_cstart, $3  }
0xbf: {  	[dreg:$0x1] =	wrdreg $0xFFFFFFFF  }
0xc0: {  	_ =	task.clear_ibuf [dreg:s6], $0x2FFFF;
	_ =	strace $0x9FFFFFFF  }
0xc1: {  	(tm) =	ssettm $0x7FFFFFFF  }
tec
execute0_lowered:
.L_overlay_start_1:
0x0: {  	(tag) =	ssettag $0x1  }
0x1: {  	s1 =	srdreg.scid;
	s0 =	stileid.u32  }
0x2: {  	s5 =	rddreg [dreg:$0x0];
	s2 =	simm.s32 $0x0;
	s12 =	simm.s32 $0x2  }
0x3: {  	s13 =	simm.s32 $0x3;
	s6 =	sand.u32 $0x1, s1;
	s1 =	rddreg [dreg:$0x1]  }
0x4: {  	s14 =	simm.s32 $0x4;
	s3 =	sshll.u32 s0, $0x1;
	[smem:$0x7FF] =	sst s2  }
0x5: {  	s4 =	sadd.s32 $0x400, s5;
	s7 =	sshrl.u32 s0, $0x3;
	s3 =	sor.u32 s6, s3  }
0x6: {  	s5 =	sadd.s32 $0x540400, s5;
	s6 =	ssub.s32 $0x2, s6;
	s3 =	smul.u32 $0x9, s3  }
0x7: {  	_ =	strace $0x80000047;
	s7 =	smul.u32 $0x1500000, s7;
	s11 =	sshrl.u32 s6, $0x1  }
0x8: {  	s31 =	ssub.s32 s6, s11;
	s8 =	sadd.s32 $0xFFFFFF70, s3;
	s9 =	sadd.s32 $0x8, s3  }
0x9: {  	s15 =	sadd.s32 $0xFFFFFF78, s3;
	s8 =	smin.u32 s3, s8;
	p0 =	slt.u32 s9, $0x90  }
0xa: {  	s11 =	simm.s32 $0x1;
	s8 =	smul.u32 $0xE000, s8;
	s15 =	smov.u32 @p0 s9  }
0xb: {  	p0 =	sgt.u32 s3, $0x87;
	s9 =	simm.s32 $0x1500000;
	s10 =	smul.u32 $0xE000, s15  }
0xc: {  	s9 =	simm.s32 @!p0 $0x0;
	s30 =	sadd.s32 $0x30, s15;
	p2 =	slt.u32 s15, $0x60  }
0xd: {  	s15 =	simm.s32 $0x0;
	s7 =	sadd.s32 s8, s7;
	s29 =	sadd.s32 s9, s10  }
.Ltmp0:
0xe: {  	s7 =	sshrl.u32 s7, $0x3;
	s9 =	sand.u32 $0xFF, s30;
	(pc) =	sbr.rel .LBB2_1-.Ltmp0, $4  }
0xf: {  	s8 =	sshrl.u32 s29, $0x3;
	s7 =	sadd.s32 s4, s7;
	s9 =	smul.u32 $0xAB, s9  }
0x10: {  	s10 =	simm.s32 $0xE000;
	s8 =	sadd.s32 $0x1A4000, s8;
	s6 =	sadd.s32 $0x1A4000, s7  }
0x11: {  	s7 =	sadd.s32 s4, s8;
	s16 =	sshrl.u32 s9, $0xD;
	s8 =	sadd.s32 s5, s8  }
0x12: {  	s9 =	smax.u32 s31, $0x1;
	p0 =	seq.s32 s16, $0x3;
	p1 =	seq.s32 s16, $0x2  }
.LBB2_37:
0x13: {  	[hbm4b:s8+s2] =	stream.linear.scatter [tilespmem:s2], [sflag:$0x3], $0xE000, $0x38;
	[tilespmem:$0x1C000] =	vst v63  }
0x14: {  	s15 =	sadd.s32 $0x1, s15  }
0x15: {  	_ =	swait.ge [sflag:s14], $0xE000;
	p3 =	sne.s32 s15, s9  }
.Ltmp1:
0x16: {  	[sflag:s14] =	ssyncset.done $0x0;
	(pc) =	sbr.rel @!p3 .LBB2_38-.Ltmp1, $4  }
0x17: {  	[sflag:s14] =	ssyncadd.s32 $0xFFFF2000  }
0x18: {  	_ =	swait.ge [sflag:s13], $0xE000  }
0x19: {  	[sflag:s13] =	ssyncset.done $0x0  }
0x1a: {  	[sflag:s13] =	ssyncadd.s32 $0xFFFF2000  }
.LBB2_1:
0x1b: {  	[tilespmem:s2], [sflag:$0x1] =	stream.linear.gather [hbm4b:s6+s2], $0xE000, $0x38;
	[tilespmem:$0x1C000] =	vst v63  }
0x1c: {  	s16 =	simm.s32 $0x0  }
.LBB2_2:
0x1d: {  	s17 =	sshll.u32 s16, $0x1  }
0x1e: {  	s17 =	sadd.s32 s3, s17  }
0x1f: {  	s18 =	sadd.s32 $0x1, s17;
	s20 =	smulhi.u32 $0x38E38E39, s17  }
0x20: {  	s19 =	smulhi.u32 $0x38E38E39, s18  }
0x21: {  	s20 =	sshrl.u32 s20, $0x5  }
0x22: {  	s21 =	sshrl.u32 s19, $0x5;
	s22 =	smul.u32 $0x90, s20  }
0x23: {  	s19 =	smul.u32 $0x90, s21  }
0x24: {  	s30 =	smul.u32 $0x1500000, s21;
	s21 =	ssub.s32 s17, s22  }
0x25: {  	s19 =	ssub.s32 s18, s19;
	s22 =	sadd.s32 $0x30, s21  }
0x26: {  	p3 =	seq.s32 s16, $0x0;
	s23 =	smul.u32 $0xE000, s19;
	s22 =	sand.u32 $0xFF, s22  }
0x27: {  	s24 =	simm.s32 @!p3 $0x4;
	s22 =	smul.u32 $0xAB, s22  }
0x28: {  	_ =	swait.ge @!p3 [sflag:s24], $0xE000;
	s18 =	sadd.s32 s30, s23  }
0x29: {  	[sflag:s24] =	ssyncset.done @!p3 $0x0;
	s18 =	sshrl.u32 s18, $0x3;
	s22 =	sshrl.u32 s22, $0xD  }
0x2a: {  	[sflag:s24] =	ssyncadd.s32 @!p3 $0xFFFF2000;
	s18 =	sadd.s32 $0x1A4000, s18;
	p3 =	seq.s32 s22, $0x3  }
.Ltmp2:
0x2b: {  	s23 =	simm.s32 $0x0;
	s31 =	sadd.s32 s4, s18;
	(pc) =	sbr.rel @p3 .LBB2_10-.Ltmp2, $4  }
0x2c: {  	[tilespmem:s10], [sflag:$0x2] =	stream.linear.gather [hbm4b:s31+s23], $0xE000, $0x38;
	[tilespmem:$0x1C000] =	vst v63  }
0x2d: {  	_ =	swait.ge [sflag:s11], $0xE000  }
0x2e: {  	[sflag:s11] =	ssyncset.done $0x0  }
0x2f: {  	[sflag:s11] =	ssyncadd.s32 $0xFFFF2000  }
0x30: {  	p3 =	seq.s32 s22, $0x2  }
.Ltmp3:
0x31: {  	_ = 	snop;
	(pc) =	sbr.rel @!p3 .LBB2_4-.Ltmp3, $1  }
0x32: {  	_ =	sdelay $0x3  }
0x33: {  	s22 =	sand.u32 $0x7800, s23;
	s24 =	sand.u32 $0x380, s23  }
0x34: {  	s22 =	sor.u32 s24, s22  }
0x35: {  	v0 =	vld [tilespmem:s22+$0x0]  }
0x36: {  	v1 =	vld [tilespmem:s22+$0x7000]  }
0x37: {  	v2 =	vld [tilespmem:s22+$0x10]  }
0x38: {  	v3 =	vld [tilespmem:s22+$0x7010]  }
0x39: {  	v4 =	vld [tilespmem:s22+$0x20]  }
0x3a: {  	v5 =	vld [tilespmem:s22+$0x7020]  }
0x3b: {  	v6 =	vld [tilespmem:s22+$0x60];
	[tilespmem:s22+$0x0] =	vst v1  }
0x3c: {  	v7 =	vld [tilespmem:s22+$0x7060];
	[tilespmem:s22+$0x7000] =	vst v0  }
0x3d: {  	v8 =	vld [tilespmem:s22+$0x7070];
	[tilespmem:s22+$0x10] =	vst v3  }
0x3e: {  	v0 =	vld [tilespmem:s22+$0x7030];
	[tilespmem:s22+$0x7010] =	vst v2  }
0x3f: {  	v1 =	vld [tilespmem:s22+$0x30];
	[tilespmem:s22+$0x20] =	vst v5  }
0x40: {  	v2 =	vld [tilespmem:s22+$0x7040];
	[tilespmem:s22+$0x7020] =	vst v4  }
0x41: {  	v3 =	vld [tilespmem:s22+$0x40];
	[tilespmem:s22+$0x60] =	vst v7  }
0x42: {  	v4 =	vld [tilespmem:s22+$0x7050];
	[tilespmem:s22+$0x7060] =	vst v6  }
0x43: {  	v5 =	vld [tilespmem:s22+$0x50];
	[tilespmem:s22+$0x30] =	vst v0  }
0x44: {  	[tilespmem:s22+$0x7030] =	vst v1;
	v1 =	vld [tilespmem:s22+$0x70]  }
0x45: {  	[tilespmem:s22+$0x40] =	vst v2;
	v2 =	vld [tilespmem:s22+$0x400]  }
0x46: {  	[tilespmem:s22+$0x7040] =	vst v3;
	v0 =	vld [tilespmem:s22+$0x7400]  }
0x47: {  	[tilespmem:s22+$0x50] =	vst v4;
	v3 =	vld [tilespmem:s22+$0x410]  }
0x48: {  	[tilespmem:s22+$0x7050] =	vst v5;
	v4 =	vld [tilespmem:s22+$0x420]  }
0x49: {  	s24 =	simm.s32 $0x100;
	[tilespmem:s22+$0x70] =	vst v8;
	v5 =	vld [tilespmem:s22+$0x430]  }
.LBB2_8:
0x4a: {  	p3 =	sne.s32 s24, $0x6F00;
	[tilespmem:s22+$0x7070] =	vst v1;
	v1 =	vld [tilespmem:s22+$0x440]  }
0x4b: {  	[tilespmem:s22+$0x7400] =	vst v2;
	v2 =	vld [tilespmem:s22+$0x450]  }
0x4c: {  	v6 =	vld [tilespmem:s22+$0x7410];
	[tilespmem:s22+$0x7410] =	vst v3  }
0x4d: {  	v3 =	vld [tilespmem:s22+$0x7420];
	[tilespmem:s22+$0x7420] =	vst v4  }
0x4e: {  	s23 =	sadd.s32 $0x80, s23;
	v4 =	vld [tilespmem:s22+$0x7430];
	[tilespmem:s22+$0x7430] =	vst v5  }
0x4f: {  	s25 =	sand.u32 $0x7800, s24;
	s26 =	sand.u32 $0x380, s23;
	v5 =	vld [tilespmem:s22+$0x7440];
	[tilespmem:s22+$0x7440] =	vst v1  }
0x50: {  	s25 =	sor.u32 s26, s25;
	v1 =	vld [tilespmem:s22+$0x7450];
	[tilespmem:s22+$0x7450] =	vst v2  }
0x51: {  	v2 =	vld [tilespmem:s25+$0x0];
	[tilespmem:s22+$0x410] =	vst v6  }
0x52: {  	v6 =	vld [tilespmem:s25+$0x7000];
	[tilespmem:s22+$0x420] =	vst v3  }
0x53: {  	v3 =	vld [tilespmem:s25+$0x10];
	[tilespmem:s22+$0x430] =	vst v4  }
0x54: {  	v4 =	vld [tilespmem:s25+$0x7010];
	[tilespmem:s22+$0x440] =	vst v5  }
0x55: {  	v5 =	vld [tilespmem:s25+$0x20];
	[tilespmem:s22+$0x450] =	vst v1  }
0x56: {  	v1 =	vld [tilespmem:s25+$0x7020];
	[tilespmem:s22+$0x400] =	vst v0;
	s22 =	smov.u32 s25  }
0x57: {  	[tilespmem:s22+$0x0] =	vst v6;
	v0 =	vld [tilespmem:s22+$0x30]  }
0x58: {  	[tilespmem:s22+$0x7000] =	vst v2;
	v2 =	vld [tilespmem:s22+$0x7030]  }
0x59: {  	[tilespmem:s22+$0x10] =	vst v4;
	v4 =	vld [tilespmem:s22+$0x40]  }
0x5a: {  	[tilespmem:s22+$0x7010] =	vst v3;
	v3 =	vld [tilespmem:s22+$0x7040]  }
0x5b: {  	[tilespmem:s22+$0x20] =	vst v1;
	v6 =	vld [tilespmem:s22+$0x50]  }
0x5c: {  	[tilespmem:s22+$0x7020] =	vst v5;
	v5 =	vld [tilespmem:s22+$0x7050]  }
0x5d: {  	[tilespmem:s22+$0x30] =	vst v2;
	v7 =	vld [tilespmem:s22+$0x60]  }
0x5e: {  	[tilespmem:s22+$0x7030] =	vst v0;
	v8 =	vld [tilespmem:s22+$0x7060]  }
0x5f: {  	[tilespmem:s22+$0x40] =	vst v3;
	v1 =	vld [tilespmem:s22+$0x70]  }
0x60: {  	[tilespmem:s22+$0x7040] =	vst v4;
	v9 =	vld [tilespmem:s22+$0x7070]  }
.Ltmp4:
0x61: {  	[tilespmem:s22+$0x50] =	vst v5;
	v2 =	vld [tilespmem:s22+$0x400];
	(pc) =	sbr.rel @p3 .LBB2_8-.Ltmp4, $4  }
0x62: {  	[tilespmem:s22+$0x7050] =	vst v6;
	v0 =	vld [tilespmem:s22+$0x7400]  }
0x63: {  	[tilespmem:s22+$0x60] =	vst v8;
	v3 =	vld [tilespmem:s22+$0x410]  }
0x64: {  	[tilespmem:s22+$0x7060] =	vst v7;
	v4 =	vld [tilespmem:s22+$0x420]  }
0x65: {  	s24 =	sadd.s32 $0x100, s24;
	[tilespmem:s22+$0x70] =	vst v9;
	v5 =	vld [tilespmem:s22+$0x430]  }
0x66: {  	[tilespmem:s22+$0x7070] =	vst v1  }
0x67: {  	v58 =	vld [tilespmem:s22+$0x440];
	[tilespmem:s22+$0x7400] =	vst v2  }
0x68: {  	v59 =	vld [tilespmem:s22+$0x450];
	[tilespmem:s22+$0x400] =	vst v0  }
0x69: {  	v6 =	vld [tilespmem:s22+$0x7410];
	[tilespmem:s22+$0x7410] =	vst v3  }
0x6a: {  	v60 =	vld [tilespmem:s22+$0x7420];
	[tilespmem:s22+$0x7420] =	vst v4  }
0x6b: {  	v61 =	vld [tilespmem:s22+$0x7430];
	[tilespmem:s22+$0x7430] =	vst v5  }
0x6c: {  	v62 =	vld [tilespmem:s22+$0x7440];
	[tilespmem:s22+$0x7440] =	vst v58  }
0x6d: {  	v63 =	vld [tilespmem:s22+$0x7450];
	p3 =	slt.u32 s21, $0x60;
	[tilespmem:s22+$0x7450] =	vst v59  }
.Ltmp5:
0x6e: {  	[tilespmem:s22+$0x410] =	vst v6;
	(pc) =	sbr.rel @p3 .LBB2_13-.Ltmp5, $4  }
0x6f: {  	[tilespmem:s22+$0x420] =	vst v60  }
0x70: {  	[tilespmem:s22+$0x430] =	vst v61  }
0x71: {  	[tilespmem:s22+$0x440] =	vst v62  }
0x72: {  	[tilespmem:s22+$0x450] =	vst v63  }
.LBB2_10:
0x73: {  	s22 =	simm.s32 $0x0  }
0x74: {  	s23 =	sand.u32 $0x7800, s22;
	s22 =	sand.u32 $0x380, s22  }
0x75: {  	s22 =	sor.u32 s22, s23  }
0x76: {  	v2 =	vld [tilespmem:s22+$0x30]  }
0x77: {  	v3 =	vld [tilespmem:s22+$0x410]  }
0x78: {  	v1 =	vld [tilespmem:s22+$0x0]  }
0x79: {  	v4 =	vld [tilespmem:s22+$0x7020]  }
0x7a: {  	v8 =	vld [tilespmem:s22+$0x7010]  }
0x7b: {  	v5 =	vld [tilespmem:s22+$0x7410]  }
0x7c: {  	v6 =	vld [tilespmem:s22+$0x7060]  }
0x7d: {  	v0 =	vld [tilespmem:s22+$0x7450]  }
0x7e: {  	v7 =	vld [tilespmem:s22+$0x20]  }
0x7f: {  	v9 =	vld [tilespmem:s22+$0x70]  }
0x80: {  	v10 =	vld [tilespmem:s22+$0x7070];
	[tilespmem:s22+$0x70] =	vst v1  }
0x81: {  	v11 =	vld [tilespmem:s22+$0x7000];
	[tilespmem:s22+$0x7450] =	vst v6  }
0x82: {  	v12 =	vld [tilespmem:s22+$0x7430];
	[tilespmem:s22+$0x20] =	vst v5  }
0x83: {  	v1 =	vld [tilespmem:s22+$0x440];
	[tilespmem:s22+$0x410] =	vst v7  }
0x84: {  	v5 =	vld [tilespmem:s22+$0x7420];
	[tilespmem:s22+$0x7000] =	vst v9  }
0x85: {  	v7 =	vld [tilespmem:s22+$0x7030];
	[tilespmem:s22+$0x7410] =	vst v4  }
0x86: {  	v4 =	vld [tilespmem:s22+$0x420];
	[tilespmem:s22+$0x7020] =	vst v3  }
0x87: {  	v3 =	vld [tilespmem:s22+$0x40];
	[tilespmem:s22+$0x420] =	vst v2  }
0x88: {  	v6 =	vld [tilespmem:s22+$0x7040];
	[tilespmem:s22+$0x0] =	vst v10  }
0x89: {  	v2 =	vld [tilespmem:s22+$0x7440];
	[tilespmem:s22+$0x7070] =	vst v11  }
0x8a: {  	v9 =	vld [tilespmem:s22+$0x10];
	[tilespmem:s22+$0x40] =	vst v12  }
0x8b: {  	[tilespmem:s22+$0x7420] =	vst v7;
	v7 =	vld [tilespmem:s22+$0x430]  }
0x8c: {  	[tilespmem:s22+$0x7030] =	vst v4;
	v4 =	vld [tilespmem:s22+$0x50]  }
0x8d: {  	[tilespmem:s22+$0x430] =	vst v3;
	v3 =	vld [tilespmem:s22+$0x7050]  }
0x8e: {  	[tilespmem:s22+$0x30] =	vst v5;
	v5 =	vld [tilespmem:s22+$0x7400]  }
0x8f: {  	s25 =	simm.s32 $0x100;
	s23 =	simm.s32 $0x80;
	[tilespmem:s22+$0x7400] =	vst v8;
	v8 =	vld [tilespmem:s22+$0x60]  }
.LBB2_11:
0x90: {  	s24 =	smov.u32 s25  }
0x91: {  	s26 =	sand.u32 $0x7800, s25;
	s28 =	sand.u32 $0x380, s23;
	v10 =	vld [tilespmem:s22+$0x400];
	[tilespmem:s22+$0x60] =	vst v0;
	s24 =	sadd.s32 $0x100, s25  }
0x92: {  	p3 =	seq.s32 s25, $0x6F00;
	s26 =	sor.u32 s28, s26;
	[tilespmem:s22+$0x7050] =	vst v1;
	v0 =	vld [tilespmem:s22+$0x450]  }
0x93: {  	v11 =	vld [tilespmem:s26+$0x30];
	[tilespmem:s22+$0x7430] =	vst v6  }
0x94: {  	v6 =	vld [tilespmem:s26+$0x410];
	[tilespmem:s22+$0x7040] =	vst v7  }
0x95: {  	v1 =	vld [tilespmem:s26+$0x0];
	[tilespmem:s22+$0x400] =	vst v9  }
0x96: {  	v7 =	vld [tilespmem:s26+$0x7020];
	[tilespmem:s22+$0x7010] =	vst v10  }
0x97: {  	v10 =	vld [tilespmem:s26+$0x7010];
	[tilespmem:s22+$0x7060] =	vst v0  }
0x98: {  	v9 =	vld [tilespmem:s26+$0x7410];
	[tilespmem:s22+$0x450] =	vst v8  }
0x99: {  	v8 =	vld [tilespmem:s26+$0x7060];
	[tilespmem:s22+$0x440] =	vst v4  }
0x9a: {  	v0 =	vld [tilespmem:s26+$0x7450];
	[tilespmem:s22+$0x10] =	vst v5  }
0x9b: {  	v4 =	vld [tilespmem:s26+$0x20];
	[tilespmem:s22+$0x50] =	vst v2  }
0x9c: {  	v2 =	vld [tilespmem:s26+$0x70];
	[tilespmem:s22+$0x7440] =	vst v3;
	s22 =	smov.u32 s26  }
0x9d: {  	v3 =	vld [tilespmem:s22+$0x7070];
	[tilespmem:s22+$0x70] =	vst v1  }
0x9e: {  	v1 =	vld [tilespmem:s22+$0x440];
	[tilespmem:s22+$0x7450] =	vst v8  }
0x9f: {  	v5 =	vld [tilespmem:s22+$0x7000];
	[tilespmem:s22+$0x20] =	vst v9  }
0xa0: {  	[tilespmem:s22+$0x410] =	vst v4;
	v4 =	vld [tilespmem:s22+$0x7420]  }
0xa1: {  	[tilespmem:s22+$0x7000] =	vst v2;
	v2 =	vld [tilespmem:s22+$0x7030]  }
0xa2: {  	[tilespmem:s22+$0x7410] =	vst v7;
	v8 =	vld [tilespmem:s22+$0x420]  }
0xa3: {  	[tilespmem:s22+$0x7020] =	vst v6;
	v9 =	vld [tilespmem:s22+$0x40]  }
0xa4: {  	[tilespmem:s22+$0x420] =	vst v11;
	v11 =	vld [tilespmem:s22+$0x7430]  }
0xa5: {  	[tilespmem:s22+$0x30] =	vst v4;
	v6 =	vld [tilespmem:s22+$0x7040]  }
0xa6: {  	[tilespmem:s22+$0x7420] =	vst v2;
	v7 =	vld [tilespmem:s22+$0x430]  }
0xa7: {  	[tilespmem:s22+$0x7030] =	vst v8;
	v4 =	vld [tilespmem:s22+$0x50]  }
.Ltmp6:
0xa8: {  	[tilespmem:s22+$0x430] =	vst v9;
	v2 =	vld [tilespmem:s22+$0x7440];
	(pc) =	sbr.rel @!p3 .LBB2_11-.Ltmp6, $4  }
0xa9: {  	[tilespmem:s22+$0x0] =	vst v3;
	v3 =	vld [tilespmem:s22+$0x7050]  }
0xaa: {  	[tilespmem:s22+$0x7070] =	vst v5;
	v5 =	vld [tilespmem:s22+$0x7400]  }
0xab: {  	v9 =	vld [tilespmem:s22+$0x10];
	[tilespmem:s22+$0x40] =	vst v11  }
0xac: {  	s23 =	sadd.s32 $0x80, s23;
	s25 =	smov.u32 s24;
	[tilespmem:s22+$0x7400] =	vst v10;
	v8 =	vld [tilespmem:s22+$0x60]  }
0xad: {  	[tilespmem:s22+$0x60] =	vst v0  }
0xae: {  	[tilespmem:s22+$0x7050] =	vst v1  }
0xaf: {  	[tilespmem:s22+$0x7430] =	vst v6  }
0xb0: {  	[tilespmem:s22+$0x7040] =	vst v7  }
0xb1: {  	[tilespmem:s22+$0x440] =	vst v4  }
0xb2: {  	v10 =	vld [tilespmem:s22+$0x400];
	[tilespmem:s22+$0x50] =	vst v2  }
0xb3: {  	v63 =	vld [tilespmem:s22+$0x450];
	[tilespmem:s22+$0x7440] =	vst v3  }
.Ltmp7:
0xb4: {  	[tilespmem:s22+$0x10] =	vst v5;
	(pc) =	sbr.rel .LBB2_13-.Ltmp7, $4  }
0xb5: {  	[tilespmem:s22+$0x400] =	vst v9  }
0xb6: {  	[tilespmem:s22+$0x450] =	vst v8  }
0xb7: {  	[tilespmem:s22+$0x7010] =	vst v10  }
0xb8: {  	[tilespmem:s22+$0x7060] =	vst v63  }
.LBB2_4:
0xb9: {  	s22 =	sand.u32 $0x7800, s23;
	s31 =	sand.u32 $0x380, s23  }
0xba: {  	s22 =	sor.u32 s31, s22  }
0xbb: {  	v2 =	vld [tilespmem:s22+$0x30]  }
0xbc: {  	v3 =	vld [tilespmem:s22+$0x7410]  }
0xbd: {  	v1 =	vld [tilespmem:s22+$0x0]  }
0xbe: {  	v4 =	vld [tilespmem:s22+$0x7020]  }
0xbf: {  	v5 =	vld [tilespmem:s22+$0x410]  }
0xc0: {  	v6 =	vld [tilespmem:s22+$0x7060]  }
0xc1: {  	v0 =	vld [tilespmem:s22+$0x450]  }
0xc2: {  	v7 =	vld [tilespmem:s22+$0x20]  }
0xc3: {  	v8 =	vld [tilespmem:s22+$0x7070]  }
0xc4: {  	v9 =	vld [tilespmem:s22+$0x70]  }
0xc5: {  	v10 =	vld [tilespmem:s22+$0x7010];
	[tilespmem:s22+$0x7070] =	vst v1  }
0xc6: {  	v11 =	vld [tilespmem:s22+$0x7000];
	[tilespmem:s22+$0x450] =	vst v6  }
0xc7: {  	v1 =	vld [tilespmem:s22+$0x7440];
	[tilespmem:s22+$0x20] =	vst v5  }
0xc8: {  	[tilespmem:s22+$0x7410] =	vst v7;
	v5 =	vld [tilespmem:s22+$0x420]  }
0xc9: {  	[tilespmem:s22+$0x7000] =	vst v8;
	v7 =	vld [tilespmem:s22+$0x7030]  }
0xca: {  	[tilespmem:s22+$0x410] =	vst v4;
	v4 =	vld [tilespmem:s22+$0x7420]  }
0xcb: {  	[tilespmem:s22+$0x7020] =	vst v3;
	v3 =	vld [tilespmem:s22+$0x40]  }
0xcc: {  	[tilespmem:s22+$0x7420] =	vst v2;
	v8 =	vld [tilespmem:s22+$0x430]  }
0xcd: {  	v6 =	vld [tilespmem:s22+$0x7040];
	[tilespmem:s22+$0x0] =	vst v9  }
0xce: {  	v2 =	vld [tilespmem:s22+$0x440];
	[tilespmem:s22+$0x70] =	vst v11  }
0xcf: {  	v9 =	vld [tilespmem:s22+$0x10];
	[tilespmem:s22+$0x30] =	vst v5  }
0xd0: {  	[tilespmem:s22+$0x420] =	vst v7;
	v7 =	vld [tilespmem:s22+$0x7430]  }
0xd1: {  	[tilespmem:s22+$0x7030] =	vst v4;
	v4 =	vld [tilespmem:s22+$0x50]  }
0xd2: {  	[tilespmem:s22+$0x7430] =	vst v3;
	v3 =	vld [tilespmem:s22+$0x7050]  }
0xd3: {  	v5 =	vld [tilespmem:s22+$0x400];
	[tilespmem:s22+$0x40] =	vst v8  }
0xd4: {  	s25 =	simm.s32 $0x100;
	s23 =	simm.s32 $0x80;
	[tilespmem:s22+$0x400] =	vst v10;
	v8 =	vld [tilespmem:s22+$0x60]  }
.LBB2_5:
0xd5: {  	s24 =	smov.u32 s25  }
0xd6: {  	s26 =	sand.u32 $0x7800, s25;
	s28 =	sand.u32 $0x380, s23;
	v10 =	vld [tilespmem:s22+$0x7400];
	[tilespmem:s22+$0x60] =	vst v0;
	s24 =	sadd.s32 $0x100, s25  }
0xd7: {  	p3 =	seq.s32 s25, $0x6F00;
	s26 =	sor.u32 s28, s26;
	[tilespmem:s22+$0x7050] =	vst v1;
	v0 =	vld [tilespmem:s22+$0x7450]  }
0xd8: {  	v11 =	vld [tilespmem:s26+$0x30];
	[tilespmem:s22+$0x430] =	vst v6  }
0xd9: {  	v6 =	vld [tilespmem:s26+$0x7410];
	[tilespmem:s22+$0x7040] =	vst v7  }
0xda: {  	v1 =	vld [tilespmem:s26+$0x0];
	[tilespmem:s22+$0x7400] =	vst v9  }
0xdb: {  	v7 =	vld [tilespmem:s26+$0x7020];
	[tilespmem:s22+$0x7010] =	vst v10  }
0xdc: {  	v10 =	vld [tilespmem:s26+$0x7010];
	[tilespmem:s22+$0x7060] =	vst v0  }
0xdd: {  	v9 =	vld [tilespmem:s26+$0x410];
	[tilespmem:s22+$0x7450] =	vst v8  }
0xde: {  	v8 =	vld [tilespmem:s26+$0x7060];
	[tilespmem:s22+$0x7440] =	vst v4  }
0xdf: {  	v0 =	vld [tilespmem:s26+$0x450];
	[tilespmem:s22+$0x10] =	vst v5  }
0xe0: {  	v4 =	vld [tilespmem:s26+$0x20];
	[tilespmem:s22+$0x50] =	vst v2  }
0xe1: {  	v2 =	vld [tilespmem:s26+$0x7070];
	[tilespmem:s22+$0x440] =	vst v3;
	s22 =	smov.u32 s26  }
0xe2: {  	v3 =	vld [tilespmem:s22+$0x70];
	[tilespmem:s22+$0x7070] =	vst v1  }
0xe3: {  	v1 =	vld [tilespmem:s22+$0x7440];
	[tilespmem:s22+$0x450] =	vst v8  }
0xe4: {  	v5 =	vld [tilespmem:s22+$0x7000];
	[tilespmem:s22+$0x20] =	vst v9  }
0xe5: {  	[tilespmem:s22+$0x7410] =	vst v4;
	v4 =	vld [tilespmem:s22+$0x420]  }
0xe6: {  	[tilespmem:s22+$0x7000] =	vst v2;
	v2 =	vld [tilespmem:s22+$0x7030]  }
0xe7: {  	[tilespmem:s22+$0x410] =	vst v7;
	v8 =	vld [tilespmem:s22+$0x7420]  }
0xe8: {  	[tilespmem:s22+$0x7020] =	vst v6;
	v9 =	vld [tilespmem:s22+$0x40]  }
0xe9: {  	[tilespmem:s22+$0x7420] =	vst v11;
	v11 =	vld [tilespmem:s22+$0x430]  }
0xea: {  	[tilespmem:s22+$0x30] =	vst v4;
	v6 =	vld [tilespmem:s22+$0x7040]  }
0xeb: {  	[tilespmem:s22+$0x420] =	vst v2;
	v7 =	vld [tilespmem:s22+$0x7430]  }
0xec: {  	[tilespmem:s22+$0x7030] =	vst v8;
	v4 =	vld [tilespmem:s22+$0x50]  }
.Ltmp8:
0xed: {  	[tilespmem:s22+$0x7430] =	vst v9;
	v2 =	vld [tilespmem:s22+$0x440];
	(pc) =	sbr.rel @!p3 .LBB2_5-.Ltmp8, $4  }
0xee: {  	[tilespmem:s22+$0x0] =	vst v3;
	v3 =	vld [tilespmem:s22+$0x7050]  }
0xef: {  	[tilespmem:s22+$0x70] =	vst v5;
	v5 =	vld [tilespmem:s22+$0x400]  }
0xf0: {  	v9 =	vld [tilespmem:s22+$0x10];
	[tilespmem:s22+$0x40] =	vst v11  }
0xf1: {  	s23 =	sadd.s32 $0x80, s23;
	s25 =	smov.u32 s24;
	[tilespmem:s22+$0x400] =	vst v10;
	v8 =	vld [tilespmem:s22+$0x60]  }
0xf2: {  	[tilespmem:s22+$0x60] =	vst v0  }
0xf3: {  	[tilespmem:s22+$0x7050] =	vst v1  }
0xf4: {  	[tilespmem:s22+$0x430] =	vst v6  }
0xf5: {  	[tilespmem:s22+$0x7040] =	vst v7  }
0xf6: {  	[tilespmem:s22+$0x7440] =	vst v4  }
0xf7: {  	v10 =	vld [tilespmem:s22+$0x7400];
	[tilespmem:s22+$0x50] =	vst v2  }
0xf8: {  	v63 =	vld [tilespmem:s22+$0x7450];
	[tilespmem:s22+$0x440] =	vst v3  }
0xf9: {  	[tilespmem:s22+$0x10] =	vst v5  }
0xfa: {  	[tilespmem:s22+$0x7400] =	vst v9  }
0xfb: {  	[tilespmem:s22+$0x7450] =	vst v8  }
0xfc: {  	[tilespmem:s22+$0x7010] =	vst v10  }
0xfd: {  	[tilespmem:s22+$0x7060] =	vst v63  }
.LBB2_13:
0xfe: {  	s20 =	smul.u32 $0x1500000, s20  }
0xff: {  	s21 =	smul.u32 $0xE000, s21  }
0x100: {  	s31 =	sadd.s32 $0x30, s19  }
0x101: {  	s20 =	sadd.s32 s20, s21;
	s21 =	sand.u32 $0xFF, s31  }
0x102: {  	s21 =	smul.u32 $0xAB, s21;
	_ =	sdelay $0x1  }
0x103: {  	s20 =	sshrl.u32 s20, $0x3;
	s21 =	sshrl.u32 s21, $0xD  }
0x104: {  	s20 =	sadd.s32 s5, s20;
	p3 =	seq.s32 s21, $0x3  }
.Ltmp9:
0x105: {  	s22 =	sadd.s32 $0x1A4000, s20;
	s20 =	simm.s32 $0x0;
	(pc) =	sbr.rel @p3 .LBB2_21-.Ltmp9, $4  }
0x106: {  	[hbm4b:s22+s20] =	stream.linear.scatter [tilespmem:s20], [sflag:$0x3], $0xE000, $0x38;
	[tilespmem:$0x1C000] =	vst v63  }
0x107: {  	_ =	swait.ge [sflag:s12], $0xE000  }
0x108: {  	[sflag:s12] =	ssyncset.done $0x0  }
0x109: {  	[sflag:s12] =	ssyncadd.s32 $0xFFFF2000  }
0x10a: {  	p3 =	seq.s32 s21, $0x2  }
.Ltmp10:
0x10b: {  	_ = 	snop;
	(pc) =	sbr.rel @!p3 .LBB2_15-.Ltmp10, $1  }
0x10c: {  	_ =	sdelay $0x3  }
0x10d: {  	s21 =	sand.u32 $0x7800, s20;
	s22 =	sand.u32 $0x380, s20  }
0x10e: {  	s21 =	sor.u32 s22, s21  }
0x10f: {  	v0 =	vld [tilespmem:s21+$0x15000]  }
0x110: {  	v1 =	vld [tilespmem:s21+$0xE000];
	_ =	sdelay $0x3  }
0x111: {  	[tilespmem:s21+$0xE000] =	vst v0  }
0x112: {  	s22 =	sadd.s32 $0x15000, s21;
	[tilespmem:s21+$0x15000] =	vst v1  }
0x113: {  	v0 =	vld [tilespmem:s22+$0x10]  }
0x114: {  	v1 =	vld [tilespmem:s21+$0xE010];
	_ =	sdelay $0x3  }
0x115: {  	[tilespmem:s21+$0xE010] =	vst v0  }
0x116: {  	[tilespmem:s22+$0x10] =	vst v1;
	v0 =	vld [tilespmem:s22+$0x20]  }
0x117: {  	v1 =	vld [tilespmem:s21+$0xE020];
	_ =	sdelay $0x3  }
0x118: {  	[tilespmem:s21+$0xE020] =	vst v0  }
0x119: {  	[tilespmem:s22+$0x20] =	vst v1;
	v0 =	vld [tilespmem:s22+$0x30]  }
0x11a: {  	v1 =	vld [tilespmem:s21+$0xE030];
	_ =	sdelay $0x3  }
0x11b: {  	[tilespmem:s21+$0xE030] =	vst v0  }
0x11c: {  	[tilespmem:s22+$0x30] =	vst v1;
	v0 =	vld [tilespmem:s22+$0x40]  }
0x11d: {  	v1 =	vld [tilespmem:s21+$0xE040];
	_ =	sdelay $0x3  }
0x11e: {  	[tilespmem:s21+$0xE040] =	vst v0  }
0x11f: {  	[tilespmem:s22+$0x40] =	vst v1;
	v0 =	vld [tilespmem:s22+$0x50]  }
0x120: {  	v1 =	vld [tilespmem:s21+$0xE050];
	_ =	sdelay $0x3  }
0x121: {  	[tilespmem:s21+$0xE050] =	vst v0  }
0x122: {  	[tilespmem:s22+$0x50] =	vst v1;
	v0 =	vld [tilespmem:s22+$0x60]  }
0x123: {  	v1 =	vld [tilespmem:s21+$0xE060];
	_ =	sdelay $0x3  }
0x124: {  	[tilespmem:s21+$0xE060] =	vst v0  }
0x125: {  	[tilespmem:s22+$0x60] =	vst v1;
	v0 =	vld [tilespmem:s22+$0x70]  }
0x126: {  	v1 =	vld [tilespmem:s21+$0xE070];
	_ =	sdelay $0x3  }
0x127: {  	[tilespmem:s21+$0xE070] =	vst v0  }
0x128: {  	[tilespmem:s22+$0x70] =	vst v1  }
0x129: {  	v0 =	vld [tilespmem:s21+$0xE400]  }
0x12a: {  	v1 =	vld [tilespmem:s21+$0x15400];
	_ =	sdelay $0x3  }
0x12b: {  	[tilespmem:s21+$0x15400] =	vst v0  }
0x12c: {  	s23 =	sadd.s32 $0x15400, s21;
	[tilespmem:s21+$0xE400] =	vst v1  }
0x12d: {  	v0 =	vld [tilespmem:s23+$0x10]  }
0x12e: {  	v2 =	vld [tilespmem:s21+$0xE410];
	_ =	sdelay $0x3  }
0x12f: {  	[tilespmem:s21+$0xE410] =	vst v0  }
0x130: {  	[tilespmem:s23+$0x10] =	vst v2;
	v0 =	vld [tilespmem:s23+$0x20]  }
0x131: {  	v1 =	vld [tilespmem:s21+$0xE420];
	_ =	sdelay $0x3  }
0x132: {  	[tilespmem:s21+$0xE420] =	vst v0  }
0x133: {  	[tilespmem:s23+$0x20] =	vst v1;
	v0 =	vld [tilespmem:s23+$0x30]  }
0x134: {  	v1 =	vld [tilespmem:s21+$0xE430];
	_ =	sdelay $0x3  }
0x135: {  	[tilespmem:s21+$0xE430] =	vst v0  }
0x136: {  	[tilespmem:s23+$0x30] =	vst v1;
	v0 =	vld [tilespmem:s23+$0x40]  }
0x137: {  	v1 =	vld [tilespmem:s21+$0xE440];
	_ =	sdelay $0x3  }
0x138: {  	[tilespmem:s21+$0xE440] =	vst v0  }
0x139: {  	[tilespmem:s23+$0x40] =	vst v1;
	v1 =	vld [tilespmem:s23+$0x50]  }
0x13a: {  	s22 =	simm.s32 $0x100;
	v0 =	vld [tilespmem:s21+$0xE450]  }
.LBB2_19:
0x13b: {  	_ = 	snop  }
0x13c: {  	p3 =	sne.s32 s22, $0x6F00  }
0x13d: {  	s20 =	sadd.s32 $0x80, s20;
	s24 =	smov.u32 s22;
	s22 =	sadd.s32 $0x100, s22  }
0x13e: {  	s24 =	sand.u32 $0x7800, s24;
	s25 =	sand.u32 $0x380, s20;
	[tilespmem:s21+$0xE450] =	vst v1  }
0x13f: {  	s21 =	sor.u32 s25, s24;
	[tilespmem:s23+$0x50] =	vst v0  }
0x140: {  	v0 =	vld [tilespmem:s21+$0x15000]  }
0x141: {  	v1 =	vld [tilespmem:s21+$0xE000];
	_ =	sdelay $0x3  }
0x142: {  	s23 =	sadd.s32 $0x15000, s21;
	[tilespmem:s21+$0xE000] =	vst v0  }
0x143: {  	[tilespmem:s21+$0x15000] =	vst v1;
	v0 =	vld [tilespmem:s21+$0xE010]  }
0x144: {  	v1 =	vld [tilespmem:s23+$0x10];
	_ =	sdelay $0x4  }
0x145: {  	[tilespmem:s21+$0xE010] =	vst v1  }
0x146: {  	[tilespmem:s23+$0x10] =	vst v0;
	v0 =	vld [tilespmem:s23+$0x20]  }
0x147: {  	v1 =	vld [tilespmem:s21+$0xE020];
	_ =	sdelay $0x3  }
0x148: {  	[tilespmem:s21+$0xE020] =	vst v0  }
0x149: {  	[tilespmem:s23+$0x20] =	vst v1;
	v0 =	vld [tilespmem:s23+$0x30]  }
0x14a: {  	v1 =	vld [tilespmem:s21+$0xE030];
	_ =	sdelay $0x3  }
0x14b: {  	[tilespmem:s21+$0xE030] =	vst v0  }
0x14c: {  	[tilespmem:s23+$0x30] =	vst v1;
	v0 =	vld [tilespmem:s23+$0x40]  }
0x14d: {  	v1 =	vld [tilespmem:s21+$0xE040];
	_ =	sdelay $0x3  }
0x14e: {  	[tilespmem:s21+$0xE040] =	vst v0  }
0x14f: {  	[tilespmem:s23+$0x40] =	vst v1;
	v0 =	vld [tilespmem:s23+$0x50]  }
0x150: {  	v1 =	vld [tilespmem:s21+$0xE050];
	_ =	sdelay $0x3  }
0x151: {  	[tilespmem:s21+$0xE050] =	vst v0  }
0x152: {  	[tilespmem:s23+$0x50] =	vst v1;
	v0 =	vld [tilespmem:s23+$0x60]  }
0x153: {  	v1 =	vld [tilespmem:s21+$0xE060];
	_ =	sdelay $0x3  }
0x154: {  	[tilespmem:s21+$0xE060] =	vst v0  }
0x155: {  	[tilespmem:s23+$0x60] =	vst v1;
	v0 =	vld [tilespmem:s23+$0x70]  }
0x156: {  	v1 =	vld [tilespmem:s21+$0xE070];
	_ =	sdelay $0x3  }
0x157: {  	[tilespmem:s21+$0xE070] =	vst v0  }
0x158: {  	[tilespmem:s23+$0x70] =	vst v1  }
0x159: {  	v0 =	vld [tilespmem:s21+$0xE400]  }
0x15a: {  	v1 =	vld [tilespmem:s21+$0x15400]  }
0x15b: {  	v2 =	vld [tilespmem:s21+$0xE410];
	_ =	sdelay $0x1  }
0x15c: {  	s23 =	sadd.s32 $0x15400, s21  }
0x15d: {  	[tilespmem:s21+$0x15400] =	vst v0  }
0x15e: {  	[tilespmem:s21+$0xE400] =	vst v1  }
0x15f: {  	v0 =	vld [tilespmem:s23+$0x10];
	_ =	sdelay $0x4  }
0x160: {  	[tilespmem:s21+$0xE410] =	vst v0  }
0x161: {  	[tilespmem:s23+$0x10] =	vst v2;
	v0 =	vld [tilespmem:s23+$0x20]  }
0x162: {  	v1 =	vld [tilespmem:s21+$0xE420];
	_ =	sdelay $0x3  }
0x163: {  	[tilespmem:s21+$0xE420] =	vst v0  }
0x164: {  	[tilespmem:s23+$0x20] =	vst v1;
	v0 =	vld [tilespmem:s23+$0x30]  }
0x165: {  	v1 =	vld [tilespmem:s21+$0xE430];
	_ =	sdelay $0x3  }
0x166: {  	[tilespmem:s21+$0xE430] =	vst v0  }
0x167: {  	[tilespmem:s23+$0x30] =	vst v1;
	v0 =	vld [tilespmem:s23+$0x40]  }
0x168: {  	v1 =	vld [tilespmem:s21+$0xE440];
	_ =	sdelay $0x1  }
.Ltmp11:
0x169: {  	(pc) =	sbr.rel @p3 .LBB2_19-.Ltmp11, $4  }
0x16a: {  	_ = 	snop  }
0x16b: {  	[tilespmem:s21+$0xE440] =	vst v0  }
0x16c: {  	[tilespmem:s23+$0x40] =	vst v1;
	v1 =	vld [tilespmem:s23+$0x50]  }
0x16d: {  	v0 =	vld [tilespmem:s21+$0xE450]  }
0x16e: {  	p3 =	slt.u32 s19, $0x60  }
.Ltmp12:
0x16f: {  	_ = 	snop;
	(pc) =	sbr.rel @p3 .LBB2_24-.Ltmp12, $3  }
0x170: {  	_ =	sdelay $0x1  }
0x171: {  	[tilespmem:s21+$0xE450] =	vst v1  }
0x172: {  	[tilespmem:s23+$0x50] =	vst v0  }
.LBB2_21:
0x173: {  	s19 =	simm.s32 $0x0  }
0x174: {  	s20 =	sand.u32 $0x7800, s19;
	s19 =	sand.u32 $0x380, s19  }
0x175: {  	s19 =	sor.u32 s19, s20  }
0x176: {  	s20 =	sadd.s32 $0x15000, s19  }
0x177: {  	v0 =	vld [tilespmem:s20+$0x70]  }
0x178: {  	v1 =	vld [tilespmem:s19+$0x15000];
	_ =	sdelay $0x3  }
0x179: {  	v2 =	vld [tilespmem:s19+$0xE000];
	[tilespmem:s19+$0xE000] =	vst v0  }
0x17a: {  	[tilespmem:s20+$0x70] =	vst v1  }
0x17b: {  	v0 =	vld [tilespmem:s19+$0x15400]  }
0x17c: {  	v1 =	vld [tilespmem:s19+$0xE070];
	_ =	sdelay $0x2  }
0x17d: {  	[tilespmem:s19+$0xE070] =	vst v2  }
0x17e: {  	v2 =	vld [tilespmem:s19+$0xE010];
	[tilespmem:s19+$0xE010] =	vst v0  }
0x17f: {  	[tilespmem:s19+$0x15000] =	vst v1  }
0x180: {  	v0 =	vld [tilespmem:s20+$0x10]  }
0x181: {  	v1 =	vld [tilespmem:s19+$0xE400];
	_ =	sdelay $0x3  }
0x182: {  	[tilespmem:s19+$0x15400] =	vst v0  }
0x183: {  	[tilespmem:s20+$0x10] =	vst v1  }
0x184: {  	s21 =	sadd.s32 $0x15400, s19;
	[tilespmem:s19+$0xE400] =	vst v2  }
0x185: {  	v0 =	vld [tilespmem:s21+$0x10];
	_ =	sdelay $0x4  }
0x186: {  	v1 =	vld [tilespmem:s19+$0xE020];
	[tilespmem:s19+$0xE020] =	vst v0  }
0x187: {  	v0 =	vld [tilespmem:s20+$0x20];
	_ =	sdelay $0x4  }
0x188: {  	[tilespmem:s21+$0x10] =	vst v0  }
0x189: {  	v0 =	vld [tilespmem:s19+$0xE410];
	_ =	sdelay $0x4  }
0x18a: {  	[tilespmem:s20+$0x20] =	vst v0  }
0x18b: {  	[tilespmem:s19+$0xE410] =	vst v1  }
0x18c: {  	v0 =	vld [tilespmem:s21+$0x20];
	_ =	sdelay $0x4  }
0x18d: {  	v1 =	vld [tilespmem:s19+$0xE030];
	[tilespmem:s19+$0xE030] =	vst v0  }
0x18e: {  	v0 =	vld [tilespmem:s20+$0x30];
	_ =	sdelay $0x4  }
0x18f: {  	[tilespmem:s21+$0x20] =	vst v0  }
0x190: {  	v0 =	vld [tilespmem:s19+$0xE420];
	_ =	sdelay $0x4  }
0x191: {  	[tilespmem:s20+$0x30] =	vst v0  }
0x192: {  	[tilespmem:s19+$0xE420] =	vst v1  }
0x193: {  	v0 =	vld [tilespmem:s21+$0x30];
	_ =	sdelay $0x4  }
0x194: {  	v1 =	vld [tilespmem:s19+$0xE040];
	[tilespmem:s19+$0xE040] =	vst v0  }
0x195: {  	v0 =	vld [tilespmem:s20+$0x40];
	_ =	sdelay $0x4  }
0x196: {  	[tilespmem:s21+$0x30] =	vst v0  }
0x197: {  	v0 =	vld [tilespmem:s19+$0xE430];
	_ =	sdelay $0x4  }
0x198: {  	[tilespmem:s20+$0x40] =	vst v0  }
0x199: {  	[tilespmem:s19+$0xE430] =	vst v1  }
0x19a: {  	v0 =	vld [tilespmem:s21+$0x40];
	_ =	sdelay $0x4  }
0x19b: {  	v1 =	vld [tilespmem:s19+$0xE050];
	[tilespmem:s19+$0xE050] =	vst v0  }
0x19c: {  	v0 =	vld [tilespmem:s20+$0x50];
	_ =	sdelay $0x4  }
0x19d: {  	[tilespmem:s21+$0x40] =	vst v0  }
0x19e: {  	v0 =	vld [tilespmem:s19+$0xE440];
	_ =	sdelay $0x4  }
0x19f: {  	[tilespmem:s20+$0x50] =	vst v0  }
0x1a0: {  	[tilespmem:s19+$0xE440] =	vst v1  }
0x1a1: {  	v1 =	vld [tilespmem:s21+$0x50];
	_ =	sdelay $0x4  }
0x1a2: {  	v0 =	vld [tilespmem:s19+$0xE060];
	[tilespmem:s19+$0xE060] =	vst v1  }
0x1a3: {  	v1 =	vld [tilespmem:s20+$0x60];
	_ =	sdelay $0x4  }
0x1a4: {  	[tilespmem:s21+$0x50] =	vst v1  }
0x1a5: {  	v1 =	vld [tilespmem:s19+$0xE450];
	_ =	sdelay $0x1  }
0x1a6: {  	s23 =	simm.s32 $0x100;
	s21 =	simm.s32 $0x80  }
0x1a7: {  	s22 =	simm.s32 $0x200;
	s23 =	sand.u32 $0x7800, s23;
	s24 =	sand.u32 $0x380, s21  }
.LBB2_22:
0x1a8: {  	p3 =	sne.s32 s22, $0x6F00  }
0x1a9: {  	s24 =	sor.u32 s24, s23;
	[tilespmem:s20+$0x60] =	vst v1;
	s23 =	smov.u32 s22;
	s22 =	sadd.s32 $0x100, s22  }
0x1aa: {  	s20 =	sadd.s32 $0x15000, s24;
	[tilespmem:s19+$0xE450] =	vst v0;
	s19 =	smov.u32 s24  }
0x1ab: {  	v0 =	vld [tilespmem:s20+$0x70]  }
0x1ac: {  	v1 =	vld [tilespmem:s19+$0x15000];
	_ =	sdelay $0x2  }
0x1ad: {  	v2 =	vld [tilespmem:s19+$0xE000]  }
0x1ae: {  	[tilespmem:s19+$0xE000] =	vst v0  }
0x1af: {  	[tilespmem:s20+$0x70] =	vst v1  }
0x1b0: {  	v0 =	vld [tilespmem:s19+$0x15400]  }
0x1b1: {  	v1 =	vld [tilespmem:s19+$0xE070];
	_ =	sdelay $0x2  }
0x1b2: {  	[tilespmem:s19+$0xE070] =	vst v2;
	v2 =	vld [tilespmem:s19+$0xE010]  }
0x1b3: {  	[tilespmem:s19+$0xE010] =	vst v0  }
0x1b4: {  	[tilespmem:s19+$0x15000] =	vst v1  }
0x1b5: {  	v0 =	vld [tilespmem:s20+$0x10]  }
0x1b6: {  	v1 =	vld [tilespmem:s19+$0xE400];
	_ =	sdelay $0x3  }
0x1b7: {  	[tilespmem:s19+$0x15400] =	vst v0  }
0x1b8: {  	s24 =	sadd.s32 $0x15400, s19;
	[tilespmem:s20+$0x10] =	vst v1  }
0x1b9: {  	[tilespmem:s19+$0xE400] =	vst v2  }
0x1ba: {  	v0 =	vld [tilespmem:s24+$0x10];
	_ =	sdelay $0x2  }
0x1bb: {  	v1 =	vld [tilespmem:s19+$0xE020];
	_ =	sdelay $0x1  }
0x1bc: {  	[tilespmem:s19+$0xE020] =	vst v0  }
0x1bd: {  	v0 =	vld [tilespmem:s20+$0x20];
	_ =	sdelay $0x4  }
0x1be: {  	[tilespmem:s24+$0x10] =	vst v0  }
0x1bf: {  	v0 =	vld [tilespmem:s19+$0xE410];
	_ =	sdelay $0x4  }
0x1c0: {  	[tilespmem:s20+$0x20] =	vst v0  }
0x1c1: {  	[tilespmem:s19+$0xE410] =	vst v1  }
0x1c2: {  	v0 =	vld [tilespmem:s24+$0x20];
	_ =	sdelay $0x2  }
0x1c3: {  	v1 =	vld [tilespmem:s19+$0xE030];
	_ =	sdelay $0x1  }
0x1c4: {  	[tilespmem:s19+$0xE030] =	vst v0  }
0x1c5: {  	v0 =	vld [tilespmem:s20+$0x30];
	_ =	sdelay $0x4  }
0x1c6: {  	[tilespmem:s24+$0x20] =	vst v0  }
0x1c7: {  	v0 =	vld [tilespmem:s19+$0xE420];
	_ =	sdelay $0x4  }
0x1c8: {  	[tilespmem:s20+$0x30] =	vst v0  }
0x1c9: {  	[tilespmem:s19+$0xE420] =	vst v1  }
0x1ca: {  	v0 =	vld [tilespmem:s24+$0x30];
	_ =	sdelay $0x2  }
0x1cb: {  	v1 =	vld [tilespmem:s19+$0xE040];
	_ =	sdelay $0x1  }
0x1cc: {  	[tilespmem:s19+$0xE040] =	vst v0  }
0x1cd: {  	v0 =	vld [tilespmem:s20+$0x40];
	_ =	sdelay $0x4  }
0x1ce: {  	[tilespmem:s24+$0x30] =	vst v0  }
0x1cf: {  	v0 =	vld [tilespmem:s19+$0xE430];
	_ =	sdelay $0x4  }
0x1d0: {  	[tilespmem:s20+$0x40] =	vst v0  }
0x1d1: {  	[tilespmem:s19+$0xE430] =	vst v1;
	v0 =	vld [tilespmem:s19+$0xE050]  }
0x1d2: {  	v1 =	vld [tilespmem:s24+$0x40];
	_ =	sdelay $0x4  }
0x1d3: {  	[tilespmem:s19+$0xE050] =	vst v1  }
0x1d4: {  	v1 =	vld [tilespmem:s20+$0x50];
	_ =	sdelay $0x4  }
0x1d5: {  	[tilespmem:s24+$0x40] =	vst v1  }
0x1d6: {  	v1 =	vld [tilespmem:s19+$0xE440];
	_ =	sdelay $0x4  }
0x1d7: {  	[tilespmem:s20+$0x50] =	vst v1  }
0x1d8: {  	[tilespmem:s19+$0xE440] =	vst v0;
	v0 =	vld [tilespmem:s19+$0xE060]  }
0x1d9: {  	v1 =	vld [tilespmem:s24+$0x50];
	_ =	sdelay $0x4  }
0x1da: {  	[tilespmem:s19+$0xE060] =	vst v1  }
0x1db: {  	v1 =	vld [tilespmem:s20+$0x60];
	_ =	sdelay $0x4  }
0x1dc: {  	[tilespmem:s24+$0x50] =	vst v1  }
.Ltmp13:
0x1dd: {  	v1 =	vld [tilespmem:s19+$0xE450];
	(pc) =	sbr.rel @p3 .LBB2_22-.Ltmp13, $3  }
0x1de: {  	_ =	sdelay $0x1  }
0x1df: {  	s21 =	sadd.s32 $0x80, s21  }
0x1e0: {  	s23 =	sand.u32 $0x7800, s23;
	s24 =	sand.u32 $0x380, s21  }
0x1e1: {  	s21 =	sor.u32 s24, s23;
	[tilespmem:s20+$0x60] =	vst v1  }
0x1e2: {  	s30 =	sadd.s32 $0x15000, s21;
	[tilespmem:s19+$0xE450] =	vst v0  }
0x1e3: {  	v0 =	vld [tilespmem:s30+$0x70]  }
0x1e4: {  	v56 =	vld [tilespmem:s21+$0x15000];
	_ =	sdelay $0x3  }
0x1e5: {  	v2 =	vld [tilespmem:s21+$0xE000];
	[tilespmem:s21+$0xE000] =	vst v0  }
0x1e6: {  	[tilespmem:s30+$0x70] =	vst v56  }
0x1e7: {  	v57 =	vld [tilespmem:s21+$0x15400]  }
0x1e8: {  	v1 =	vld [tilespmem:s21+$0xE070];
	_ =	sdelay $0x2  }
0x1e9: {  	[tilespmem:s21+$0xE070] =	vst v2  }
0x1ea: {  	v58 =	vld [tilespmem:s21+$0xE010];
	[tilespmem:s21+$0xE010] =	vst v57  }
0x1eb: {  	[tilespmem:s21+$0x15000] =	vst v1  }
0x1ec: {  	v0 =	vld [tilespmem:s30+$0x10]  }
0x1ed: {  	v59 =	vld [tilespmem:s21+$0xE400];
	_ =	sdelay $0x3  }
0x1ee: {  	[tilespmem:s21+$0x15400] =	vst v0  }
0x1ef: {  	[tilespmem:s30+$0x10] =	vst v59  }
0x1f0: {  	s31 =	sadd.s32 $0x15400, s21;
	[tilespmem:s21+$0xE400] =	vst v58  }
0x1f1: {  	v0 =	vld [tilespmem:s31+$0x10];
	_ =	sdelay $0x4  }
0x1f2: {  	v1 =	vld [tilespmem:s21+$0xE020];
	[tilespmem:s21+$0xE020] =	vst v0  }
0x1f3: {  	v0 =	vld [tilespmem:s30+$0x20];
	_ =	sdelay $0x4  }
0x1f4: {  	[tilespmem:s31+$0x10] =	vst v0  }
0x1f5: {  	v0 =	vld [tilespmem:s21+$0xE410];
	_ =	sdelay $0x4  }
0x1f6: {  	[tilespmem:s30+$0x20] =	vst v0  }
0x1f7: {  	[tilespmem:s21+$0xE410] =	vst v1  }
0x1f8: {  	v0 =	vld [tilespmem:s31+$0x20];
	_ =	sdelay $0x4  }
0x1f9: {  	v60 =	vld [tilespmem:s21+$0xE030];
	[tilespmem:s21+$0xE030] =	vst v0  }
0x1fa: {  	v0 =	vld [tilespmem:s30+$0x30];
	_ =	sdelay $0x4  }
0x1fb: {  	[tilespmem:s31+$0x20] =	vst v0  }
0x1fc: {  	v0 =	vld [tilespmem:s21+$0xE420];
	_ =	sdelay $0x4  }
0x1fd: {  	[tilespmem:s30+$0x30] =	vst v0  }
0x1fe: {  	[tilespmem:s21+$0xE420] =	vst v60  }
0x1ff: {  	v0 =	vld [tilespmem:s31+$0x30];
	_ =	sdelay $0x4  }
0x200: {  	v61 =	vld [tilespmem:s21+$0xE040];
	[tilespmem:s21+$0xE040] =	vst v0  }
0x201: {  	v0 =	vld [tilespmem:s30+$0x40];
	_ =	sdelay $0x4  }
0x202: {  	[tilespmem:s31+$0x30] =	vst v0  }
0x203: {  	v0 =	vld [tilespmem:s21+$0xE430];
	_ =	sdelay $0x4  }
0x204: {  	[tilespmem:s30+$0x40] =	vst v0  }
0x205: {  	[tilespmem:s21+$0xE430] =	vst v61  }
0x206: {  	v0 =	vld [tilespmem:s31+$0x40];
	_ =	sdelay $0x4  }
0x207: {  	v62 =	vld [tilespmem:s21+$0xE050];
	[tilespmem:s21+$0xE050] =	vst v0  }
0x208: {  	v0 =	vld [tilespmem:s30+$0x50];
	_ =	sdelay $0x4  }
0x209: {  	[tilespmem:s31+$0x40] =	vst v0  }
0x20a: {  	v0 =	vld [tilespmem:s21+$0xE440];
	_ =	sdelay $0x4  }
0x20b: {  	[tilespmem:s30+$0x50] =	vst v0  }
0x20c: {  	[tilespmem:s21+$0xE440] =	vst v62  }
0x20d: {  	v0 =	vld [tilespmem:s31+$0x50];
	_ =	sdelay $0x4  }
0x20e: {  	v63 =	vld [tilespmem:s21+$0xE060];
	[tilespmem:s21+$0xE060] =	vst v0  }
0x20f: {  	v0 =	vld [tilespmem:s30+$0x60];
	_ =	sdelay $0x4  }
0x210: {  	[tilespmem:s31+$0x50] =	vst v0  }
0x211: {  	v0 =	vld [tilespmem:s21+$0xE450];
	_ =	sdelay $0x1  }
.Ltmp14:
0x212: {  	_ = 	snop;
	(pc) =	sbr.rel .LBB2_24-.Ltmp14, $3  }
0x213: {  	_ =	sdelay $0x1  }
0x214: {  	[tilespmem:s30+$0x60] =	vst v0  }
0x215: {  	[tilespmem:s21+$0xE450] =	vst v63  }
.LBB2_15:
0x216: {  	s19 =	sand.u32 $0x7800, s20;
	s31 =	sand.u32 $0x380, s20  }
0x217: {  	s20 =	sor.u32 s31, s19  }
0x218: {  	v0 =	vld [tilespmem:s20+$0xE070]  }
0x219: {  	v1 =	vld [tilespmem:s20+$0x15000]  }
0x21a: {  	v2 =	vld [tilespmem:s20+$0xE000];
	_ =	sdelay $0x2  }
0x21b: {  	[tilespmem:s20+$0xE000] =	vst v0  }
0x21c: {  	s19 =	sadd.s32 $0x15000, s20;
	[tilespmem:s20+$0xE070] =	vst v1  }
0x21d: {  	v0 =	vld [tilespmem:s19+$0x70];
	[tilespmem:s19+$0x70] =	vst v2  }
0x21e: {  	v1 =	vld [tilespmem:s20+$0xE400];
	_ =	sdelay $0x3  }
0x21f: {  	[tilespmem:s20+$0x15000] =	vst v0  }
0x220: {  	v2 =	vld [tilespmem:s20+$0xE010];
	[tilespmem:s20+$0xE010] =	vst v1  }
0x221: {  	v0 =	vld [tilespmem:s19+$0x10]  }
0x222: {  	v1 =	vld [tilespmem:s20+$0x15400];
	_ =	sdelay $0x3  }
0x223: {  	[tilespmem:s20+$0xE400] =	vst v0  }
0x224: {  	[tilespmem:s19+$0x10] =	vst v1  }
0x225: {  	v0 =	vld [tilespmem:s20+$0xE410];
	_ =	sdelay $0x3  }
0x226: {  	[tilespmem:s20+$0x15400] =	vst v2  }
0x227: {  	v1 =	vld [tilespmem:s20+$0xE020];
	[tilespmem:s20+$0xE020] =	vst v0  }
0x228: {  	v0 =	vld [tilespmem:s19+$0x20];
	_ =	sdelay $0x4  }
0x229: {  	s23 =	sadd.s32 $0x15400, s20;
	[tilespmem:s20+$0xE410] =	vst v0  }
0x22a: {  	v0 =	vld [tilespmem:s23+$0x10];
	_ =	sdelay $0x4  }
0x22b: {  	[tilespmem:s19+$0x20] =	vst v0  }
0x22c: {  	[tilespmem:s23+$0x10] =	vst v1  }
0x22d: {  	v0 =	vld [tilespmem:s20+$0xE420];
	_ =	sdelay $0x4  }
0x22e: {  	v1 =	vld [tilespmem:s20+$0xE030];
	[tilespmem:s20+$0xE030] =	vst v0  }
0x22f: {  	v0 =	vld [tilespmem:s19+$0x30];
	_ =	sdelay $0x4  }
0x230: {  	[tilespmem:s20+$0xE420] =	vst v0  }
0x231: {  	v0 =	vld [tilespmem:s23+$0x20];
	_ =	sdelay $0x4  }
0x232: {  	[tilespmem:s19+$0x30] =	vst v0  }
0x233: {  	[tilespmem:s23+$0x20] =	vst v1  }
0x234: {  	v0 =	vld [tilespmem:s20+$0xE430];
	_ =	sdelay $0x4  }
0x235: {  	v1 =	vld [tilespmem:s20+$0xE040];
	[tilespmem:s20+$0xE040] =	vst v0  }
0x236: {  	v0 =	vld [tilespmem:s19+$0x40];
	_ =	sdelay $0x4  }
0x237: {  	[tilespmem:s20+$0xE430] =	vst v0  }
0x238: {  	v0 =	vld [tilespmem:s23+$0x30];
	_ =	sdelay $0x4  }
0x239: {  	[tilespmem:s19+$0x40] =	vst v0  }
0x23a: {  	[tilespmem:s23+$0x30] =	vst v1  }
0x23b: {  	v0 =	vld [tilespmem:s20+$0xE440];
	_ =	sdelay $0x4  }
0x23c: {  	v1 =	vld [tilespmem:s20+$0xE050];
	[tilespmem:s20+$0xE050] =	vst v0  }
0x23d: {  	v0 =	vld [tilespmem:s19+$0x50];
	_ =	sdelay $0x4  }
0x23e: {  	[tilespmem:s20+$0xE440] =	vst v0  }
0x23f: {  	v0 =	vld [tilespmem:s23+$0x40];
	_ =	sdelay $0x4  }
0x240: {  	[tilespmem:s19+$0x50] =	vst v0  }
0x241: {  	[tilespmem:s23+$0x40] =	vst v1  }
0x242: {  	v1 =	vld [tilespmem:s20+$0xE450];
	_ =	sdelay $0x4  }
0x243: {  	v0 =	vld [tilespmem:s20+$0xE060];
	[tilespmem:s20+$0xE060] =	vst v1  }
0x244: {  	v1 =	vld [tilespmem:s19+$0x60];
	_ =	sdelay $0x4  }
0x245: {  	[tilespmem:s20+$0xE450] =	vst v1  }
0x246: {  	v1 =	vld [tilespmem:s23+$0x50];
	_ =	sdelay $0x1  }
0x247: {  	s21 =	simm.s32 $0x100  }
0x248: {  	s24 =	simm.s32 $0x200;
	s20 =	sand.u32 $0x7800, s21;
	s21 =	simm.s32 $0x80  }
.LBB2_16:
0x249: {  	s25 =	sand.u32 $0x7800, s24  }
0x24a: {  	s26 =	sand.u32 $0x380, s21;
	[tilespmem:s19+$0x60] =	vst v1;
	s19 =	smov.u32 s24;
	s22 =	sadd.s32 $0x100, s24  }
0x24b: {  	p3 =	seq.s32 s24, $0x6F00;
	s24 =	sor.u32 s26, s20;
	[tilespmem:s23+$0x50] =	vst v0;
	s20 =	smov.u32 s25  }
0x24c: {  	v0 =	vld [tilespmem:s24+$0xE070]  }
0x24d: {  	v1 =	vld [tilespmem:s24+$0x15000]  }
0x24e: {  	v2 =	vld [tilespmem:s24+$0xE000];
	_ =	sdelay $0x2  }
0x24f: {  	s19 =	sadd.s32 $0x15000, s24;
	[tilespmem:s24+$0xE000] =	vst v0  }
0x250: {  	[tilespmem:s24+$0xE070] =	vst v1  }
0x251: {  	v0 =	vld [tilespmem:s19+$0x70]  }
0x252: {  	[tilespmem:s19+$0x70] =	vst v2  }
0x253: {  	v1 =	vld [tilespmem:s24+$0xE400];
	_ =	sdelay $0x2  }
0x254: {  	v2 =	vld [tilespmem:s24+$0xE010]  }
0x255: {  	[tilespmem:s24+$0x15000] =	vst v0  }
0x256: {  	[tilespmem:s24+$0xE010] =	vst v1;
	v0 =	vld [tilespmem:s24+$0x15400]  }
0x257: {  	v1 =	vld [tilespmem:s19+$0x10];
	_ =	sdelay $0x4  }
0x258: {  	[tilespmem:s24+$0xE400] =	vst v1  }
0x259: {  	[tilespmem:s19+$0x10] =	vst v0  }
0x25a: {  	v0 =	vld [tilespmem:s24+$0xE410];
	_ =	sdelay $0x2  }
0x25b: {  	v1 =	vld [tilespmem:s24+$0xE020]  }
0x25c: {  	[tilespmem:s24+$0x15400] =	vst v2  }
0x25d: {  	[tilespmem:s24+$0xE020] =	vst v0  }
0x25e: {  	v0 =	vld [tilespmem:s19+$0x20];
	_ =	sdelay $0x3  }
0x25f: {  	s23 =	sadd.s32 $0x15400, s24  }
0x260: {  	[tilespmem:s24+$0xE410] =	vst v0  }
0x261: {  	v0 =	vld [tilespmem:s23+$0x10];
	_ =	sdelay $0x4  }
0x262: {  	[tilespmem:s19+$0x20] =	vst v0  }
0x263: {  	[tilespmem:s23+$0x10] =	vst v1  }
0x264: {  	v0 =	vld [tilespmem:s24+$0xE420];
	_ =	sdelay $0x2  }
0x265: {  	v1 =	vld [tilespmem:s24+$0xE030];
	_ =	sdelay $0x1  }
0x266: {  	[tilespmem:s24+$0xE030] =	vst v0  }
0x267: {  	v0 =	vld [tilespmem:s19+$0x30];
	_ =	sdelay $0x4  }
0x268: {  	[tilespmem:s24+$0xE420] =	vst v0  }
0x269: {  	v0 =	vld [tilespmem:s23+$0x20];
	_ =	sdelay $0x4  }
0x26a: {  	[tilespmem:s19+$0x30] =	vst v0  }
0x26b: {  	[tilespmem:s23+$0x20] =	vst v1  }
0x26c: {  	v0 =	vld [tilespmem:s24+$0xE430];
	_ =	sdelay $0x2  }
0x26d: {  	v1 =	vld [tilespmem:s24+$0xE040];
	_ =	sdelay $0x1  }
0x26e: {  	[tilespmem:s24+$0xE040] =	vst v0  }
0x26f: {  	v0 =	vld [tilespmem:s19+$0x40];
	_ =	sdelay $0x4  }
0x270: {  	[tilespmem:s24+$0xE430] =	vst v0  }
0x271: {  	v0 =	vld [tilespmem:s23+$0x30];
	_ =	sdelay $0x4  }
0x272: {  	[tilespmem:s19+$0x40] =	vst v0  }
0x273: {  	[tilespmem:s23+$0x30] =	vst v1  }
0x274: {  	v0 =	vld [tilespmem:s24+$0xE440]  }
0x275: {  	v1 =	vld [tilespmem:s24+$0xE050];
	_ =	sdelay $0x3  }
0x276: {  	[tilespmem:s24+$0xE050] =	vst v0  }
0x277: {  	v0 =	vld [tilespmem:s19+$0x50];
	_ =	sdelay $0x4  }
0x278: {  	[tilespmem:s24+$0xE440] =	vst v0  }
0x279: {  	v0 =	vld [tilespmem:s23+$0x40];
	_ =	sdelay $0x4  }
0x27a: {  	[tilespmem:s19+$0x50] =	vst v0  }
0x27b: {  	[tilespmem:s23+$0x40] =	vst v1  }
0x27c: {  	v1 =	vld [tilespmem:s24+$0xE450]  }
0x27d: {  	v0 =	vld [tilespmem:s24+$0xE060];
	_ =	sdelay $0x3  }
0x27e: {  	[tilespmem:s24+$0xE060] =	vst v1  }
0x27f: {  	v1 =	vld [tilespmem:s19+$0x60];
	_ =	sdelay $0x4  }
0x280: {  	[tilespmem:s24+$0xE450] =	vst v1  }
.Ltmp15:
0x281: {  	v1 =	vld [tilespmem:s23+$0x50];
	(pc) =	sbr.rel @!p3 .LBB2_16-.Ltmp15, $2  }
0x282: {  	_ =	sdelay $0x2  }
0x283: {  	s21 =	sadd.s32 $0x80, s21;
	s24 =	smov.u32 s22  }
0x284: {  	s21 =	sand.u32 $0x380, s21;
	[tilespmem:s19+$0x60] =	vst v1  }
0x285: {  	s31 =	sor.u32 s21, s20;
	[tilespmem:s23+$0x50] =	vst v0  }
0x286: {  	v0 =	vld [tilespmem:s31+$0xE070]  }
0x287: {  	v60 =	vld [tilespmem:s31+$0x15000]  }
0x288: {  	v2 =	vld [tilespmem:s31+$0xE000];
	_ =	sdelay $0x2  }
0x289: {  	[tilespmem:s31+$0xE000] =	vst v0  }
0x28a: {  	s20 =	sadd.s32 $0x15000, s31;
	[tilespmem:s31+$0xE070] =	vst v60  }
0x28b: {  	v0 =	vld [tilespmem:s20+$0x70];
	[tilespmem:s20+$0x70] =	vst v2  }
0x28c: {  	v61 =	vld [tilespmem:s31+$0xE400];
	_ =	sdelay $0x3  }
0x28d: {  	[tilespmem:s31+$0x15000] =	vst v0  }
0x28e: {  	v2 =	vld [tilespmem:s31+$0xE010];
	[tilespmem:s31+$0xE010] =	vst v61  }
0x28f: {  	v0 =	vld [tilespmem:s20+$0x10]  }
0x290: {  	v62 =	vld [tilespmem:s31+$0x15400];
	_ =	sdelay $0x3  }
0x291: {  	[tilespmem:s31+$0xE400] =	vst v0  }
0x292: {  	[tilespmem:s20+$0x10] =	vst v62  }
0x293: {  	v63 =	vld [tilespmem:s31+$0xE410];
	_ =	sdelay $0x3  }
0x294: {  	[tilespmem:s31+$0x15400] =	vst v2  }
0x295: {  	v1 =	vld [tilespmem:s31+$0xE020];
	[tilespmem:s31+$0xE020] =	vst v63  }
0x296: {  	v0 =	vld [tilespmem:s20+$0x20];
	_ =	sdelay $0x4  }
0x297: {  	s21 =	sadd.s32 $0x15400, s31;
	[tilespmem:s31+$0xE410] =	vst v0  }
0x298: {  	v0 =	vld [tilespmem:s21+$0x10];
	_ =	sdelay $0x4  }
0x299: {  	[tilespmem:s20+$0x20] =	vst v0  }
0x29a: {  	[tilespmem:s21+$0x10] =	vst v1  }
0x29b: {  	v0 =	vld [tilespmem:s31+$0xE420];
	_ =	sdelay $0x4  }
0x29c: {  	v1 =	vld [tilespmem:s31+$0xE030];
	[tilespmem:s31+$0xE030] =	vst v0  }
0x29d: {  	v0 =	vld [tilespmem:s20+$0x30];
	_ =	sdelay $0x4  }
0x29e: {  	[tilespmem:s31+$0xE420] =	vst v0  }
0x29f: {  	v0 =	vld [tilespmem:s21+$0x20];
	_ =	sdelay $0x4  }
0x2a0: {  	[tilespmem:s20+$0x30] =	vst v0  }
0x2a1: {  	[tilespmem:s21+$0x20] =	vst v1  }
0x2a2: {  	v0 =	vld [tilespmem:s31+$0xE430];
	_ =	sdelay $0x4  }
0x2a3: {  	v1 =	vld [tilespmem:s31+$0xE040];
	[tilespmem:s31+$0xE040] =	vst v0  }
0x2a4: {  	v0 =	vld [tilespmem:s20+$0x40];
	_ =	sdelay $0x4  }
0x2a5: {  	[tilespmem:s31+$0xE430] =	vst v0  }
0x2a6: {  	v0 =	vld [tilespmem:s21+$0x30];
	_ =	sdelay $0x4  }
0x2a7: {  	[tilespmem:s20+$0x40] =	vst v0  }
0x2a8: {  	[tilespmem:s21+$0x30] =	vst v1  }
0x2a9: {  	v0 =	vld [tilespmem:s31+$0xE440];
	_ =	sdelay $0x4  }
0x2aa: {  	v1 =	vld [tilespmem:s31+$0xE050];
	[tilespmem:s31+$0xE050] =	vst v0  }
0x2ab: {  	v0 =	vld [tilespmem:s20+$0x50];
	_ =	sdelay $0x4  }
0x2ac: {  	[tilespmem:s31+$0xE440] =	vst v0  }
0x2ad: {  	v0 =	vld [tilespmem:s21+$0x40];
	_ =	sdelay $0x4  }
0x2ae: {  	[tilespmem:s20+$0x50] =	vst v0  }
0x2af: {  	[tilespmem:s21+$0x40] =	vst v1  }
0x2b0: {  	v0 =	vld [tilespmem:s31+$0xE450];
	_ =	sdelay $0x4  }
0x2b1: {  	v1 =	vld [tilespmem:s31+$0xE060];
	[tilespmem:s31+$0xE060] =	vst v0  }
0x2b2: {  	v0 =	vld [tilespmem:s20+$0x60];
	_ =	sdelay $0x4  }
0x2b3: {  	[tilespmem:s31+$0xE450] =	vst v0  }
0x2b4: {  	v0 =	vld [tilespmem:s21+$0x50];
	_ =	sdelay $0x4  }
0x2b5: {  	[tilespmem:s20+$0x60] =	vst v0  }
0x2b6: {  	[tilespmem:s21+$0x50] =	vst v1  }
.LBB2_24:
0x2b7: {  	p3 =	seq.s32 s16, $0x3  }
.Ltmp16:
0x2b8: {  	s18 =	sadd.s32 s5, s18;
	(pc) =	sbr.rel @p3 .LBB2_26-.Ltmp16, $4  }
0x2b9: {  	[hbm4b:s18+s2] =	stream.linear.scatter [tilespmem:s10], [sflag:$0x4], $0xE000, $0x38;
	[tilespmem:$0x1C000] =	vst v63  }
0x2ba: {  	_ =	swait.ge [sflag:s13], $0xE000  }
0x2bb: {  	[sflag:s13] =	ssyncset.done $0x0  }
0x2bc: {  	[sflag:s13] =	ssyncadd.s32 $0xFFFF2000  }
0x2bd: {  	s17 =	sadd.s32 $0x2, s17  }
0x2be: {  	s18 =	smulhi.u32 $0x38E38E39, s17;
	_ =	sdelay $0x1  }
0x2bf: {  	s18 =	sshrl.u32 s18, $0x5  }
0x2c0: {  	s19 =	smul.u32 $0x90, s18;
	_ =	sdelay $0x1  }
0x2c1: {  	s18 =	smul.u32 $0x1500000, s18;
	s17 =	ssub.s32 s17, s19  }
0x2c2: {  	s17 =	smul.u32 $0xE000, s17;
	_ =	sdelay $0x1  }
.Ltmp17:
0x2c3: {  	s17 =	sadd.s32 s18, s17;
	(pc) =	sbr.rel .LBB2_2-.Ltmp17, $4  }
0x2c4: {  	s17 =	sshrl.u32 s17, $0x3  }
0x2c5: {  	s17 =	sadd.s32 s4, s17  }
0x2c6: {  	s16 =	sadd.s32 $0x1, s16;
	s17 =	sadd.s32 $0x1A4000, s17  }
0x2c7: {  	[tilespmem:s2], [sflag:$0x1] =	stream.linear.gather [hbm4b:s17+s2], $0xE000, $0x38;
	[tilespmem:$0x1C000] =	vst v63  }
.LBB2_26:
.Ltmp18:
0x2c8: {  	s17 =	simm.s32 $0x0;
	(pc) =	sbr.rel @p0 .LBB2_34-.Ltmp18, $4  }
0x2c9: {  	[tilespmem:s17], [sflag:$0x1] =	stream.linear.gather [hbm4b:s7+s17], $0xE000, $0x38;
	[tilespmem:$0x1C000] =	vst v63  }
0x2ca: {  	_ =	swait.ge [sflag:s11], $0xE000  }
0x2cb: {  	[sflag:s11] =	ssyncset.done $0x0  }
0x2cc: {  	[sflag:s11] =	ssyncadd.s32 $0xFFFF2000  }
.Ltmp19:
0x2cd: {  	(pc) =	sbr.rel @!p1 .LBB2_28-.Ltmp19, $2  }
0x2ce: {  	_ =	sdelay $0x2  }
0x2cf: {  	s16 =	sand.u32 $0x7800, s17  }
0x2d0: {  	s18 =	sand.u32 $0x380, s17  }
0x2d1: {  	s16 =	sor.u32 s18, s16  }
0x2d2: {  	v0 =	vld [tilespmem:s16+$0x0]  }
0x2d3: {  	v1 =	vld [tilespmem:s16+$0x7000]  }
0x2d4: {  	v2 =	vld [tilespmem:s16+$0x10]  }
0x2d5: {  	v3 =	vld [tilespmem:s16+$0x7010]  }
0x2d6: {  	v4 =	vld [tilespmem:s16+$0x20]  }
0x2d7: {  	v5 =	vld [tilespmem:s16+$0x7020]  }
0x2d8: {  	v6 =	vld [tilespmem:s16+$0x60];
	[tilespmem:s16+$0x0] =	vst v1  }
0x2d9: {  	v7 =	vld [tilespmem:s16+$0x7060];
	[tilespmem:s16+$0x7000] =	vst v0  }
0x2da: {  	v8 =	vld [tilespmem:s16+$0x7070];
	[tilespmem:s16+$0x10] =	vst v3  }
0x2db: {  	v0 =	vld [tilespmem:s16+$0x7030];
	[tilespmem:s16+$0x7010] =	vst v2  }
0x2dc: {  	v1 =	vld [tilespmem:s16+$0x30];
	[tilespmem:s16+$0x20] =	vst v5  }
0x2dd: {  	v2 =	vld [tilespmem:s16+$0x7040];
	[tilespmem:s16+$0x7020] =	vst v4  }
0x2de: {  	v3 =	vld [tilespmem:s16+$0x40];
	[tilespmem:s16+$0x60] =	vst v7  }
0x2df: {  	v4 =	vld [tilespmem:s16+$0x7050];
	[tilespmem:s16+$0x7060] =	vst v6  }
0x2e0: {  	v5 =	vld [tilespmem:s16+$0x50];
	[tilespmem:s16+$0x30] =	vst v0  }
0x2e1: {  	[tilespmem:s16+$0x7030] =	vst v1;
	v1 =	vld [tilespmem:s16+$0x70]  }
0x2e2: {  	[tilespmem:s16+$0x40] =	vst v2;
	v2 =	vld [tilespmem:s16+$0x400]  }
0x2e3: {  	[tilespmem:s16+$0x7040] =	vst v3;
	v0 =	vld [tilespmem:s16+$0x7400]  }
0x2e4: {  	[tilespmem:s16+$0x50] =	vst v4;
	v3 =	vld [tilespmem:s16+$0x410]  }
0x2e5: {  	[tilespmem:s16+$0x7050] =	vst v5;
	v4 =	vld [tilespmem:s16+$0x420]  }
0x2e6: {  	s18 =	simm.s32 $0x100;
	[tilespmem:s16+$0x70] =	vst v8;
	v5 =	vld [tilespmem:s16+$0x430]  }
.LBB2_32:
0x2e7: {  	p3 =	sne.s32 s18, $0x6F00;
	[tilespmem:s16+$0x7070] =	vst v1;
	v1 =	vld [tilespmem:s16+$0x440]  }
0x2e8: {  	[tilespmem:s16+$0x7400] =	vst v2;
	v2 =	vld [tilespmem:s16+$0x450]  }
0x2e9: {  	v6 =	vld [tilespmem:s16+$0x7410];
	[tilespmem:s16+$0x7410] =	vst v3  }
0x2ea: {  	v3 =	vld [tilespmem:s16+$0x7420];
	[tilespmem:s16+$0x7420] =	vst v4  }
0x2eb: {  	s17 =	sadd.s32 $0x80, s17;
	v4 =	vld [tilespmem:s16+$0x7430];
	[tilespmem:s16+$0x7430] =	vst v5  }
0x2ec: {  	s19 =	sand.u32 $0x7800, s18;
	s20 =	sand.u32 $0x380, s17;
	v5 =	vld [tilespmem:s16+$0x7440];
	[tilespmem:s16+$0x7440] =	vst v1  }
0x2ed: {  	s19 =	sor.u32 s20, s19;
	v1 =	vld [tilespmem:s16+$0x7450];
	[tilespmem:s16+$0x7450] =	vst v2  }
0x2ee: {  	v2 =	vld [tilespmem:s19+$0x0];
	[tilespmem:s16+$0x410] =	vst v6  }
0x2ef: {  	v6 =	vld [tilespmem:s19+$0x7000];
	[tilespmem:s16+$0x420] =	vst v3  }
0x2f0: {  	v3 =	vld [tilespmem:s19+$0x10];
	[tilespmem:s16+$0x430] =	vst v4  }
0x2f1: {  	v4 =	vld [tilespmem:s19+$0x7010];
	[tilespmem:s16+$0x440] =	vst v5  }
0x2f2: {  	v5 =	vld [tilespmem:s19+$0x20];
	[tilespmem:s16+$0x450] =	vst v1  }
0x2f3: {  	v1 =	vld [tilespmem:s19+$0x7020];
	[tilespmem:s16+$0x400] =	vst v0;
	s16 =	smov.u32 s19  }
0x2f4: {  	[tilespmem:s16+$0x0] =	vst v6;
	v0 =	vld [tilespmem:s16+$0x30]  }
0x2f5: {  	[tilespmem:s16+$0x7000] =	vst v2;
	v2 =	vld [tilespmem:s16+$0x7030]  }
0x2f6: {  	[tilespmem:s16+$0x10] =	vst v4;
	v4 =	vld [tilespmem:s16+$0x40]  }
0x2f7: {  	[tilespmem:s16+$0x7010] =	vst v3;
	v3 =	vld [tilespmem:s16+$0x7040]  }
0x2f8: {  	[tilespmem:s16+$0x20] =	vst v1;
	v6 =	vld [tilespmem:s16+$0x50]  }
0x2f9: {  	[tilespmem:s16+$0x7020] =	vst v5;
	v5 =	vld [tilespmem:s16+$0x7050]  }
0x2fa: {  	[tilespmem:s16+$0x30] =	vst v2;
	v7 =	vld [tilespmem:s16+$0x60]  }
0x2fb: {  	[tilespmem:s16+$0x7030] =	vst v0;
	v8 =	vld [tilespmem:s16+$0x7060]  }
0x2fc: {  	[tilespmem:s16+$0x40] =	vst v3;
	v1 =	vld [tilespmem:s16+$0x70]  }
0x2fd: {  	[tilespmem:s16+$0x7040] =	vst v4;
	v9 =	vld [tilespmem:s16+$0x7070]  }
.Ltmp20:
0x2fe: {  	[tilespmem:s16+$0x50] =	vst v5;
	v2 =	vld [tilespmem:s16+$0x400];
	(pc) =	sbr.rel @p3 .LBB2_32-.Ltmp20, $4  }
0x2ff: {  	[tilespmem:s16+$0x7050] =	vst v6;
	v0 =	vld [tilespmem:s16+$0x7400]  }
0x300: {  	[tilespmem:s16+$0x60] =	vst v8;
	v3 =	vld [tilespmem:s16+$0x410]  }
0x301: {  	[tilespmem:s16+$0x7060] =	vst v7;
	v4 =	vld [tilespmem:s16+$0x420]  }
0x302: {  	s18 =	sadd.s32 $0x100, s18;
	[tilespmem:s16+$0x70] =	vst v9;
	v5 =	vld [tilespmem:s16+$0x430]  }
0x303: {  	[tilespmem:s16+$0x7070] =	vst v1  }
0x304: {  	v58 =	vld [tilespmem:s16+$0x440];
	[tilespmem:s16+$0x7400] =	vst v2  }
0x305: {  	v59 =	vld [tilespmem:s16+$0x450];
	[tilespmem:s16+$0x400] =	vst v0  }
0x306: {  	v6 =	vld [tilespmem:s16+$0x7410];
	[tilespmem:s16+$0x7410] =	vst v3  }
0x307: {  	v60 =	vld [tilespmem:s16+$0x7420];
	[tilespmem:s16+$0x7420] =	vst v4  }
0x308: {  	v61 =	vld [tilespmem:s16+$0x7430];
	[tilespmem:s16+$0x7430] =	vst v5  }
0x309: {  	v62 =	vld [tilespmem:s16+$0x7440];
	[tilespmem:s16+$0x7440] =	vst v58  }
0x30a: {  	v63 =	vld [tilespmem:s16+$0x7450];
	[tilespmem:s16+$0x7450] =	vst v59  }
.Ltmp21:
0x30b: {  	[tilespmem:s16+$0x410] =	vst v6;
	(pc) =	sbr.rel @p2 .LBB2_37-.Ltmp21, $4  }
0x30c: {  	[tilespmem:s16+$0x420] =	vst v60  }
0x30d: {  	[tilespmem:s16+$0x430] =	vst v61  }
0x30e: {  	[tilespmem:s16+$0x440] =	vst v62  }
0x30f: {  	[tilespmem:s16+$0x450] =	vst v63  }
.LBB2_34:
0x310: {  	s16 =	simm.s32 $0x0  }
0x311: {  	s17 =	sand.u32 $0x7800, s16;
	s16 =	sand.u32 $0x380, s16  }
0x312: {  	s16 =	sor.u32 s16, s17  }
0x313: {  	v2 =	vld [tilespmem:s16+$0x30]  }
0x314: {  	v3 =	vld [tilespmem:s16+$0x410]  }
0x315: {  	v1 =	vld [tilespmem:s16+$0x0]  }
0x316: {  	v4 =	vld [tilespmem:s16+$0x7020]  }
0x317: {  	v8 =	vld [tilespmem:s16+$0x7010]  }
0x318: {  	v5 =	vld [tilespmem:s16+$0x7410]  }
0x319: {  	v6 =	vld [tilespmem:s16+$0x7060]  }
0x31a: {  	v0 =	vld [tilespmem:s16+$0x7450]  }
0x31b: {  	v7 =	vld [tilespmem:s16+$0x20]  }
0x31c: {  	v9 =	vld [tilespmem:s16+$0x70]  }
0x31d: {  	v10 =	vld [tilespmem:s16+$0x7070];
	[tilespmem:s16+$0x70] =	vst v1  }
0x31e: {  	v11 =	vld [tilespmem:s16+$0x7000];
	[tilespmem:s16+$0x7450] =	vst v6  }
0x31f: {  	v12 =	vld [tilespmem:s16+$0x7430];
	[tilespmem:s16+$0x20] =	vst v5  }
0x320: {  	v1 =	vld [tilespmem:s16+$0x440];
	[tilespmem:s16+$0x410] =	vst v7  }
0x321: {  	v5 =	vld [tilespmem:s16+$0x7420];
	[tilespmem:s16+$0x7000] =	vst v9  }
0x322: {  	v7 =	vld [tilespmem:s16+$0x7030];
	[tilespmem:s16+$0x7410] =	vst v4  }
0x323: {  	v4 =	vld [tilespmem:s16+$0x420];
	[tilespmem:s16+$0x7020] =	vst v3  }
0x324: {  	v3 =	vld [tilespmem:s16+$0x40];
	[tilespmem:s16+$0x420] =	vst v2  }
0x325: {  	v6 =	vld [tilespmem:s16+$0x7040];
	[tilespmem:s16+$0x0] =	vst v10  }
0x326: {  	v2 =	vld [tilespmem:s16+$0x7440];
	[tilespmem:s16+$0x7070] =	vst v11  }
0x327: {  	v9 =	vld [tilespmem:s16+$0x10];
	[tilespmem:s16+$0x40] =	vst v12  }
0x328: {  	[tilespmem:s16+$0x7420] =	vst v7;
	v7 =	vld [tilespmem:s16+$0x430]  }
0x329: {  	[tilespmem:s16+$0x7030] =	vst v4;
	v4 =	vld [tilespmem:s16+$0x50]  }
0x32a: {  	[tilespmem:s16+$0x430] =	vst v3;
	v3 =	vld [tilespmem:s16+$0x7050]  }
0x32b: {  	[tilespmem:s16+$0x30] =	vst v5;
	v5 =	vld [tilespmem:s16+$0x7400]  }
0x32c: {  	s19 =	simm.s32 $0x100;
	s17 =	simm.s32 $0x80;
	[tilespmem:s16+$0x7400] =	vst v8;
	v8 =	vld [tilespmem:s16+$0x60]  }
.LBB2_35:
0x32d: {  	s18 =	smov.u32 s19  }
0x32e: {  	s20 =	sand.u32 $0x7800, s19;
	s21 =	sand.u32 $0x380, s17;
	v10 =	vld [tilespmem:s16+$0x400];
	[tilespmem:s16+$0x60] =	vst v0;
	s18 =	sadd.s32 $0x100, s19  }
0x32f: {  	p3 =	sne.s32 s19, $0x6F00;
	s20 =	sor.u32 s21, s20;
	[tilespmem:s16+$0x7050] =	vst v1;
	v0 =	vld [tilespmem:s16+$0x450]  }
0x330: {  	v11 =	vld [tilespmem:s20+$0x30];
	[tilespmem:s16+$0x7430] =	vst v6  }
0x331: {  	v6 =	vld [tilespmem:s20+$0x410];
	[tilespmem:s16+$0x7040] =	vst v7  }
0x332: {  	v1 =	vld [tilespmem:s20+$0x0];
	[tilespmem:s16+$0x400] =	vst v9  }
0x333: {  	v7 =	vld [tilespmem:s20+$0x7020];
	[tilespmem:s16+$0x7010] =	vst v10  }
0x334: {  	v10 =	vld [tilespmem:s20+$0x7010];
	[tilespmem:s16+$0x7060] =	vst v0  }
0x335: {  	v9 =	vld [tilespmem:s20+$0x7410];
	[tilespmem:s16+$0x450] =	vst v8  }
0x336: {  	v8 =	vld [tilespmem:s20+$0x7060];
	[tilespmem:s16+$0x440] =	vst v4  }
0x337: {  	v0 =	vld [tilespmem:s20+$0x7450];
	[tilespmem:s16+$0x10] =	vst v5  }
0x338: {  	v4 =	vld [tilespmem:s20+$0x20];
	[tilespmem:s16+$0x50] =	vst v2  }
0x339: {  	v2 =	vld [tilespmem:s20+$0x70];
	[tilespmem:s16+$0x7440] =	vst v3;
	s16 =	smov.u32 s20  }
0x33a: {  	v3 =	vld [tilespmem:s16+$0x7070];
	[tilespmem:s16+$0x70] =	vst v1  }
0x33b: {  	v1 =	vld [tilespmem:s16+$0x440];
	[tilespmem:s16+$0x7450] =	vst v8  }
0x33c: {  	v5 =	vld [tilespmem:s16+$0x7000];
	[tilespmem:s16+$0x20] =	vst v9  }
0x33d: {  	[tilespmem:s16+$0x410] =	vst v4;
	v4 =	vld [tilespmem:s16+$0x7420]  }
0x33e: {  	[tilespmem:s16+$0x7000] =	vst v2;
	v2 =	vld [tilespmem:s16+$0x7030]  }
0x33f: {  	[tilespmem:s16+$0x7410] =	vst v7;
	v8 =	vld [tilespmem:s16+$0x420]  }
0x340: {  	[tilespmem:s16+$0x7020] =	vst v6;
	v9 =	vld [tilespmem:s16+$0x40]  }
0x341: {  	[tilespmem:s16+$0x420] =	vst v11;
	v11 =	vld [tilespmem:s16+$0x7430]  }
0x342: {  	[tilespmem:s16+$0x30] =	vst v4;
	v6 =	vld [tilespmem:s16+$0x7040]  }
0x343: {  	[tilespmem:s16+$0x7420] =	vst v2;
	v7 =	vld [tilespmem:s16+$0x430]  }
0x344: {  	[tilespmem:s16+$0x7030] =	vst v8;
	v4 =	vld [tilespmem:s16+$0x50]  }
.Ltmp22:
0x345: {  	[tilespmem:s16+$0x430] =	vst v9;
	v2 =	vld [tilespmem:s16+$0x7440];
	(pc) =	sbr.rel @p3 .LBB2_35-.Ltmp22, $4  }
0x346: {  	[tilespmem:s16+$0x0] =	vst v3;
	v3 =	vld [tilespmem:s16+$0x7050]  }
0x347: {  	[tilespmem:s16+$0x7070] =	vst v5;
	v5 =	vld [tilespmem:s16+$0x7400]  }
0x348: {  	v9 =	vld [tilespmem:s16+$0x10];
	[tilespmem:s16+$0x40] =	vst v11  }
0x349: {  	s17 =	sadd.s32 $0x80, s17;
	s19 =	smov.u32 s18;
	[tilespmem:s16+$0x7400] =	vst v10;
	v8 =	vld [tilespmem:s16+$0x60]  }
0x34a: {  	[tilespmem:s16+$0x60] =	vst v0  }
0x34b: {  	[tilespmem:s16+$0x7050] =	vst v1  }
0x34c: {  	[tilespmem:s16+$0x7430] =	vst v6  }
0x34d: {  	[tilespmem:s16+$0x7040] =	vst v7  }
0x34e: {  	[tilespmem:s16+$0x440] =	vst v4  }
0x34f: {  	v10 =	vld [tilespmem:s16+$0x400];
	[tilespmem:s16+$0x50] =	vst v2  }
0x350: {  	v63 =	vld [tilespmem:s16+$0x450];
	[tilespmem:s16+$0x7440] =	vst v3  }
.Ltmp23:
0x351: {  	[tilespmem:s16+$0x10] =	vst v5;
	(pc) =	sbr.rel .LBB2_37-.Ltmp23, $4  }
0x352: {  	[tilespmem:s16+$0x400] =	vst v9  }
0x353: {  	[tilespmem:s16+$0x450] =	vst v8  }
0x354: {  	[tilespmem:s16+$0x7010] =	vst v10  }
0x355: {  	[tilespmem:s16+$0x7060] =	vst v63  }
.LBB2_28:
0x356: {  	s17 =	sand.u32 $0x380, s17  }
0x357: {  	s16 =	sor.u32 s17, s16  }
0x358: {  	v2 =	vld [tilespmem:s16+$0x30]  }
0x359: {  	v3 =	vld [tilespmem:s16+$0x7410]  }
0x35a: {  	v1 =	vld [tilespmem:s16+$0x0]  }
0x35b: {  	v4 =	vld [tilespmem:s16+$0x7020]  }
0x35c: {  	v5 =	vld [tilespmem:s16+$0x410]  }
0x35d: {  	v6 =	vld [tilespmem:s16+$0x7060]  }
0x35e: {  	v0 =	vld [tilespmem:s16+$0x450]  }
0x35f: {  	v7 =	vld [tilespmem:s16+$0x20]  }
0x360: {  	v8 =	vld [tilespmem:s16+$0x7070]  }
0x361: {  	v9 =	vld [tilespmem:s16+$0x70]  }
0x362: {  	v10 =	vld [tilespmem:s16+$0x7010];
	[tilespmem:s16+$0x7070] =	vst v1  }
0x363: {  	v11 =	vld [tilespmem:s16+$0x7000];
	[tilespmem:s16+$0x450] =	vst v6  }
0x364: {  	v1 =	vld [tilespmem:s16+$0x7440];
	[tilespmem:s16+$0x20] =	vst v5  }
0x365: {  	[tilespmem:s16+$0x7410] =	vst v7;
	v5 =	vld [tilespmem:s16+$0x420]  }
0x366: {  	[tilespmem:s16+$0x7000] =	vst v8;
	v7 =	vld [tilespmem:s16+$0x7030]  }
0x367: {  	[tilespmem:s16+$0x410] =	vst v4;
	v4 =	vld [tilespmem:s16+$0x7420]  }
0x368: {  	[tilespmem:s16+$0x7020] =	vst v3;
	v3 =	vld [tilespmem:s16+$0x40]  }
0x369: {  	[tilespmem:s16+$0x7420] =	vst v2;
	v8 =	vld [tilespmem:s16+$0x430]  }
0x36a: {  	v6 =	vld [tilespmem:s16+$0x7040];
	[tilespmem:s16+$0x0] =	vst v9  }
0x36b: {  	v2 =	vld [tilespmem:s16+$0x440];
	[tilespmem:s16+$0x70] =	vst v11  }
0x36c: {  	v9 =	vld [tilespmem:s16+$0x10];
	[tilespmem:s16+$0x30] =	vst v5  }
0x36d: {  	[tilespmem:s16+$0x420] =	vst v7;
	v7 =	vld [tilespmem:s16+$0x7430]  }
0x36e: {  	[tilespmem:s16+$0x7030] =	vst v4;
	v4 =	vld [tilespmem:s16+$0x50]  }
0x36f: {  	[tilespmem:s16+$0x7430] =	vst v3;
	v3 =	vld [tilespmem:s16+$0x7050]  }
0x370: {  	v5 =	vld [tilespmem:s16+$0x400];
	[tilespmem:s16+$0x40] =	vst v8  }
0x371: {  	s19 =	simm.s32 $0x100;
	s17 =	simm.s32 $0x80;
	[tilespmem:s16+$0x400] =	vst v10;
	v8 =	vld [tilespmem:s16+$0x60]  }
.LBB2_29:
0x372: {  	s18 =	smov.u32 s19  }
0x373: {  	s20 =	sand.u32 $0x7800, s19;
	s21 =	sand.u32 $0x380, s17;
	v10 =	vld [tilespmem:s16+$0x7400];
	[tilespmem:s16+$0x60] =	vst v0;
	s18 =	sadd.s32 $0x100, s19  }
0x374: {  	p3 =	seq.s32 s19, $0x6F00;
	s20 =	sor.u32 s21, s20;
	[tilespmem:s16+$0x7050] =	vst v1;
	v0 =	vld [tilespmem:s16+$0x7450]  }
0x375: {  	v11 =	vld [tilespmem:s20+$0x30];
	[tilespmem:s16+$0x430] =	vst v6  }
0x376: {  	v6 =	vld [tilespmem:s20+$0x7410];
	[tilespmem:s16+$0x7040] =	vst v7  }
0x377: {  	v1 =	vld [tilespmem:s20+$0x0];
	[tilespmem:s16+$0x7400] =	vst v9  }
0x378: {  	v7 =	vld [tilespmem:s20+$0x7020];
	[tilespmem:s16+$0x7010] =	vst v10  }
0x379: {  	v10 =	vld [tilespmem:s20+$0x7010];
	[tilespmem:s16+$0x7060] =	vst v0  }
0x37a: {  	v9 =	vld [tilespmem:s20+$0x410];
	[tilespmem:s16+$0x7450] =	vst v8  }
0x37b: {  	v8 =	vld [tilespmem:s20+$0x7060];
	[tilespmem:s16+$0x7440] =	vst v4  }
0x37c: {  	v0 =	vld [tilespmem:s20+$0x450];
	[tilespmem:s16+$0x10] =	vst v5  }
0x37d: {  	v4 =	vld [tilespmem:s20+$0x20];
	[tilespmem:s16+$0x50] =	vst v2  }
0x37e: {  	v2 =	vld [tilespmem:s20+$0x7070];
	[tilespmem:s16+$0x440] =	vst v3;
	s16 =	smov.u32 s20  }
0x37f: {  	v3 =	vld [tilespmem:s16+$0x70];
	[tilespmem:s16+$0x7070] =	vst v1  }
0x380: {  	v1 =	vld [tilespmem:s16+$0x7440];
	[tilespmem:s16+$0x450] =	vst v8  }
0x381: {  	v5 =	vld [tilespmem:s16+$0x7000];
	[tilespmem:s16+$0x20] =	vst v9  }
0x382: {  	[tilespmem:s16+$0x7410] =	vst v4;
	v4 =	vld [tilespmem:s16+$0x420]  }
0x383: {  	[tilespmem:s16+$0x7000] =	vst v2;
	v2 =	vld [tilespmem:s16+$0x7030]  }
0x384: {  	[tilespmem:s16+$0x410] =	vst v7;
	v8 =	vld [tilespmem:s16+$0x7420]  }
0x385: {  	[tilespmem:s16+$0x7020] =	vst v6;
	v9 =	vld [tilespmem:s16+$0x40]  }
0x386: {  	[tilespmem:s16+$0x7420] =	vst v11;
	v11 =	vld [tilespmem:s16+$0x430]  }
0x387: {  	[tilespmem:s16+$0x30] =	vst v4;
	v6 =	vld [tilespmem:s16+$0x7040]  }
0x388: {  	[tilespmem:s16+$0x420] =	vst v2;
	v7 =	vld [tilespmem:s16+$0x7430]  }
0x389: {  	[tilespmem:s16+$0x7030] =	vst v8;
	v4 =	vld [tilespmem:s16+$0x50]  }
.Ltmp24:
0x38a: {  	[tilespmem:s16+$0x7430] =	vst v9;
	v2 =	vld [tilespmem:s16+$0x440];
	(pc) =	sbr.rel @!p3 .LBB2_29-.Ltmp24, $4  }
0x38b: {  	[tilespmem:s16+$0x0] =	vst v3;
	v3 =	vld [tilespmem:s16+$0x7050]  }
0x38c: {  	[tilespmem:s16+$0x70] =	vst v5;
	v5 =	vld [tilespmem:s16+$0x400]  }
0x38d: {  	v9 =	vld [tilespmem:s16+$0x10];
	[tilespmem:s16+$0x40] =	vst v11  }
0x38e: {  	s17 =	sadd.s32 $0x80, s17;
	s19 =	smov.u32 s18;
	[tilespmem:s16+$0x400] =	vst v10;
	v8 =	vld [tilespmem:s16+$0x60]  }
0x38f: {  	[tilespmem:s16+$0x60] =	vst v0  }
0x390: {  	[tilespmem:s16+$0x7050] =	vst v1  }
0x391: {  	[tilespmem:s16+$0x430] =	vst v6  }
0x392: {  	[tilespmem:s16+$0x7040] =	vst v7  }
0x393: {  	[tilespmem:s16+$0x7440] =	vst v4  }
0x394: {  	v10 =	vld [tilespmem:s16+$0x7400];
	[tilespmem:s16+$0x50] =	vst v2  }
0x395: {  	v63 =	vld [tilespmem:s16+$0x7450];
	[tilespmem:s16+$0x440] =	vst v3  }
.Ltmp25:
0x396: {  	[tilespmem:s16+$0x10] =	vst v5;
	(pc) =	sbr.rel .LBB2_37-.Ltmp25, $4  }
0x397: {  	[tilespmem:s16+$0x7400] =	vst v9  }
0x398: {  	[tilespmem:s16+$0x7450] =	vst v8  }
0x399: {  	[tilespmem:s16+$0x7010] =	vst v10  }
0x39a: {  	[tilespmem:s16+$0x7060] =	vst v63  }
.LBB2_38:
0x39b: {  	_ =	sfence.sel $0x180000  }
0x39c: {  	[bflag:$0x0] =	sbarrier.arrive $0xFFFF  }
0x39d: {  	p0 =	sne.s32 s0, $0x0;
	_ =	strace $0x90000047  }
0x39e: {  	s0 =	sadd.s32 @!p0 $0x100000, s1;
	[bflag:$0x2] =	sbarrier.arrive $0xFFFF  }
0x39f: {  	[sflag:s0] =	ssyncadd.tile.s32 @!p0 $0x1;
	_ =	shalt  }
.Lfunc_end2:
_tile_overlayer_lowered:
.L_overlay_start_2:
0x3a0: {  	(tag) =	ssettag $0x2  }
0x3a1: {  	s0 =	rddreg [dreg:$0x0];
	s2 =	stileid.u32  }
0x3a2: {  	s1 =	rddreg [dreg:$0x1];
	p0 =	sne.s32 s2, $0x0  }
0x3a3: {  	s3 =	rddreg [dreg:$0x2];
	[bflag:$0x3] =	sbarrier.arrive $0xFFFF;
	s2 =	simm.s32 @!p0 $0x1C05  }
0x3a4: {  	[timem:s3], [sflag:s2] =	dma.local @!p0 [hbm:s0], s1  }
0x3a5: {  	s0 =	simm.s32 @!p0 $0x5  }
0x3a6: {  	_ =	swait.ge @!p0 [sflag:s0], s1  }
0x3a7: {  	s1 =	ssub.s32 @!p0 $0x0, s1;
	[sflag:s0] =	ssyncset.done @!p0 $0x0  }
0x3a8: {  	[sflag:s0] =	ssyncadd.s32 @!p0 s1  }
0x3a9: {  	[bflag:$0x3] =	sbarrier.arrive $0xFFFF  }
0x3aa: {  	_ =	shalt  }

</sc_bundles>
